<compile_context>
chip_gen: v7x
topology: tpu7x:2x2x1
jax: 0.10.2.dev20260603
libtpu: 0.0.44.dev20260713+nightly
codegen_flags: <defaults>
</compile_context>

<pallas_src>
import functools

import jax
import jax.numpy as jnp
from jax import lax
from jax.experimental import pallas as pl
from jax.experimental.pallas import tpu as pltpu
from jax.experimental.pallas import tpu_sc as plsc

N = 320000
D = 128
BLK = 2000

SPROWS = 6144
NCHUNK = 54
STAGE = SPROWS + 16
W = 128
CPC = NCHUNK // 2
TS = SPROWS // 16


def _head_body(c_ref, f_ref, w_ref, b_ref, off_ref, nc_ref, h_ref, n8_ref):
    f = f_ref[...]
    w = w_ref[...]
    off = jnp.dot(f, w, preferred_element_type=jnp.float32) + b_ref[0, :]
    off_ref[...] = off
    ci = c_ref[...]
    oi = off.astype(jnp.int32)
    nc = ci + jnp.concatenate(
        [jnp.zeros((ci.shape[0], 1), jnp.int32), oi], axis=1)
    nc_ref[...] = nc
    n8_ref[...] = jnp.concatenate(
        [nc.astype(jnp.float32),
         jnp.ones((BLK, 1), jnp.float32),
         jnp.zeros((BLK, 3), jnp.float32)], axis=1)
    c = nc + 1024
    h = ((c[:, 0] * 4096 + c[:, 1]) * 4096 + c[:, 2]) * 4096 + c[:, 3]
    h_ref[...] = h.reshape(1, 1, BLK)


def _head(F, C, W, b):
    nb = N // BLK
    grid = (nb,)
    out_shapes = (
        jax.ShapeDtypeStruct((N, 3), jnp.float32),
        jax.ShapeDtypeStruct((N, 4), jnp.int32),
        jax.ShapeDtypeStruct((nb, 1, BLK), jnp.int32),
        jax.ShapeDtypeStruct((N, 8), jnp.float32),
    )
    off, nc, h, n8 = pl.pallas_call(
        _head_body,
        grid=grid,
        in_specs=[
            pl.BlockSpec((BLK, 4), lambda i: (i, 0)),
            pl.BlockSpec((BLK, D), lambda i: (i, 0)),
            pl.BlockSpec((D, 3), lambda i: (0, 0)),
            pl.BlockSpec((1, 3), lambda i: (0, 0)),
        ],
        out_specs=(
            pl.BlockSpec((BLK, 3), lambda i: (i, 0)),
            pl.BlockSpec((BLK, 4), lambda i: (i, 0)),
            pl.BlockSpec((1, 1, BLK), lambda i: (i, 0, 0)),
            pl.BlockSpec((BLK, 8), lambda i: (i, 0)),
        ),
        out_shape=out_shapes,
    )(C, F, W, b.reshape(1, 3))
    return off, nc, h.reshape(-1), n8


RBLK = 8000

def _rank_body(s_ref, r_ref, prev_ref, cum_ref):
    i = pl.program_id(0)

    @pl.when(i == 0)
    def _init():
        prev_ref[0] = s_ref[0, 0, 0] + 1
        cum_ref[0] = 0

    s = s_ref[0, 0, :]
    s_shift = jnp.concatenate([jnp.full((1,), prev_ref[0], jnp.int32), s[:-1]])
    flag = (s != s_shift).astype(jnp.int32)
    x = flag
    d = 1
    while d < RBLK:
        x = x + jnp.concatenate([jnp.zeros((d,), jnp.int32), x[:-d]])
        d *= 2
    r = x + cum_ref[0] - 1
    r_ref[0, 0, :] = r
    cum_ref[0] = r[-1] + 1
    prev_ref[0] = s[-1]


def _ranks(S):
    nb = N // RBLK
    r = pl.pallas_call(
        _rank_body,
        grid=(nb,),
        in_specs=[pl.BlockSpec((1, 1, RBLK), lambda i: (i, 0, 0))],
        out_specs=pl.BlockSpec((1, 1, RBLK), lambda i: (i, 0, 0)),
        out_shape=jax.ShapeDtypeStruct((nb, 1, RBLK), jnp.int32),
        scratch_shapes=[pltpu.SMEM((1,), jnp.int32), pltpu.SMEM((1,), jnp.int32)],
    )(S.reshape(nb, 1, RBLK))
    return r.reshape(-1)


def _pool_body(f_hbm, p_hbm, r_hbm, blo_hbm, bhi_hbm, z128_hbm,
               feats_out,
               blo_v, bhi_v, idx_v, pidx_v, rv_v, seg_v,
               idx2_v, pidx2_v, rv2_v, seg2_v,
               rows_v, rows2_v, feats_st, sem1, sem2, sem_ld1, sem_ld2):
    core = lax.axis_index("c")
    sub = lax.axis_index("s")
    iota = lax.iota(jnp.int32, 16)

    pltpu.sync_copy(blo_hbm, blo_v)
    pltpu.sync_copy(bhi_hbm, bhi_v)
    zb0 = sub * TS
    pltpu.sync_copy(z128_hbm.at[pl.ds(zb0, TS)], feats_st.at[pl.ds(zb0, TS)])
    plsc.subcore_barrier()

    @pl.loop(0, CPC)
    def chunk_body(i):
        c = 2 * i + core
        lo_c = blo_v[c, :][0]
        hi_c = bhi_v[c, :][0]
        base_seg = c * SPROWS
        length = hi_c - lo_c
        lo_t = lo_c + (((length * sub) // 16) & ~7)
        hi_t = lo_c + (((length * (sub + 1)) // 16) & ~7)
        zbase = sub * TS

        nw = (hi_t - lo_t + (W - 1)) // W

        def _stage(w, idx_b, pidx_b, rv_b, seg_b, rows_b, sem_b):
            j0 = pl.multiple_of(lo_t + w * W, 8)
            ca = pltpu.async_copy(p_hbm.at[pl.ds(j0, W)], idx_b, sem_ld1)
            cb = pltpu.async_copy(r_hbm.at[pl.ds(j0, W)], rv_b, sem_ld2)
            ca.wait()
            cb.wait()
            for k in range(W // 16):
                jvec = j0 + k * 16 + iota
                rv = rv_b[pl.ds(k * 16, 16)]
                seg = rv - base_seg
                ok = (jvec < hi_t) & (seg >= 0) & (seg < SPROWS)
                seg_b[pl.ds(k * 16, 16)] = jnp.where(ok, seg, SPROWS + iota)
                pv = idx_b[pl.ds(k * 16, 16)]
                pidx_b[pl.ds(k * 16, 16)] = jnp.minimum(pv, N - 1)
            pltpu.async_copy(f_hbm.at[pidx_b], rows_b, sem_b)

        def _drain(rows_b, sem_b):
            pltpu.make_async_copy(f_hbm.at[pl.ds(0, W)], rows_b, sem_b).wait()

        @pl.when(nw > 0)
        def _prologue():
            _stage(0, idx_v, pidx_v, rv_v, seg_v, rows_v, sem1)

        @pl.loop(0, nw)
        def win_body(w):
            nxt = w + 1

            @pl.when((nxt < nw) & (nxt % 2 == 1))
            def _sb():
                _stage(nxt, idx2_v, pidx2_v, rv2_v, seg2_v, rows2_v, sem2)

            @pl.when((nxt < nw) & (nxt % 2 == 0))
            def _sa():
                _stage(nxt, idx_v, pidx_v, rv_v, seg_v, rows_v, sem1)

            @pl.when(w % 2 == 0)
            def _ca():
                _drain(rows_v, sem1)
                pltpu.sync_copy(rows_v, feats_st.at[seg_v], add=True)

            @pl.when(w % 2 == 1)
            def _cb():
                _drain(rows2_v, sem2)
                pltpu.sync_copy(rows2_v, feats_st.at[seg2_v], add=True)

        plsc.subcore_barrier()

        obase = base_seg + zbase
        pltpu.sync_copy(feats_st.at[pl.ds(zbase, TS)],
                        feats_out.at[pl.ds(obase, TS)])
        pltpu.sync_copy(z128_hbm.at[pl.ds(zbase, TS)], feats_st.at[pl.ds(zbase, TS)])
        plsc.subcore_barrier()


def _pool_sc(F, P_pad, r_pad, blo, bhi):
    mesh = plsc.VectorSubcoreMesh(core_axis_name="c", subcore_axis_name="s")
    pool = pl.kernel(
        _pool_body,
        mesh=mesh,
        out_type=[
            jax.ShapeDtypeStruct((NCHUNK * SPROWS, D), jnp.float32),
        ],
        scratch_types=[
            pltpu.VMEM((160, 16), jnp.int32),
            pltpu.VMEM((160, 16), jnp.int32),
            pltpu.VMEM((W,), jnp.int32),
            pltpu.VMEM((W,), jnp.int32),
            pltpu.VMEM((W,), jnp.int32),
            pltpu.VMEM((W,), jnp.int32),
            pltpu.VMEM((W,), jnp.int32),
            pltpu.VMEM((W,), jnp.int32),
            pltpu.VMEM((W,), jnp.int32),
            pltpu.VMEM((W,), jnp.int32),
            pltpu.VMEM((W, D), jnp.float32),
            pltpu.VMEM((W, D), jnp.float32),
            pltpu.VMEM_SHARED((STAGE, D), jnp.float32),
            pltpu.SemaphoreType.DMA,
            pltpu.SemaphoreType.DMA,
            pltpu.SemaphoreType.DMA,
            pltpu.SemaphoreType.DMA,
        ],
    )
    z128 = jnp.zeros((SPROWS, D), jnp.float32)
    return pool(F, P_pad, r_pad, blo, bhi, z128)[0]


def _finish_body(fs_ref, cs_ref, feats_ref, coords_ref):
    cs = cs_ref[...]
    inv_c = 1.0 / jnp.maximum(cs[:, 4:5], 1.0)
    feats_ref[...] = fs_ref[...] * inv_c
    coords_ref[...] = (cs[:, :4] * inv_c).astype(jnp.int32)


def _finish(feats_sum, csum8):
    nb = N // BLK
    return pl.pallas_call(
        _finish_body,
        grid=(nb,),
        in_specs=[
            pl.BlockSpec((BLK, D), lambda i: (i, 0)),
            pl.BlockSpec((BLK, 8), lambda i: (i, 0)),
        ],
        out_specs=(
            pl.BlockSpec((BLK, D), lambda i: (i, 0)),
            pl.BlockSpec((BLK, 4), lambda i: (i, 0)),
        ),
        out_shape=(
            jax.ShapeDtypeStruct((N, D), jnp.float32),
            jax.ShapeDtypeStruct((N, 4), jnp.int32),
        ),
    )(feats_sum, csum8)


def kernel(F, C, W, b):
    offsets, new_coords, h, n8 = _head(F, C, W, b)
    S, P = lax.sort_key_val(h, lax.iota(jnp.int32, N))
    r = _ranks(S)

    bnd = jnp.searchsorted(
        r, jnp.arange(NCHUNK, dtype=jnp.int32) * SPROWS, side="left"
    ).astype(jnp.int32)
    blo1 = jnp.zeros((160,), jnp.int32).at[:NCHUNK].set(bnd & ~7)
    bhi_core = jnp.concatenate(
        [bnd[1:], jnp.full((1,), N, jnp.int32)])
    bhi1 = jnp.zeros((160,), jnp.int32).at[:NCHUNK].set((bhi_core + 7) & ~7)
    blo = jnp.broadcast_to(blo1[:, None], (160, 16))
    bhi = jnp.broadcast_to(bhi1[:, None], (160, 16))
    pad_tgt = N + (jnp.arange(144, dtype=jnp.int32) % 64)
    P_pad = jnp.concatenate([P, pad_tgt])
    r_pad = jnp.concatenate([r, jnp.full((144,), 2 * N, jnp.int32)])
    inv = jnp.zeros((N,), jnp.int32).at[P].add(
        r, unique_indices=True, mode="promise_in_bounds")
    csum8 = jnp.zeros((N, 8), jnp.float32).at[inv].add(
        n8, mode="promise_in_bounds")

    feats_sum = _pool_sc(F, P_pad, r_pad, blo, bhi)
    out_feats, out_coords = _finish(feats_sum, csum8)
    return (offsets, out_coords, out_feats, inv)

# --- scband reference (transcript-rebuilt; emitter-appended) ---
"""Pipeline reference for scband-offset-head-81423989997656 (READ-ONLY COPY).

The authoritative reference and input builder live on the scoring server;
editing this copy changes nothing except your own understanding.
"""

import jax, jax.numpy as jnp
import numpy as np

N = 320000
D = 128


def setup_inputs(seed: int = 0) -> dict:
    key = jax.random.key(seed)
    k1, k2, k3, k4 = jax.random.split(key, 4)
    F = jax.random.normal(k1, (N, D), dtype=jnp.float32)
    C = jax.random.randint(k2, (N, 4), 0, 128).astype(jnp.int32)
    # 1x1 sparse conv == per-point linear layer: weight [D, 3], bias [3]
    W = (jax.random.normal(k3, (D, 3), dtype=jnp.float32) * 0.05)
    b = (jax.random.normal(k4, (3,), dtype=jnp.float32) * 0.05)
    return {"F": F, "C": C, "W": W, "b": b}


def _hash_coords(coords):
    # injective hash of 4d int coords (values comfortably within [-1024, 3071])
    c = coords.astype(jnp.int64) + 1024
    return ((c[:, 0] * 4096 + c[:, 1]) * 4096 + c[:, 2]) * 4096 + c[:, 3]


def reference(F, C, W, b):
    Npts = F.shape[0]
    # offsets = spnn.Conv3d(latent_dim, 3, kernel=1) -> per-point linear
    offsets = F @ W + b  # [N, 3] float32
    # _revoxelize
    off_i = jnp.concatenate(
        [jnp.zeros((Npts, 1), dtype=jnp.int32), offsets.astype(jnp.int32)], axis=1
    )  # batch column untouched
    new_coords = C + off_i  # [N, 4] int32
    pc_hash = _hash_coords(new_coords)
    # unique voxel hashes; padded to fixed size N (padding segments receive zero mass)
    uniq, inv = jnp.unique(pc_hash, return_inverse=True, size=Npts, fill_value=jnp.int64(-1))
    inv = inv.reshape(-1)
    counts = jnp.bincount(inv, length=Npts)  # spf.spcount
    safe = jnp.maximum(counts, 1).astype(jnp.float32)
    # spvoxelize: average new_coords per segment, then cast to int
    out_coords = (
        jax.ops.segment_sum(new_coords.astype(jnp.float32), inv, num_segments=Npts)
        / safe[:, None]
    ).astype(jnp.int32)
    counts_pp = counts[inv][:, None].astype(jnp.float32)  # counts.index_select(0, idx)
    out_feats = jax.ops.segment_sum(F / counts_pp, inv, num_segments=Npts)  # scatter_sum
    return (offsets, out_coords, out_feats, inv.astype(jnp.int64))

if __name__ == "__main__":
    import jax
    _d = setup_inputs()
    print(jax.jit(kernel)(*tuple(_d.values())))

</pallas_src>

<mosaic_0001>
#map = affine_map<(d0, d1) -> (0, 0)>
#map1 = affine_map<(d0, d1) -> (0)>
module attributes {stable_mosaic.version = 14 : i64} {
  func.func @_pool_body(%arg0: i32, %arg1: i32, %arg2: memref<320000x128xf32, #tpu.memory_space<hbm>>, %arg3: memref<320144xi32, #tpu.memory_space<hbm>>, %arg4: memref<320144xi32, #tpu.memory_space<hbm>>, %arg5: memref<160x16xi32, #tpu.memory_space<hbm>>, %arg6: memref<160x16xi32, #tpu.memory_space<hbm>>, %arg7: memref<6144x128xf32, #tpu.memory_space<hbm>>, %arg8: memref<331776x128xf32, #tpu.memory_space<hbm>>, %arg9: memref<160x16xi32, #tpu.memory_space<vmem>>, %arg10: memref<160x16xi32, #tpu.memory_space<vmem>>, %arg11: memref<128xi32, #tpu.memory_space<vmem>>, %arg12: memref<128xi32, #tpu.memory_space<vmem>>, %arg13: memref<128xi32, #tpu.memory_space<vmem>>, %arg14: memref<128xi32, #tpu.memory_space<vmem>>, %arg15: memref<128xi32, #tpu.memory_space<vmem>>, %arg16: memref<128xi32, #tpu.memory_space<vmem>>, %arg17: memref<128xi32, #tpu.memory_space<vmem>>, %arg18: memref<128xi32, #tpu.memory_space<vmem>>, %arg19: memref<128x128xf32, #tpu.memory_space<vmem>>, %arg20: memref<128x128xf32, #tpu.memory_space<vmem>>, %arg21: memref<6160x128xf32, #tpu.memory_space<vmem_shared>>, %arg22: memref<!tpu.dma_semaphore, #tpu.memory_space<semaphore_mem>>, %arg23: memref<!tpu.dma_semaphore, #tpu.memory_space<semaphore_mem>>, %arg24: memref<!tpu.dma_semaphore, #tpu.memory_space<semaphore_mem>>, %arg25: memref<!tpu.dma_semaphore, #tpu.memory_space<semaphore_mem>>) attributes {dimension_semantics = [#tpu.dimension_semantics<core_parallel>, #tpu.dimension_semantics<subcore_parallel>], iteration_bounds = array<i64: 2, 16>, scalar_prefetch = 0 : i64, scratch_operands = 17 : i64, tpu.core_type = #tpu.core_type<sc_vector_subcore>, window_params = [{transform_indices = #map}, {transform_indices = #map1}, {transform_indices = #map1}, {transform_indices = #map}, {transform_indices = #map}, {transform_indices = #map}, {transform_indices = #map}]} {
    %iota3A = tpu.iota {dimensions = array<i32: 0>} : vector<16xi32>
    "tpu.region"() ({
      %run_scoped3A = tpu.sem_alloc : memref<!tpu.dma_semaphore, #tpu.memory_space<semaphore_mem>>
      tpu.enqueue_dma source(%arg5 : memref<160x16xi32, #tpu.memory_space<hbm>>) target(%arg9 : memref<160x16xi32, #tpu.memory_space<vmem>>) target_semaphore(%run_scoped3A : memref<!tpu.dma_semaphore, #tpu.memory_space<semaphore_mem>>)
      tpu.wait_dma2 semaphore(%run_scoped3A : memref<!tpu.dma_semaphore, #tpu.memory_space<semaphore_mem>>) src(%arg5 : memref<160x16xi32, #tpu.memory_space<hbm>>) dst(%arg9 : memref<160x16xi32, #tpu.memory_space<vmem>>)
      tpu.yield
    }) : () -> ()
    "tpu.region"() ({
      %run_scoped3A = tpu.sem_alloc : memref<!tpu.dma_semaphore, #tpu.memory_space<semaphore_mem>>
      tpu.enqueue_dma source(%arg6 : memref<160x16xi32, #tpu.memory_space<hbm>>) target(%arg10 : memref<160x16xi32, #tpu.memory_space<vmem>>) target_semaphore(%run_scoped3A : memref<!tpu.dma_semaphore, #tpu.memory_space<semaphore_mem>>)
      tpu.wait_dma2 semaphore(%run_scoped3A : memref<!tpu.dma_semaphore, #tpu.memory_space<semaphore_mem>>) src(%arg6 : memref<160x16xi32, #tpu.memory_space<hbm>>) dst(%arg10 : memref<160x16xi32, #tpu.memory_space<vmem>>)
      tpu.yield
    }) : () -> ()
    %mul3A = arith.constant 384 : i32
    %mul3A_0 = arith.muli %arg1, %mul3A : i32
    "tpu.region"() ({
      %run_scoped3A = tpu.sem_alloc : memref<!tpu.dma_semaphore, #tpu.memory_space<semaphore_mem>>
      %dma_start3A = arith.constant 0 : i32
      %dma_start3A_5 = tpu.memref_slice %arg21[%mul3A_0, %dma_start3A] : memref<6160x128xf32, #tpu.memory_space<vmem_shared>> -> memref<384x128xf32, #tpu.memory_space<vmem_shared>>
      %dma_start3A_6 = arith.constant 0 : i32
      %dma_start3A_7 = tpu.memref_slice %arg7[%mul3A_0, %dma_start3A_6] : memref<6144x128xf32, #tpu.memory_space<hbm>> -> memref<384x128xf32, #tpu.memory_space<hbm>>
      tpu.enqueue_dma source(%dma_start3A_7 : memref<384x128xf32, #tpu.memory_space<hbm>>) target(%dma_start3A_5 : memref<384x128xf32, #tpu.memory_space<vmem_shared>>) target_semaphore(%run_scoped3A : memref<!tpu.dma_semaphore, #tpu.memory_space<semaphore_mem>>)
      %dma_wait3A = arith.constant 0 : i32
      %dma_wait3A_8 = tpu.memref_slice %arg21[%mul3A_0, %dma_wait3A] : memref<6160x128xf32, #tpu.memory_space<vmem_shared>> -> memref<384x128xf32, #tpu.memory_space<vmem_shared>>
      %dma_wait3A_9 = arith.constant 0 : i32
      %dma_wait3A_10 = tpu.memref_slice %arg7[%mul3A_0, %dma_wait3A_9] : memref<6144x128xf32, #tpu.memory_space<hbm>> -> memref<384x128xf32, #tpu.memory_space<hbm>>
      tpu.wait_dma2 semaphore(%run_scoped3A : memref<!tpu.dma_semaphore, #tpu.memory_space<semaphore_mem>>) src(%dma_wait3A_10 : memref<384x128xf32, #tpu.memory_space<hbm>>) dst(%dma_wait3A_8 : memref<384x128xf32, #tpu.memory_space<vmem_shared>>)
      tpu.yield
    }) : () -> ()
    %barrier3A = arith.constant 0 : index
    tpu.barrier barrier_id(%barrier3A)
    %scan3A = arith.constant 0 : i32
    %scan3A_1 = arith.constant 27 : i32
    %scan3A_2 = arith.addi %scan3A, %scan3A_1 : i32
    %scan3A_3 = arith.constant 1 : i32
    scf.for %scan3A_5 = %scan3A to %scan3A_2 step %scan3A_3  : i32 {
      %mul3A_6 = arith.constant 1 : i32
      %mul3A_7 = arith.muli %scan3A_5, %mul3A_6 : i32
      %add3A = arith.constant 0 : i32
      %add3A_8 = arith.addi %add3A, %mul3A_7 : i32
      %mul3A_9 = arith.constant 2 : i32
      %mul3A_10 = arith.muli %mul3A_9, %add3A_8 : i32
      %add3A_11 = arith.addi %mul3A_10, %arg0 : i32
      %get3A = arith.index_cast %add3A_11 : i32 to index
      %get3A_12 = arith.constant 0 : index
      %get3A_13 = tpu.vector_load %arg9[%get3A, %get3A_12] {strides = array<i32>} : memref<160x16xi32, #tpu.memory_space<vmem>>, vector<1x16xi32>,
      %get3A_14 = vector.shape_cast %get3A_13 : vector<1x16xi32> to vector<16xi32>
      %slice3A = vector.extract_strided_slice %get3A_14 {offsets = [0], sizes = [1], strides = [1]} : vector<16xi32> to vector<1xi32>
      %squeeze3A = vector.extract %slice3A[0] : i32 from vector<1xi32>
      %get3A_15 = arith.index_cast %add3A_11 : i32 to index
      %get3A_16 = arith.constant 0 : index
      %get3A_17 = tpu.vector_load %arg10[%get3A_15, %get3A_16] {strides = array<i32>} : memref<160x16xi32, #tpu.memory_space<vmem>>, vector<1x16xi32>,
      %get3A_18 = vector.shape_cast %get3A_17 : vector<1x16xi32> to vector<16xi32>
      %slice3A_19 = vector.extract_strided_slice %get3A_18 {offsets = [0], sizes = [1], strides = [1]} : vector<16xi32> to vector<1xi32>
      %squeeze3A_20 = vector.extract %slice3A_19[0] : i32 from vector<1xi32>
      %mul3A_21 = arith.constant 6144 : i32
      %mul3A_22 = arith.muli %add3A_11, %mul3A_21 : i32
      %sub3A = arith.subi %squeeze3A_20, %squeeze3A : i32
      %mul3A_23 = arith.muli %sub3A, %arg1 : i32
      %jit3A = arith.constant 16 : i32
      %div3A = arith.divsi %mul3A_23, %jit3A : i32
      %sign3A = arith.constant 0 : i32
      %sign3A_24 = arith.cmpi sgt, %mul3A_23, %sign3A : i32
      %sign3A_25 = arith.extui %sign3A_24 : i1 to i32
      %sign3A_26 = arith.constant 0 : i32
      %sign3A_27 = arith.cmpi slt, %mul3A_23, %sign3A_26 : i32
      %sign3A_28 = arith.extui %sign3A_27 : i1 to i32
      %sign3A_29 = arith.subi %sign3A_25, %sign3A_28 : i32
      %sign3A_30 = arith.constant 0 : i32
      %sign3A_31 = arith.cmpi sgt, %jit3A, %sign3A_30 : i32
      %sign3A_32 = arith.extui %sign3A_31 : i1 to i32
      %sign3A_33 = arith.constant 0 : i32
      %sign3A_34 = arith.cmpi slt, %jit3A, %sign3A_33 : i32
      %sign3A_35 = arith.extui %sign3A_34 : i1 to i32
      %sign3A_36 = arith.subi %sign3A_32, %sign3A_35 : i32
      %ne3A = arith.cmpi ne, %sign3A_29, %sign3A_36 : i32
      %rem3A = arith.remsi %mul3A_23, %jit3A : i32
      %ne3A_37 = arith.constant 0 : i32
      %ne3A_38 = arith.cmpi ne, %rem3A, %ne3A_37 : i32
      %and3A = arith.andi %ne3A, %ne3A_38 : i1
      %sub3A_39 = arith.constant 1 : i32
      %sub3A_40 = arith.subi %div3A, %sub3A_39 : i32
      %select_n3A = arith.select %and3A, %sub3A_40, %div3A : i32
      %and3A_41 = arith.constant -8 : i32
      %and3A_42 = arith.andi %select_n3A, %and3A_41 : i32
      %add3A_43 = arith.addi %squeeze3A, %and3A_42 : i32
      %add3A_44 = arith.constant 1 : i32
      %add3A_45 = arith.addi %arg1, %add3A_44 : i32
      %mul3A_46 = arith.muli %sub3A, %add3A_45 : i32
      %jit3A_47 = arith.constant 16 : i32
      %div3A_48 = arith.divsi %mul3A_46, %jit3A_47 : i32
      %sign3A_49 = arith.constant 0 : i32
      %sign3A_50 = arith.cmpi sgt, %mul3A_46, %sign3A_49 : i32
      %sign3A_51 = arith.extui %sign3A_50 : i1 to i32
      %sign3A_52 = arith.constant 0 : i32
      %sign3A_53 = arith.cmpi slt, %mul3A_46, %sign3A_52 : i32
      %sign3A_54 = arith.extui %sign3A_53 : i1 to i32
      %sign3A_55 = arith.subi %sign3A_51, %sign3A_54 : i32
      %sign3A_56 = arith.constant 0 : i32
      %sign3A_57 = arith.cmpi sgt, %jit3A_47, %sign3A_56 : i32
      %sign3A_58 = arith.extui %sign3A_57 : i1 to i32
      %sign3A_59 = arith.constant 0 : i32
      %sign3A_60 = arith.cmpi slt, %jit3A_47, %sign3A_59 : i32
      %sign3A_61 = arith.extui %sign3A_60 : i1 to i32
      %sign3A_62 = arith.subi %sign3A_58, %sign3A_61 : i32
      %ne3A_63 = arith.cmpi ne, %sign3A_55, %sign3A_62 : i32
      %rem3A_64 = arith.remsi %mul3A_46, %jit3A_47 : i32
      %ne3A_65 = arith.constant 0 : i32
      %ne3A_66 = arith.cmpi ne, %rem3A_64, %ne3A_65 : i32
      %and3A_67 = arith.andi %ne3A_63, %ne3A_66 : i1
      %sub3A_68 = arith.constant 1 : i32
      %sub3A_69 = arith.subi %div3A_48, %sub3A_68 : i32
      %select_n3A_70 = arith.select %and3A_67, %sub3A_69, %div3A_48 : i32
      %and3A_71 = arith.constant -8 : i32
      %and3A_72 = arith.andi %select_n3A_70, %and3A_71 : i32
      %add3A_73 = arith.addi %squeeze3A, %and3A_72 : i32
      %mul3A_74 = arith.constant 384 : i32
      %mul3A_75 = arith.muli %arg1, %mul3A_74 : i32
      %sub3A_76 = arith.subi %add3A_73, %add3A_43 : i32
      %add3A_77 = arith.constant 127 : i32
      %add3A_78 = arith.addi %sub3A_76, %add3A_77 : i32
      %jit3A_79 = arith.constant 128 : i32
      %div3A_80 = arith.divsi %add3A_78, %jit3A_79 : i32
      %sign3A_81 = arith.constant 0 : i32
      %sign3A_82 = arith.cmpi sgt, %add3A_78, %sign3A_81 : i32
      %sign3A_83 = arith.extui %sign3A_82 : i1 to i32
      %sign3A_84 = arith.constant 0 : i32
      %sign3A_85 = arith.cmpi slt, %add3A_78, %sign3A_84 : i32
      %sign3A_86 = arith.extui %sign3A_85 : i1 to i32
      %sign3A_87 = arith.subi %sign3A_83, %sign3A_86 : i32
      %sign3A_88 = arith.constant 0 : i32
      %sign3A_89 = arith.cmpi sgt, %jit3A_79, %sign3A_88 : i32
      %sign3A_90 = arith.extui %sign3A_89 : i1 to i32
      %sign3A_91 = arith.constant 0 : i32
      %sign3A_92 = arith.cmpi slt, %jit3A_79, %sign3A_91 : i32
      %sign3A_93 = arith.extui %sign3A_92 : i1 to i32
      %sign3A_94 = arith.subi %sign3A_90, %sign3A_93 : i32
      %ne3A_95 = arith.cmpi ne, %sign3A_87, %sign3A_94 : i32
      %rem3A_96 = arith.remsi %add3A_78, %jit3A_79 : i32
      %ne3A_97 = arith.constant 0 : i32
      %ne3A_98 = arith.cmpi ne, %rem3A_96, %ne3A_97 : i32
      %and3A_99 = arith.andi %ne3A_95, %ne3A_98 : i1
      %sub3A_100 = arith.constant 1 : i32
      %sub3A_101 = arith.subi %div3A_80, %sub3A_100 : i32
      %select_n3A_102 = arith.select %and3A_99, %sub3A_101, %div3A_80 : i32
      %gt3A = arith.constant 0 : i32
      %gt3A_103 = arith.cmpi sgt, %select_n3A_102, %gt3A : i32
      %convert_element_type3A = arith.extui %gt3A_103 : i1 to i32
      %cond3A = arith.constant 0 : i32
      %cond3A_104 = arith.cmpi ne, %convert_element_type3A, %cond3A : i32
      scf.if %cond3A_104 {
        %add3A_126 = arith.constant 0 : i32
        %add3A_127 = arith.addi %add3A_43, %add3A_126 : i32
        %multiple_of3A = tpu.assume_multiple %add3A_127, 8 : i32
        %dma_start3A = tpu.memref_slice %arg3[%multiple_of3A] : memref<320144xi32, #tpu.memory_space<hbm>> -> memref<128xi32, #tpu.memory_space<hbm>>
        %dma_start3A_128 = tpu.memref_slice %arg3[%multiple_of3A] : memref<320144xi32, #tpu.memory_space<hbm>> -> memref<128xi32, #tpu.memory_space<hbm>>
        tpu.enqueue_dma source(%dma_start3A_128 : memref<128xi32, #tpu.memory_space<hbm>>) target(%arg11 : memref<128xi32, #tpu.memory_space<vmem>>) target_semaphore(%arg24 : memref<!tpu.dma_semaphore, #tpu.memory_space<semaphore_mem>>)
        %dma_start3A_129 = tpu.memref_slice %arg4[%multiple_of3A] : memref<320144xi32, #tpu.memory_space<hbm>> -> memref<128xi32, #tpu.memory_space<hbm>>
        %dma_start3A_130 = tpu.memref_slice %arg4[%multiple_of3A] : memref<320144xi32, #tpu.memory_space<hbm>> -> memref<128xi32, #tpu.memory_space<hbm>>
        tpu.enqueue_dma source(%dma_start3A_130 : memref<128xi32, #tpu.memory_space<hbm>>) target(%arg13 : memref<128xi32, #tpu.memory_space<vmem>>) target_semaphore(%arg25 : memref<!tpu.dma_semaphore, #tpu.memory_space<semaphore_mem>>)
        %dma_wait3A = tpu.memref_slice %arg3[%multiple_of3A] : memref<320144xi32, #tpu.memory_space<hbm>> -> memref<128xi32, #tpu.memory_space<hbm>>
        %dma_wait3A_131 = tpu.memref_slice %arg3[%multiple_of3A] : memref<320144xi32, #tpu.memory_space<hbm>> -> memref<128xi32, #tpu.memory_space<hbm>>
        tpu.wait_dma2 semaphore(%arg24 : memref<!tpu.dma_semaphore, #tpu.memory_space<semaphore_mem>>) src(%dma_wait3A_131 : memref<128xi32, #tpu.memory_space<hbm>>) dst(%arg11 : memref<128xi32, #tpu.memory_space<vmem>>)
        %dma_wait3A_132 = tpu.memref_slice %arg4[%multiple_of3A] : memref<320144xi32, #tpu.memory_space<hbm>> -> memref<128xi32, #tpu.memory_space<hbm>>
        %dma_wait3A_133 = tpu.memref_slice %arg4[%multiple_of3A] : memref<320144xi32, #tpu.memory_space<hbm>> -> memref<128xi32, #tpu.memory_space<hbm>>
        tpu.wait_dma2 semaphore(%arg25 : memref<!tpu.dma_semaphore, #tpu.memory_space<semaphore_mem>>) src(%dma_wait3A_133 : memref<128xi32, #tpu.memory_space<hbm>>) dst(%arg13 : memref<128xi32, #tpu.memory_space<vmem>>)
        %add3A_134 = arith.constant 0 : i32
        %add3A_135 = arith.addi %multiple_of3A, %add3A_134 : i32
        %add3A_136 = vector.broadcast %add3A_135 : i32 to vector<16xi32>
        %add3A_137 = arith.addi %add3A_136, %iota3A : vector<16xi32>
        %get3A_138 = arith.constant 0 : index
        %get3A_139 = tpu.vector_load %arg13[%get3A_138] {strides = array<i32>} : memref<128xi32, #tpu.memory_space<vmem>>, vector<16xi32>,
        %get3A_140 = vector.shape_cast %get3A_139 : vector<16xi32> to vector<16xi32>
        %sub3A_141 = vector.broadcast %mul3A_22 : i32 to vector<16xi32>
        %sub3A_142 = arith.subi %get3A_140, %sub3A_141 : vector<16xi32>
        %lt3A = vector.broadcast %add3A_73 : i32 to vector<16xi32>
        %lt3A_143 = arith.cmpi slt, %add3A_137, %lt3A : vector<16xi32>
        %ge3A = arith.constant 0 : i32
        %ge3A_144 = vector.broadcast %ge3A : i32 to vector<16xi32>
        %ge3A_145 = arith.cmpi sge, %sub3A_142, %ge3A_144 : vector<16xi32>
        %and3A_146 = arith.andi %lt3A_143, %ge3A_145 : vector<16xi1>
        %lt3A_147 = arith.constant 6144 : i32
        %lt3A_148 = vector.broadcast %lt3A_147 : i32 to vector<16xi32>
        %lt3A_149 = arith.cmpi slt, %sub3A_142, %lt3A_148 : vector<16xi32>
        %and3A_150 = arith.andi %and3A_146, %lt3A_149 : vector<16xi1>
        %add3A_151 = arith.constant 6144 : i32
        %add3A_152 = vector.broadcast %add3A_151 : i32 to vector<16xi32>
        %add3A_153 = arith.addi %add3A_152, %iota3A : vector<16xi32>
        %select_n3A_154 = arith.select %and3A_150, %sub3A_142, %add3A_153 : vector<16xi1>, vector<16xi32>
        %swap3A = arith.constant 0 : index
        %swap3A_155 = tpu.vector_load %arg14[%swap3A] {strides = array<i32>} : memref<128xi32, #tpu.memory_space<vmem>>, vector<16xi32>,
        %swap3A_156 = vector.shape_cast %swap3A_155 : vector<16xi32> to vector<16xi32>
        %swap3A_157 = vector.shape_cast %select_n3A_154 : vector<16xi32> to vector<16xi32>
        tpu.vector_store %arg14[%swap3A], %swap3A_157 {strides = array<i32>} : memref<128xi32, #tpu.memory_space<vmem>>, vector<16xi32>,
        %get3A_158 = arith.constant 0 : index
        %get3A_159 = tpu.vector_load %arg11[%get3A_158] {strides = array<i32>} : memref<128xi32, #tpu.memory_space<vmem>>, vector<16xi32>,
        %get3A_160 = vector.shape_cast %get3A_159 : vector<16xi32> to vector<16xi32>
        %min3A = arith.constant 319999 : i32
        %min3A_161 = vector.broadcast %min3A : i32 to vector<16xi32>
        %min3A_162 = arith.minsi %get3A_160, %min3A_161 : vector<16xi32>
        %swap3A_163 = arith.constant 0 : index
        %swap3A_164 = tpu.vector_load %arg12[%swap3A_163] {strides = array<i32>} : memref<128xi32, #tpu.memory_space<vmem>>, vector<16xi32>,
        %swap3A_165 = vector.shape_cast %swap3A_164 : vector<16xi32> to vector<16xi32>
        %swap3A_166 = vector.shape_cast %min3A_162 : vector<16xi32> to vector<16xi32>
        tpu.vector_store %arg12[%swap3A_163], %swap3A_166 {strides = array<i32>} : memref<128xi32, #tpu.memory_space<vmem>>, vector<16xi32>,
        %add3A_167 = arith.constant 16 : i32
        %add3A_168 = arith.addi %multiple_of3A, %add3A_167 : i32
        %add3A_169 = vector.broadcast %add3A_168 : i32 to vector<16xi32>
        %add3A_170 = arith.addi %add3A_169, %iota3A : vector<16xi32>
        %get3A_171 = arith.constant 16 : index
        %get3A_172 = tpu.vector_load %arg13[%get3A_171] {strides = array<i32>} : memref<128xi32, #tpu.memory_space<vmem>>, vector<16xi32>,
        %get3A_173 = vector.shape_cast %get3A_172 : vector<16xi32> to vector<16xi32>
        %sub3A_174 = vector.broadcast %mul3A_22 : i32 to vector<16xi32>
        %sub3A_175 = arith.subi %get3A_173, %sub3A_174 : vector<16xi32>
        %lt3A_176 = vector.broadcast %add3A_73 : i32 to vector<16xi32>
        %lt3A_177 = arith.cmpi slt, %add3A_170, %lt3A_176 : vector<16xi32>
        %ge3A_178 = arith.constant 0 : i32
        %ge3A_179 = vector.broadcast %ge3A_178 : i32 to vector<16xi32>
        %ge3A_180 = arith.cmpi sge, %sub3A_175, %ge3A_179 : vector<16xi32>
        %and3A_181 = arith.andi %lt3A_177, %ge3A_180 : vector<16xi1>
        %lt3A_182 = arith.constant 6144 : i32
        %lt3A_183 = vector.broadcast %lt3A_182 : i32 to vector<16xi32>
        %lt3A_184 = arith.cmpi slt, %sub3A_175, %lt3A_183 : vector<16xi32>
        %and3A_185 = arith.andi %and3A_181, %lt3A_184 : vector<16xi1>
        %add3A_186 = arith.constant 6144 : i32
        %add3A_187 = vector.broadcast %add3A_186 : i32 to vector<16xi32>
        %add3A_188 = arith.addi %add3A_187, %iota3A : vector<16xi32>
        %select_n3A_189 = arith.select %and3A_185, %sub3A_175, %add3A_188 : vector<16xi1>, vector<16xi32>
        %swap3A_190 = arith.constant 16 : index
        %swap3A_191 = tpu.vector_load %arg14[%swap3A_190] {strides = array<i32>} : memref<128xi32, #tpu.memory_space<vmem>>, vector<16xi32>,
        %swap3A_192 = vector.shape_cast %swap3A_191 : vector<16xi32> to vector<16xi32>
        %swap3A_193 = vector.shape_cast %select_n3A_189 : vector<16xi32> to vector<16xi32>
        tpu.vector_store %arg14[%swap3A_190], %swap3A_193 {strides = array<i32>} : memref<128xi32, #tpu.memory_space<vmem>>, vector<16xi32>,
        %get3A_194 = arith.constant 16 : index
        %get3A_195 = tpu.vector_load %arg11[%get3A_194] {strides = array<i32>} : memref<128xi32, #tpu.memory_space<vmem>>, vector<16xi32>,
        %get3A_196 = vector.shape_cast %get3A_195 : vector<16xi32> to vector<16xi32>
        %min3A_197 = arith.constant 319999 : i32
        %min3A_198 = vector.broadcast %min3A_197 : i32 to vector<16xi32>
        %min3A_199 = arith.minsi %get3A_196, %min3A_198 : vector<16xi32>
        %swap3A_200 = arith.constant 16 : index
        %swap3A_201 = tpu.vector_load %arg12[%swap3A_200] {strides = array<i32>} : memref<128xi32, #tpu.memory_space<vmem>>, vector<16xi32>,
        %swap3A_202 = vector.shape_cast %swap3A_201 : vector<16xi32> to vector<16xi32>
        %swap3A_203 = vector.shape_cast %min3A_199 : vector<16xi32> to vector<16xi32>
        tpu.vector_store %arg12[%swap3A_200], %swap3A_203 {strides = array<i32>} : memref<128xi32, #tpu.memory_space<vmem>>, vector<16xi32>,
        %add3A_204 = arith.constant 32 : i32
        %add3A_205 = arith.addi %multiple_of3A, %add3A_204 : i32
        %add3A_206 = vector.broadcast %add3A_205 : i32 to vector<16xi32>
        %add3A_207 = arith.addi %add3A_206, %iota3A : vector<16xi32>
        %get3A_208 = arith.constant 32 : index
        %get3A_209 = tpu.vector_load %arg13[%get3A_208] {strides = array<i32>} : memref<128xi32, #tpu.memory_space<vmem>>, vector<16xi32>,
        %get3A_210 = vector.shape_cast %get3A_209 : vector<16xi32> to vector<16xi32>
        %sub3A_211 = vector.broadcast %mul3A_22 : i32 to vector<16xi32>
        %sub3A_212 = arith.subi %get3A_210, %sub3A_211 : vector<16xi32>
        %lt3A_213 = vector.broadcast %add3A_73 : i32 to vector<16xi32>
        %lt3A_214 = arith.cmpi slt, %add3A_207, %lt3A_213 : vector<16xi32>
        %ge3A_215 = arith.constant 0 : i32
        %ge3A_216 = vector.broadcast %ge3A_215 : i32 to vector<16xi32>
        %ge3A_217 = arith.cmpi sge, %sub3A_212, %ge3A_216 : vector<16xi32>
        %and3A_218 = arith.andi %lt3A_214, %ge3A_217 : vector<16xi1>
        %lt3A_219 = arith.constant 6144 : i32
        %lt3A_220 = vector.broadcast %lt3A_219 : i32 to vector<16xi32>
        %lt3A_221 = arith.cmpi slt, %sub3A_212, %lt3A_220 : vector<16xi32>
        %and3A_222 = arith.andi %and3A_218, %lt3A_221 : vector<16xi1>
        %add3A_223 = arith.constant 6144 : i32
        %add3A_224 = vector.broadcast %add3A_223 : i32 to vector<16xi32>
        %add3A_225 = arith.addi %add3A_224, %iota3A : vector<16xi32>
        %select_n3A_226 = arith.select %and3A_222, %sub3A_212, %add3A_225 : vector<16xi1>, vector<16xi32>
        %swap3A_227 = arith.constant 32 : index
        %swap3A_228 = tpu.vector_load %arg14[%swap3A_227] {strides = array<i32>} : memref<128xi32, #tpu.memory_space<vmem>>, vector<16xi32>,
        %swap3A_229 = vector.shape_cast %swap3A_228 : vector<16xi32> to vector<16xi32>
        %swap3A_230 = vector.shape_cast %select_n3A_226 : vector<16xi32> to vector<16xi32>
        tpu.vector_store %arg14[%swap3A_227], %swap3A_230 {strides = array<i32>} : memref<128xi32, #tpu.memory_space<vmem>>, vector<16xi32>,
        %get3A_231 = arith.constant 32 : index
        %get3A_232 = tpu.vector_load %arg11[%get3A_231] {strides = array<i32>} : memref<128xi32, #tpu.memory_space<vmem>>, vector<16xi32>,
        %get3A_233 = vector.shape_cast %get3A_232 : vector<16xi32> to vector<16xi32>
        %min3A_234 = arith.constant 319999 : i32
        %min3A_235 = vector.broadcast %min3A_234 : i32 to vector<16xi32>
        %min3A_236 = arith.minsi %get3A_233, %min3A_235 : vector<16xi32>
        %swap3A_237 = arith.constant 32 : index
        %swap3A_238 = tpu.vector_load %arg12[%swap3A_237] {strides = array<i32>} : memref<128xi32, #tpu.memory_space<vmem>>, vector<16xi32>,
        %swap3A_239 = vector.shape_cast %swap3A_238 : vector<16xi32> to vector<16xi32>
        %swap3A_240 = vector.shape_cast %min3A_236 : vector<16xi32> to vector<16xi32>
        tpu.vector_store %arg12[%swap3A_237], %swap3A_240 {strides = array<i32>} : memref<128xi32, #tpu.memory_space<vmem>>, vector<16xi32>,
        %add3A_241 = arith.constant 48 : i32
        %add3A_242 = arith.addi %multiple_of3A, %add3A_241 : i32
        %add3A_243 = vector.broadcast %add3A_242 : i32 to vector<16xi32>
        %add3A_244 = arith.addi %add3A_243, %iota3A : vector<16xi32>
        %get3A_245 = arith.constant 48 : index
        %get3A_246 = tpu.vector_load %arg13[%get3A_245] {strides = array<i32>} : memref<128xi32, #tpu.memory_space<vmem>>, vector<16xi32>,
        %get3A_247 = vector.shape_cast %get3A_246 : vector<16xi32> to vector<16xi32>
        %sub3A_248 = vector.broadcast %mul3A_22 : i32 to vector<16xi32>
        %sub3A_249 = arith.subi %get3A_247, %sub3A_248 : vector<16xi32>
        %lt3A_250 = vector.broadcast %add3A_73 : i32 to vector<16xi32>
        %lt3A_251 = arith.cmpi slt, %add3A_244, %lt3A_250 : vector<16xi32>
        %ge3A_252 = arith.constant 0 : i32
        %ge3A_253 = vector.broadcast %ge3A_252 : i32 to vector<16xi32>
        %ge3A_254 = arith.cmpi sge, %sub3A_249, %ge3A_253 : vector<16xi32>
        %and3A_255 = arith.andi %lt3A_251, %ge3A_254 : vector<16xi1>
        %lt3A_256 = arith.constant 6144 : i32
        %lt3A_257 = vector.broadcast %lt3A_256 : i32 to vector<16xi32>
        %lt3A_258 = arith.cmpi slt, %sub3A_249, %lt3A_257 : vector<16xi32>
        %and3A_259 = arith.andi %and3A_255, %lt3A_258 : vector<16xi1>
        %add3A_260 = arith.constant 6144 : i32
        %add3A_261 = vector.broadcast %add3A_260 : i32 to vector<16xi32>
        %add3A_262 = arith.addi %add3A_261, %iota3A : vector<16xi32>
        %select_n3A_263 = arith.select %and3A_259, %sub3A_249, %add3A_262 : vector<16xi1>, vector<16xi32>
        %swap3A_264 = arith.constant 48 : index
        %swap3A_265 = tpu.vector_load %arg14[%swap3A_264] {strides = array<i32>} : memref<128xi32, #tpu.memory_space<vmem>>, vector<16xi32>,
        %swap3A_266 = vector.shape_cast %swap3A_265 : vector<16xi32> to vector<16xi32>
        %swap3A_267 = vector.shape_cast %select_n3A_263 : vector<16xi32> to vector<16xi32>
        tpu.vector_store %arg14[%swap3A_264], %swap3A_267 {strides = array<i32>} : memref<128xi32, #tpu.memory_space<vmem>>, vector<16xi32>,
        %get3A_268 = arith.constant 48 : index
        %get3A_269 = tpu.vector_load %arg11[%get3A_268] {strides = array<i32>} : memref<128xi32, #tpu.memory_space<vmem>>, vector<16xi32>,
        %get3A_270 = vector.shape_cast %get3A_269 : vector<16xi32> to vector<16xi32>
        %min3A_271 = arith.constant 319999 : i32
        %min3A_272 = vector.broadcast %min3A_271 : i32 to vector<16xi32>
        %min3A_273 = arith.minsi %get3A_270, %min3A_272 : vector<16xi32>
        %swap3A_274 = arith.constant 48 : index
        %swap3A_275 = tpu.vector_load %arg12[%swap3A_274] {strides = array<i32>} : memref<128xi32, #tpu.memory_space<vmem>>, vector<16xi32>,
        %swap3A_276 = vector.shape_cast %swap3A_275 : vector<16xi32> to vector<16xi32>
        %swap3A_277 = vector.shape_cast %min3A_273 : vector<16xi32> to vector<16xi32>
        tpu.vector_store %arg12[%swap3A_274], %swap3A_277 {strides = array<i32>} : memref<128xi32, #tpu.memory_space<vmem>>, vector<16xi32>,
        %add3A_278 = arith.constant 64 : i32
        %add3A_279 = arith.addi %multiple_of3A, %add3A_278 : i32
        %add3A_280 = vector.broadcast %add3A_279 : i32 to vector<16xi32>
        %add3A_281 = arith.addi %add3A_280, %iota3A : vector<16xi32>
        %get3A_282 = arith.constant 64 : index
        %get3A_283 = tpu.vector_load %arg13[%get3A_282] {strides = array<i32>} : memref<128xi32, #tpu.memory_space<vmem>>, vector<16xi32>,
        %get3A_284 = vector.shape_cast %get3A_283 : vector<16xi32> to vector<16xi32>
        %sub3A_285 = vector.broadcast %mul3A_22 : i32 to vector<16xi32>
        %sub3A_286 = arith.subi %get3A_284, %sub3A_285 : vector<16xi32>
        %lt3A_287 = vector.broadcast %add3A_73 : i32 to vector<16xi32>
        %lt3A_288 = arith.cmpi slt, %add3A_281, %lt3A_287 : vector<16xi32>
        %ge3A_289 = arith.constant 0 : i32
        %ge3A_290 = vector.broadcast %ge3A_289 : i32 to vector<16xi32>
        %ge3A_291 = arith.cmpi sge, %sub3A_286, %ge3A_290 : vector<16xi32>
        %and3A_292 = arith.andi %lt3A_288, %ge3A_291 : vector<16xi1>
        %lt3A_293 = arith.constant 6144 : i32
        %lt3A_294 = vector.broadcast %lt3A_293 : i32 to vector<16xi32>
        %lt3A_295 = arith.cmpi slt, %sub3A_286, %lt3A_294 : vector<16xi32>
        %and3A_296 = arith.andi %and3A_292, %lt3A_295 : vector<16xi1>
        %add3A_297 = arith.constant 6144 : i32
        %add3A_298 = vector.broadcast %add3A_297 : i32 to vector<16xi32>
        %add3A_299 = arith.addi %add3A_298, %iota3A : vector<16xi32>
        %select_n3A_300 = arith.select %and3A_296, %sub3A_286, %add3A_299 : vector<16xi1>, vector<16xi32>
        %swap3A_301 = arith.constant 64 : index
        %swap3A_302 = tpu.vector_load %arg14[%swap3A_301] {strides = array<i32>} : memref<128xi32, #tpu.memory_space<vmem>>, vector<16xi32>,
        %swap3A_303 = vector.shape_cast %swap3A_302 : vector<16xi32> to vector<16xi32>
        %swap3A_304 = vector.shape_cast %select_n3A_300 : vector<16xi32> to vector<16xi32>
        tpu.vector_store %arg14[%swap3A_301], %swap3A_304 {strides = array<i32>} : memref<128xi32, #tpu.memory_space<vmem>>, vector<16xi32>,
        %get3A_305 = arith.constant 64 : index
        %get3A_306 = tpu.vector_load %arg11[%get3A_305] {strides = array<i32>} : memref<128xi32, #tpu.memory_space<vmem>>, vector<16xi32>,
        %get3A_307 = vector.shape_cast %get3A_306 : vector<16xi32> to vector<16xi32>
        %min3A_308 = arith.constant 319999 : i32
        %min3A_309 = vector.broadcast %min3A_308 : i32 to vector<16xi32>
        %min3A_310 = arith.minsi %get3A_307, %min3A_309 : vector<16xi32>
        %swap3A_311 = arith.constant 64 : index
        %swap3A_312 = tpu.vector_load %arg12[%swap3A_311] {strides = array<i32>} : memref<128xi32, #tpu.memory_space<vmem>>, vector<16xi32>,
        %swap3A_313 = vector.shape_cast %swap3A_312 : vector<16xi32> to vector<16xi32>
        %swap3A_314 = vector.shape_cast %min3A_310 : vector<16xi32> to vector<16xi32>
        tpu.vector_store %arg12[%swap3A_311], %swap3A_314 {strides = array<i32>} : memref<128xi32, #tpu.memory_space<vmem>>, vector<16xi32>,
        %add3A_315 = arith.constant 80 : i32
        %add3A_316 = arith.addi %multiple_of3A, %add3A_315 : i32
        %add3A_317 = vector.broadcast %add3A_316 : i32 to vector<16xi32>
        %add3A_318 = arith.addi %add3A_317, %iota3A : vector<16xi32>
        %get3A_319 = arith.constant 80 : index
        %get3A_320 = tpu.vector_load %arg13[%get3A_319] {strides = array<i32>} : memref<128xi32, #tpu.memory_space<vmem>>, vector<16xi32>,
        %get3A_321 = vector.shape_cast %get3A_320 : vector<16xi32> to vector<16xi32>
        %sub3A_322 = vector.broadcast %mul3A_22 : i32 to vector<16xi32>
        %sub3A_323 = arith.subi %get3A_321, %sub3A_322 : vector<16xi32>
        %lt3A_324 = vector.broadcast %add3A_73 : i32 to vector<16xi32>
        %lt3A_325 = arith.cmpi slt, %add3A_318, %lt3A_324 : vector<16xi32>
        %ge3A_326 = arith.constant 0 : i32
        %ge3A_327 = vector.broadcast %ge3A_326 : i32 to vector<16xi32>
        %ge3A_328 = arith.cmpi sge, %sub3A_323, %ge3A_327 : vector<16xi32>
        %and3A_329 = arith.andi %lt3A_325, %ge3A_328 : vector<16xi1>
        %lt3A_330 = arith.constant 6144 : i32
        %lt3A_331 = vector.broadcast %lt3A_330 : i32 to vector<16xi32>
        %lt3A_332 = arith.cmpi slt, %sub3A_323, %lt3A_331 : vector<16xi32>
        %and3A_333 = arith.andi %and3A_329, %lt3A_332 : vector<16xi1>
        %add3A_334 = arith.constant 6144 : i32
        %add3A_335 = vector.broadcast %add3A_334 : i32 to vector<16xi32>
        %add3A_336 = arith.addi %add3A_335, %iota3A : vector<16xi32>
        %select_n3A_337 = arith.select %and3A_333, %sub3A_323, %add3A_336 : vector<16xi1>, vector<16xi32>
        %swap3A_338 = arith.constant 80 : index
        %swap3A_339 = tpu.vector_load %arg14[%swap3A_338] {strides = array<i32>} : memref<128xi32, #tpu.memory_space<vmem>>, vector<16xi32>,
        %swap3A_340 = vector.shape_cast %swap3A_339 : vector<16xi32> to vector<16xi32>
        %swap3A_341 = vector.shape_cast %select_n3A_337 : vector<16xi32> to vector<16xi32>
        tpu.vector_store %arg14[%swap3A_338], %swap3A_341 {strides = array<i32>} : memref<128xi32, #tpu.memory_space<vmem>>, vector<16xi32>,
        %get3A_342 = arith.constant 80 : index
        %get3A_343 = tpu.vector_load %arg11[%get3A_342] {strides = array<i32>} : memref<128xi32, #tpu.memory_space<vmem>>, vector<16xi32>,
        %get3A_344 = vector.shape_cast %get3A_343 : vector<16xi32> to vector<16xi32>
        %min3A_345 = arith.constant 319999 : i32
        %min3A_346 = vector.broadcast %min3A_345 : i32 to vector<16xi32>
        %min3A_347 = arith.minsi %get3A_344, %min3A_346 : vector<16xi32>
        %swap3A_348 = arith.constant 80 : index
        %swap3A_349 = tpu.vector_load %arg12[%swap3A_348] {strides = array<i32>} : memref<128xi32, #tpu.memory_space<vmem>>, vector<16xi32>,
        %swap3A_350 = vector.shape_cast %swap3A_349 : vector<16xi32> to vector<16xi32>
        %swap3A_351 = vector.shape_cast %min3A_347 : vector<16xi32> to vector<16xi32>
        tpu.vector_store %arg12[%swap3A_348], %swap3A_351 {strides = array<i32>} : memref<128xi32, #tpu.memory_space<vmem>>, vector<16xi32>,
        %add3A_352 = arith.constant 96 : i32
        %add3A_353 = arith.addi %multiple_of3A, %add3A_352 : i32
        %add3A_354 = vector.broadcast %add3A_353 : i32 to vector<16xi32>
        %add3A_355 = arith.addi %add3A_354, %iota3A : vector<16xi32>
        %get3A_356 = arith.constant 96 : index
        %get3A_357 = tpu.vector_load %arg13[%get3A_356] {strides = array<i32>} : memref<128xi32, #tpu.memory_space<vmem>>, vector<16xi32>,
        %get3A_358 = vector.shape_cast %get3A_357 : vector<16xi32> to vector<16xi32>
        %sub3A_359 = vector.broadcast %mul3A_22 : i32 to vector<16xi32>
        %sub3A_360 = arith.subi %get3A_358, %sub3A_359 : vector<16xi32>
        %lt3A_361 = vector.broadcast %add3A_73 : i32 to vector<16xi32>
        %lt3A_362 = arith.cmpi slt, %add3A_355, %lt3A_361 : vector<16xi32>
        %ge3A_363 = arith.constant 0 : i32
        %ge3A_364 = vector.broadcast %ge3A_363 : i32 to vector<16xi32>
        %ge3A_365 = arith.cmpi sge, %sub3A_360, %ge3A_364 : vector<16xi32>
        %and3A_366 = arith.andi %lt3A_362, %ge3A_365 : vector<16xi1>
        %lt3A_367 = arith.constant 6144 : i32
        %lt3A_368 = vector.broadcast %lt3A_367 : i32 to vector<16xi32>
        %lt3A_369 = arith.cmpi slt, %sub3A_360, %lt3A_368 : vector<16xi32>
        %and3A_370 = arith.andi %and3A_366, %lt3A_369 : vector<16xi1>
        %add3A_371 = arith.constant 6144 : i32
        %add3A_372 = vector.broadcast %add3A_371 : i32 to vector<16xi32>
        %add3A_373 = arith.addi %add3A_372, %iota3A : vector<16xi32>
        %select_n3A_374 = arith.select %and3A_370, %sub3A_360, %add3A_373 : vector<16xi1>, vector<16xi32>
        %swap3A_375 = arith.constant 96 : index
        %swap3A_376 = tpu.vector_load %arg14[%swap3A_375] {strides = array<i32>} : memref<128xi32, #tpu.memory_space<vmem>>, vector<16xi32>,
        %swap3A_377 = vector.shape_cast %swap3A_376 : vector<16xi32> to vector<16xi32>
        %swap3A_378 = vector.shape_cast %select_n3A_374 : vector<16xi32> to vector<16xi32>
        tpu.vector_store %arg14[%swap3A_375], %swap3A_378 {strides = array<i32>} : memref<128xi32, #tpu.memory_space<vmem>>, vector<16xi32>,
        %get3A_379 = arith.constant 96 : index
        %get3A_380 = tpu.vector_load %arg11[%get3A_379] {strides = array<i32>} : memref<128xi32, #tpu.memory_space<vmem>>, vector<16xi32>,
        %get3A_381 = vector.shape_cast %get3A_380 : vector<16xi32> to vector<16xi32>
        %min3A_382 = arith.constant 319999 : i32
        %min3A_383 = vector.broadcast %min3A_382 : i32 to vector<16xi32>
        %min3A_384 = arith.minsi %get3A_381, %min3A_383 : vector<16xi32>
        %swap3A_385 = arith.constant 96 : index
        %swap3A_386 = tpu.vector_load %arg12[%swap3A_385] {strides = array<i32>} : memref<128xi32, #tpu.memory_space<vmem>>, vector<16xi32>,
        %swap3A_387 = vector.shape_cast %swap3A_386 : vector<16xi32> to vector<16xi32>
        %swap3A_388 = vector.shape_cast %min3A_384 : vector<16xi32> to vector<16xi32>
        tpu.vector_store %arg12[%swap3A_385], %swap3A_388 {strides = array<i32>} : memref<128xi32, #tpu.memory_space<vmem>>, vector<16xi32>,
        %add3A_389 = arith.constant 112 : i32
        %add3A_390 = arith.addi %multiple_of3A, %add3A_389 : i32
        %add3A_391 = vector.broadcast %add3A_390 : i32 to vector<16xi32>
        %add3A_392 = arith.addi %add3A_391, %iota3A : vector<16xi32>
        %get3A_393 = arith.constant 112 : index
        %get3A_394 = tpu.vector_load %arg13[%get3A_393] {strides = array<i32>} : memref<128xi32, #tpu.memory_space<vmem>>, vector<16xi32>,
        %get3A_395 = vector.shape_cast %get3A_394 : vector<16xi32> to vector<16xi32>
        %sub3A_396 = vector.broadcast %mul3A_22 : i32 to vector<16xi32>
        %sub3A_397 = arith.subi %get3A_395, %sub3A_396 : vector<16xi32>
        %lt3A_398 = vector.broadcast %add3A_73 : i32 to vector<16xi32>
        %lt3A_399 = arith.cmpi slt, %add3A_392, %lt3A_398 : vector<16xi32>
        %ge3A_400 = arith.constant 0 : i32
        %ge3A_401 = vector.broadcast %ge3A_400 : i32 to vector<16xi32>
        %ge3A_402 = arith.cmpi sge, %sub3A_397, %ge3A_401 : vector<16xi32>
        %and3A_403 = arith.andi %lt3A_399, %ge3A_402 : vector<16xi1>
        %lt3A_404 = arith.constant 6144 : i32
        %lt3A_405 = vector.broadcast %lt3A_404 : i32 to vector<16xi32>
        %lt3A_406 = arith.cmpi slt, %sub3A_397, %lt3A_405 : vector<16xi32>
        %and3A_407 = arith.andi %and3A_403, %lt3A_406 : vector<16xi1>
        %add3A_408 = arith.constant 6144 : i32
        %add3A_409 = vector.broadcast %add3A_408 : i32 to vector<16xi32>
        %add3A_410 = arith.addi %add3A_409, %iota3A : vector<16xi32>
        %select_n3A_411 = arith.select %and3A_407, %sub3A_397, %add3A_410 : vector<16xi1>, vector<16xi32>
        %swap3A_412 = arith.constant 112 : index
        %swap3A_413 = tpu.vector_load %arg14[%swap3A_412] {strides = array<i32>} : memref<128xi32, #tpu.memory_space<vmem>>, vector<16xi32>,
        %swap3A_414 = vector.shape_cast %swap3A_413 : vector<16xi32> to vector<16xi32>
        %swap3A_415 = vector.shape_cast %select_n3A_411 : vector<16xi32> to vector<16xi32>
        tpu.vector_store %arg14[%swap3A_412], %swap3A_415 {strides = array<i32>} : memref<128xi32, #tpu.memory_space<vmem>>, vector<16xi32>,
        %get3A_416 = arith.constant 112 : index
        %get3A_417 = tpu.vector_load %arg11[%get3A_416] {strides = array<i32>} : memref<128xi32, #tpu.memory_space<vmem>>, vector<16xi32>,
        %get3A_418 = vector.shape_cast %get3A_417 : vector<16xi32> to vector<16xi32>
        %min3A_419 = arith.constant 319999 : i32
        %min3A_420 = vector.broadcast %min3A_419 : i32 to vector<16xi32>
        %min3A_421 = arith.minsi %get3A_418, %min3A_420 : vector<16xi32>
        %swap3A_422 = arith.constant 112 : index
        %swap3A_423 = tpu.vector_load %arg12[%swap3A_422] {strides = array<i32>} : memref<128xi32, #tpu.memory_space<vmem>>, vector<16xi32>,
        %swap3A_424 = vector.shape_cast %swap3A_423 : vector<16xi32> to vector<16xi32>
        %swap3A_425 = vector.shape_cast %min3A_421 : vector<16xi32> to vector<16xi32>
        tpu.vector_store %arg12[%swap3A_422], %swap3A_425 {strides = array<i32>} : memref<128xi32, #tpu.memory_space<vmem>>, vector<16xi32>,
        %dma_start3A_426 = arith.constant 0 : i32
        %dma_start3A_427 = arith.constant 0 : i32
        %dma_start3A_428 = tpu.memref_slice %arg2[%dma_start3A_426, %dma_start3A_427] : memref<320000x128xf32, #tpu.memory_space<hbm>> -> memref<320000x128xf32, #tpu.memory_space<hbm>>
        tpu.enqueue_indirect_dma source(%dma_start3A_428 : memref<320000x128xf32, #tpu.memory_space<hbm>>) target(%arg19 : memref<128x128xf32, #tpu.memory_space<vmem>>) offsets(%arg12 : memref<128xi32, #tpu.memory_space<vmem>>) semaphore(%arg22 : memref<!tpu.dma_semaphore, #tpu.memory_space<semaphore_mem>>)
      } else {
      }
      %sub3A_105 = arith.constant 0 : i32
      %sub3A_106 = arith.subi %select_n3A_102, %sub3A_105 : i32
      %sub3A_107 = arith.constant 1 : i32
      %sub3A_108 = arith.constant 1 : i32
      %sub3A_109 = arith.subi %sub3A_107, %sub3A_108 : i32
      %add3A_110 = arith.addi %sub3A_106, %sub3A_109 : i32
      %div3A_111 = arith.constant 1 : i32
      %div3A_112 = arith.divsi %add3A_110, %div3A_111 : i32
      %while3A = arith.constant 1 : i32
      %while3A_113 = arith.constant 0 : i32
      %while3A_114 = arith.constant 0 : i32
      %while3A_115 = arith.subi %div3A_112, %while3A_114 : i32
      %while3A_116 = arith.addi %while3A_114, %while3A_115 : i32
      %while3A_117 = arith.constant 1 : i32
      %while3A_118 = arith.divsi %while3A_115, %while3A_117 : i32
      %while3A_119 = arith.muli %while3A_118, %while3A_117 : i32
      %while3A_120 = arith.addi %while3A_114, %while3A_119 : i32
      %while3A_121 = arith.constant 1 : i32
      scf.for %while3A_126 = %while3A_114 to %while3A_120 step %while3A_121  : i32 {
        %mul3A_127 = arith.muli %while3A_126, %while3A : i32
        %add3A_128 = arith.addi %while3A_113, %mul3A_127 : i32
        %add3A_129 = arith.constant 1 : i32
        %add3A_130 = arith.addi %add3A_128, %add3A_129 : i32
        %lt3A = arith.cmpi slt, %add3A_130, %select_n3A_102 : i32
        %jit3A_131 = arith.constant 2 : i32
        %eq3A = arith.constant 0 : i32
        %eq3A_132 = arith.cmpi eq, %jit3A_131, %eq3A : i32
        %jit3A_133 = arith.constant 1 : i32
        %select_n3A_134 = arith.select %eq3A_132, %jit3A_133, %jit3A_131 : i32
        %rem3A_135 = arith.remsi %add3A_130, %select_n3A_134 : i32
        %ne3A_136 = arith.constant 0 : i32
        %ne3A_137 = arith.cmpi ne, %rem3A_135, %ne3A_136 : i32
        %lt3A_138 = arith.constant 0 : i32
        %lt3A_139 = arith.cmpi slt, %rem3A_135, %lt3A_138 : i32
        %lt3A_140 = arith.constant 0 : i32
        %lt3A_141 = arith.cmpi slt, %select_n3A_134, %lt3A_140 : i32
        %ne3A_142 = arith.xori %lt3A_139, %lt3A_141 : i1
        %and3A_143 = arith.andi %ne3A_142, %ne3A_137 : i1
        %add3A_144 = arith.addi %rem3A_135, %select_n3A_134 : i32
        %select_n3A_145 = arith.select %and3A_143, %add3A_144, %rem3A_135 : i32
        %eq3A_146 = arith.constant 1 : i32
        %eq3A_147 = arith.cmpi eq, %select_n3A_145, %eq3A_146 : i32
        %and3A_148 = arith.andi %lt3A, %eq3A_147 : i1
        %convert_element_type3A_149 = arith.extui %and3A_148 : i1 to i32
        %cond3A_150 = arith.constant 0 : i32
        %cond3A_151 = arith.cmpi ne, %convert_element_type3A_149, %cond3A_150 : i32
        scf.if %cond3A_151 {
          %mul3A_217 = arith.constant 128 : i32
          %mul3A_218 = arith.muli %add3A_130, %mul3A_217 : i32
          %add3A_219 = arith.addi %add3A_43, %mul3A_218 : i32
          %multiple_of3A = tpu.assume_multiple %add3A_219, 8 : i32
          %dma_start3A = tpu.memref_slice %arg3[%multiple_of3A] : memref<320144xi32, #tpu.memory_space<hbm>> -> memref<128xi32, #tpu.memory_space<hbm>>
          %dma_start3A_220 = tpu.memref_slice %arg3[%multiple_of3A] : memref<320144xi32, #tpu.memory_space<hbm>> -> memref<128xi32, #tpu.memory_space<hbm>>
          tpu.enqueue_dma source(%dma_start3A_220 : memref<128xi32, #tpu.memory_space<hbm>>) target(%arg15 : memref<128xi32, #tpu.memory_space<vmem>>) target_semaphore(%arg24 : memref<!tpu.dma_semaphore, #tpu.memory_space<semaphore_mem>>)
          %dma_start3A_221 = tpu.memref_slice %arg4[%multiple_of3A] : memref<320144xi32, #tpu.memory_space<hbm>> -> memref<128xi32, #tpu.memory_space<hbm>>
          %dma_start3A_222 = tpu.memref_slice %arg4[%multiple_of3A] : memref<320144xi32, #tpu.memory_space<hbm>> -> memref<128xi32, #tpu.memory_space<hbm>>
          tpu.enqueue_dma source(%dma_start3A_222 : memref<128xi32, #tpu.memory_space<hbm>>) target(%arg17 : memref<128xi32, #tpu.memory_space<vmem>>) target_semaphore(%arg25 : memref<!tpu.dma_semaphore, #tpu.memory_space<semaphore_mem>>)
          %dma_wait3A = tpu.memref_slice %arg3[%multiple_of3A] : memref<320144xi32, #tpu.memory_space<hbm>> -> memref<128xi32, #tpu.memory_space<hbm>>
          %dma_wait3A_223 = tpu.memref_slice %arg3[%multiple_of3A] : memref<320144xi32, #tpu.memory_space<hbm>> -> memref<128xi32, #tpu.memory_space<hbm>>
          tpu.wait_dma2 semaphore(%arg24 : memref<!tpu.dma_semaphore, #tpu.memory_space<semaphore_mem>>) src(%dma_wait3A_223 : memref<128xi32, #tpu.memory_space<hbm>>) dst(%arg15 : memref<128xi32, #tpu.memory_space<vmem>>)
          %dma_wait3A_224 = tpu.memref_slice %arg4[%multiple_of3A] : memref<320144xi32, #tpu.memory_space<hbm>> -> memref<128xi32, #tpu.memory_space<hbm>>
          %dma_wait3A_225 = tpu.memref_slice %arg4[%multiple_of3A] : memref<320144xi32, #tpu.memory_space<hbm>> -> memref<128xi32, #tpu.memory_space<hbm>>
          tpu.wait_dma2 semaphore(%arg25 : memref<!tpu.dma_semaphore, #tpu.memory_space<semaphore_mem>>) src(%dma_wait3A_225 : memref<128xi32, #tpu.memory_space<hbm>>) dst(%arg17 : memref<128xi32, #tpu.memory_space<vmem>>)
          %add3A_226 = arith.constant 0 : i32
          %add3A_227 = arith.addi %multiple_of3A, %add3A_226 : i32
          %add3A_228 = vector.broadcast %add3A_227 : i32 to vector<16xi32>
          %add3A_229 = arith.addi %add3A_228, %iota3A : vector<16xi32>
          %get3A_230 = arith.constant 0 : index
          %get3A_231 = tpu.vector_load %arg17[%get3A_230] {strides = array<i32>} : memref<128xi32, #tpu.memory_space<vmem>>, vector<16xi32>,
          %get3A_232 = vector.shape_cast %get3A_231 : vector<16xi32> to vector<16xi32>
          %sub3A_233 = vector.broadcast %mul3A_22 : i32 to vector<16xi32>
          %sub3A_234 = arith.subi %get3A_232, %sub3A_233 : vector<16xi32>
          %lt3A_235 = vector.broadcast %add3A_73 : i32 to vector<16xi32>
          %lt3A_236 = arith.cmpi slt, %add3A_229, %lt3A_235 : vector<16xi32>
          %ge3A = arith.constant 0 : i32
          %ge3A_237 = vector.broadcast %ge3A : i32 to vector<16xi32>
          %ge3A_238 = arith.cmpi sge, %sub3A_234, %ge3A_237 : vector<16xi32>
          %and3A_239 = arith.andi %lt3A_236, %ge3A_238 : vector<16xi1>
          %lt3A_240 = arith.constant 6144 : i32
          %lt3A_241 = vector.broadcast %lt3A_240 : i32 to vector<16xi32>
          %lt3A_242 = arith.cmpi slt, %sub3A_234, %lt3A_241 : vector<16xi32>
          %and3A_243 = arith.andi %and3A_239, %lt3A_242 : vector<16xi1>
          %add3A_244 = arith.constant 6144 : i32
          %add3A_245 = vector.broadcast %add3A_244 : i32 to vector<16xi32>
          %add3A_246 = arith.addi %add3A_245, %iota3A : vector<16xi32>
          %select_n3A_247 = arith.select %and3A_243, %sub3A_234, %add3A_246 : vector<16xi1>, vector<16xi32>
          %swap3A = arith.constant 0 : index
          %swap3A_248 = tpu.vector_load %arg18[%swap3A] {strides = array<i32>} : memref<128xi32, #tpu.memory_space<vmem>>, vector<16xi32>,
          %swap3A_249 = vector.shape_cast %swap3A_248 : vector<16xi32> to vector<16xi32>
          %swap3A_250 = vector.shape_cast %select_n3A_247 : vector<16xi32> to vector<16xi32>
          tpu.vector_store %arg18[%swap3A], %swap3A_250 {strides = array<i32>} : memref<128xi32, #tpu.memory_space<vmem>>, vector<16xi32>,
          %get3A_251 = arith.constant 0 : index
          %get3A_252 = tpu.vector_load %arg15[%get3A_251] {strides = array<i32>} : memref<128xi32, #tpu.memory_space<vmem>>, vector<16xi32>,
          %get3A_253 = vector.shape_cast %get3A_252 : vector<16xi32> to vector<16xi32>
          %min3A = arith.constant 319999 : i32
          %min3A_254 = vector.broadcast %min3A : i32 to vector<16xi32>
          %min3A_255 = arith.minsi %get3A_253, %min3A_254 : vector<16xi32>
          %swap3A_256 = arith.constant 0 : index
          %swap3A_257 = tpu.vector_load %arg16[%swap3A_256] {strides = array<i32>} : memref<128xi32, #tpu.memory_space<vmem>>, vector<16xi32>,
          %swap3A_258 = vector.shape_cast %swap3A_257 : vector<16xi32> to vector<16xi32>
          %swap3A_259 = vector.shape_cast %min3A_255 : vector<16xi32> to vector<16xi32>
          tpu.vector_store %arg16[%swap3A_256], %swap3A_259 {strides = array<i32>} : memref<128xi32, #tpu.memory_space<vmem>>, vector<16xi32>,
          %add3A_260 = arith.constant 16 : i32
          %add3A_261 = arith.addi %multiple_of3A, %add3A_260 : i32
          %add3A_262 = vector.broadcast %add3A_261 : i32 to vector<16xi32>
          %add3A_263 = arith.addi %add3A_262, %iota3A : vector<16xi32>
          %get3A_264 = arith.constant 16 : index
          %get3A_265 = tpu.vector_load %arg17[%get3A_264] {strides = array<i32>} : memref<128xi32, #tpu.memory_space<vmem>>, vector<16xi32>,
          %get3A_266 = vector.shape_cast %get3A_265 : vector<16xi32> to vector<16xi32>
          %sub3A_267 = vector.broadcast %mul3A_22 : i32 to vector<16xi32>
          %sub3A_268 = arith.subi %get3A_266, %sub3A_267 : vector<16xi32>
          %lt3A_269 = vector.broadcast %add3A_73 : i32 to vector<16xi32>
          %lt3A_270 = arith.cmpi slt, %add3A_263, %lt3A_269 : vector<16xi32>
          %ge3A_271 = arith.constant 0 : i32
          %ge3A_272 = vector.broadcast %ge3A_271 : i32 to vector<16xi32>
          %ge3A_273 = arith.cmpi sge, %sub3A_268, %ge3A_272 : vector<16xi32>
          %and3A_274 = arith.andi %lt3A_270, %ge3A_273 : vector<16xi1>
          %lt3A_275 = arith.constant 6144 : i32
          %lt3A_276 = vector.broadcast %lt3A_275 : i32 to vector<16xi32>
          %lt3A_277 = arith.cmpi slt, %sub3A_268, %lt3A_276 : vector<16xi32>
          %and3A_278 = arith.andi %and3A_274, %lt3A_277 : vector<16xi1>
          %add3A_279 = arith.constant 6144 : i32
          %add3A_280 = vector.broadcast %add3A_279 : i32 to vector<16xi32>
          %add3A_281 = arith.addi %add3A_280, %iota3A : vector<16xi32>
          %select_n3A_282 = arith.select %and3A_278, %sub3A_268, %add3A_281 : vector<16xi1>, vector<16xi32>
          %swap3A_283 = arith.constant 16 : index
          %swap3A_284 = tpu.vector_load %arg18[%swap3A_283] {strides = array<i32>} : memref<128xi32, #tpu.memory_space<vmem>>, vector<16xi32>,
          %swap3A_285 = vector.shape_cast %swap3A_284 : vector<16xi32> to vector<16xi32>
          %swap3A_286 = vector.shape_cast %select_n3A_282 : vector<16xi32> to vector<16xi32>
          tpu.vector_store %arg18[%swap3A_283], %swap3A_286 {strides = array<i32>} : memref<128xi32, #tpu.memory_space<vmem>>, vector<16xi32>,
          %get3A_287 = arith.constant 16 : index
          %get3A_288 = tpu.vector_load %arg15[%get3A_287] {strides = array<i32>} : memref<128xi32, #tpu.memory_space<vmem>>, vector<16xi32>,
          %get3A_289 = vector.shape_cast %get3A_288 : vector<16xi32> to vector<16xi32>
          %min3A_290 = arith.constant 319999 : i32
          %min3A_291 = vector.broadcast %min3A_290 : i32 to vector<16xi32>
          %min3A_292 = arith.minsi %get3A_289, %min3A_291 : vector<16xi32>
          %swap3A_293 = arith.constant 16 : index
          %swap3A_294 = tpu.vector_load %arg16[%swap3A_293] {strides = array<i32>} : memref<128xi32, #tpu.memory_space<vmem>>, vector<16xi32>,
          %swap3A_295 = vector.shape_cast %swap3A_294 : vector<16xi32> to vector<16xi32>
          %swap3A_296 = vector.shape_cast %min3A_292 : vector<16xi32> to vector<16xi32>
          tpu.vector_store %arg16[%swap3A_293], %swap3A_296 {strides = array<i32>} : memref<128xi32, #tpu.memory_space<vmem>>, vector<16xi32>,
          %add3A_297 = arith.constant 32 : i32
          %add3A_298 = arith.addi %multiple_of3A, %add3A_297 : i32
          %add3A_299 = vector.broadcast %add3A_298 : i32 to vector<16xi32>
          %add3A_300 = arith.addi %add3A_299, %iota3A : vector<16xi32>
          %get3A_301 = arith.constant 32 : index
          %get3A_302 = tpu.vector_load %arg17[%get3A_301] {strides = array<i32>} : memref<128xi32, #tpu.memory_space<vmem>>, vector<16xi32>,
          %get3A_303 = vector.shape_cast %get3A_302 : vector<16xi32> to vector<16xi32>
          %sub3A_304 = vector.broadcast %mul3A_22 : i32 to vector<16xi32>
          %sub3A_305 = arith.subi %get3A_303, %sub3A_304 : vector<16xi32>
          %lt3A_306 = vector.broadcast %add3A_73 : i32 to vector<16xi32>
          %lt3A_307 = arith.cmpi slt, %add3A_300, %lt3A_306 : vector<16xi32>
          %ge3A_308 = arith.constant 0 : i32
          %ge3A_309 = vector.broadcast %ge3A_308 : i32 to vector<16xi32>
          %ge3A_310 = arith.cmpi sge, %sub3A_305, %ge3A_309 : vector<16xi32>
          %and3A_311 = arith.andi %lt3A_307, %ge3A_310 : vector<16xi1>
          %lt3A_312 = arith.constant 6144 : i32
          %lt3A_313 = vector.broadcast %lt3A_312 : i32 to vector<16xi32>
          %lt3A_314 = arith.cmpi slt, %sub3A_305, %lt3A_313 : vector<16xi32>
          %and3A_315 = arith.andi %and3A_311, %lt3A_314 : vector<16xi1>
          %add3A_316 = arith.constant 6144 : i32
          %add3A_317 = vector.broadcast %add3A_316 : i32 to vector<16xi32>
          %add3A_318 = arith.addi %add3A_317, %iota3A : vector<16xi32>
          %select_n3A_319 = arith.select %and3A_315, %sub3A_305, %add3A_318 : vector<16xi1>, vector<16xi32>
          %swap3A_320 = arith.constant 32 : index
          %swap3A_321 = tpu.vector_load %arg18[%swap3A_320] {strides = array<i32>} : memref<128xi32, #tpu.memory_space<vmem>>, vector<16xi32>,
          %swap3A_322 = vector.shape_cast %swap3A_321 : vector<16xi32> to vector<16xi32>
          %swap3A_323 = vector.shape_cast %select_n3A_319 : vector<16xi32> to vector<16xi32>
          tpu.vector_store %arg18[%swap3A_320], %swap3A_323 {strides = array<i32>} : memref<128xi32, #tpu.memory_space<vmem>>, vector<16xi32>,
          %get3A_324 = arith.constant 32 : index
          %get3A_325 = tpu.vector_load %arg15[%get3A_324] {strides = array<i32>} : memref<128xi32, #tpu.memory_space<vmem>>, vector<16xi32>,
          %get3A_326 = vector.shape_cast %get3A_325 : vector<16xi32> to vector<16xi32>
          %min3A_327 = arith.constant 319999 : i32
          %min3A_328 = vector.broadcast %min3A_327 : i32 to vector<16xi32>
          %min3A_329 = arith.minsi %get3A_326, %min3A_328 : vector<16xi32>
          %swap3A_330 = arith.constant 32 : index
          %swap3A_331 = tpu.vector_load %arg16[%swap3A_330] {strides = array<i32>} : memref<128xi32, #tpu.memory_space<vmem>>, vector<16xi32>,
          %swap3A_332 = vector.shape_cast %swap3A_331 : vector<16xi32> to vector<16xi32>
          %swap3A_333 = vector.shape_cast %min3A_329 : vector<16xi32> to vector<16xi32>
          tpu.vector_store %arg16[%swap3A_330], %swap3A_333 {strides = array<i32>} : memref<128xi32, #tpu.memory_space<vmem>>, vector<16xi32>,
          %add3A_334 = arith.constant 48 : i32
          %add3A_335 = arith.addi %multiple_of3A, %add3A_334 : i32
          %add3A_336 = vector.broadcast %add3A_335 : i32 to vector<16xi32>
          %add3A_337 = arith.addi %add3A_336, %iota3A : vector<16xi32>
          %get3A_338 = arith.constant 48 : index
          %get3A_339 = tpu.vector_load %arg17[%get3A_338] {strides = array<i32>} : memref<128xi32, #tpu.memory_space<vmem>>, vector<16xi32>,
          %get3A_340 = vector.shape_cast %get3A_339 : vector<16xi32> to vector<16xi32>
          %sub3A_341 = vector.broadcast %mul3A_22 : i32 to vector<16xi32>
          %sub3A_342 = arith.subi %get3A_340, %sub3A_341 : vector<16xi32>
          %lt3A_343 = vector.broadcast %add3A_73 : i32 to vector<16xi32>
          %lt3A_344 = arith.cmpi slt, %add3A_337, %lt3A_343 : vector<16xi32>
          %ge3A_345 = arith.constant 0 : i32
          %ge3A_346 = vector.broadcast %ge3A_345 : i32 to vector<16xi32>
          %ge3A_347 = arith.cmpi sge, %sub3A_342, %ge3A_346 : vector<16xi32>
          %and3A_348 = arith.andi %lt3A_344, %ge3A_347 : vector<16xi1>
          %lt3A_349 = arith.constant 6144 : i32
          %lt3A_350 = vector.broadcast %lt3A_349 : i32 to vector<16xi32>
          %lt3A_351 = arith.cmpi slt, %sub3A_342, %lt3A_350 : vector<16xi32>
          %and3A_352 = arith.andi %and3A_348, %lt3A_351 : vector<16xi1>
          %add3A_353 = arith.constant 6144 : i32
          %add3A_354 = vector.broadcast %add3A_353 : i32 to vector<16xi32>
          %add3A_355 = arith.addi %add3A_354, %iota3A : vector<16xi32>
          %select_n3A_356 = arith.select %and3A_352, %sub3A_342, %add3A_355 : vector<16xi1>, vector<16xi32>
          %swap3A_357 = arith.constant 48 : index
          %swap3A_358 = tpu.vector_load %arg18[%swap3A_357] {strides = array<i32>} : memref<128xi32, #tpu.memory_space<vmem>>, vector<16xi32>,
          %swap3A_359 = vector.shape_cast %swap3A_358 : vector<16xi32> to vector<16xi32>
          %swap3A_360 = vector.shape_cast %select_n3A_356 : vector<16xi32> to vector<16xi32>
          tpu.vector_store %arg18[%swap3A_357], %swap3A_360 {strides = array<i32>} : memref<128xi32, #tpu.memory_space<vmem>>, vector<16xi32>,
          %get3A_361 = arith.constant 48 : index
          %get3A_362 = tpu.vector_load %arg15[%get3A_361] {strides = array<i32>} : memref<128xi32, #tpu.memory_space<vmem>>, vector<16xi32>,
          %get3A_363 = vector.shape_cast %get3A_362 : vector<16xi32> to vector<16xi32>
          %min3A_364 = arith.constant 319999 : i32
          %min3A_365 = vector.broadcast %min3A_364 : i32 to vector<16xi32>
          %min3A_366 = arith.minsi %get3A_363, %min3A_365 : vector<16xi32>
          %swap3A_367 = arith.constant 48 : index
          %swap3A_368 = tpu.vector_load %arg16[%swap3A_367] {strides = array<i32>} : memref<128xi32, #tpu.memory_space<vmem>>, vector<16xi32>,
          %swap3A_369 = vector.shape_cast %swap3A_368 : vector<16xi32> to vector<16xi32>
          %swap3A_370 = vector.shape_cast %min3A_366 : vector<16xi32> to vector<16xi32>
          tpu.vector_store %arg16[%swap3A_367], %swap3A_370 {strides = array<i32>} : memref<128xi32, #tpu.memory_space<vmem>>, vector<16xi32>,
          %add3A_371 = arith.constant 64 : i32
          %add3A_372 = arith.addi %multiple_of3A, %add3A_371 : i32
          %add3A_373 = vector.broadcast %add3A_372 : i32 to vector<16xi32>
          %add3A_374 = arith.addi %add3A_373, %iota3A : vector<16xi32>
          %get3A_375 = arith.constant 64 : index
          %get3A_376 = tpu.vector_load %arg17[%get3A_375] {strides = array<i32>} : memref<128xi32, #tpu.memory_space<vmem>>, vector<16xi32>,
          %get3A_377 = vector.shape_cast %get3A_376 : vector<16xi32> to vector<16xi32>
          %sub3A_378 = vector.broadcast %mul3A_22 : i32 to vector<16xi32>
          %sub3A_379 = arith.subi %get3A_377, %sub3A_378 : vector<16xi32>
          %lt3A_380 = vector.broadcast %add3A_73 : i32 to vector<16xi32>
          %lt3A_381 = arith.cmpi slt, %add3A_374, %lt3A_380 : vector<16xi32>
          %ge3A_382 = arith.constant 0 : i32
          %ge3A_383 = vector.broadcast %ge3A_382 : i32 to vector<16xi32>
          %ge3A_384 = arith.cmpi sge, %sub3A_379, %ge3A_383 : vector<16xi32>
          %and3A_385 = arith.andi %lt3A_381, %ge3A_384 : vector<16xi1>
          %lt3A_386 = arith.constant 6144 : i32
          %lt3A_387 = vector.broadcast %lt3A_386 : i32 to vector<16xi32>
          %lt3A_388 = arith.cmpi slt, %sub3A_379, %lt3A_387 : vector<16xi32>
          %and3A_389 = arith.andi %and3A_385, %lt3A_388 : vector<16xi1>
          %add3A_390 = arith.constant 6144 : i32
          %add3A_391 = vector.broadcast %add3A_390 : i32 to vector<16xi32>
          %add3A_392 = arith.addi %add3A_391, %iota3A : vector<16xi32>
          %select_n3A_393 = arith.select %and3A_389, %sub3A_379, %add3A_392 : vector<16xi1>, vector<16xi32>
          %swap3A_394 = arith.constant 64 : index
          %swap3A_395 = tpu.vector_load %arg18[%swap3A_394] {strides = array<i32>} : memref<128xi32, #tpu.memory_space<vmem>>, vector<16xi32>,
          %swap3A_396 = vector.shape_cast %swap3A_395 : vector<16xi32> to vector<16xi32>
          %swap3A_397 = vector.shape_cast %select_n3A_393 : vector<16xi32> to vector<16xi32>
          tpu.vector_store %arg18[%swap3A_394], %swap3A_397 {strides = array<i32>} : memref<128xi32, #tpu.memory_space<vmem>>, vector<16xi32>,
          %get3A_398 = arith.constant 64 : index
          %get3A_399 = tpu.vector_load %arg15[%get3A_398] {strides = array<i32>} : memref<128xi32, #tpu.memory_space<vmem>>, vector<16xi32>,
          %get3A_400 = vector.shape_cast %get3A_399 : vector<16xi32> to vector<16xi32>
          %min3A_401 = arith.constant 319999 : i32
          %min3A_402 = vector.broadcast %min3A_401 : i32 to vector<16xi32>
          %min3A_403 = arith.minsi %get3A_400, %min3A_402 : vector<16xi32>
          %swap3A_404 = arith.constant 64 : index
          %swap3A_405 = tpu.vector_load %arg16[%swap3A_404] {strides = array<i32>} : memref<128xi32, #tpu.memory_space<vmem>>, vector<16xi32>,
          %swap3A_406 = vector.shape_cast %swap3A_405 : vector<16xi32> to vector<16xi32>
          %swap3A_407 = vector.shape_cast %min3A_403 : vector<16xi32> to vector<16xi32>
          tpu.vector_store %arg16[%swap3A_404], %swap3A_407 {strides = array<i32>} : memref<128xi32, #tpu.memory_space<vmem>>, vector<16xi32>,
          %add3A_408 = arith.constant 80 : i32
          %add3A_409 = arith.addi %multiple_of3A, %add3A_408 : i32
          %add3A_410 = vector.broadcast %add3A_409 : i32 to vector<16xi32>
          %add3A_411 = arith.addi %add3A_410, %iota3A : vector<16xi32>
          %get3A_412 = arith.constant 80 : index
          %get3A_413 = tpu.vector_load %arg17[%get3A_412] {strides = array<i32>} : memref<128xi32, #tpu.memory_space<vmem>>, vector<16xi32>,
          %get3A_414 = vector.shape_cast %get3A_413 : vector<16xi32> to vector<16xi32>
          %sub3A_415 = vector.broadcast %mul3A_22 : i32 to vector<16xi32>
          %sub3A_416 = arith.subi %get3A_414, %sub3A_415 : vector<16xi32>
          %lt3A_417 = vector.broadcast %add3A_73 : i32 to vector<16xi32>
          %lt3A_418 = arith.cmpi slt, %add3A_411, %lt3A_417 : vector<16xi32>
          %ge3A_419 = arith.constant 0 : i32
          %ge3A_420 = vector.broadcast %ge3A_419 : i32 to vector<16xi32>
          %ge3A_421 = arith.cmpi sge, %sub3A_416, %ge3A_420 : vector<16xi32>
          %and3A_422 = arith.andi %lt3A_418, %ge3A_421 : vector<16xi1>
          %lt3A_423 = arith.constant 6144 : i32
          %lt3A_424 = vector.broadcast %lt3A_423 : i32 to vector<16xi32>
          %lt3A_425 = arith.cmpi slt, %sub3A_416, %lt3A_424 : vector<16xi32>
          %and3A_426 = arith.andi %and3A_422, %lt3A_425 : vector<16xi1>
          %add3A_427 = arith.constant 6144 : i32
          %add3A_428 = vector.broadcast %add3A_427 : i32 to vector<16xi32>
          %add3A_429 = arith.addi %add3A_428, %iota3A : vector<16xi32>
          %select_n3A_430 = arith.select %and3A_426, %sub3A_416, %add3A_429 : vector<16xi1>, vector<16xi32>
          %swap3A_431 = arith.constant 80 : index
          %swap3A_432 = tpu.vector_load %arg18[%swap3A_431] {strides = array<i32>} : memref<128xi32, #tpu.memory_space<vmem>>, vector<16xi32>,
          %swap3A_433 = vector.shape_cast %swap3A_432 : vector<16xi32> to vector<16xi32>
          %swap3A_434 = vector.shape_cast %select_n3A_430 : vector<16xi32> to vector<16xi32>
          tpu.vector_store %arg18[%swap3A_431], %swap3A_434 {strides = array<i32>} : memref<128xi32, #tpu.memory_space<vmem>>, vector<16xi32>,
          %get3A_435 = arith.constant 80 : index
          %get3A_436 = tpu.vector_load %arg15[%get3A_435] {strides = array<i32>} : memref<128xi32, #tpu.memory_space<vmem>>, vector<16xi32>,
          %get3A_437 = vector.shape_cast %get3A_436 : vector<16xi32> to vector<16xi32>
          %min3A_438 = arith.constant 319999 : i32
          %min3A_439 = vector.broadcast %min3A_438 : i32 to vector<16xi32>
          %min3A_440 = arith.minsi %get3A_437, %min3A_439 : vector<16xi32>
          %swap3A_441 = arith.constant 80 : index
          %swap3A_442 = tpu.vector_load %arg16[%swap3A_441] {strides = array<i32>} : memref<128xi32, #tpu.memory_space<vmem>>, vector<16xi32>,
          %swap3A_443 = vector.shape_cast %swap3A_442 : vector<16xi32> to vector<16xi32>
          %swap3A_444 = vector.shape_cast %min3A_440 : vector<16xi32> to vector<16xi32>
          tpu.vector_store %arg16[%swap3A_441], %swap3A_444 {strides = array<i32>} : memref<128xi32, #tpu.memory_space<vmem>>, vector<16xi32>,
          %add3A_445 = arith.constant 96 : i32
          %add3A_446 = arith.addi %multiple_of3A, %add3A_445 : i32
          %add3A_447 = vector.broadcast %add3A_446 : i32 to vector<16xi32>
          %add3A_448 = arith.addi %add3A_447, %iota3A : vector<16xi32>
          %get3A_449 = arith.constant 96 : index
          %get3A_450 = tpu.vector_load %arg17[%get3A_449] {strides = array<i32>} : memref<128xi32, #tpu.memory_space<vmem>>, vector<16xi32>,
          %get3A_451 = vector.shape_cast %get3A_450 : vector<16xi32> to vector<16xi32>
          %sub3A_452 = vector.broadcast %mul3A_22 : i32 to vector<16xi32>
          %sub3A_453 = arith.subi %get3A_451, %sub3A_452 : vector<16xi32>
          %lt3A_454 = vector.broadcast %add3A_73 : i32 to vector<16xi32>
          %lt3A_455 = arith.cmpi slt, %add3A_448, %lt3A_454 : vector<16xi32>
          %ge3A_456 = arith.constant 0 : i32
          %ge3A_457 = vector.broadcast %ge3A_456 : i32 to vector<16xi32>
          %ge3A_458 = arith.cmpi sge, %sub3A_453, %ge3A_457 : vector<16xi32>
          %and3A_459 = arith.andi %lt3A_455, %ge3A_458 : vector<16xi1>
          %lt3A_460 = arith.constant 6144 : i32
          %lt3A_461 = vector.broadcast %lt3A_460 : i32 to vector<16xi32>
          %lt3A_462 = arith.cmpi slt, %sub3A_453, %lt3A_461 : vector<16xi32>
          %and3A_463 = arith.andi %and3A_459, %lt3A_462 : vector<16xi1>
          %add3A_464 = arith.constant 6144 : i32
          %add3A_465 = vector.broadcast %add3A_464 : i32 to vector<16xi32>
          %add3A_466 = arith.addi %add3A_465, %iota3A : vector<16xi32>
          %select_n3A_467 = arith.select %and3A_463, %sub3A_453, %add3A_466 : vector<16xi1>, vector<16xi32>
          %swap3A_468 = arith.constant 96 : index
          %swap3A_469 = tpu.vector_load %arg18[%swap3A_468] {strides = array<i32>} : memref<128xi32, #tpu.memory_space<vmem>>, vector<16xi32>,
          %swap3A_470 = vector.shape_cast %swap3A_469 : vector<16xi32> to vector<16xi32>
          %swap3A_471 = vector.shape_cast %select_n3A_467 : vector<16xi32> to vector<16xi32>
          tpu.vector_store %arg18[%swap3A_468], %swap3A_471 {strides = array<i32>} : memref<128xi32, #tpu.memory_space<vmem>>, vector<16xi32>,
          %get3A_472 = arith.constant 96 : index
          %get3A_473 = tpu.vector_load %arg15[%get3A_472] {strides = array<i32>} : memref<128xi32, #tpu.memory_space<vmem>>, vector<16xi32>,
          %get3A_474 = vector.shape_cast %get3A_473 : vector<16xi32> to vector<16xi32>
          %min3A_475 = arith.constant 319999 : i32
          %min3A_476 = vector.broadcast %min3A_475 : i32 to vector<16xi32>
          %min3A_477 = arith.minsi %get3A_474, %min3A_476 : vector<16xi32>
          %swap3A_478 = arith.constant 96 : index
          %swap3A_479 = tpu.vector_load %arg16[%swap3A_478] {strides = array<i32>} : memref<128xi32, #tpu.memory_space<vmem>>, vector<16xi32>,
          %swap3A_480 = vector.shape_cast %swap3A_479 : vector<16xi32> to vector<16xi32>
          %swap3A_481 = vector.shape_cast %min3A_477 : vector<16xi32> to vector<16xi32>
          tpu.vector_store %arg16[%swap3A_478], %swap3A_481 {strides = array<i32>} : memref<128xi32, #tpu.memory_space<vmem>>, vector<16xi32>,
          %add3A_482 = arith.constant 112 : i32
          %add3A_483 = arith.addi %multiple_of3A, %add3A_482 : i32
          %add3A_484 = vector.broadcast %add3A_483 : i32 to vector<16xi32>
          %add3A_485 = arith.addi %add3A_484, %iota3A : vector<16xi32>
          %get3A_486 = arith.constant 112 : index
          %get3A_487 = tpu.vector_load %arg17[%get3A_486] {strides = array<i32>} : memref<128xi32, #tpu.memory_space<vmem>>, vector<16xi32>,
          %get3A_488 = vector.shape_cast %get3A_487 : vector<16xi32> to vector<16xi32>
          %sub3A_489 = vector.broadcast %mul3A_22 : i32 to vector<16xi32>
          %sub3A_490 = arith.subi %get3A_488, %sub3A_489 : vector<16xi32>
          %lt3A_491 = vector.broadcast %add3A_73 : i32 to vector<16xi32>
          %lt3A_492 = arith.cmpi slt, %add3A_485, %lt3A_491 : vector<16xi32>
          %ge3A_493 = arith.constant 0 : i32
          %ge3A_494 = vector.broadcast %ge3A_493 : i32 to vector<16xi32>
          %ge3A_495 = arith.cmpi sge, %sub3A_490, %ge3A_494 : vector<16xi32>
          %and3A_496 = arith.andi %lt3A_492, %ge3A_495 : vector<16xi1>
          %lt3A_497 = arith.constant 6144 : i32
          %lt3A_498 = vector.broadcast %lt3A_497 : i32 to vector<16xi32>
          %lt3A_499 = arith.cmpi slt, %sub3A_490, %lt3A_498 : vector<16xi32>
          %and3A_500 = arith.andi %and3A_496, %lt3A_499 : vector<16xi1>
          %add3A_501 = arith.constant 6144 : i32
          %add3A_502 = vector.broadcast %add3A_501 : i32 to vector<16xi32>
          %add3A_503 = arith.addi %add3A_502, %iota3A : vector<16xi32>
          %select_n3A_504 = arith.select %and3A_500, %sub3A_490, %add3A_503 : vector<16xi1>, vector<16xi32>
          %swap3A_505 = arith.constant 112 : index
          %swap3A_506 = tpu.vector_load %arg18[%swap3A_505] {strides = array<i32>} : memref<128xi32, #tpu.memory_space<vmem>>, vector<16xi32>,
          %swap3A_507 = vector.shape_cast %swap3A_506 : vector<16xi32> to vector<16xi32>
          %swap3A_508 = vector.shape_cast %select_n3A_504 : vector<16xi32> to vector<16xi32>
          tpu.vector_store %arg18[%swap3A_505], %swap3A_508 {strides = array<i32>} : memref<128xi32, #tpu.memory_space<vmem>>, vector<16xi32>,
          %get3A_509 = arith.constant 112 : index
          %get3A_510 = tpu.vector_load %arg15[%get3A_509] {strides = array<i32>} : memref<128xi32, #tpu.memory_space<vmem>>, vector<16xi32>,
          %get3A_511 = vector.shape_cast %get3A_510 : vector<16xi32> to vector<16xi32>
          %min3A_512 = arith.constant 319999 : i32
          %min3A_513 = vector.broadcast %min3A_512 : i32 to vector<16xi32>
          %min3A_514 = arith.minsi %get3A_511, %min3A_513 : vector<16xi32>
          %swap3A_515 = arith.constant 112 : index
          %swap3A_516 = tpu.vector_load %arg16[%swap3A_515] {strides = array<i32>} : memref<128xi32, #tpu.memory_space<vmem>>, vector<16xi32>,
          %swap3A_517 = vector.shape_cast %swap3A_516 : vector<16xi32> to vector<16xi32>
          %swap3A_518 = vector.shape_cast %min3A_514 : vector<16xi32> to vector<16xi32>
          tpu.vector_store %arg16[%swap3A_515], %swap3A_518 {strides = array<i32>} : memref<128xi32, #tpu.memory_space<vmem>>, vector<16xi32>,
          %dma_start3A_519 = arith.constant 0 : i32
          %dma_start3A_520 = arith.constant 0 : i32
          %dma_start3A_521 = tpu.memref_slice %arg2[%dma_start3A_519, %dma_start3A_520] : memref<320000x128xf32, #tpu.memory_space<hbm>> -> memref<320000x128xf32, #tpu.memory_space<hbm>>
          tpu.enqueue_indirect_dma source(%dma_start3A_521 : memref<320000x128xf32, #tpu.memory_space<hbm>>) target(%arg20 : memref<128x128xf32, #tpu.memory_space<vmem>>) offsets(%arg16 : memref<128xi32, #tpu.memory_space<vmem>>) semaphore(%arg23 : memref<!tpu.dma_semaphore, #tpu.memory_space<semaphore_mem>>)
        } else {
        }
        %lt3A_152 = arith.cmpi slt, %add3A_130, %select_n3A_102 : i32
        %jit3A_153 = arith.constant 2 : i32
        %eq3A_154 = arith.constant 0 : i32
        %eq3A_155 = arith.cmpi eq, %jit3A_153, %eq3A_154 : i32
        %jit3A_156 = arith.constant 1 : i32
        %select_n3A_157 = arith.select %eq3A_155, %jit3A_156, %jit3A_153 : i32
        %rem3A_158 = arith.remsi %add3A_130, %select_n3A_157 : i32
        %ne3A_159 = arith.constant 0 : i32
        %ne3A_160 = arith.cmpi ne, %rem3A_158, %ne3A_159 : i32
        %lt3A_161 = arith.constant 0 : i32
        %lt3A_162 = arith.cmpi slt, %rem3A_158, %lt3A_161 : i32
        %lt3A_163 = arith.constant 0 : i32
        %lt3A_164 = arith.cmpi slt, %select_n3A_157, %lt3A_163 : i32
        %ne3A_165 = arith.xori %lt3A_162, %lt3A_164 : i1
        %and3A_166 = arith.andi %ne3A_165, %ne3A_160 : i1
        %add3A_167 = arith.addi %rem3A_158, %select_n3A_157 : i32
        %select_n3A_168 = arith.select %and3A_166, %add3A_167, %rem3A_158 : i32
        %eq3A_169 = arith.constant 0 : i32
        %eq3A_170 = arith.cmpi eq, %select_n3A_168, %eq3A_169 : i32
        %and3A_171 = arith.andi %lt3A_152, %eq3A_170 : i1
        %convert_element_type3A_172 = arith.extui %and3A_171 : i1 to i32
        %cond3A_173 = arith.constant 0 : i32
        %cond3A_174 = arith.cmpi ne, %convert_element_type3A_172, %cond3A_173 : i32
        scf.if %cond3A_174 {
          %mul3A_217 = arith.constant 128 : i32
          %mul3A_218 = arith.muli %add3A_130, %mul3A_217 : i32
          %add3A_219 = arith.addi %add3A_43, %mul3A_218 : i32
          %multiple_of3A = tpu.assume_multiple %add3A_219, 8 : i32
          %dma_start3A = tpu.memref_slice %arg3[%multiple_of3A] : memref<320144xi32, #tpu.memory_space<hbm>> -> memref<128xi32, #tpu.memory_space<hbm>>
          %dma_start3A_220 = tpu.memref_slice %arg3[%multiple_of3A] : memref<320144xi32, #tpu.memory_space<hbm>> -> memref<128xi32, #tpu.memory_space<hbm>>
          tpu.enqueue_dma source(%dma_start3A_220 : memref<128xi32, #tpu.memory_space<hbm>>) target(%arg11 : memref<128xi32, #tpu.memory_space<vmem>>) target_semaphore(%arg24 : memref<!tpu.dma_semaphore, #tpu.memory_space<semaphore_mem>>)
          %dma_start3A_221 = tpu.memref_slice %arg4[%multiple_of3A] : memref<320144xi32, #tpu.memory_space<hbm>> -> memref<128xi32, #tpu.memory_space<hbm>>
          %dma_start3A_222 = tpu.memref_slice %arg4[%multiple_of3A] : memref<320144xi32, #tpu.memory_space<hbm>> -> memref<128xi32, #tpu.memory_space<hbm>>
          tpu.enqueue_dma source(%dma_start3A_222 : memref<128xi32, #tpu.memory_space<hbm>>) target(%arg13 : memref<128xi32, #tpu.memory_space<vmem>>) target_semaphore(%arg25 : memref<!tpu.dma_semaphore, #tpu.memory_space<semaphore_mem>>)
          %dma_wait3A = tpu.memref_slice %arg3[%multiple_of3A] : memref<320144xi32, #tpu.memory_space<hbm>> -> memref<128xi32, #tpu.memory_space<hbm>>
          %dma_wait3A_223 = tpu.memref_slice %arg3[%multiple_of3A] : memref<320144xi32, #tpu.memory_space<hbm>> -> memref<128xi32, #tpu.memory_space<hbm>>
          tpu.wait_dma2 semaphore(%arg24 : memref<!tpu.dma_semaphore, #tpu.memory_space<semaphore_mem>>) src(%dma_wait3A_223 : memref<128xi32, #tpu.memory_space<hbm>>) dst(%arg11 : memref<128xi32, #tpu.memory_space<vmem>>)
          %dma_wait3A_224 = tpu.memref_slice %arg4[%multiple_of3A] : memref<320144xi32, #tpu.memory_space<hbm>> -> memref<128xi32, #tpu.memory_space<hbm>>
          %dma_wait3A_225 = tpu.memref_slice %arg4[%multiple_of3A] : memref<320144xi32, #tpu.memory_space<hbm>> -> memref<128xi32, #tpu.memory_space<hbm>>
          tpu.wait_dma2 semaphore(%arg25 : memref<!tpu.dma_semaphore, #tpu.memory_space<semaphore_mem>>) src(%dma_wait3A_225 : memref<128xi32, #tpu.memory_space<hbm>>) dst(%arg13 : memref<128xi32, #tpu.memory_space<vmem>>)
          %add3A_226 = arith.constant 0 : i32
          %add3A_227 = arith.addi %multiple_of3A, %add3A_226 : i32
          %add3A_228 = vector.broadcast %add3A_227 : i32 to vector<16xi32>
          %add3A_229 = arith.addi %add3A_228, %iota3A : vector<16xi32>
          %get3A_230 = arith.constant 0 : index
          %get3A_231 = tpu.vector_load %arg13[%get3A_230] {strides = array<i32>} : memref<128xi32, #tpu.memory_space<vmem>>, vector<16xi32>,
          %get3A_232 = vector.shape_cast %get3A_231 : vector<16xi32> to vector<16xi32>
          %sub3A_233 = vector.broadcast %mul3A_22 : i32 to vector<16xi32>
          %sub3A_234 = arith.subi %get3A_232, %sub3A_233 : vector<16xi32>
          %lt3A_235 = vector.broadcast %add3A_73 : i32 to vector<16xi32>
          %lt3A_236 = arith.cmpi slt, %add3A_229, %lt3A_235 : vector<16xi32>
          %ge3A = arith.constant 0 : i32
          %ge3A_237 = vector.broadcast %ge3A : i32 to vector<16xi32>
          %ge3A_238 = arith.cmpi sge, %sub3A_234, %ge3A_237 : vector<16xi32>
          %and3A_239 = arith.andi %lt3A_236, %ge3A_238 : vector<16xi1>
          %lt3A_240 = arith.constant 6144 : i32
          %lt3A_241 = vector.broadcast %lt3A_240 : i32 to vector<16xi32>
          %lt3A_242 = arith.cmpi slt, %sub3A_234, %lt3A_241 : vector<16xi32>
          %and3A_243 = arith.andi %and3A_239, %lt3A_242 : vector<16xi1>
          %add3A_244 = arith.constant 6144 : i32
          %add3A_245 = vector.broadcast %add3A_244 : i32 to vector<16xi32>
          %add3A_246 = arith.addi %add3A_245, %iota3A : vector<16xi32>
          %select_n3A_247 = arith.select %and3A_243, %sub3A_234, %add3A_246 : vector<16xi1>, vector<16xi32>
          %swap3A = arith.constant 0 : index
          %swap3A_248 = tpu.vector_load %arg14[%swap3A] {strides = array<i32>} : memref<128xi32, #tpu.memory_space<vmem>>, vector<16xi32>,
          %swap3A_249 = vector.shape_cast %swap3A_248 : vector<16xi32> to vector<16xi32>
          %swap3A_250 = vector.shape_cast %select_n3A_247 : vector<16xi32> to vector<16xi32>
          tpu.vector_store %arg14[%swap3A], %swap3A_250 {strides = array<i32>} : memref<128xi32, #tpu.memory_space<vmem>>, vector<16xi32>,
          %get3A_251 = arith.constant 0 : index
          %get3A_252 = tpu.vector_load %arg11[%get3A_251] {strides = array<i32>} : memref<128xi32, #tpu.memory_space<vmem>>, vector<16xi32>,
          %get3A_253 = vector.shape_cast %get3A_252 : vector<16xi32> to vector<16xi32>
          %min3A = arith.constant 319999 : i32
          %min3A_254 = vector.broadcast %min3A : i32 to vector<16xi32>
          %min3A_255 = arith.minsi %get3A_253, %min3A_254 : vector<16xi32>
          %swap3A_256 = arith.constant 0 : index
          %swap3A_257 = tpu.vector_load %arg12[%swap3A_256] {strides = array<i32>} : memref<128xi32, #tpu.memory_space<vmem>>, vector<16xi32>,
          %swap3A_258 = vector.shape_cast %swap3A_257 : vector<16xi32> to vector<16xi32>
          %swap3A_259 = vector.shape_cast %min3A_255 : vector<16xi32> to vector<16xi32>
          tpu.vector_store %arg12[%swap3A_256], %swap3A_259 {strides = array<i32>} : memref<128xi32, #tpu.memory_space<vmem>>, vector<16xi32>,
          %add3A_260 = arith.constant 16 : i32
          %add3A_261 = arith.addi %multiple_of3A, %add3A_260 : i32
          %add3A_262 = vector.broadcast %add3A_261 : i32 to vector<16xi32>
          %add3A_263 = arith.addi %add3A_262, %iota3A : vector<16xi32>
          %get3A_264 = arith.constant 16 : index
          %get3A_265 = tpu.vector_load %arg13[%get3A_264] {strides = array<i32>} : memref<128xi32, #tpu.memory_space<vmem>>, vector<16xi32>,
          %get3A_266 = vector.shape_cast %get3A_265 : vector<16xi32> to vector<16xi32>
          %sub3A_267 = vector.broadcast %mul3A_22 : i32 to vector<16xi32>
          %sub3A_268 = arith.subi %get3A_266, %sub3A_267 : vector<16xi32>
          %lt3A_269 = vector.broadcast %add3A_73 : i32 to vector<16xi32>
          %lt3A_270 = arith.cmpi slt, %add3A_263, %lt3A_269 : vector<16xi32>
          %ge3A_271 = arith.constant 0 : i32
          %ge3A_272 = vector.broadcast %ge3A_271 : i32 to vector<16xi32>
          %ge3A_273 = arith.cmpi sge, %sub3A_268, %ge3A_272 : vector<16xi32>
          %and3A_274 = arith.andi %lt3A_270, %ge3A_273 : vector<16xi1>
          %lt3A_275 = arith.constant 6144 : i32
          %lt3A_276 = vector.broadcast %lt3A_275 : i32 to vector<16xi32>
          %lt3A_277 = arith.cmpi slt, %sub3A_268, %lt3A_276 : vector<16xi32>
          %and3A_278 = arith.andi %and3A_274, %lt3A_277 : vector<16xi1>
          %add3A_279 = arith.constant 6144 : i32
          %add3A_280 = vector.broadcast %add3A_279 : i32 to vector<16xi32>
          %add3A_281 = arith.addi %add3A_280, %iota3A : vector<16xi32>
          %select_n3A_282 = arith.select %and3A_278, %sub3A_268, %add3A_281 : vector<16xi1>, vector<16xi32>
          %swap3A_283 = arith.constant 16 : index
          %swap3A_284 = tpu.vector_load %arg14[%swap3A_283] {strides = array<i32>} : memref<128xi32, #tpu.memory_space<vmem>>, vector<16xi32>,
          %swap3A_285 = vector.shape_cast %swap3A_284 : vector<16xi32> to vector<16xi32>
          %swap3A_286 = vector.shape_cast %select_n3A_282 : vector<16xi32> to vector<16xi32>
          tpu.vector_store %arg14[%swap3A_283], %swap3A_286 {strides = array<i32>} : memref<128xi32, #tpu.memory_space<vmem>>, vector<16xi32>,
          %get3A_287 = arith.constant 16 : index
          %get3A_288 = tpu.vector_load %arg11[%get3A_287] {strides = array<i32>} : memref<128xi32, #tpu.memory_space<vmem>>, vector<16xi32>,
          %get3A_289 = vector.shape_cast %get3A_288 : vector<16xi32> to vector<16xi32>
          %min3A_290 = arith.constant 319999 : i32
          %min3A_291 = vector.broadcast %min3A_290 : i32 to vector<16xi32>
          %min3A_292 = arith.minsi %get3A_289, %min3A_291 : vector<16xi32>
          %swap3A_293 = arith.constant 16 : index
          %swap3A_294 = tpu.vector_load %arg12[%swap3A_293] {strides = array<i32>} : memref<128xi32, #tpu.memory_space<vmem>>, vector<16xi32>,
          %swap3A_295 = vector.shape_cast %swap3A_294 : vector<16xi32> to vector<16xi32>
          %swap3A_296 = vector.shape_cast %min3A_292 : vector<16xi32> to vector<16xi32>
          tpu.vector_store %arg12[%swap3A_293], %swap3A_296 {strides = array<i32>} : memref<128xi32, #tpu.memory_space<vmem>>, vector<16xi32>,
          %add3A_297 = arith.constant 32 : i32
          %add3A_298 = arith.addi %multiple_of3A, %add3A_297 : i32
          %add3A_299 = vector.broadcast %add3A_298 : i32 to vector<16xi32>
          %add3A_300 = arith.addi %add3A_299, %iota3A : vector<16xi32>
          %get3A_301 = arith.constant 32 : index
          %get3A_302 = tpu.vector_load %arg13[%get3A_301] {strides = array<i32>} : memref<128xi32, #tpu.memory_space<vmem>>, vector<16xi32>,
          %get3A_303 = vector.shape_cast %get3A_302 : vector<16xi32> to vector<16xi32>
          %sub3A_304 = vector.broadcast %mul3A_22 : i32 to vector<16xi32>
          %sub3A_305 = arith.subi %get3A_303, %sub3A_304 : vector<16xi32>
          %lt3A_306 = vector.broadcast %add3A_73 : i32 to vector<16xi32>
          %lt3A_307 = arith.cmpi slt, %add3A_300, %lt3A_306 : vector<16xi32>
          %ge3A_308 = arith.constant 0 : i32
          %ge3A_309 = vector.broadcast %ge3A_308 : i32 to vector<16xi32>
          %ge3A_310 = arith.cmpi sge, %sub3A_305, %ge3A_309 : vector<16xi32>
          %and3A_311 = arith.andi %lt3A_307, %ge3A_310 : vector<16xi1>
          %lt3A_312 = arith.constant 6144 : i32
          %lt3A_313 = vector.broadcast %lt3A_312 : i32 to vector<16xi32>
          %lt3A_314 = arith.cmpi slt, %sub3A_305, %lt3A_313 : vector<16xi32>
          %and3A_315 = arith.andi %and3A_311, %lt3A_314 : vector<16xi1>
          %add3A_316 = arith.constant 6144 : i32
          %add3A_317 = vector.broadcast %add3A_316 : i32 to vector<16xi32>
          %add3A_318 = arith.addi %add3A_317, %iota3A : vector<16xi32>
          %select_n3A_319 = arith.select %and3A_315, %sub3A_305, %add3A_318 : vector<16xi1>, vector<16xi32>
          %swap3A_320 = arith.constant 32 : index
          %swap3A_321 = tpu.vector_load %arg14[%swap3A_320] {strides = array<i32>} : memref<128xi32, #tpu.memory_space<vmem>>, vector<16xi32>,
          %swap3A_322 = vector.shape_cast %swap3A_321 : vector<16xi32> to vector<16xi32>
          %swap3A_323 = vector.shape_cast %select_n3A_319 : vector<16xi32> to vector<16xi32>
          tpu.vector_store %arg14[%swap3A_320], %swap3A_323 {strides = array<i32>} : memref<128xi32, #tpu.memory_space<vmem>>, vector<16xi32>,
          %get3A_324 = arith.constant 32 : index
          %get3A_325 = tpu.vector_load %arg11[%get3A_324] {strides = array<i32>} : memref<128xi32, #tpu.memory_space<vmem>>, vector<16xi32>,
          %get3A_326 = vector.shape_cast %get3A_325 : vector<16xi32> to vector<16xi32>
          %min3A_327 = arith.constant 319999 : i32
          %min3A_328 = vector.broadcast %min3A_327 : i32 to vector<16xi32>
          %min3A_329 = arith.minsi %get3A_326, %min3A_328 : vector<16xi32>
          %swap3A_330 = arith.constant 32 : index
          %swap3A_331 = tpu.vector_load %arg12[%swap3A_330] {strides = array<i32>} : memref<128xi32, #tpu.memory_space<vmem>>, vector<16xi32>,
          %swap3A_332 = vector.shape_cast %swap3A_331 : vector<16xi32> to vector<16xi32>
          %swap3A_333 = vector.shape_cast %min3A_329 : vector<16xi32> to vector<16xi32>
          tpu.vector_store %arg12[%swap3A_330], %swap3A_333 {strides = array<i32>} : memref<128xi32, #tpu.memory_space<vmem>>, vector<16xi32>,
          %add3A_334 = arith.constant 48 : i32
          %add3A_335 = arith.addi %multiple_of3A, %add3A_334 : i32
          %add3A_336 = vector.broadcast %add3A_335 : i32 to vector<16xi32>
          %add3A_337 = arith.addi %add3A_336, %iota3A : vector<16xi32>
          %get3A_338 = arith.constant 48 : index
          %get3A_339 = tpu.vector_load %arg13[%get3A_338] {strides = array<i32>} : memref<128xi32, #tpu.memory_space<vmem>>, vector<16xi32>,
          %get3A_340 = vector.shape_cast %get3A_339 : vector<16xi32> to vector<16xi32>
          %sub3A_341 = vector.broadcast %mul3A_22 : i32 to vector<16xi32>
          %sub3A_342 = arith.subi %get3A_340, %sub3A_341 : vector<16xi32>
          %lt3A_343 = vector.broadcast %add3A_73 : i32 to vector<16xi32>
          %lt3A_344 = arith.cmpi slt, %add3A_337, %lt3A_343 : vector<16xi32>
          %ge3A_345 = arith.constant 0 : i32
          %ge3A_346 = vector.broadcast %ge3A_345 : i32 to vector<16xi32>
          %ge3A_347 = arith.cmpi sge, %sub3A_342, %ge3A_346 : vector<16xi32>
          %and3A_348 = arith.andi %lt3A_344, %ge3A_347 : vector<16xi1>
          %lt3A_349 = arith.constant 6144 : i32
          %lt3A_350 = vector.broadcast %lt3A_349 : i32 to vector<16xi32>
          %lt3A_351 = arith.cmpi slt, %sub3A_342, %lt3A_350 : vector<16xi32>
          %and3A_352 = arith.andi %and3A_348, %lt3A_351 : vector<16xi1>
          %add3A_353 = arith.constant 6144 : i32
          %add3A_354 = vector.broadcast %add3A_353 : i32 to vector<16xi32>
          %add3A_355 = arith.addi %add3A_354, %iota3A : vector<16xi32>
          %select_n3A_356 = arith.select %and3A_352, %sub3A_342, %add3A_355 : vector<16xi1>, vector<16xi32>
          %swap3A_357 = arith.constant 48 : index
          %swap3A_358 = tpu.vector_load %arg14[%swap3A_357] {strides = array<i32>} : memref<128xi32, #tpu.memory_space<vmem>>, vector<16xi32>,
          %swap3A_359 = vector.shape_cast %swap3A_358 : vector<16xi32> to vector<16xi32>
          %swap3A_360 = vector.shape_cast %select_n3A_356 : vector<16xi32> to vector<16xi32>
          tpu.vector_store %arg14[%swap3A_357], %swap3A_360 {strides = array<i32>} : memref<128xi32, #tpu.memory_space<vmem>>, vector<16xi32>,
          %get3A_361 = arith.constant 48 : index
          %get3A_362 = tpu.vector_load %arg11[%get3A_361] {strides = array<i32>} : memref<128xi32, #tpu.memory_space<vmem>>, vector<16xi32>,
          %get3A_363 = vector.shape_cast %get3A_362 : vector<16xi32> to vector<16xi32>
          %min3A_364 = arith.constant 319999 : i32
          %min3A_365 = vector.broadcast %min3A_364 : i32 to vector<16xi32>
          %min3A_366 = arith.minsi %get3A_363, %min3A_365 : vector<16xi32>
          %swap3A_367 = arith.constant 48 : index
          %swap3A_368 = tpu.vector_load %arg12[%swap3A_367] {strides = array<i32>} : memref<128xi32, #tpu.memory_space<vmem>>, vector<16xi32>,
          %swap3A_369 = vector.shape_cast %swap3A_368 : vector<16xi32> to vector<16xi32>
          %swap3A_370 = vector.shape_cast %min3A_366 : vector<16xi32> to vector<16xi32>
          tpu.vector_store %arg12[%swap3A_367], %swap3A_370 {strides = array<i32>} : memref<128xi32, #tpu.memory_space<vmem>>, vector<16xi32>,
          %add3A_371 = arith.constant 64 : i32
          %add3A_372 = arith.addi %multiple_of3A, %add3A_371 : i32
          %add3A_373 = vector.broadcast %add3A_372 : i32 to vector<16xi32>
          %add3A_374 = arith.addi %add3A_373, %iota3A : vector<16xi32>
          %get3A_375 = arith.constant 64 : index
          %get3A_376 = tpu.vector_load %arg13[%get3A_375] {strides = array<i32>} : memref<128xi32, #tpu.memory_space<vmem>>, vector<16xi32>,
          %get3A_377 = vector.shape_cast %get3A_376 : vector<16xi32> to vector<16xi32>
          %sub3A_378 = vector.broadcast %mul3A_22 : i32 to vector<16xi32>
          %sub3A_379 = arith.subi %get3A_377, %sub3A_378 : vector<16xi32>
          %lt3A_380 = vector.broadcast %add3A_73 : i32 to vector<16xi32>
          %lt3A_381 = arith.cmpi slt, %add3A_374, %lt3A_380 : vector<16xi32>
          %ge3A_382 = arith.constant 0 : i32
          %ge3A_383 = vector.broadcast %ge3A_382 : i32 to vector<16xi32>
          %ge3A_384 = arith.cmpi sge, %sub3A_379, %ge3A_383 : vector<16xi32>
          %and3A_385 = arith.andi %lt3A_381, %ge3A_384 : vector<16xi1>
          %lt3A_386 = arith.constant 6144 : i32
          %lt3A_387 = vector.broadcast %lt3A_386 : i32 to vector<16xi32>
          %lt3A_388 = arith.cmpi slt, %sub3A_379, %lt3A_387 : vector<16xi32>
          %and3A_389 = arith.andi %and3A_385, %lt3A_388 : vector<16xi1>
          %add3A_390 = arith.constant 6144 : i32
          %add3A_391 = vector.broadcast %add3A_390 : i32 to vector<16xi32>
          %add3A_392 = arith.addi %add3A_391, %iota3A : vector<16xi32>
          %select_n3A_393 = arith.select %and3A_389, %sub3A_379, %add3A_392 : vector<16xi1>, vector<16xi32>
          %swap3A_394 = arith.constant 64 : index
          %swap3A_395 = tpu.vector_load %arg14[%swap3A_394] {strides = array<i32>} : memref<128xi32, #tpu.memory_space<vmem>>, vector<16xi32>,
          %swap3A_396 = vector.shape_cast %swap3A_395 : vector<16xi32> to vector<16xi32>
          %swap3A_397 = vector.shape_cast %select_n3A_393 : vector<16xi32> to vector<16xi32>
          tpu.vector_store %arg14[%swap3A_394], %swap3A_397 {strides = array<i32>} : memref<128xi32, #tpu.memory_space<vmem>>, vector<16xi32>,
          %get3A_398 = arith.constant 64 : index
          %get3A_399 = tpu.vector_load %arg11[%get3A_398] {strides = array<i32>} : memref<128xi32, #tpu.memory_space<vmem>>, vector<16xi32>,
          %get3A_400 = vector.shape_cast %get3A_399 : vector<16xi32> to vector<16xi32>
          %min3A_401 = arith.constant 319999 : i32
          %min3A_402 = vector.broadcast %min3A_401 : i32 to vector<16xi32>
          %min3A_403 = arith.minsi %get3A_400, %min3A_402 : vector<16xi32>
          %swap3A_404 = arith.constant 64 : index
          %swap3A_405 = tpu.vector_load %arg12[%swap3A_404] {strides = array<i32>} : memref<128xi32, #tpu.memory_space<vmem>>, vector<16xi32>,
          %swap3A_406 = vector.shape_cast %swap3A_405 : vector<16xi32> to vector<16xi32>
          %swap3A_407 = vector.shape_cast %min3A_403 : vector<16xi32> to vector<16xi32>
          tpu.vector_store %arg12[%swap3A_404], %swap3A_407 {strides = array<i32>} : memref<128xi32, #tpu.memory_space<vmem>>, vector<16xi32>,
          %add3A_408 = arith.constant 80 : i32
          %add3A_409 = arith.addi %multiple_of3A, %add3A_408 : i32
          %add3A_410 = vector.broadcast %add3A_409 : i32 to vector<16xi32>
          %add3A_411 = arith.addi %add3A_410, %iota3A : vector<16xi32>
          %get3A_412 = arith.constant 80 : index
          %get3A_413 = tpu.vector_load %arg13[%get3A_412] {strides = array<i32>} : memref<128xi32, #tpu.memory_space<vmem>>, vector<16xi32>,
          %get3A_414 = vector.shape_cast %get3A_413 : vector<16xi32> to vector<16xi32>
          %sub3A_415 = vector.broadcast %mul3A_22 : i32 to vector<16xi32>
          %sub3A_416 = arith.subi %get3A_414, %sub3A_415 : vector<16xi32>
          %lt3A_417 = vector.broadcast %add3A_73 : i32 to vector<16xi32>
          %lt3A_418 = arith.cmpi slt, %add3A_411, %lt3A_417 : vector<16xi32>
          %ge3A_419 = arith.constant 0 : i32
          %ge3A_420 = vector.broadcast %ge3A_419 : i32 to vector<16xi32>
          %ge3A_421 = arith.cmpi sge, %sub3A_416, %ge3A_420 : vector<16xi32>
          %and3A_422 = arith.andi %lt3A_418, %ge3A_421 : vector<16xi1>
          %lt3A_423 = arith.constant 6144 : i32
          %lt3A_424 = vector.broadcast %lt3A_423 : i32 to vector<16xi32>
          %lt3A_425 = arith.cmpi slt, %sub3A_416, %lt3A_424 : vector<16xi32>
          %and3A_426 = arith.andi %and3A_422, %lt3A_425 : vector<16xi1>
          %add3A_427 = arith.constant 6144 : i32
          %add3A_428 = vector.broadcast %add3A_427 : i32 to vector<16xi32>
          %add3A_429 = arith.addi %add3A_428, %iota3A : vector<16xi32>
          %select_n3A_430 = arith.select %and3A_426, %sub3A_416, %add3A_429 : vector<16xi1>, vector<16xi32>
          %swap3A_431 = arith.constant 80 : index
          %swap3A_432 = tpu.vector_load %arg14[%swap3A_431] {strides = array<i32>} : memref<128xi32, #tpu.memory_space<vmem>>, vector<16xi32>,
          %swap3A_433 = vector.shape_cast %swap3A_432 : vector<16xi32> to vector<16xi32>
          %swap3A_434 = vector.shape_cast %select_n3A_430 : vector<16xi32> to vector<16xi32>
          tpu.vector_store %arg14[%swap3A_431], %swap3A_434 {strides = array<i32>} : memref<128xi32, #tpu.memory_space<vmem>>, vector<16xi32>,
          %get3A_435 = arith.constant 80 : index
          %get3A_436 = tpu.vector_load %arg11[%get3A_435] {strides = array<i32>} : memref<128xi32, #tpu.memory_space<vmem>>, vector<16xi32>,
          %get3A_437 = vector.shape_cast %get3A_436 : vector<16xi32> to vector<16xi32>
          %min3A_438 = arith.constant 319999 : i32
          %min3A_439 = vector.broadcast %min3A_438 : i32 to vector<16xi32>
          %min3A_440 = arith.minsi %get3A_437, %min3A_439 : vector<16xi32>
          %swap3A_441 = arith.constant 80 : index
          %swap3A_442 = tpu.vector_load %arg12[%swap3A_441] {strides = array<i32>} : memref<128xi32, #tpu.memory_space<vmem>>, vector<16xi32>,
          %swap3A_443 = vector.shape_cast %swap3A_442 : vector<16xi32> to vector<16xi32>
          %swap3A_444 = vector.shape_cast %min3A_440 : vector<16xi32> to vector<16xi32>
          tpu.vector_store %arg12[%swap3A_441], %swap3A_444 {strides = array<i32>} : memref<128xi32, #tpu.memory_space<vmem>>, vector<16xi32>,
          %add3A_445 = arith.constant 96 : i32
          %add3A_446 = arith.addi %multiple_of3A, %add3A_445 : i32
          %add3A_447 = vector.broadcast %add3A_446 : i32 to vector<16xi32>
          %add3A_448 = arith.addi %add3A_447, %iota3A : vector<16xi32>
          %get3A_449 = arith.constant 96 : index
          %get3A_450 = tpu.vector_load %arg13[%get3A_449] {strides = array<i32>} : memref<128xi32, #tpu.memory_space<vmem>>, vector<16xi32>,
          %get3A_451 = vector.shape_cast %get3A_450 : vector<16xi32> to vector<16xi32>
          %sub3A_452 = vector.broadcast %mul3A_22 : i32 to vector<16xi32>
          %sub3A_453 = arith.subi %get3A_451, %sub3A_452 : vector<16xi32>
          %lt3A_454 = vector.broadcast %add3A_73 : i32 to vector<16xi32>
          %lt3A_455 = arith.cmpi slt, %add3A_448, %lt3A_454 : vector<16xi32>
          %ge3A_456 = arith.constant 0 : i32
          %ge3A_457 = vector.broadcast %ge3A_456 : i32 to vector<16xi32>
          %ge3A_458 = arith.cmpi sge, %sub3A_453, %ge3A_457 : vector<16xi32>
          %and3A_459 = arith.andi %lt3A_455, %ge3A_458 : vector<16xi1>
          %lt3A_460 = arith.constant 6144 : i32
          %lt3A_461 = vector.broadcast %lt3A_460 : i32 to vector<16xi32>
          %lt3A_462 = arith.cmpi slt, %sub3A_453, %lt3A_461 : vector<16xi32>
          %and3A_463 = arith.andi %and3A_459, %lt3A_462 : vector<16xi1>
          %add3A_464 = arith.constant 6144 : i32
          %add3A_465 = vector.broadcast %add3A_464 : i32 to vector<16xi32>
          %add3A_466 = arith.addi %add3A_465, %iota3A : vector<16xi32>
          %select_n3A_467 = arith.select %and3A_463, %sub3A_453, %add3A_466 : vector<16xi1>, vector<16xi32>
          %swap3A_468 = arith.constant 96 : index
          %swap3A_469 = tpu.vector_load %arg14[%swap3A_468] {strides = array<i32>} : memref<128xi32, #tpu.memory_space<vmem>>, vector<16xi32>,
          %swap3A_470 = vector.shape_cast %swap3A_469 : vector<16xi32> to vector<16xi32>
          %swap3A_471 = vector.shape_cast %select_n3A_467 : vector<16xi32> to vector<16xi32>
          tpu.vector_store %arg14[%swap3A_468], %swap3A_471 {strides = array<i32>} : memref<128xi32, #tpu.memory_space<vmem>>, vector<16xi32>,
          %get3A_472 = arith.constant 96 : index
          %get3A_473 = tpu.vector_load %arg11[%get3A_472] {strides = array<i32>} : memref<128xi32, #tpu.memory_space<vmem>>, vector<16xi32>,
          %get3A_474 = vector.shape_cast %get3A_473 : vector<16xi32> to vector<16xi32>
          %min3A_475 = arith.constant 319999 : i32
          %min3A_476 = vector.broadcast %min3A_475 : i32 to vector<16xi32>
          %min3A_477 = arith.minsi %get3A_474, %min3A_476 : vector<16xi32>
          %swap3A_478 = arith.constant 96 : index
          %swap3A_479 = tpu.vector_load %arg12[%swap3A_478] {strides = array<i32>} : memref<128xi32, #tpu.memory_space<vmem>>, vector<16xi32>,
          %swap3A_480 = vector.shape_cast %swap3A_479 : vector<16xi32> to vector<16xi32>
          %swap3A_481 = vector.shape_cast %min3A_477 : vector<16xi32> to vector<16xi32>
          tpu.vector_store %arg12[%swap3A_478], %swap3A_481 {strides = array<i32>} : memref<128xi32, #tpu.memory_space<vmem>>, vector<16xi32>,
          %add3A_482 = arith.constant 112 : i32
          %add3A_483 = arith.addi %multiple_of3A, %add3A_482 : i32
          %add3A_484 = vector.broadcast %add3A_483 : i32 to vector<16xi32>
          %add3A_485 = arith.addi %add3A_484, %iota3A : vector<16xi32>
          %get3A_486 = arith.constant 112 : index
          %get3A_487 = tpu.vector_load %arg13[%get3A_486] {strides = array<i32>} : memref<128xi32, #tpu.memory_space<vmem>>, vector<16xi32>,
          %get3A_488 = vector.shape_cast %get3A_487 : vector<16xi32> to vector<16xi32>
          %sub3A_489 = vector.broadcast %mul3A_22 : i32 to vector<16xi32>
          %sub3A_490 = arith.subi %get3A_488, %sub3A_489 : vector<16xi32>
          %lt3A_491 = vector.broadcast %add3A_73 : i32 to vector<16xi32>
          %lt3A_492 = arith.cmpi slt, %add3A_485, %lt3A_491 : vector<16xi32>
          %ge3A_493 = arith.constant 0 : i32
          %ge3A_494 = vector.broadcast %ge3A_493 : i32 to vector<16xi32>
          %ge3A_495 = arith.cmpi sge, %sub3A_490, %ge3A_494 : vector<16xi32>
          %and3A_496 = arith.andi %lt3A_492, %ge3A_495 : vector<16xi1>
          %lt3A_497 = arith.constant 6144 : i32
          %lt3A_498 = vector.broadcast %lt3A_497 : i32 to vector<16xi32>
          %lt3A_499 = arith.cmpi slt, %sub3A_490, %lt3A_498 : vector<16xi32>
          %and3A_500 = arith.andi %and3A_496, %lt3A_499 : vector<16xi1>
          %add3A_501 = arith.constant 6144 : i32
          %add3A_502 = vector.broadcast %add3A_501 : i32 to vector<16xi32>
          %add3A_503 = arith.addi %add3A_502, %iota3A : vector<16xi32>
          %select_n3A_504 = arith.select %and3A_500, %sub3A_490, %add3A_503 : vector<16xi1>, vector<16xi32>
          %swap3A_505 = arith.constant 112 : index
          %swap3A_506 = tpu.vector_load %arg14[%swap3A_505] {strides = array<i32>} : memref<128xi32, #tpu.memory_space<vmem>>, vector<16xi32>,
          %swap3A_507 = vector.shape_cast %swap3A_506 : vector<16xi32> to vector<16xi32>
          %swap3A_508 = vector.shape_cast %select_n3A_504 : vector<16xi32> to vector<16xi32>
          tpu.vector_store %arg14[%swap3A_505], %swap3A_508 {strides = array<i32>} : memref<128xi32, #tpu.memory_space<vmem>>, vector<16xi32>,
          %get3A_509 = arith.constant 112 : index
          %get3A_510 = tpu.vector_load %arg11[%get3A_509] {strides = array<i32>} : memref<128xi32, #tpu.memory_space<vmem>>, vector<16xi32>,
          %get3A_511 = vector.shape_cast %get3A_510 : vector<16xi32> to vector<16xi32>
          %min3A_512 = arith.constant 319999 : i32
          %min3A_513 = vector.broadcast %min3A_512 : i32 to vector<16xi32>
          %min3A_514 = arith.minsi %get3A_511, %min3A_513 : vector<16xi32>
          %swap3A_515 = arith.constant 112 : index
          %swap3A_516 = tpu.vector_load %arg12[%swap3A_515] {strides = array<i32>} : memref<128xi32, #tpu.memory_space<vmem>>, vector<16xi32>,
          %swap3A_517 = vector.shape_cast %swap3A_516 : vector<16xi32> to vector<16xi32>
          %swap3A_518 = vector.shape_cast %min3A_514 : vector<16xi32> to vector<16xi32>
          tpu.vector_store %arg12[%swap3A_515], %swap3A_518 {strides = array<i32>} : memref<128xi32, #tpu.memory_space<vmem>>, vector<16xi32>,
          %dma_start3A_519 = arith.constant 0 : i32
          %dma_start3A_520 = arith.constant 0 : i32
          %dma_start3A_521 = tpu.memref_slice %arg2[%dma_start3A_519, %dma_start3A_520] : memref<320000x128xf32, #tpu.memory_space<hbm>> -> memref<320000x128xf32, #tpu.memory_space<hbm>>
          tpu.enqueue_indirect_dma source(%dma_start3A_521 : memref<320000x128xf32, #tpu.memory_space<hbm>>) target(%arg19 : memref<128x128xf32, #tpu.memory_space<vmem>>) offsets(%arg12 : memref<128xi32, #tpu.memory_space<vmem>>) semaphore(%arg22 : memref<!tpu.dma_semaphore, #tpu.memory_space<semaphore_mem>>)
        } else {
        }
        %jit3A_175 = arith.constant 2 : i32
        %eq3A_176 = arith.constant 0 : i32
        %eq3A_177 = arith.cmpi eq, %jit3A_175, %eq3A_176 : i32
        %jit3A_178 = arith.constant 1 : i32
        %select_n3A_179 = arith.select %eq3A_177, %jit3A_178, %jit3A_175 : i32
        %rem3A_180 = arith.remsi %add3A_128, %select_n3A_179 : i32
        %ne3A_181 = arith.constant 0 : i32
        %ne3A_182 = arith.cmpi ne, %rem3A_180, %ne3A_181 : i32
        %lt3A_183 = arith.constant 0 : i32
        %lt3A_184 = arith.cmpi slt, %rem3A_180, %lt3A_183 : i32
        %lt3A_185 = arith.constant 0 : i32
        %lt3A_186 = arith.cmpi slt, %select_n3A_179, %lt3A_185 : i32
        %ne3A_187 = arith.xori %lt3A_184, %lt3A_186 : i1
        %and3A_188 = arith.andi %ne3A_187, %ne3A_182 : i1
        %add3A_189 = arith.addi %rem3A_180, %select_n3A_179 : i32
        %select_n3A_190 = arith.select %and3A_188, %add3A_189, %rem3A_180 : i32
        %eq3A_191 = arith.constant 0 : i32
        %eq3A_192 = arith.cmpi eq, %select_n3A_190, %eq3A_191 : i32
        %convert_element_type3A_193 = arith.extui %eq3A_192 : i1 to i32
        %cond3A_194 = arith.constant 0 : i32
        %cond3A_195 = arith.cmpi ne, %convert_element_type3A_193, %cond3A_194 : i32
        scf.if %cond3A_195 {
          %dma_wait3A = arith.constant 0 : i32
          %dma_wait3A_217 = arith.constant 0 : i32
          %dma_wait3A_218 = tpu.memref_slice %arg2[%dma_wait3A, %dma_wait3A_217] : memref<320000x128xf32, #tpu.memory_space<hbm>> -> memref<128x128xf32, #tpu.memory_space<hbm>>
          %dma_wait3A_219 = arith.constant 0 : i32
          %dma_wait3A_220 = arith.constant 0 : i32
          %dma_wait3A_221 = tpu.memref_slice %arg2[%dma_wait3A_219, %dma_wait3A_220] : memref<320000x128xf32, #tpu.memory_space<hbm>> -> memref<128x128xf32, #tpu.memory_space<hbm>>
          tpu.wait_dma2 semaphore(%arg22 : memref<!tpu.dma_semaphore, #tpu.memory_space<semaphore_mem>>) src(%dma_wait3A_221 : memref<128x128xf32, #tpu.memory_space<hbm>>) dst(%arg19 : memref<128x128xf32, #tpu.memory_space<vmem>>)
          "tpu.region"() ({
            %run_scoped3A = tpu.sem_alloc : memref<!tpu.dma_semaphore, #tpu.memory_space<semaphore_mem>>
            %dma_start3A = arith.constant 0 : i32
            %dma_start3A_222 = arith.constant 0 : i32
            %dma_start3A_223 = tpu.memref_slice %arg21[%dma_start3A, %dma_start3A_222] : memref<6160x128xf32, #tpu.memory_space<vmem_shared>> -> memref<6160x128xf32, #tpu.memory_space<vmem_shared>>
            tpu.enqueue_indirect_dma source(%arg19 : memref<128x128xf32, #tpu.memory_space<vmem>>) target(%dma_start3A_223 : memref<6160x128xf32, #tpu.memory_space<vmem_shared>>) offsets(%arg14 : memref<128xi32, #tpu.memory_space<vmem>>) semaphore(%run_scoped3A : memref<!tpu.dma_semaphore, #tpu.memory_space<semaphore_mem>>) {add = true}
            %dma_wait3A_224 = arith.constant 0 : i32
            %dma_wait3A_225 = arith.constant 0 : i32
            %dma_wait3A_226 = tpu.memref_slice %arg21[%dma_wait3A_224, %dma_wait3A_225] : memref<6160x128xf32, #tpu.memory_space<vmem_shared>> -> memref<6160x128xf32, #tpu.memory_space<vmem_shared>>
            tpu.wait_indirect_dma semaphore(%run_scoped3A : memref<!tpu.dma_semaphore, #tpu.memory_space<semaphore_mem>>) src(%arg19 : memref<128x128xf32, #tpu.memory_space<vmem>>) dst(%dma_wait3A_226 : memref<6160x128xf32, #tpu.memory_space<vmem_shared>>)
            tpu.yield
          }) : () -> ()
        } else {
        }
        %jit3A_196 = arith.constant 2 : i32
        %eq3A_197 = arith.constant 0 : i32
        %eq3A_198 = arith.cmpi eq, %jit3A_196, %eq3A_197 : i32
        %jit3A_199 = arith.constant 1 : i32
        %select_n3A_200 = arith.select %eq3A_198, %jit3A_199, %jit3A_196 : i32
        %rem3A_201 = arith.remsi %add3A_128, %select_n3A_200 : i32
        %ne3A_202 = arith.constant 0 : i32
        %ne3A_203 = arith.cmpi ne, %rem3A_201, %ne3A_202 : i32
        %lt3A_204 = arith.constant 0 : i32
        %lt3A_205 = arith.cmpi slt, %rem3A_201, %lt3A_204 : i32
        %lt3A_206 = arith.constant 0 : i32
        %lt3A_207 = arith.cmpi slt, %select_n3A_200, %lt3A_206 : i32
        %ne3A_208 = arith.xori %lt3A_205, %lt3A_207 : i1
        %and3A_209 = arith.andi %ne3A_208, %ne3A_203 : i1
        %add3A_210 = arith.addi %rem3A_201, %select_n3A_200 : i32
        %select_n3A_211 = arith.select %and3A_209, %add3A_210, %rem3A_201 : i32
        %eq3A_212 = arith.constant 1 : i32
        %eq3A_213 = arith.cmpi eq, %select_n3A_211, %eq3A_212 : i32
        %convert_element_type3A_214 = arith.extui %eq3A_213 : i1 to i32
        %cond3A_215 = arith.constant 0 : i32
        %cond3A_216 = arith.cmpi ne, %convert_element_type3A_214, %cond3A_215 : i32
        scf.if %cond3A_216 {
          %dma_wait3A = arith.constant 0 : i32
          %dma_wait3A_217 = arith.constant 0 : i32
          %dma_wait3A_218 = tpu.memref_slice %arg2[%dma_wait3A, %dma_wait3A_217] : memref<320000x128xf32, #tpu.memory_space<hbm>> -> memref<128x128xf32, #tpu.memory_space<hbm>>
          %dma_wait3A_219 = arith.constant 0 : i32
          %dma_wait3A_220 = arith.constant 0 : i32
          %dma_wait3A_221 = tpu.memref_slice %arg2[%dma_wait3A_219, %dma_wait3A_220] : memref<320000x128xf32, #tpu.memory_space<hbm>> -> memref<128x128xf32, #tpu.memory_space<hbm>>
          tpu.wait_dma2 semaphore(%arg23 : memref<!tpu.dma_semaphore, #tpu.memory_space<semaphore_mem>>) src(%dma_wait3A_221 : memref<128x128xf32, #tpu.memory_space<hbm>>) dst(%arg20 : memref<128x128xf32, #tpu.memory_space<vmem>>)
          "tpu.region"() ({
            %run_scoped3A = tpu.sem_alloc : memref<!tpu.dma_semaphore, #tpu.memory_space<semaphore_mem>>
            %dma_start3A = arith.constant 0 : i32
            %dma_start3A_222 = arith.constant 0 : i32
            %dma_start3A_223 = tpu.memref_slice %arg21[%dma_start3A, %dma_start3A_222] : memref<6160x128xf32, #tpu.memory_space<vmem_shared>> -> memref<6160x128xf32, #tpu.memory_space<vmem_shared>>
            tpu.enqueue_indirect_dma source(%arg20 : memref<128x128xf32, #tpu.memory_space<vmem>>) target(%dma_start3A_223 : memref<6160x128xf32, #tpu.memory_space<vmem_shared>>) offsets(%arg18 : memref<128xi32, #tpu.memory_space<vmem>>) semaphore(%run_scoped3A : memref<!tpu.dma_semaphore, #tpu.memory_space<semaphore_mem>>) {add = true}
            %dma_wait3A_224 = arith.constant 0 : i32
            %dma_wait3A_225 = arith.constant 0 : i32
            %dma_wait3A_226 = tpu.memref_slice %arg21[%dma_wait3A_224, %dma_wait3A_225] : memref<6160x128xf32, #tpu.memory_space<vmem_shared>> -> memref<6160x128xf32, #tpu.memory_space<vmem_shared>>
            tpu.wait_indirect_dma semaphore(%run_scoped3A : memref<!tpu.dma_semaphore, #tpu.memory_space<semaphore_mem>>) src(%arg20 : memref<128x128xf32, #tpu.memory_space<vmem>>) dst(%dma_wait3A_226 : memref<6160x128xf32, #tpu.memory_space<vmem_shared>>)
            tpu.yield
          }) : () -> ()
        } else {
        }
      }
      %while3A_122 = arith.constant 1 : i32
      scf.for %while3A_126 = %while3A_120 to %while3A_116 step %while3A_122  : i32 {
        %mul3A_127 = arith.muli %while3A_126, %while3A : i32
        %add3A_128 = arith.addi %while3A_113, %mul3A_127 : i32
        %add3A_129 = arith.constant 1 : i32
        %add3A_130 = arith.addi %add3A_128, %add3A_129 : i32
        %lt3A = arith.cmpi slt, %add3A_130, %select_n3A_102 : i32
        %jit3A_131 = arith.constant 2 : i32
        %eq3A = arith.constant 0 : i32
        %eq3A_132 = arith.cmpi eq, %jit3A_131, %eq3A : i32
        %jit3A_133 = arith.constant 1 : i32
        %select_n3A_134 = arith.select %eq3A_132, %jit3A_133, %jit3A_131 : i32
        %rem3A_135 = arith.remsi %add3A_130, %select_n3A_134 : i32
        %ne3A_136 = arith.constant 0 : i32
        %ne3A_137 = arith.cmpi ne, %rem3A_135, %ne3A_136 : i32
        %lt3A_138 = arith.constant 0 : i32
        %lt3A_139 = arith.cmpi slt, %rem3A_135, %lt3A_138 : i32
        %lt3A_140 = arith.constant 0 : i32
        %lt3A_141 = arith.cmpi slt, %select_n3A_134, %lt3A_140 : i32
        %ne3A_142 = arith.xori %lt3A_139, %lt3A_141 : i1
        %and3A_143 = arith.andi %ne3A_142, %ne3A_137 : i1
        %add3A_144 = arith.addi %rem3A_135, %select_n3A_134 : i32
        %select_n3A_145 = arith.select %and3A_143, %add3A_144, %rem3A_135 : i32
        %eq3A_146 = arith.constant 1 : i32
        %eq3A_147 = arith.cmpi eq, %select_n3A_145, %eq3A_146 : i32
        %and3A_148 = arith.andi %lt3A, %eq3A_147 : i1
        %convert_element_type3A_149 = arith.extui %and3A_148 : i1 to i32
        %cond3A_150 = arith.constant 0 : i32
        %cond3A_151 = arith.cmpi ne, %convert_element_type3A_149, %cond3A_150 : i32
        scf.if %cond3A_151 {
          %mul3A_217 = arith.constant 128 : i32
          %mul3A_218 = arith.muli %add3A_130, %mul3A_217 : i32
          %add3A_219 = arith.addi %add3A_43, %mul3A_218 : i32
          %multiple_of3A = tpu.assume_multiple %add3A_219, 8 : i32
          %dma_start3A = tpu.memref_slice %arg3[%multiple_of3A] : memref<320144xi32, #tpu.memory_space<hbm>> -> memref<128xi32, #tpu.memory_space<hbm>>
          %dma_start3A_220 = tpu.memref_slice %arg3[%multiple_of3A] : memref<320144xi32, #tpu.memory_space<hbm>> -> memref<128xi32, #tpu.memory_space<hbm>>
          tpu.enqueue_dma source(%dma_start3A_220 : memref<128xi32, #tpu.memory_space<hbm>>) target(%arg15 : memref<128xi32, #tpu.memory_space<vmem>>) target_semaphore(%arg24 : memref<!tpu.dma_semaphore, #tpu.memory_space<semaphore_mem>>)
          %dma_start3A_221 = tpu.memref_slice %arg4[%multiple_of3A] : memref<320144xi32, #tpu.memory_space<hbm>> -> memref<128xi32, #tpu.memory_space<hbm>>
          %dma_start3A_222 = tpu.memref_slice %arg4[%multiple_of3A] : memref<320144xi32, #tpu.memory_space<hbm>> -> memref<128xi32, #tpu.memory_space<hbm>>
          tpu.enqueue_dma source(%dma_start3A_222 : memref<128xi32, #tpu.memory_space<hbm>>) target(%arg17 : memref<128xi32, #tpu.memory_space<vmem>>) target_semaphore(%arg25 : memref<!tpu.dma_semaphore, #tpu.memory_space<semaphore_mem>>)
          %dma_wait3A = tpu.memref_slice %arg3[%multiple_of3A] : memref<320144xi32, #tpu.memory_space<hbm>> -> memref<128xi32, #tpu.memory_space<hbm>>
          %dma_wait3A_223 = tpu.memref_slice %arg3[%multiple_of3A] : memref<320144xi32, #tpu.memory_space<hbm>> -> memref<128xi32, #tpu.memory_space<hbm>>
          tpu.wait_dma2 semaphore(%arg24 : memref<!tpu.dma_semaphore, #tpu.memory_space<semaphore_mem>>) src(%dma_wait3A_223 : memref<128xi32, #tpu.memory_space<hbm>>) dst(%arg15 : memref<128xi32, #tpu.memory_space<vmem>>)
          %dma_wait3A_224 = tpu.memref_slice %arg4[%multiple_of3A] : memref<320144xi32, #tpu.memory_space<hbm>> -> memref<128xi32, #tpu.memory_space<hbm>>
          %dma_wait3A_225 = tpu.memref_slice %arg4[%multiple_of3A] : memref<320144xi32, #tpu.memory_space<hbm>> -> memref<128xi32, #tpu.memory_space<hbm>>
          tpu.wait_dma2 semaphore(%arg25 : memref<!tpu.dma_semaphore, #tpu.memory_space<semaphore_mem>>) src(%dma_wait3A_225 : memref<128xi32, #tpu.memory_space<hbm>>) dst(%arg17 : memref<128xi32, #tpu.memory_space<vmem>>)
          %add3A_226 = arith.constant 0 : i32
          %add3A_227 = arith.addi %multiple_of3A, %add3A_226 : i32
          %add3A_228 = vector.broadcast %add3A_227 : i32 to vector<16xi32>
          %add3A_229 = arith.addi %add3A_228, %iota3A : vector<16xi32>
          %get3A_230 = arith.constant 0 : index
          %get3A_231 = tpu.vector_load %arg17[%get3A_230] {strides = array<i32>} : memref<128xi32, #tpu.memory_space<vmem>>, vector<16xi32>,
          %get3A_232 = vector.shape_cast %get3A_231 : vector<16xi32> to vector<16xi32>
          %sub3A_233 = vector.broadcast %mul3A_22 : i32 to vector<16xi32>
          %sub3A_234 = arith.subi %get3A_232, %sub3A_233 : vector<16xi32>
          %lt3A_235 = vector.broadcast %add3A_73 : i32 to vector<16xi32>
          %lt3A_236 = arith.cmpi slt, %add3A_229, %lt3A_235 : vector<16xi32>
          %ge3A = arith.constant 0 : i32
          %ge3A_237 = vector.broadcast %ge3A : i32 to vector<16xi32>
          %ge3A_238 = arith.cmpi sge, %sub3A_234, %ge3A_237 : vector<16xi32>
          %and3A_239 = arith.andi %lt3A_236, %ge3A_238 : vector<16xi1>
          %lt3A_240 = arith.constant 6144 : i32
          %lt3A_241 = vector.broadcast %lt3A_240 : i32 to vector<16xi32>
          %lt3A_242 = arith.cmpi slt, %sub3A_234, %lt3A_241 : vector<16xi32>
          %and3A_243 = arith.andi %and3A_239, %lt3A_242 : vector<16xi1>
          %add3A_244 = arith.constant 6144 : i32
          %add3A_245 = vector.broadcast %add3A_244 : i32 to vector<16xi32>
          %add3A_246 = arith.addi %add3A_245, %iota3A : vector<16xi32>
          %select_n3A_247 = arith.select %and3A_243, %sub3A_234, %add3A_246 : vector<16xi1>, vector<16xi32>
          %swap3A = arith.constant 0 : index
          %swap3A_248 = tpu.vector_load %arg18[%swap3A] {strides = array<i32>} : memref<128xi32, #tpu.memory_space<vmem>>, vector<16xi32>,
          %swap3A_249 = vector.shape_cast %swap3A_248 : vector<16xi32> to vector<16xi32>
          %swap3A_250 = vector.shape_cast %select_n3A_247 : vector<16xi32> to vector<16xi32>
          tpu.vector_store %arg18[%swap3A], %swap3A_250 {strides = array<i32>} : memref<128xi32, #tpu.memory_space<vmem>>, vector<16xi32>,
          %get3A_251 = arith.constant 0 : index
          %get3A_252 = tpu.vector_load %arg15[%get3A_251] {strides = array<i32>} : memref<128xi32, #tpu.memory_space<vmem>>, vector<16xi32>,
          %get3A_253 = vector.shape_cast %get3A_252 : vector<16xi32> to vector<16xi32>
          %min3A = arith.constant 319999 : i32
          %min3A_254 = vector.broadcast %min3A : i32 to vector<16xi32>
          %min3A_255 = arith.minsi %get3A_253, %min3A_254 : vector<16xi32>
          %swap3A_256 = arith.constant 0 : index
          %swap3A_257 = tpu.vector_load %arg16[%swap3A_256] {strides = array<i32>} : memref<128xi32, #tpu.memory_space<vmem>>, vector<16xi32>,
          %swap3A_258 = vector.shape_cast %swap3A_257 : vector<16xi32> to vector<16xi32>
          %swap3A_259 = vector.shape_cast %min3A_255 : vector<16xi32> to vector<16xi32>
          tpu.vector_store %arg16[%swap3A_256], %swap3A_259 {strides = array<i32>} : memref<128xi32, #tpu.memory_space<vmem>>, vector<16xi32>,
          %add3A_260 = arith.constant 16 : i32
          %add3A_261 = arith.addi %multiple_of3A, %add3A_260 : i32
          %add3A_262 = vector.broadcast %add3A_261 : i32 to vector<16xi32>
          %add3A_263 = arith.addi %add3A_262, %iota3A : vector<16xi32>
          %get3A_264 = arith.constant 16 : index
          %get3A_265 = tpu.vector_load %arg17[%get3A_264] {strides = array<i32>} : memref<128xi32, #tpu.memory_space<vmem>>, vector<16xi32>,
          %get3A_266 = vector.shape_cast %get3A_265 : vector<16xi32> to vector<16xi32>
          %sub3A_267 = vector.broadcast %mul3A_22 : i32 to vector<16xi32>
          %sub3A_268 = arith.subi %get3A_266, %sub3A_267 : vector<16xi32>
          %lt3A_269 = vector.broadcast %add3A_73 : i32 to vector<16xi32>
          %lt3A_270 = arith.cmpi slt, %add3A_263, %lt3A_269 : vector<16xi32>
          %ge3A_271 = arith.constant 0 : i32
          %ge3A_272 = vector.broadcast %ge3A_271 : i32 to vector<16xi32>
          %ge3A_273 = arith.cmpi sge, %sub3A_268, %ge3A_272 : vector<16xi32>
          %and3A_274 = arith.andi %lt3A_270, %ge3A_273 : vector<16xi1>
          %lt3A_275 = arith.constant 6144 : i32
          %lt3A_276 = vector.broadcast %lt3A_275 : i32 to vector<16xi32>
          %lt3A_277 = arith.cmpi slt, %sub3A_268, %lt3A_276 : vector<16xi32>
          %and3A_278 = arith.andi %and3A_274, %lt3A_277 : vector<16xi1>
          %add3A_279 = arith.constant 6144 : i32
          %add3A_280 = vector.broadcast %add3A_279 : i32 to vector<16xi32>
          %add3A_281 = arith.addi %add3A_280, %iota3A : vector<16xi32>
          %select_n3A_282 = arith.select %and3A_278, %sub3A_268, %add3A_281 : vector<16xi1>, vector<16xi32>
          %swap3A_283 = arith.constant 16 : index
          %swap3A_284 = tpu.vector_load %arg18[%swap3A_283] {strides = array<i32>} : memref<128xi32, #tpu.memory_space<vmem>>, vector<16xi32>,
          %swap3A_285 = vector.shape_cast %swap3A_284 : vector<16xi32> to vector<16xi32>
          %swap3A_286 = vector.shape_cast %select_n3A_282 : vector<16xi32> to vector<16xi32>
          tpu.vector_store %arg18[%swap3A_283], %swap3A_286 {strides = array<i32>} : memref<128xi32, #tpu.memory_space<vmem>>, vector<16xi32>,
          %get3A_287 = arith.constant 16 : index
          %get3A_288 = tpu.vector_load %arg15[%get3A_287] {strides = array<i32>} : memref<128xi32, #tpu.memory_space<vmem>>, vector<16xi32>,
          %get3A_289 = vector.shape_cast %get3A_288 : vector<16xi32> to vector<16xi32>
          %min3A_290 = arith.constant 319999 : i32
          %min3A_291 = vector.broadcast %min3A_290 : i32 to vector<16xi32>
          %min3A_292 = arith.minsi %get3A_289, %min3A_291 : vector<16xi32>
          %swap3A_293 = arith.constant 16 : index
          %swap3A_294 = tpu.vector_load %arg16[%swap3A_293] {strides = array<i32>} : memref<128xi32, #tpu.memory_space<vmem>>, vector<16xi32>,
          %swap3A_295 = vector.shape_cast %swap3A_294 : vector<16xi32> to vector<16xi32>
          %swap3A_296 = vector.shape_cast %min3A_292 : vector<16xi32> to vector<16xi32>
          tpu.vector_store %arg16[%swap3A_293], %swap3A_296 {strides = array<i32>} : memref<128xi32, #tpu.memory_space<vmem>>, vector<16xi32>,
          %add3A_297 = arith.constant 32 : i32
          %add3A_298 = arith.addi %multiple_of3A, %add3A_297 : i32
          %add3A_299 = vector.broadcast %add3A_298 : i32 to vector<16xi32>
          %add3A_300 = arith.addi %add3A_299, %iota3A : vector<16xi32>
          %get3A_301 = arith.constant 32 : index
          %get3A_302 = tpu.vector_load %arg17[%get3A_301] {strides = array<i32>} : memref<128xi32, #tpu.memory_space<vmem>>, vector<16xi32>,
          %get3A_303 = vector.shape_cast %get3A_302 : vector<16xi32> to vector<16xi32>
          %sub3A_304 = vector.broadcast %mul3A_22 : i32 to vector<16xi32>
          %sub3A_305 = arith.subi %get3A_303, %sub3A_304 : vector<16xi32>
          %lt3A_306 = vector.broadcast %add3A_73 : i32 to vector<16xi32>
          %lt3A_307 = arith.cmpi slt, %add3A_300, %lt3A_306 : vector<16xi32>
          %ge3A_308 = arith.constant 0 : i32
          %ge3A_309 = vector.broadcast %ge3A_308 : i32 to vector<16xi32>
          %ge3A_310 = arith.cmpi sge, %sub3A_305, %ge3A_309 : vector<16xi32>
          %and3A_311 = arith.andi %lt3A_307, %ge3A_310 : vector<16xi1>
          %lt3A_312 = arith.constant 6144 : i32
          %lt3A_313 = vector.broadcast %lt3A_312 : i32 to vector<16xi32>
          %lt3A_314 = arith.cmpi slt, %sub3A_305, %lt3A_313 : vector<16xi32>
          %and3A_315 = arith.andi %and3A_311, %lt3A_314 : vector<16xi1>
          %add3A_316 = arith.constant 6144 : i32
          %add3A_317 = vector.broadcast %add3A_316 : i32 to vector<16xi32>
          %add3A_318 = arith.addi %add3A_317, %iota3A : vector<16xi32>
          %select_n3A_319 = arith.select %and3A_315, %sub3A_305, %add3A_318 : vector<16xi1>, vector<16xi32>
          %swap3A_320 = arith.constant 32 : index
          %swap3A_321 = tpu.vector_load %arg18[%swap3A_320] {strides = array<i32>} : memref<128xi32, #tpu.memory_space<vmem>>, vector<16xi32>,
          %swap3A_322 = vector.shape_cast %swap3A_321 : vector<16xi32> to vector<16xi32>
          %swap3A_323 = vector.shape_cast %select_n3A_319 : vector<16xi32> to vector<16xi32>
          tpu.vector_store %arg18[%swap3A_320], %swap3A_323 {strides = array<i32>} : memref<128xi32, #tpu.memory_space<vmem>>, vector<16xi32>,
          %get3A_324 = arith.constant 32 : index
          %get3A_325 = tpu.vector_load %arg15[%get3A_324] {strides = array<i32>} : memref<128xi32, #tpu.memory_space<vmem>>, vector<16xi32>,
          %get3A_326 = vector.shape_cast %get3A_325 : vector<16xi32> to vector<16xi32>
          %min3A_327 = arith.constant 319999 : i32
          %min3A_328 = vector.broadcast %min3A_327 : i32 to vector<16xi32>
          %min3A_329 = arith.minsi %get3A_326, %min3A_328 : vector<16xi32>
          %swap3A_330 = arith.constant 32 : index
          %swap3A_331 = tpu.vector_load %arg16[%swap3A_330] {strides = array<i32>} : memref<128xi32, #tpu.memory_space<vmem>>, vector<16xi32>,
          %swap3A_332 = vector.shape_cast %swap3A_331 : vector<16xi32> to vector<16xi32>
          %swap3A_333 = vector.shape_cast %min3A_329 : vector<16xi32> to vector<16xi32>
          tpu.vector_store %arg16[%swap3A_330], %swap3A_333 {strides = array<i32>} : memref<128xi32, #tpu.memory_space<vmem>>, vector<16xi32>,
          %add3A_334 = arith.constant 48 : i32
          %add3A_335 = arith.addi %multiple_of3A, %add3A_334 : i32
          %add3A_336 = vector.broadcast %add3A_335 : i32 to vector<16xi32>
          %add3A_337 = arith.addi %add3A_336, %iota3A : vector<16xi32>
          %get3A_338 = arith.constant 48 : index
          %get3A_339 = tpu.vector_load %arg17[%get3A_338] {strides = array<i32>} : memref<128xi32, #tpu.memory_space<vmem>>, vector<16xi32>,
          %get3A_340 = vector.shape_cast %get3A_339 : vector<16xi32> to vector<16xi32>
          %sub3A_341 = vector.broadcast %mul3A_22 : i32 to vector<16xi32>
          %sub3A_342 = arith.subi %get3A_340, %sub3A_341 : vector<16xi32>
          %lt3A_343 = vector.broadcast %add3A_73 : i32 to vector<16xi32>
          %lt3A_344 = arith.cmpi slt, %add3A_337, %lt3A_343 : vector<16xi32>
          %ge3A_345 = arith.constant 0 : i32
          %ge3A_346 = vector.broadcast %ge3A_345 : i32 to vector<16xi32>
          %ge3A_347 = arith.cmpi sge, %sub3A_342, %ge3A_346 : vector<16xi32>
          %and3A_348 = arith.andi %lt3A_344, %ge3A_347 : vector<16xi1>
          %lt3A_349 = arith.constant 6144 : i32
          %lt3A_350 = vector.broadcast %lt3A_349 : i32 to vector<16xi32>
          %lt3A_351 = arith.cmpi slt, %sub3A_342, %lt3A_350 : vector<16xi32>
          %and3A_352 = arith.andi %and3A_348, %lt3A_351 : vector<16xi1>
          %add3A_353 = arith.constant 6144 : i32
          %add3A_354 = vector.broadcast %add3A_353 : i32 to vector<16xi32>
          %add3A_355 = arith.addi %add3A_354, %iota3A : vector<16xi32>
          %select_n3A_356 = arith.select %and3A_352, %sub3A_342, %add3A_355 : vector<16xi1>, vector<16xi32>
          %swap3A_357 = arith.constant 48 : index
          %swap3A_358 = tpu.vector_load %arg18[%swap3A_357] {strides = array<i32>} : memref<128xi32, #tpu.memory_space<vmem>>, vector<16xi32>,
          %swap3A_359 = vector.shape_cast %swap3A_358 : vector<16xi32> to vector<16xi32>
          %swap3A_360 = vector.shape_cast %select_n3A_356 : vector<16xi32> to vector<16xi32>
          tpu.vector_store %arg18[%swap3A_357], %swap3A_360 {strides = array<i32>} : memref<128xi32, #tpu.memory_space<vmem>>, vector<16xi32>,
          %get3A_361 = arith.constant 48 : index
          %get3A_362 = tpu.vector_load %arg15[%get3A_361] {strides = array<i32>} : memref<128xi32, #tpu.memory_space<vmem>>, vector<16xi32>,
          %get3A_363 = vector.shape_cast %get3A_362 : vector<16xi32> to vector<16xi32>
          %min3A_364 = arith.constant 319999 : i32
          %min3A_365 = vector.broadcast %min3A_364 : i32 to vector<16xi32>
          %min3A_366 = arith.minsi %get3A_363, %min3A_365 : vector<16xi32>
          %swap3A_367 = arith.constant 48 : index
          %swap3A_368 = tpu.vector_load %arg16[%swap3A_367] {strides = array<i32>} : memref<128xi32, #tpu.memory_space<vmem>>, vector<16xi32>,
          %swap3A_369 = vector.shape_cast %swap3A_368 : vector<16xi32> to vector<16xi32>
          %swap3A_370 = vector.shape_cast %min3A_366 : vector<16xi32> to vector<16xi32>
          tpu.vector_store %arg16[%swap3A_367], %swap3A_370 {strides = array<i32>} : memref<128xi32, #tpu.memory_space<vmem>>, vector<16xi32>,
          %add3A_371 = arith.constant 64 : i32
          %add3A_372 = arith.addi %multiple_of3A, %add3A_371 : i32
          %add3A_373 = vector.broadcast %add3A_372 : i32 to vector<16xi32>
          %add3A_374 = arith.addi %add3A_373, %iota3A : vector<16xi32>
          %get3A_375 = arith.constant 64 : index
          %get3A_376 = tpu.vector_load %arg17[%get3A_375] {strides = array<i32>} : memref<128xi32, #tpu.memory_space<vmem>>, vector<16xi32>,
          %get3A_377 = vector.shape_cast %get3A_376 : vector<16xi32> to vector<16xi32>
          %sub3A_378 = vector.broadcast %mul3A_22 : i32 to vector<16xi32>
          %sub3A_379 = arith.subi %get3A_377, %sub3A_378 : vector<16xi32>
          %lt3A_380 = vector.broadcast %add3A_73 : i32 to vector<16xi32>
          %lt3A_381 = arith.cmpi slt, %add3A_374, %lt3A_380 : vector<16xi32>
          %ge3A_382 = arith.constant 0 : i32
          %ge3A_383 = vector.broadcast %ge3A_382 : i32 to vector<16xi32>
          %ge3A_384 = arith.cmpi sge, %sub3A_379, %ge3A_383 : vector<16xi32>
          %and3A_385 = arith.andi %lt3A_381, %ge3A_384 : vector<16xi1>
          %lt3A_386 = arith.constant 6144 : i32
          %lt3A_387 = vector.broadcast %lt3A_386 : i32 to vector<16xi32>
          %lt3A_388 = arith.cmpi slt, %sub3A_379, %lt3A_387 : vector<16xi32>
          %and3A_389 = arith.andi %and3A_385, %lt3A_388 : vector<16xi1>
          %add3A_390 = arith.constant 6144 : i32
          %add3A_391 = vector.broadcast %add3A_390 : i32 to vector<16xi32>
          %add3A_392 = arith.addi %add3A_391, %iota3A : vector<16xi32>
          %select_n3A_393 = arith.select %and3A_389, %sub3A_379, %add3A_392 : vector<16xi1>, vector<16xi32>
          %swap3A_394 = arith.constant 64 : index
          %swap3A_395 = tpu.vector_load %arg18[%swap3A_394] {strides = array<i32>} : memref<128xi32, #tpu.memory_space<vmem>>, vector<16xi32>,
          %swap3A_396 = vector.shape_cast %swap3A_395 : vector<16xi32> to vector<16xi32>
          %swap3A_397 = vector.shape_cast %select_n3A_393 : vector<16xi32> to vector<16xi32>
          tpu.vector_store %arg18[%swap3A_394], %swap3A_397 {strides = array<i32>} : memref<128xi32, #tpu.memory_space<vmem>>, vector<16xi32>,
          %get3A_398 = arith.constant 64 : index
          %get3A_399 = tpu.vector_load %arg15[%get3A_398] {strides = array<i32>} : memref<128xi32, #tpu.memory_space<vmem>>, vector<16xi32>,
          %get3A_400 = vector.shape_cast %get3A_399 : vector<16xi32> to vector<16xi32>
          %min3A_401 = arith.constant 319999 : i32
          %min3A_402 = vector.broadcast %min3A_401 : i32 to vector<16xi32>
          %min3A_403 = arith.minsi %get3A_400, %min3A_402 : vector<16xi32>
          %swap3A_404 = arith.constant 64 : index
          %swap3A_405 = tpu.vector_load %arg16[%swap3A_404] {strides = array<i32>} : memref<128xi32, #tpu.memory_space<vmem>>, vector<16xi32>,
          %swap3A_406 = vector.shape_cast %swap3A_405 : vector<16xi32> to vector<16xi32>
          %swap3A_407 = vector.shape_cast %min3A_403 : vector<16xi32> to vector<16xi32>
          tpu.vector_store %arg16[%swap3A_404], %swap3A_407 {strides = array<i32>} : memref<128xi32, #tpu.memory_space<vmem>>, vector<16xi32>,
          %add3A_408 = arith.constant 80 : i32
          %add3A_409 = arith.addi %multiple_of3A, %add3A_408 : i32
          %add3A_410 = vector.broadcast %add3A_409 : i32 to vector<16xi32>
          %add3A_411 = arith.addi %add3A_410, %iota3A : vector<16xi32>
          %get3A_412 = arith.constant 80 : index
          %get3A_413 = tpu.vector_load %arg17[%get3A_412] {strides = array<i32>} : memref<128xi32, #tpu.memory_space<vmem>>, vector<16xi32>,
          %get3A_414 = vector.shape_cast %get3A_413 : vector<16xi32> to vector<16xi32>
          %sub3A_415 = vector.broadcast %mul3A_22 : i32 to vector<16xi32>
          %sub3A_416 = arith.subi %get3A_414, %sub3A_415 : vector<16xi32>
          %lt3A_417 = vector.broadcast %add3A_73 : i32 to vector<16xi32>
          %lt3A_418 = arith.cmpi slt, %add3A_411, %lt3A_417 : vector<16xi32>
          %ge3A_419 = arith.constant 0 : i32
          %ge3A_420 = vector.broadcast %ge3A_419 : i32 to vector<16xi32>
          %ge3A_421 = arith.cmpi sge, %sub3A_416, %ge3A_420 : vector<16xi32>
          %and3A_422 = arith.andi %lt3A_418, %ge3A_421 : vector<16xi1>
          %lt3A_423 = arith.constant 6144 : i32
          %lt3A_424 = vector.broadcast %lt3A_423 : i32 to vector<16xi32>
          %lt3A_425 = arith.cmpi slt, %sub3A_416, %lt3A_424 : vector<16xi32>
          %and3A_426 = arith.andi %and3A_422, %lt3A_425 : vector<16xi1>
          %add3A_427 = arith.constant 6144 : i32
          %add3A_428 = vector.broadcast %add3A_427 : i32 to vector<16xi32>
          %add3A_429 = arith.addi %add3A_428, %iota3A : vector<16xi32>
          %select_n3A_430 = arith.select %and3A_426, %sub3A_416, %add3A_429 : vector<16xi1>, vector<16xi32>
          %swap3A_431 = arith.constant 80 : index
          %swap3A_432 = tpu.vector_load %arg18[%swap3A_431] {strides = array<i32>} : memref<128xi32, #tpu.memory_space<vmem>>, vector<16xi32>,
          %swap3A_433 = vector.shape_cast %swap3A_432 : vector<16xi32> to vector<16xi32>
          %swap3A_434 = vector.shape_cast %select_n3A_430 : vector<16xi32> to vector<16xi32>
          tpu.vector_store %arg18[%swap3A_431], %swap3A_434 {strides = array<i32>} : memref<128xi32, #tpu.memory_space<vmem>>, vector<16xi32>,
          %get3A_435 = arith.constant 80 : index
          %get3A_436 = tpu.vector_load %arg15[%get3A_435] {strides = array<i32>} : memref<128xi32, #tpu.memory_space<vmem>>, vector<16xi32>,
          %get3A_437 = vector.shape_cast %get3A_436 : vector<16xi32> to vector<16xi32>
          %min3A_438 = arith.constant 319999 : i32
          %min3A_439 = vector.broadcast %min3A_438 : i32 to vector<16xi32>
          %min3A_440 = arith.minsi %get3A_437, %min3A_439 : vector<16xi32>
          %swap3A_441 = arith.constant 80 : index
          %swap3A_442 = tpu.vector_load %arg16[%swap3A_441] {strides = array<i32>} : memref<128xi32, #tpu.memory_space<vmem>>, vector<16xi32>,
          %swap3A_443 = vector.shape_cast %swap3A_442 : vector<16xi32> to vector<16xi32>
          %swap3A_444 = vector.shape_cast %min3A_440 : vector<16xi32> to vector<16xi32>
          tpu.vector_store %arg16[%swap3A_441], %swap3A_444 {strides = array<i32>} : memref<128xi32, #tpu.memory_space<vmem>>, vector<16xi32>,
          %add3A_445 = arith.constant 96 : i32
          %add3A_446 = arith.addi %multiple_of3A, %add3A_445 : i32
          %add3A_447 = vector.broadcast %add3A_446 : i32 to vector<16xi32>
          %add3A_448 = arith.addi %add3A_447, %iota3A : vector<16xi32>
          %get3A_449 = arith.constant 96 : index
          %get3A_450 = tpu.vector_load %arg17[%get3A_449] {strides = array<i32>} : memref<128xi32, #tpu.memory_space<vmem>>, vector<16xi32>,
          %get3A_451 = vector.shape_cast %get3A_450 : vector<16xi32> to vector<16xi32>
          %sub3A_452 = vector.broadcast %mul3A_22 : i32 to vector<16xi32>
          %sub3A_453 = arith.subi %get3A_451, %sub3A_452 : vector<16xi32>
          %lt3A_454 = vector.broadcast %add3A_73 : i32 to vector<16xi32>
          %lt3A_455 = arith.cmpi slt, %add3A_448, %lt3A_454 : vector<16xi32>
          %ge3A_456 = arith.constant 0 : i32
          %ge3A_457 = vector.broadcast %ge3A_456 : i32 to vector<16xi32>
          %ge3A_458 = arith.cmpi sge, %sub3A_453, %ge3A_457 : vector<16xi32>
          %and3A_459 = arith.andi %lt3A_455, %ge3A_458 : vector<16xi1>
          %lt3A_460 = arith.constant 6144 : i32
          %lt3A_461 = vector.broadcast %lt3A_460 : i32 to vector<16xi32>
          %lt3A_462 = arith.cmpi slt, %sub3A_453, %lt3A_461 : vector<16xi32>
          %and3A_463 = arith.andi %and3A_459, %lt3A_462 : vector<16xi1>
          %add3A_464 = arith.constant 6144 : i32
          %add3A_465 = vector.broadcast %add3A_464 : i32 to vector<16xi32>
          %add3A_466 = arith.addi %add3A_465, %iota3A : vector<16xi32>
          %select_n3A_467 = arith.select %and3A_463, %sub3A_453, %add3A_466 : vector<16xi1>, vector<16xi32>
          %swap3A_468 = arith.constant 96 : index
          %swap3A_469 = tpu.vector_load %arg18[%swap3A_468] {strides = array<i32>} : memref<128xi32, #tpu.memory_space<vmem>>, vector<16xi32>,
          %swap3A_470 = vector.shape_cast %swap3A_469 : vector<16xi32> to vector<16xi32>
          %swap3A_471 = vector.shape_cast %select_n3A_467 : vector<16xi32> to vector<16xi32>
          tpu.vector_store %arg18[%swap3A_468], %swap3A_471 {strides = array<i32>} : memref<128xi32, #tpu.memory_space<vmem>>, vector<16xi32>,
          %get3A_472 = arith.constant 96 : index
          %get3A_473 = tpu.vector_load %arg15[%get3A_472] {strides = array<i32>} : memref<128xi32, #tpu.memory_space<vmem>>, vector<16xi32>,
          %get3A_474 = vector.shape_cast %get3A_473 : vector<16xi32> to vector<16xi32>
          %min3A_475 = arith.constant 319999 : i32
          %min3A_476 = vector.broadcast %min3A_475 : i32 to vector<16xi32>
          %min3A_477 = arith.minsi %get3A_474, %min3A_476 : vector<16xi32>
          %swap3A_478 = arith.constant 96 : index
          %swap3A_479 = tpu.vector_load %arg16[%swap3A_478] {strides = array<i32>} : memref<128xi32, #tpu.memory_space<vmem>>, vector<16xi32>,
          %swap3A_480 = vector.shape_cast %swap3A_479 : vector<16xi32> to vector<16xi32>
          %swap3A_481 = vector.shape_cast %min3A_477 : vector<16xi32> to vector<16xi32>
          tpu.vector_store %arg16[%swap3A_478], %swap3A_481 {strides = array<i32>} : memref<128xi32, #tpu.memory_space<vmem>>, vector<16xi32>,
          %add3A_482 = arith.constant 112 : i32
          %add3A_483 = arith.addi %multiple_of3A, %add3A_482 : i32
          %add3A_484 = vector.broadcast %add3A_483 : i32 to vector<16xi32>
          %add3A_485 = arith.addi %add3A_484, %iota3A : vector<16xi32>
          %get3A_486 = arith.constant 112 : index
          %get3A_487 = tpu.vector_load %arg17[%get3A_486] {strides = array<i32>} : memref<128xi32, #tpu.memory_space<vmem>>, vector<16xi32>,
          %get3A_488 = vector.shape_cast %get3A_487 : vector<16xi32> to vector<16xi32>
          %sub3A_489 = vector.broadcast %mul3A_22 : i32 to vector<16xi32>
          %sub3A_490 = arith.subi %get3A_488, %sub3A_489 : vector<16xi32>
          %lt3A_491 = vector.broadcast %add3A_73 : i32 to vector<16xi32>
          %lt3A_492 = arith.cmpi slt, %add3A_485, %lt3A_491 : vector<16xi32>
          %ge3A_493 = arith.constant 0 : i32
          %ge3A_494 = vector.broadcast %ge3A_493 : i32 to vector<16xi32>
          %ge3A_495 = arith.cmpi sge, %sub3A_490, %ge3A_494 : vector<16xi32>
          %and3A_496 = arith.andi %lt3A_492, %ge3A_495 : vector<16xi1>
          %lt3A_497 = arith.constant 6144 : i32
          %lt3A_498 = vector.broadcast %lt3A_497 : i32 to vector<16xi32>
          %lt3A_499 = arith.cmpi slt, %sub3A_490, %lt3A_498 : vector<16xi32>
          %and3A_500 = arith.andi %and3A_496, %lt3A_499 : vector<16xi1>
          %add3A_501 = arith.constant 6144 : i32
          %add3A_502 = vector.broadcast %add3A_501 : i32 to vector<16xi32>
          %add3A_503 = arith.addi %add3A_502, %iota3A : vector<16xi32>
          %select_n3A_504 = arith.select %and3A_500, %sub3A_490, %add3A_503 : vector<16xi1>, vector<16xi32>
          %swap3A_505 = arith.constant 112 : index
          %swap3A_506 = tpu.vector_load %arg18[%swap3A_505] {strides = array<i32>} : memref<128xi32, #tpu.memory_space<vmem>>, vector<16xi32>,
          %swap3A_507 = vector.shape_cast %swap3A_506 : vector<16xi32> to vector<16xi32>
          %swap3A_508 = vector.shape_cast %select_n3A_504 : vector<16xi32> to vector<16xi32>
          tpu.vector_store %arg18[%swap3A_505], %swap3A_508 {strides = array<i32>} : memref<128xi32, #tpu.memory_space<vmem>>, vector<16xi32>,
          %get3A_509 = arith.constant 112 : index
          %get3A_510 = tpu.vector_load %arg15[%get3A_509] {strides = array<i32>} : memref<128xi32, #tpu.memory_space<vmem>>, vector<16xi32>,
          %get3A_511 = vector.shape_cast %get3A_510 : vector<16xi32> to vector<16xi32>
          %min3A_512 = arith.constant 319999 : i32
          %min3A_513 = vector.broadcast %min3A_512 : i32 to vector<16xi32>
          %min3A_514 = arith.minsi %get3A_511, %min3A_513 : vector<16xi32>
          %swap3A_515 = arith.constant 112 : index
          %swap3A_516 = tpu.vector_load %arg16[%swap3A_515] {strides = array<i32>} : memref<128xi32, #tpu.memory_space<vmem>>, vector<16xi32>,
          %swap3A_517 = vector.shape_cast %swap3A_516 : vector<16xi32> to vector<16xi32>
          %swap3A_518 = vector.shape_cast %min3A_514 : vector<16xi32> to vector<16xi32>
          tpu.vector_store %arg16[%swap3A_515], %swap3A_518 {strides = array<i32>} : memref<128xi32, #tpu.memory_space<vmem>>, vector<16xi32>,
          %dma_start3A_519 = arith.constant 0 : i32
          %dma_start3A_520 = arith.constant 0 : i32
          %dma_start3A_521 = tpu.memref_slice %arg2[%dma_start3A_519, %dma_start3A_520] : memref<320000x128xf32, #tpu.memory_space<hbm>> -> memref<320000x128xf32, #tpu.memory_space<hbm>>
          tpu.enqueue_indirect_dma source(%dma_start3A_521 : memref<320000x128xf32, #tpu.memory_space<hbm>>) target(%arg20 : memref<128x128xf32, #tpu.memory_space<vmem>>) offsets(%arg16 : memref<128xi32, #tpu.memory_space<vmem>>) semaphore(%arg23 : memref<!tpu.dma_semaphore, #tpu.memory_space<semaphore_mem>>)
        } else {
        }
        %lt3A_152 = arith.cmpi slt, %add3A_130, %select_n3A_102 : i32
        %jit3A_153 = arith.constant 2 : i32
        %eq3A_154 = arith.constant 0 : i32
        %eq3A_155 = arith.cmpi eq, %jit3A_153, %eq3A_154 : i32
        %jit3A_156 = arith.constant 1 : i32
        %select_n3A_157 = arith.select %eq3A_155, %jit3A_156, %jit3A_153 : i32
        %rem3A_158 = arith.remsi %add3A_130, %select_n3A_157 : i32
        %ne3A_159 = arith.constant 0 : i32
        %ne3A_160 = arith.cmpi ne, %rem3A_158, %ne3A_159 : i32
        %lt3A_161 = arith.constant 0 : i32
        %lt3A_162 = arith.cmpi slt, %rem3A_158, %lt3A_161 : i32
        %lt3A_163 = arith.constant 0 : i32
        %lt3A_164 = arith.cmpi slt, %select_n3A_157, %lt3A_163 : i32
        %ne3A_165 = arith.xori %lt3A_162, %lt3A_164 : i1
        %and3A_166 = arith.andi %ne3A_165, %ne3A_160 : i1
        %add3A_167 = arith.addi %rem3A_158, %select_n3A_157 : i32
        %select_n3A_168 = arith.select %and3A_166, %add3A_167, %rem3A_158 : i32
        %eq3A_169 = arith.constant 0 : i32
        %eq3A_170 = arith.cmpi eq, %select_n3A_168, %eq3A_169 : i32
        %and3A_171 = arith.andi %lt3A_152, %eq3A_170 : i1
        %convert_element_type3A_172 = arith.extui %and3A_171 : i1 to i32
        %cond3A_173 = arith.constant 0 : i32
        %cond3A_174 = arith.cmpi ne, %convert_element_type3A_172, %cond3A_173 : i32
        scf.if %cond3A_174 {
          %mul3A_217 = arith.constant 128 : i32
          %mul3A_218 = arith.muli %add3A_130, %mul3A_217 : i32
          %add3A_219 = arith.addi %add3A_43, %mul3A_218 : i32
          %multiple_of3A = tpu.assume_multiple %add3A_219, 8 : i32
          %dma_start3A = tpu.memref_slice %arg3[%multiple_of3A] : memref<320144xi32, #tpu.memory_space<hbm>> -> memref<128xi32, #tpu.memory_space<hbm>>
          %dma_start3A_220 = tpu.memref_slice %arg3[%multiple_of3A] : memref<320144xi32, #tpu.memory_space<hbm>> -> memref<128xi32, #tpu.memory_space<hbm>>
          tpu.enqueue_dma source(%dma_start3A_220 : memref<128xi32, #tpu.memory_space<hbm>>) target(%arg11 : memref<128xi32, #tpu.memory_space<vmem>>) target_semaphore(%arg24 : memref<!tpu.dma_semaphore, #tpu.memory_space<semaphore_mem>>)
          %dma_start3A_221 = tpu.memref_slice %arg4[%multiple_of3A] : memref<320144xi32, #tpu.memory_space<hbm>> -> memref<128xi32, #tpu.memory_space<hbm>>
          %dma_start3A_222 = tpu.memref_slice %arg4[%multiple_of3A] : memref<320144xi32, #tpu.memory_space<hbm>> -> memref<128xi32, #tpu.memory_space<hbm>>
          tpu.enqueue_dma source(%dma_start3A_222 : memref<128xi32, #tpu.memory_space<hbm>>) target(%arg13 : memref<128xi32, #tpu.memory_space<vmem>>) target_semaphore(%arg25 : memref<!tpu.dma_semaphore, #tpu.memory_space<semaphore_mem>>)
          %dma_wait3A = tpu.memref_slice %arg3[%multiple_of3A] : memref<320144xi32, #tpu.memory_space<hbm>> -> memref<128xi32, #tpu.memory_space<hbm>>
          %dma_wait3A_223 = tpu.memref_slice %arg3[%multiple_of3A] : memref<320144xi32, #tpu.memory_space<hbm>> -> memref<128xi32, #tpu.memory_space<hbm>>
          tpu.wait_dma2 semaphore(%arg24 : memref<!tpu.dma_semaphore, #tpu.memory_space<semaphore_mem>>) src(%dma_wait3A_223 : memref<128xi32, #tpu.memory_space<hbm>>) dst(%arg11 : memref<128xi32, #tpu.memory_space<vmem>>)
          %dma_wait3A_224 = tpu.memref_slice %arg4[%multiple_of3A] : memref<320144xi32, #tpu.memory_space<hbm>> -> memref<128xi32, #tpu.memory_space<hbm>>
          %dma_wait3A_225 = tpu.memref_slice %arg4[%multiple_of3A] : memref<320144xi32, #tpu.memory_space<hbm>> -> memref<128xi32, #tpu.memory_space<hbm>>
          tpu.wait_dma2 semaphore(%arg25 : memref<!tpu.dma_semaphore, #tpu.memory_space<semaphore_mem>>) src(%dma_wait3A_225 : memref<128xi32, #tpu.memory_space<hbm>>) dst(%arg13 : memref<128xi32, #tpu.memory_space<vmem>>)
          %add3A_226 = arith.constant 0 : i32
          %add3A_227 = arith.addi %multiple_of3A, %add3A_226 : i32
          %add3A_228 = vector.broadcast %add3A_227 : i32 to vector<16xi32>
          %add3A_229 = arith.addi %add3A_228, %iota3A : vector<16xi32>
          %get3A_230 = arith.constant 0 : index
          %get3A_231 = tpu.vector_load %arg13[%get3A_230] {strides = array<i32>} : memref<128xi32, #tpu.memory_space<vmem>>, vector<16xi32>,
          %get3A_232 = vector.shape_cast %get3A_231 : vector<16xi32> to vector<16xi32>
          %sub3A_233 = vector.broadcast %mul3A_22 : i32 to vector<16xi32>
          %sub3A_234 = arith.subi %get3A_232, %sub3A_233 : vector<16xi32>
          %lt3A_235 = vector.broadcast %add3A_73 : i32 to vector<16xi32>
          %lt3A_236 = arith.cmpi slt, %add3A_229, %lt3A_235 : vector<16xi32>
          %ge3A = arith.constant 0 : i32
          %ge3A_237 = vector.broadcast %ge3A : i32 to vector<16xi32>
          %ge3A_238 = arith.cmpi sge, %sub3A_234, %ge3A_237 : vector<16xi32>
          %and3A_239 = arith.andi %lt3A_236, %ge3A_238 : vector<16xi1>
          %lt3A_240 = arith.constant 6144 : i32
          %lt3A_241 = vector.broadcast %lt3A_240 : i32 to vector<16xi32>
          %lt3A_242 = arith.cmpi slt, %sub3A_234, %lt3A_241 : vector<16xi32>
          %and3A_243 = arith.andi %and3A_239, %lt3A_242 : vector<16xi1>
          %add3A_244 = arith.constant 6144 : i32
          %add3A_245 = vector.broadcast %add3A_244 : i32 to vector<16xi32>
          %add3A_246 = arith.addi %add3A_245, %iota3A : vector<16xi32>
          %select_n3A_247 = arith.select %and3A_243, %sub3A_234, %add3A_246 : vector<16xi1>, vector<16xi32>
          %swap3A = arith.constant 0 : index
          %swap3A_248 = tpu.vector_load %arg14[%swap3A] {strides = array<i32>} : memref<128xi32, #tpu.memory_space<vmem>>, vector<16xi32>,
          %swap3A_249 = vector.shape_cast %swap3A_248 : vector<16xi32> to vector<16xi32>
          %swap3A_250 = vector.shape_cast %select_n3A_247 : vector<16xi32> to vector<16xi32>
          tpu.vector_store %arg14[%swap3A], %swap3A_250 {strides = array<i32>} : memref<128xi32, #tpu.memory_space<vmem>>, vector<16xi32>,
          %get3A_251 = arith.constant 0 : index
          %get3A_252 = tpu.vector_load %arg11[%get3A_251] {strides = array<i32>} : memref<128xi32, #tpu.memory_space<vmem>>, vector<16xi32>,
          %get3A_253 = vector.shape_cast %get3A_252 : vector<16xi32> to vector<16xi32>
          %min3A = arith.constant 319999 : i32
          %min3A_254 = vector.broadcast %min3A : i32 to vector<16xi32>
          %min3A_255 = arith.minsi %get3A_253, %min3A_254 : vector<16xi32>
          %swap3A_256 = arith.constant 0 : index
          %swap3A_257 = tpu.vector_load %arg12[%swap3A_256] {strides = array<i32>} : memref<128xi32, #tpu.memory_space<vmem>>, vector<16xi32>,
          %swap3A_258 = vector.shape_cast %swap3A_257 : vector<16xi32> to vector<16xi32>
          %swap3A_259 = vector.shape_cast %min3A_255 : vector<16xi32> to vector<16xi32>
          tpu.vector_store %arg12[%swap3A_256], %swap3A_259 {strides = array<i32>} : memref<128xi32, #tpu.memory_space<vmem>>, vector<16xi32>,
          %add3A_260 = arith.constant 16 : i32
          %add3A_261 = arith.addi %multiple_of3A, %add3A_260 : i32
          %add3A_262 = vector.broadcast %add3A_261 : i32 to vector<16xi32>
          %add3A_263 = arith.addi %add3A_262, %iota3A : vector<16xi32>
          %get3A_264 = arith.constant 16 : index
          %get3A_265 = tpu.vector_load %arg13[%get3A_264] {strides = array<i32>} : memref<128xi32, #tpu.memory_space<vmem>>, vector<16xi32>,
          %get3A_266 = vector.shape_cast %get3A_265 : vector<16xi32> to vector<16xi32>
          %sub3A_267 = vector.broadcast %mul3A_22 : i32 to vector<16xi32>
          %sub3A_268 = arith.subi %get3A_266, %sub3A_267 : vector<16xi32>
          %lt3A_269 = vector.broadcast %add3A_73 : i32 to vector<16xi32>
          %lt3A_270 = arith.cmpi slt, %add3A_263, %lt3A_269 : vector<16xi32>
          %ge3A_271 = arith.constant 0 : i32
          %ge3A_272 = vector.broadcast %ge3A_271 : i32 to vector<16xi32>
          %ge3A_273 = arith.cmpi sge, %sub3A_268, %ge3A_272 : vector<16xi32>
          %and3A_274 = arith.andi %lt3A_270, %ge3A_273 : vector<16xi1>
          %lt3A_275 = arith.constant 6144 : i32
          %lt3A_276 = vector.broadcast %lt3A_275 : i32 to vector<16xi32>
          %lt3A_277 = arith.cmpi slt, %sub3A_268, %lt3A_276 : vector<16xi32>
          %and3A_278 = arith.andi %and3A_274, %lt3A_277 : vector<16xi1>
          %add3A_279 = arith.constant 6144 : i32
          %add3A_280 = vector.broadcast %add3A_279 : i32 to vector<16xi32>
          %add3A_281 = arith.addi %add3A_280, %iota3A : vector<16xi32>
          %select_n3A_282 = arith.select %and3A_278, %sub3A_268, %add3A_281 : vector<16xi1>, vector<16xi32>
          %swap3A_283 = arith.constant 16 : index
          %swap3A_284 = tpu.vector_load %arg14[%swap3A_283] {strides = array<i32>} : memref<128xi32, #tpu.memory_space<vmem>>, vector<16xi32>,
          %swap3A_285 = vector.shape_cast %swap3A_284 : vector<16xi32> to vector<16xi32>
          %swap3A_286 = vector.shape_cast %select_n3A_282 : vector<16xi32> to vector<16xi32>
          tpu.vector_store %arg14[%swap3A_283], %swap3A_286 {strides = array<i32>} : memref<128xi32, #tpu.memory_space<vmem>>, vector<16xi32>,
          %get3A_287 = arith.constant 16 : index
          %get3A_288 = tpu.vector_load %arg11[%get3A_287] {strides = array<i32>} : memref<128xi32, #tpu.memory_space<vmem>>, vector<16xi32>,
          %get3A_289 = vector.shape_cast %get3A_288 : vector<16xi32> to vector<16xi32>
          %min3A_290 = arith.constant 319999 : i32
          %min3A_291 = vector.broadcast %min3A_290 : i32 to vector<16xi32>
          %min3A_292 = arith.minsi %get3A_289, %min3A_291 : vector<16xi32>
          %swap3A_293 = arith.constant 16 : index
          %swap3A_294 = tpu.vector_load %arg12[%swap3A_293] {strides = array<i32>} : memref<128xi32, #tpu.memory_space<vmem>>, vector<16xi32>,
          %swap3A_295 = vector.shape_cast %swap3A_294 : vector<16xi32> to vector<16xi32>
          %swap3A_296 = vector.shape_cast %min3A_292 : vector<16xi32> to vector<16xi32>
          tpu.vector_store %arg12[%swap3A_293], %swap3A_296 {strides = array<i32>} : memref<128xi32, #tpu.memory_space<vmem>>, vector<16xi32>,
          %add3A_297 = arith.constant 32 : i32
          %add3A_298 = arith.addi %multiple_of3A, %add3A_297 : i32
          %add3A_299 = vector.broadcast %add3A_298 : i32 to vector<16xi32>
          %add3A_300 = arith.addi %add3A_299, %iota3A : vector<16xi32>
          %get3A_301 = arith.constant 32 : index
          %get3A_302 = tpu.vector_load %arg13[%get3A_301] {strides = array<i32>} : memref<128xi32, #tpu.memory_space<vmem>>, vector<16xi32>,
          %get3A_303 = vector.shape_cast %get3A_302 : vector<16xi32> to vector<16xi32>
          %sub3A_304 = vector.broadcast %mul3A_22 : i32 to vector<16xi32>
          %sub3A_305 = arith.subi %get3A_303, %sub3A_304 : vector<16xi32>
          %lt3A_306 = vector.broadcast %add3A_73 : i32 to vector<16xi32>
          %lt3A_307 = arith.cmpi slt, %add3A_300, %lt3A_306 : vector<16xi32>
          %ge3A_308 = arith.constant 0 : i32
          %ge3A_309 = vector.broadcast %ge3A_308 : i32 to vector<16xi32>
          %ge3A_310 = arith.cmpi sge, %sub3A_305, %ge3A_309 : vector<16xi32>
          %and3A_311 = arith.andi %lt3A_307, %ge3A_310 : vector<16xi1>
          %lt3A_312 = arith.constant 6144 : i32
          %lt3A_313 = vector.broadcast %lt3A_312 : i32 to vector<16xi32>
          %lt3A_314 = arith.cmpi slt, %sub3A_305, %lt3A_313 : vector<16xi32>
          %and3A_315 = arith.andi %and3A_311, %lt3A_314 : vector<16xi1>
          %add3A_316 = arith.constant 6144 : i32
          %add3A_317 = vector.broadcast %add3A_316 : i32 to vector<16xi32>
          %add3A_318 = arith.addi %add3A_317, %iota3A : vector<16xi32>
          %select_n3A_319 = arith.select %and3A_315, %sub3A_305, %add3A_318 : vector<16xi1>, vector<16xi32>
          %swap3A_320 = arith.constant 32 : index
          %swap3A_321 = tpu.vector_load %arg14[%swap3A_320] {strides = array<i32>} : memref<128xi32, #tpu.memory_space<vmem>>, vector<16xi32>,
          %swap3A_322 = vector.shape_cast %swap3A_321 : vector<16xi32> to vector<16xi32>
          %swap3A_323 = vector.shape_cast %select_n3A_319 : vector<16xi32> to vector<16xi32>
          tpu.vector_store %arg14[%swap3A_320], %swap3A_323 {strides = array<i32>} : memref<128xi32, #tpu.memory_space<vmem>>, vector<16xi32>,
          %get3A_324 = arith.constant 32 : index
          %get3A_325 = tpu.vector_load %arg11[%get3A_324] {strides = array<i32>} : memref<128xi32, #tpu.memory_space<vmem>>, vector<16xi32>,
          %get3A_326 = vector.shape_cast %get3A_325 : vector<16xi32> to vector<16xi32>
          %min3A_327 = arith.constant 319999 : i32
          %min3A_328 = vector.broadcast %min3A_327 : i32 to vector<16xi32>
          %min3A_329 = arith.minsi %get3A_326, %min3A_328 : vector<16xi32>
          %swap3A_330 = arith.constant 32 : index
          %swap3A_331 = tpu.vector_load %arg12[%swap3A_330] {strides = array<i32>} : memref<128xi32, #tpu.memory_space<vmem>>, vector<16xi32>,
          %swap3A_332 = vector.shape_cast %swap3A_331 : vector<16xi32> to vector<16xi32>
          %swap3A_333 = vector.shape_cast %min3A_329 : vector<16xi32> to vector<16xi32>
          tpu.vector_store %arg12[%swap3A_330], %swap3A_333 {strides = array<i32>} : memref<128xi32, #tpu.memory_space<vmem>>, vector<16xi32>,
          %add3A_334 = arith.constant 48 : i32
          %add3A_335 = arith.addi %multiple_of3A, %add3A_334 : i32
          %add3A_336 = vector.broadcast %add3A_335 : i32 to vector<16xi32>
          %add3A_337 = arith.addi %add3A_336, %iota3A : vector<16xi32>
          %get3A_338 = arith.constant 48 : index
          %get3A_339 = tpu.vector_load %arg13[%get3A_338] {strides = array<i32>} : memref<128xi32, #tpu.memory_space<vmem>>, vector<16xi32>,
          %get3A_340 = vector.shape_cast %get3A_339 : vector<16xi32> to vector<16xi32>
          %sub3A_341 = vector.broadcast %mul3A_22 : i32 to vector<16xi32>
          %sub3A_342 = arith.subi %get3A_340, %sub3A_341 : vector<16xi32>
          %lt3A_343 = vector.broadcast %add3A_73 : i32 to vector<16xi32>
          %lt3A_344 = arith.cmpi slt, %add3A_337, %lt3A_343 : vector<16xi32>
          %ge3A_345 = arith.constant 0 : i32
          %ge3A_346 = vector.broadcast %ge3A_345 : i32 to vector<16xi32>
          %ge3A_347 = arith.cmpi sge, %sub3A_342, %ge3A_346 : vector<16xi32>
          %and3A_348 = arith.andi %lt3A_344, %ge3A_347 : vector<16xi1>
          %lt3A_349 = arith.constant 6144 : i32
          %lt3A_350 = vector.broadcast %lt3A_349 : i32 to vector<16xi32>
          %lt3A_351 = arith.cmpi slt, %sub3A_342, %lt3A_350 : vector<16xi32>
          %and3A_352 = arith.andi %and3A_348, %lt3A_351 : vector<16xi1>
          %add3A_353 = arith.constant 6144 : i32
          %add3A_354 = vector.broadcast %add3A_353 : i32 to vector<16xi32>
          %add3A_355 = arith.addi %add3A_354, %iota3A : vector<16xi32>
          %select_n3A_356 = arith.select %and3A_352, %sub3A_342, %add3A_355 : vector<16xi1>, vector<16xi32>
          %swap3A_357 = arith.constant 48 : index
          %swap3A_358 = tpu.vector_load %arg14[%swap3A_357] {strides = array<i32>} : memref<128xi32, #tpu.memory_space<vmem>>, vector<16xi32>,
          %swap3A_359 = vector.shape_cast %swap3A_358 : vector<16xi32> to vector<16xi32>
          %swap3A_360 = vector.shape_cast %select_n3A_356 : vector<16xi32> to vector<16xi32>
          tpu.vector_store %arg14[%swap3A_357], %swap3A_360 {strides = array<i32>} : memref<128xi32, #tpu.memory_space<vmem>>, vector<16xi32>,
          %get3A_361 = arith.constant 48 : index
          %get3A_362 = tpu.vector_load %arg11[%get3A_361] {strides = array<i32>} : memref<128xi32, #tpu.memory_space<vmem>>, vector<16xi32>,
          %get3A_363 = vector.shape_cast %get3A_362 : vector<16xi32> to vector<16xi32>
          %min3A_364 = arith.constant 319999 : i32
          %min3A_365 = vector.broadcast %min3A_364 : i32 to vector<16xi32>
          %min3A_366 = arith.minsi %get3A_363, %min3A_365 : vector<16xi32>
          %swap3A_367 = arith.constant 48 : index
          %swap3A_368 = tpu.vector_load %arg12[%swap3A_367] {strides = array<i32>} : memref<128xi32, #tpu.memory_space<vmem>>, vector<16xi32>,
          %swap3A_369 = vector.shape_cast %swap3A_368 : vector<16xi32> to vector<16xi32>
          %swap3A_370 = vector.shape_cast %min3A_366 : vector<16xi32> to vector<16xi32>
          tpu.vector_store %arg12[%swap3A_367], %swap3A_370 {strides = array<i32>} : memref<128xi32, #tpu.memory_space<vmem>>, vector<16xi32>,
          %add3A_371 = arith.constant 64 : i32
          %add3A_372 = arith.addi %multiple_of3A, %add3A_371 : i32
          %add3A_373 = vector.broadcast %add3A_372 : i32 to vector<16xi32>
          %add3A_374 = arith.addi %add3A_373, %iota3A : vector<16xi32>
          %get3A_375 = arith.constant 64 : index
          %get3A_376 = tpu.vector_load %arg13[%get3A_375] {strides = array<i32>} : memref<128xi32, #tpu.memory_space<vmem>>, vector<16xi32>,
          %get3A_377 = vector.shape_cast %get3A_376 : vector<16xi32> to vector<16xi32>
          %sub3A_378 = vector.broadcast %mul3A_22 : i32 to vector<16xi32>
          %sub3A_379 = arith.subi %get3A_377, %sub3A_378 : vector<16xi32>
          %lt3A_380 = vector.broadcast %add3A_73 : i32 to vector<16xi32>
          %lt3A_381 = arith.cmpi slt, %add3A_374, %lt3A_380 : vector<16xi32>
          %ge3A_382 = arith.constant 0 : i32
          %ge3A_383 = vector.broadcast %ge3A_382 : i32 to vector<16xi32>
          %ge3A_384 = arith.cmpi sge, %sub3A_379, %ge3A_383 : vector<16xi32>
          %and3A_385 = arith.andi %lt3A_381, %ge3A_384 : vector<16xi1>
          %lt3A_386 = arith.constant 6144 : i32
          %lt3A_387 = vector.broadcast %lt3A_386 : i32 to vector<16xi32>
          %lt3A_388 = arith.cmpi slt, %sub3A_379, %lt3A_387 : vector<16xi32>
          %and3A_389 = arith.andi %and3A_385, %lt3A_388 : vector<16xi1>
          %add3A_390 = arith.constant 6144 : i32
          %add3A_391 = vector.broadcast %add3A_390 : i32 to vector<16xi32>
          %add3A_392 = arith.addi %add3A_391, %iota3A : vector<16xi32>
          %select_n3A_393 = arith.select %and3A_389, %sub3A_379, %add3A_392 : vector<16xi1>, vector<16xi32>
          %swap3A_394 = arith.constant 64 : index
          %swap3A_395 = tpu.vector_load %arg14[%swap3A_394] {strides = array<i32>} : memref<128xi32, #tpu.memory_space<vmem>>, vector<16xi32>,
          %swap3A_396 = vector.shape_cast %swap3A_395 : vector<16xi32> to vector<16xi32>
          %swap3A_397 = vector.shape_cast %select_n3A_393 : vector<16xi32> to vector<16xi32>
          tpu.vector_store %arg14[%swap3A_394], %swap3A_397 {strides = array<i32>} : memref<128xi32, #tpu.memory_space<vmem>>, vector<16xi32>,
          %get3A_398 = arith.constant 64 : index
          %get3A_399 = tpu.vector_load %arg11[%get3A_398] {strides = array<i32>} : memref<128xi32, #tpu.memory_space<vmem>>, vector<16xi32>,
          %get3A_400 = vector.shape_cast %get3A_399 : vector<16xi32> to vector<16xi32>
          %min3A_401 = arith.constant 319999 : i32
          %min3A_402 = vector.broadcast %min3A_401 : i32 to vector<16xi32>
          %min3A_403 = arith.minsi %get3A_400, %min3A_402 : vector<16xi32>
          %swap3A_404 = arith.constant 64 : index
          %swap3A_405 = tpu.vector_load %arg12[%swap3A_404] {strides = array<i32>} : memref<128xi32, #tpu.memory_space<vmem>>, vector<16xi32>,
          %swap3A_406 = vector.shape_cast %swap3A_405 : vector<16xi32> to vector<16xi32>
          %swap3A_407 = vector.shape_cast %min3A_403 : vector<16xi32> to vector<16xi32>
          tpu.vector_store %arg12[%swap3A_404], %swap3A_407 {strides = array<i32>} : memref<128xi32, #tpu.memory_space<vmem>>, vector<16xi32>,
          %add3A_408 = arith.constant 80 : i32
          %add3A_409 = arith.addi %multiple_of3A, %add3A_408 : i32
          %add3A_410 = vector.broadcast %add3A_409 : i32 to vector<16xi32>
          %add3A_411 = arith.addi %add3A_410, %iota3A : vector<16xi32>
          %get3A_412 = arith.constant 80 : index
          %get3A_413 = tpu.vector_load %arg13[%get3A_412] {strides = array<i32>} : memref<128xi32, #tpu.memory_space<vmem>>, vector<16xi32>,
          %get3A_414 = vector.shape_cast %get3A_413 : vector<16xi32> to vector<16xi32>
          %sub3A_415 = vector.broadcast %mul3A_22 : i32 to vector<16xi32>
          %sub3A_416 = arith.subi %get3A_414, %sub3A_415 : vector<16xi32>
          %lt3A_417 = vector.broadcast %add3A_73 : i32 to vector<16xi32>
          %lt3A_418 = arith.cmpi slt, %add3A_411, %lt3A_417 : vector<16xi32>
          %ge3A_419 = arith.constant 0 : i32
          %ge3A_420 = vector.broadcast %ge3A_419 : i32 to vector<16xi32>
          %ge3A_421 = arith.cmpi sge, %sub3A_416, %ge3A_420 : vector<16xi32>
          %and3A_422 = arith.andi %lt3A_418, %ge3A_421 : vector<16xi1>
          %lt3A_423 = arith.constant 6144 : i32
          %lt3A_424 = vector.broadcast %lt3A_423 : i32 to vector<16xi32>
          %lt3A_425 = arith.cmpi slt, %sub3A_416, %lt3A_424 : vector<16xi32>
          %and3A_426 = arith.andi %and3A_422, %lt3A_425 : vector<16xi1>
          %add3A_427 = arith.constant 6144 : i32
          %add3A_428 = vector.broadcast %add3A_427 : i32 to vector<16xi32>
          %add3A_429 = arith.addi %add3A_428, %iota3A : vector<16xi32>
          %select_n3A_430 = arith.select %and3A_426, %sub3A_416, %add3A_429 : vector<16xi1>, vector<16xi32>
          %swap3A_431 = arith.constant 80 : index
          %swap3A_432 = tpu.vector_load %arg14[%swap3A_431] {strides = array<i32>} : memref<128xi32, #tpu.memory_space<vmem>>, vector<16xi32>,
          %swap3A_433 = vector.shape_cast %swap3A_432 : vector<16xi32> to vector<16xi32>
          %swap3A_434 = vector.shape_cast %select_n3A_430 : vector<16xi32> to vector<16xi32>
          tpu.vector_store %arg14[%swap3A_431], %swap3A_434 {strides = array<i32>} : memref<128xi32, #tpu.memory_space<vmem>>, vector<16xi32>,
          %get3A_435 = arith.constant 80 : index
          %get3A_436 = tpu.vector_load %arg11[%get3A_435] {strides = array<i32>} : memref<128xi32, #tpu.memory_space<vmem>>, vector<16xi32>,
          %get3A_437 = vector.shape_cast %get3A_436 : vector<16xi32> to vector<16xi32>
          %min3A_438 = arith.constant 319999 : i32
          %min3A_439 = vector.broadcast %min3A_438 : i32 to vector<16xi32>
          %min3A_440 = arith.minsi %get3A_437, %min3A_439 : vector<16xi32>
          %swap3A_441 = arith.constant 80 : index
          %swap3A_442 = tpu.vector_load %arg12[%swap3A_441] {strides = array<i32>} : memref<128xi32, #tpu.memory_space<vmem>>, vector<16xi32>,
          %swap3A_443 = vector.shape_cast %swap3A_442 : vector<16xi32> to vector<16xi32>
          %swap3A_444 = vector.shape_cast %min3A_440 : vector<16xi32> to vector<16xi32>
          tpu.vector_store %arg12[%swap3A_441], %swap3A_444 {strides = array<i32>} : memref<128xi32, #tpu.memory_space<vmem>>, vector<16xi32>,
          %add3A_445 = arith.constant 96 : i32
          %add3A_446 = arith.addi %multiple_of3A, %add3A_445 : i32
          %add3A_447 = vector.broadcast %add3A_446 : i32 to vector<16xi32>
          %add3A_448 = arith.addi %add3A_447, %iota3A : vector<16xi32>
          %get3A_449 = arith.constant 96 : index
          %get3A_450 = tpu.vector_load %arg13[%get3A_449] {strides = array<i32>} : memref<128xi32, #tpu.memory_space<vmem>>, vector<16xi32>,
          %get3A_451 = vector.shape_cast %get3A_450 : vector<16xi32> to vector<16xi32>
          %sub3A_452 = vector.broadcast %mul3A_22 : i32 to vector<16xi32>
          %sub3A_453 = arith.subi %get3A_451, %sub3A_452 : vector<16xi32>
          %lt3A_454 = vector.broadcast %add3A_73 : i32 to vector<16xi32>
          %lt3A_455 = arith.cmpi slt, %add3A_448, %lt3A_454 : vector<16xi32>
          %ge3A_456 = arith.constant 0 : i32
          %ge3A_457 = vector.broadcast %ge3A_456 : i32 to vector<16xi32>
          %ge3A_458 = arith.cmpi sge, %sub3A_453, %ge3A_457 : vector<16xi32>
          %and3A_459 = arith.andi %lt3A_455, %ge3A_458 : vector<16xi1>
          %lt3A_460 = arith.constant 6144 : i32
          %lt3A_461 = vector.broadcast %lt3A_460 : i32 to vector<16xi32>
          %lt3A_462 = arith.cmpi slt, %sub3A_453, %lt3A_461 : vector<16xi32>
          %and3A_463 = arith.andi %and3A_459, %lt3A_462 : vector<16xi1>
          %add3A_464 = arith.constant 6144 : i32
          %add3A_465 = vector.broadcast %add3A_464 : i32 to vector<16xi32>
          %add3A_466 = arith.addi %add3A_465, %iota3A : vector<16xi32>
          %select_n3A_467 = arith.select %and3A_463, %sub3A_453, %add3A_466 : vector<16xi1>, vector<16xi32>
          %swap3A_468 = arith.constant 96 : index
          %swap3A_469 = tpu.vector_load %arg14[%swap3A_468] {strides = array<i32>} : memref<128xi32, #tpu.memory_space<vmem>>, vector<16xi32>,
          %swap3A_470 = vector.shape_cast %swap3A_469 : vector<16xi32> to vector<16xi32>
          %swap3A_471 = vector.shape_cast %select_n3A_467 : vector<16xi32> to vector<16xi32>
          tpu.vector_store %arg14[%swap3A_468], %swap3A_471 {strides = array<i32>} : memref<128xi32, #tpu.memory_space<vmem>>, vector<16xi32>,
          %get3A_472 = arith.constant 96 : index
          %get3A_473 = tpu.vector_load %arg11[%get3A_472] {strides = array<i32>} : memref<128xi32, #tpu.memory_space<vmem>>, vector<16xi32>,
          %get3A_474 = vector.shape_cast %get3A_473 : vector<16xi32> to vector<16xi32>
          %min3A_475 = arith.constant 319999 : i32
          %min3A_476 = vector.broadcast %min3A_475 : i32 to vector<16xi32>
          %min3A_477 = arith.minsi %get3A_474, %min3A_476 : vector<16xi32>
          %swap3A_478 = arith.constant 96 : index
          %swap3A_479 = tpu.vector_load %arg12[%swap3A_478] {strides = array<i32>} : memref<128xi32, #tpu.memory_space<vmem>>, vector<16xi32>,
          %swap3A_480 = vector.shape_cast %swap3A_479 : vector<16xi32> to vector<16xi32>
          %swap3A_481 = vector.shape_cast %min3A_477 : vector<16xi32> to vector<16xi32>
          tpu.vector_store %arg12[%swap3A_478], %swap3A_481 {strides = array<i32>} : memref<128xi32, #tpu.memory_space<vmem>>, vector<16xi32>,
          %add3A_482 = arith.constant 112 : i32
          %add3A_483 = arith.addi %multiple_of3A, %add3A_482 : i32
          %add3A_484 = vector.broadcast %add3A_483 : i32 to vector<16xi32>
          %add3A_485 = arith.addi %add3A_484, %iota3A : vector<16xi32>
          %get3A_486 = arith.constant 112 : index
          %get3A_487 = tpu.vector_load %arg13[%get3A_486] {strides = array<i32>} : memref<128xi32, #tpu.memory_space<vmem>>, vector<16xi32>,
          %get3A_488 = vector.shape_cast %get3A_487 : vector<16xi32> to vector<16xi32>
          %sub3A_489 = vector.broadcast %mul3A_22 : i32 to vector<16xi32>
          %sub3A_490 = arith.subi %get3A_488, %sub3A_489 : vector<16xi32>
          %lt3A_491 = vector.broadcast %add3A_73 : i32 to vector<16xi32>
          %lt3A_492 = arith.cmpi slt, %add3A_485, %lt3A_491 : vector<16xi32>
          %ge3A_493 = arith.constant 0 : i32
          %ge3A_494 = vector.broadcast %ge3A_493 : i32 to vector<16xi32>
          %ge3A_495 = arith.cmpi sge, %sub3A_490, %ge3A_494 : vector<16xi32>
          %and3A_496 = arith.andi %lt3A_492, %ge3A_495 : vector<16xi1>
          %lt3A_497 = arith.constant 6144 : i32
          %lt3A_498 = vector.broadcast %lt3A_497 : i32 to vector<16xi32>
          %lt3A_499 = arith.cmpi slt, %sub3A_490, %lt3A_498 : vector<16xi32>
          %and3A_500 = arith.andi %and3A_496, %lt3A_499 : vector<16xi1>
          %add3A_501 = arith.constant 6144 : i32
          %add3A_502 = vector.broadcast %add3A_501 : i32 to vector<16xi32>
          %add3A_503 = arith.addi %add3A_502, %iota3A : vector<16xi32>
          %select_n3A_504 = arith.select %and3A_500, %sub3A_490, %add3A_503 : vector<16xi1>, vector<16xi32>
          %swap3A_505 = arith.constant 112 : index
          %swap3A_506 = tpu.vector_load %arg14[%swap3A_505] {strides = array<i32>} : memref<128xi32, #tpu.memory_space<vmem>>, vector<16xi32>,
          %swap3A_507 = vector.shape_cast %swap3A_506 : vector<16xi32> to vector<16xi32>
          %swap3A_508 = vector.shape_cast %select_n3A_504 : vector<16xi32> to vector<16xi32>
          tpu.vector_store %arg14[%swap3A_505], %swap3A_508 {strides = array<i32>} : memref<128xi32, #tpu.memory_space<vmem>>, vector<16xi32>,
          %get3A_509 = arith.constant 112 : index
          %get3A_510 = tpu.vector_load %arg11[%get3A_509] {strides = array<i32>} : memref<128xi32, #tpu.memory_space<vmem>>, vector<16xi32>,
          %get3A_511 = vector.shape_cast %get3A_510 : vector<16xi32> to vector<16xi32>
          %min3A_512 = arith.constant 319999 : i32
          %min3A_513 = vector.broadcast %min3A_512 : i32 to vector<16xi32>
          %min3A_514 = arith.minsi %get3A_511, %min3A_513 : vector<16xi32>
          %swap3A_515 = arith.constant 112 : index
          %swap3A_516 = tpu.vector_load %arg12[%swap3A_515] {strides = array<i32>} : memref<128xi32, #tpu.memory_space<vmem>>, vector<16xi32>,
          %swap3A_517 = vector.shape_cast %swap3A_516 : vector<16xi32> to vector<16xi32>
          %swap3A_518 = vector.shape_cast %min3A_514 : vector<16xi32> to vector<16xi32>
          tpu.vector_store %arg12[%swap3A_515], %swap3A_518 {strides = array<i32>} : memref<128xi32, #tpu.memory_space<vmem>>, vector<16xi32>,
          %dma_start3A_519 = arith.constant 0 : i32
          %dma_start3A_520 = arith.constant 0 : i32
          %dma_start3A_521 = tpu.memref_slice %arg2[%dma_start3A_519, %dma_start3A_520] : memref<320000x128xf32, #tpu.memory_space<hbm>> -> memref<320000x128xf32, #tpu.memory_space<hbm>>
          tpu.enqueue_indirect_dma source(%dma_start3A_521 : memref<320000x128xf32, #tpu.memory_space<hbm>>) target(%arg19 : memref<128x128xf32, #tpu.memory_space<vmem>>) offsets(%arg12 : memref<128xi32, #tpu.memory_space<vmem>>) semaphore(%arg22 : memref<!tpu.dma_semaphore, #tpu.memory_space<semaphore_mem>>)
        } else {
        }
        %jit3A_175 = arith.constant 2 : i32
        %eq3A_176 = arith.constant 0 : i32
        %eq3A_177 = arith.cmpi eq, %jit3A_175, %eq3A_176 : i32
        %jit3A_178 = arith.constant 1 : i32
        %select_n3A_179 = arith.select %eq3A_177, %jit3A_178, %jit3A_175 : i32
        %rem3A_180 = arith.remsi %add3A_128, %select_n3A_179 : i32
        %ne3A_181 = arith.constant 0 : i32
        %ne3A_182 = arith.cmpi ne, %rem3A_180, %ne3A_181 : i32
        %lt3A_183 = arith.constant 0 : i32
        %lt3A_184 = arith.cmpi slt, %rem3A_180, %lt3A_183 : i32
        %lt3A_185 = arith.constant 0 : i32
        %lt3A_186 = arith.cmpi slt, %select_n3A_179, %lt3A_185 : i32
        %ne3A_187 = arith.xori %lt3A_184, %lt3A_186 : i1
        %and3A_188 = arith.andi %ne3A_187, %ne3A_182 : i1
        %add3A_189 = arith.addi %rem3A_180, %select_n3A_179 : i32
        %select_n3A_190 = arith.select %and3A_188, %add3A_189, %rem3A_180 : i32
        %eq3A_191 = arith.constant 0 : i32
        %eq3A_192 = arith.cmpi eq, %select_n3A_190, %eq3A_191 : i32
        %convert_element_type3A_193 = arith.extui %eq3A_192 : i1 to i32
        %cond3A_194 = arith.constant 0 : i32
        %cond3A_195 = arith.cmpi ne, %convert_element_type3A_193, %cond3A_194 : i32
        scf.if %cond3A_195 {
          %dma_wait3A = arith.constant 0 : i32
          %dma_wait3A_217 = arith.constant 0 : i32
          %dma_wait3A_218 = tpu.memref_slice %arg2[%dma_wait3A, %dma_wait3A_217] : memref<320000x128xf32, #tpu.memory_space<hbm>> -> memref<128x128xf32, #tpu.memory_space<hbm>>
          %dma_wait3A_219 = arith.constant 0 : i32
          %dma_wait3A_220 = arith.constant 0 : i32
          %dma_wait3A_221 = tpu.memref_slice %arg2[%dma_wait3A_219, %dma_wait3A_220] : memref<320000x128xf32, #tpu.memory_space<hbm>> -> memref<128x128xf32, #tpu.memory_space<hbm>>
          tpu.wait_dma2 semaphore(%arg22 : memref<!tpu.dma_semaphore, #tpu.memory_space<semaphore_mem>>) src(%dma_wait3A_221 : memref<128x128xf32, #tpu.memory_space<hbm>>) dst(%arg19 : memref<128x128xf32, #tpu.memory_space<vmem>>)
          "tpu.region"() ({
            %run_scoped3A = tpu.sem_alloc : memref<!tpu.dma_semaphore, #tpu.memory_space<semaphore_mem>>
            %dma_start3A = arith.constant 0 : i32
            %dma_start3A_222 = arith.constant 0 : i32
            %dma_start3A_223 = tpu.memref_slice %arg21[%dma_start3A, %dma_start3A_222] : memref<6160x128xf32, #tpu.memory_space<vmem_shared>> -> memref<6160x128xf32, #tpu.memory_space<vmem_shared>>
            tpu.enqueue_indirect_dma source(%arg19 : memref<128x128xf32, #tpu.memory_space<vmem>>) target(%dma_start3A_223 : memref<6160x128xf32, #tpu.memory_space<vmem_shared>>) offsets(%arg14 : memref<128xi32, #tpu.memory_space<vmem>>) semaphore(%run_scoped3A : memref<!tpu.dma_semaphore, #tpu.memory_space<semaphore_mem>>) {add = true}
            %dma_wait3A_224 = arith.constant 0 : i32
            %dma_wait3A_225 = arith.constant 0 : i32
            %dma_wait3A_226 = tpu.memref_slice %arg21[%dma_wait3A_224, %dma_wait3A_225] : memref<6160x128xf32, #tpu.memory_space<vmem_shared>> -> memref<6160x128xf32, #tpu.memory_space<vmem_shared>>
            tpu.wait_indirect_dma semaphore(%run_scoped3A : memref<!tpu.dma_semaphore, #tpu.memory_space<semaphore_mem>>) src(%arg19 : memref<128x128xf32, #tpu.memory_space<vmem>>) dst(%dma_wait3A_226 : memref<6160x128xf32, #tpu.memory_space<vmem_shared>>)
            tpu.yield
          }) : () -> ()
        } else {
        }
        %jit3A_196 = arith.constant 2 : i32
        %eq3A_197 = arith.constant 0 : i32
        %eq3A_198 = arith.cmpi eq, %jit3A_196, %eq3A_197 : i32
        %jit3A_199 = arith.constant 1 : i32
        %select_n3A_200 = arith.select %eq3A_198, %jit3A_199, %jit3A_196 : i32
        %rem3A_201 = arith.remsi %add3A_128, %select_n3A_200 : i32
        %ne3A_202 = arith.constant 0 : i32
        %ne3A_203 = arith.cmpi ne, %rem3A_201, %ne3A_202 : i32
        %lt3A_204 = arith.constant 0 : i32
        %lt3A_205 = arith.cmpi slt, %rem3A_201, %lt3A_204 : i32
        %lt3A_206 = arith.constant 0 : i32
        %lt3A_207 = arith.cmpi slt, %select_n3A_200, %lt3A_206 : i32
        %ne3A_208 = arith.xori %lt3A_205, %lt3A_207 : i1
        %and3A_209 = arith.andi %ne3A_208, %ne3A_203 : i1
        %add3A_210 = arith.addi %rem3A_201, %select_n3A_200 : i32
        %select_n3A_211 = arith.select %and3A_209, %add3A_210, %rem3A_201 : i32
        %eq3A_212 = arith.constant 1 : i32
        %eq3A_213 = arith.cmpi eq, %select_n3A_211, %eq3A_212 : i32
        %convert_element_type3A_214 = arith.extui %eq3A_213 : i1 to i32
        %cond3A_215 = arith.constant 0 : i32
        %cond3A_216 = arith.cmpi ne, %convert_element_type3A_214, %cond3A_215 : i32
        scf.if %cond3A_216 {
          %dma_wait3A = arith.constant 0 : i32
          %dma_wait3A_217 = arith.constant 0 : i32
          %dma_wait3A_218 = tpu.memref_slice %arg2[%dma_wait3A, %dma_wait3A_217] : memref<320000x128xf32, #tpu.memory_space<hbm>> -> memref<128x128xf32, #tpu.memory_space<hbm>>
          %dma_wait3A_219 = arith.constant 0 : i32
          %dma_wait3A_220 = arith.constant 0 : i32
          %dma_wait3A_221 = tpu.memref_slice %arg2[%dma_wait3A_219, %dma_wait3A_220] : memref<320000x128xf32, #tpu.memory_space<hbm>> -> memref<128x128xf32, #tpu.memory_space<hbm>>
          tpu.wait_dma2 semaphore(%arg23 : memref<!tpu.dma_semaphore, #tpu.memory_space<semaphore_mem>>) src(%dma_wait3A_221 : memref<128x128xf32, #tpu.memory_space<hbm>>) dst(%arg20 : memref<128x128xf32, #tpu.memory_space<vmem>>)
          "tpu.region"() ({
            %run_scoped3A = tpu.sem_alloc : memref<!tpu.dma_semaphore, #tpu.memory_space<semaphore_mem>>
            %dma_start3A = arith.constant 0 : i32
            %dma_start3A_222 = arith.constant 0 : i32
            %dma_start3A_223 = tpu.memref_slice %arg21[%dma_start3A, %dma_start3A_222] : memref<6160x128xf32, #tpu.memory_space<vmem_shared>> -> memref<6160x128xf32, #tpu.memory_space<vmem_shared>>
            tpu.enqueue_indirect_dma source(%arg20 : memref<128x128xf32, #tpu.memory_space<vmem>>) target(%dma_start3A_223 : memref<6160x128xf32, #tpu.memory_space<vmem_shared>>) offsets(%arg18 : memref<128xi32, #tpu.memory_space<vmem>>) semaphore(%run_scoped3A : memref<!tpu.dma_semaphore, #tpu.memory_space<semaphore_mem>>) {add = true}
            %dma_wait3A_224 = arith.constant 0 : i32
            %dma_wait3A_225 = arith.constant 0 : i32
            %dma_wait3A_226 = tpu.memref_slice %arg21[%dma_wait3A_224, %dma_wait3A_225] : memref<6160x128xf32, #tpu.memory_space<vmem_shared>> -> memref<6160x128xf32, #tpu.memory_space<vmem_shared>>
            tpu.wait_indirect_dma semaphore(%run_scoped3A : memref<!tpu.dma_semaphore, #tpu.memory_space<semaphore_mem>>) src(%arg20 : memref<128x128xf32, #tpu.memory_space<vmem>>) dst(%dma_wait3A_226 : memref<6160x128xf32, #tpu.memory_space<vmem_shared>>)
            tpu.yield
          }) : () -> ()
        } else {
        }
      }
      %barrier3A_123 = arith.constant 0 : index
      tpu.barrier barrier_id(%barrier3A_123)
      %add3A_124 = arith.addi %mul3A_22, %mul3A_75 : i32
      "tpu.region"() ({
        %run_scoped3A = tpu.sem_alloc : memref<!tpu.dma_semaphore, #tpu.memory_space<semaphore_mem>>
        %dma_start3A = arith.constant 0 : i32
        %dma_start3A_126 = tpu.memref_slice %arg8[%add3A_124, %dma_start3A] : memref<331776x128xf32, #tpu.memory_space<hbm>> -> memref<384x128xf32, #tpu.memory_space<hbm>>
        %dma_start3A_127 = arith.constant 0 : i32
        %dma_start3A_128 = tpu.memref_slice %arg21[%mul3A_75, %dma_start3A_127] : memref<6160x128xf32, #tpu.memory_space<vmem_shared>> -> memref<384x128xf32, #tpu.memory_space<vmem_shared>>
        tpu.enqueue_dma source(%dma_start3A_128 : memref<384x128xf32, #tpu.memory_space<vmem_shared>>) target(%dma_start3A_126 : memref<384x128xf32, #tpu.memory_space<hbm>>) target_semaphore(%run_scoped3A : memref<!tpu.dma_semaphore, #tpu.memory_space<semaphore_mem>>)
        %dma_wait3A = arith.constant 0 : i32
        %dma_wait3A_129 = tpu.memref_slice %arg8[%add3A_124, %dma_wait3A] : memref<331776x128xf32, #tpu.memory_space<hbm>> -> memref<384x128xf32, #tpu.memory_space<hbm>>
        %dma_wait3A_130 = arith.constant 0 : i32
        %dma_wait3A_131 = tpu.memref_slice %arg21[%mul3A_75, %dma_wait3A_130] : memref<6160x128xf32, #tpu.memory_space<vmem_shared>> -> memref<384x128xf32, #tpu.memory_space<vmem_shared>>
        tpu.wait_dma2 semaphore(%run_scoped3A : memref<!tpu.dma_semaphore, #tpu.memory_space<semaphore_mem>>) src(%dma_wait3A_131 : memref<384x128xf32, #tpu.memory_space<vmem_shared>>) dst(%dma_wait3A_129 : memref<384x128xf32, #tpu.memory_space<hbm>>)
        tpu.yield
      }) : () -> ()
      "tpu.region"() ({
        %run_scoped3A = tpu.sem_alloc : memref<!tpu.dma_semaphore, #tpu.memory_space<semaphore_mem>>
        %dma_start3A = arith.constant 0 : i32
        %dma_start3A_126 = tpu.memref_slice %arg21[%mul3A_75, %dma_start3A] : memref<6160x128xf32, #tpu.memory_space<vmem_shared>> -> memref<384x128xf32, #tpu.memory_space<vmem_shared>>
        %dma_start3A_127 = arith.constant 0 : i32
        %dma_start3A_128 = tpu.memref_slice %arg7[%mul3A_75, %dma_start3A_127] : memref<6144x128xf32, #tpu.memory_space<hbm>> -> memref<384x128xf32, #tpu.memory_space<hbm>>
        tpu.enqueue_dma source(%dma_start3A_128 : memref<384x128xf32, #tpu.memory_space<hbm>>) target(%dma_start3A_126 : memref<384x128xf32, #tpu.memory_space<vmem_shared>>) target_semaphore(%run_scoped3A : memref<!tpu.dma_semaphore, #tpu.memory_space<semaphore_mem>>)
        %dma_wait3A = arith.constant 0 : i32
        %dma_wait3A_129 = tpu.memref_slice %arg21[%mul3A_75, %dma_wait3A] : memref<6160x128xf32, #tpu.memory_space<vmem_shared>> -> memref<384x128xf32, #tpu.memory_space<vmem_shared>>
        %dma_wait3A_130 = arith.constant 0 : i32
        %dma_wait3A_131 = tpu.memref_slice %arg7[%mul3A_75, %dma_wait3A_130] : memref<6144x128xf32, #tpu.memory_space<hbm>> -> memref<384x128xf32, #tpu.memory_space<hbm>>
        tpu.wait_dma2 semaphore(%run_scoped3A : memref<!tpu.dma_semaphore, #tpu.memory_space<semaphore_mem>>) src(%dma_wait3A_131 : memref<384x128xf32, #tpu.memory_space<hbm>>) dst(%dma_wait3A_129 : memref<384x128xf32, #tpu.memory_space<vmem_shared>>)
        tpu.yield
      }) : () -> ()
      %barrier3A_125 = arith.constant 0 : index
      tpu.barrier barrier_id(%barrier3A_125)
    }
    %scan3A_4 = arith.constant 27 : i32
    return
  }
}

module attributes {stable_mosaic.version = 14 : i64} {
  func.func @_head_body(%arg0: i32, %arg1: memref<2000x4xi32, #tpu.memory_space<vmem>>, %arg2: memref<2000x128xf32, #tpu.memory_space<vmem>>, %arg3: memref<128x3xf32, #tpu.memory_space<vmem>>, %arg4: memref<1x3xf32, #tpu.memory_space<vmem>>, %arg5: memref<2000x3xf32, #tpu.memory_space<vmem>>, %arg6: memref<2000x4xi32, #tpu.memory_space<vmem>>, %arg7: memref<1x1x2000xi32, #tpu.memory_space<vmem>>, %arg8: memref<2000x8xf32, #tpu.memory_space<vmem>>) attributes {dimension_semantics = [#tpu.dimension_semantics<arbitrary>], iteration_bounds = array<i64: 160>, scalar_prefetch = 0 : i64, scratch_operands = 0 : i64, tpu.core_type = #tpu.core_type<tc>, window_params = [{transform_indices = @transform_0, window_bounds = array<i64: 2000, 4>}, {transform_indices = @transform_1, window_bounds = array<i64: 2000, 128>}, {pipeline_mode = #tpu.pipeline_mode<synchronous>, transform_indices = @transform_2, window_bounds = array<i64: 128, 3>}, {pipeline_mode = #tpu.pipeline_mode<synchronous>, transform_indices = @transform_3, window_bounds = array<i64: 1, 3>}, {transform_indices = @transform_4, window_bounds = array<i64: 2000, 3>}, {transform_indices = @transform_5, window_bounds = array<i64: 2000, 4>}, {transform_indices = @transform_6, window_bounds = array<i64: 1, 1, 2000>}, {transform_indices = @transform_7, window_bounds = array<i64: 2000, 8>}]} {
    %get3A = arith.constant 0 : index
    %get3A_0 = arith.constant 0 : index
    %get3A_1 = vector.load %arg2[%get3A, %get3A_0] : memref<2000x128xf32, #tpu.memory_space<vmem>>, vector<2000x128xf32>
    %get3A_2 = arith.constant 0 : index
    %get3A_3 = arith.constant 0 : index
    %get3A_4 = vector.load %arg3[%get3A_2, %get3A_3] : memref<128x3xf32, #tpu.memory_space<vmem>>, vector<128x3xf32>
    %dot_general3A = arith.constant dense<0.000000e+00> : vector<2000x3xf32>
    %dot_general3A_5 = tpu.matmul %get3A_1, %get3A_4, %dot_general3A {dimension_numbers = #tpu.dot_dimension_numbers<[1], [0], [0], [1], [0, 0, 1, 1], [], []>, transpose_lhs_hint = false} : vector<2000x128xf32>, vector<128x3xf32>, vector<2000x3xf32> -> vector<2000x3xf32>
    %get3A_6 = arith.constant 0 : index
    %get3A_7 = arith.constant 0 : index
    %get3A_8 = vector.load %arg4[%get3A_6, %get3A_7] : memref<1x3xf32, #tpu.memory_space<vmem>>, vector<1x3xf32>
    %get3A_9 = vector.shape_cast %get3A_8 : vector<1x3xf32> to vector<3xf32>
    %broadcast_in_dim3A = vector.shape_cast %get3A_9 : vector<3xf32> to vector<1x3xf32>
    %add3A = vector.broadcast %broadcast_in_dim3A : vector<1x3xf32> to vector<2000x3xf32>
    %add3A_10 = arith.addf %dot_general3A_5, %add3A : vector<2000x3xf32>
    %swap3A = arith.constant 0 : index
    %swap3A_11 = arith.constant 0 : index
    %swap3A_12 = vector.load %arg5[%swap3A, %swap3A_11] : memref<2000x3xf32, #tpu.memory_space<vmem>>, vector<2000x3xf32>
    tpu.vector_store %arg5[%swap3A, %swap3A_11], %add3A_10 {strides = array<i32>} : memref<2000x3xf32, #tpu.memory_space<vmem>>, vector<2000x3xf32>,
    %get3A_13 = arith.constant 0 : index
    %get3A_14 = arith.constant 0 : index
    %get3A_15 = vector.load %arg1[%get3A_13, %get3A_14] : memref<2000x4xi32, #tpu.memory_space<vmem>>, vector<2000x4xi32>
    %convert_element_type3A = arith.fptosi %add3A_10 : vector<2000x3xf32> to vector<2000x3xi32>
    %broadcast_in_dim3A_16 = arith.constant 0 : i32
    %broadcast_in_dim3A_17 = vector.broadcast %broadcast_in_dim3A_16 : i32 to vector<2000x1xi32>
    %concatenate3A = tpu.concatenate %broadcast_in_dim3A_17, %convert_element_type3A in 1 : vector<2000x1xi32>, vector<2000x3xi32> -> vector<2000x4xi32>
    %add3A_18 = arith.addi %get3A_15, %concatenate3A : vector<2000x4xi32>
    %swap3A_19 = arith.constant 0 : index
    %swap3A_20 = arith.constant 0 : index
    %swap3A_21 = vector.load %arg6[%swap3A_19, %swap3A_20] : memref<2000x4xi32, #tpu.memory_space<vmem>>, vector<2000x4xi32>
    tpu.vector_store %arg6[%swap3A_19, %swap3A_20], %add3A_18 {strides = array<i32>} : memref<2000x4xi32, #tpu.memory_space<vmem>>, vector<2000x4xi32>,
    %convert_element_type3A_22 = arith.sitofp %add3A_18 : vector<2000x4xi32> to vector<2000x4xf32>
    %broadcast_in_dim3A_23 = arith.constant 1.000000e+00 : f32
    %broadcast_in_dim3A_24 = vector.broadcast %broadcast_in_dim3A_23 : f32 to vector<2000x1xf32>
    %broadcast_in_dim3A_25 = arith.constant 0.000000e+00 : f32
    %broadcast_in_dim3A_26 = vector.broadcast %broadcast_in_dim3A_25 : f32 to vector<2000x3xf32>
    %concatenate3A_27 = tpu.concatenate %convert_element_type3A_22, %broadcast_in_dim3A_24, %broadcast_in_dim3A_26 in 1 : vector<2000x4xf32>, vector<2000x1xf32>, vector<2000x3xf32> -> vector<2000x8xf32>
    %swap3A_28 = arith.constant 0 : index
    %swap3A_29 = arith.constant 0 : index
    %swap3A_30 = vector.load %arg8[%swap3A_28, %swap3A_29] : memref<2000x8xf32, #tpu.memory_space<vmem>>, vector<2000x8xf32>
    tpu.vector_store %arg8[%swap3A_28, %swap3A_29], %concatenate3A_27 {strides = array<i32>} : memref<2000x8xf32, #tpu.memory_space<vmem>>, vector<2000x8xf32>,
    %add3A_31 = arith.constant 1024 : i32
    %add3A_32 = vector.broadcast %add3A_31 : i32 to vector<2000x4xi32>
    %add3A_33 = arith.addi %add3A_18, %add3A_32 : vector<2000x4xi32>
    %slice3A = vector.extract_strided_slice %add3A_33 {offsets = [0, 0], sizes = [2000, 1], strides = [1, 1]} : vector<2000x4xi32> to vector<2000x1xi32>
    %squeeze3A = vector.shape_cast %slice3A : vector<2000x1xi32> to vector<2000xi32>
    %mul3A = arith.constant 4096 : i32
    %mul3A_34 = vector.broadcast %mul3A : i32 to vector<2000xi32>
    %mul3A_35 = arith.muli %squeeze3A, %mul3A_34 : vector<2000xi32>
    %slice3A_36 = vector.extract_strided_slice %add3A_33 {offsets = [0, 1], sizes = [2000, 1], strides = [1, 1]} : vector<2000x4xi32> to vector<2000x1xi32>
    %squeeze3A_37 = vector.shape_cast %slice3A_36 : vector<2000x1xi32> to vector<2000xi32>
    %add3A_38 = arith.addi %mul3A_35, %squeeze3A_37 : vector<2000xi32>
    %mul3A_39 = arith.constant 4096 : i32
    %mul3A_40 = vector.broadcast %mul3A_39 : i32 to vector<2000xi32>
    %mul3A_41 = arith.muli %add3A_38, %mul3A_40 : vector<2000xi32>
    %slice3A_42 = vector.extract_strided_slice %add3A_33 {offsets = [0, 2], sizes = [2000, 1], strides = [1, 1]} : vector<2000x4xi32> to vector<2000x1xi32>
    %squeeze3A_43 = vector.shape_cast %slice3A_42 : vector<2000x1xi32> to vector<2000xi32>
    %add3A_44 = arith.addi %mul3A_41, %squeeze3A_43 : vector<2000xi32>
    %mul3A_45 = arith.constant 4096 : i32
    %mul3A_46 = vector.broadcast %mul3A_45 : i32 to vector<2000xi32>
    %mul3A_47 = arith.muli %add3A_44, %mul3A_46 : vector<2000xi32>
    %slice3A_48 = vector.extract_strided_slice %add3A_33 {offsets = [0, 3], sizes = [2000, 1], strides = [1, 1]} : vector<2000x4xi32> to vector<2000x1xi32>
    %squeeze3A_49 = vector.shape_cast %slice3A_48 : vector<2000x1xi32> to vector<2000xi32>
    %add3A_50 = arith.addi %mul3A_47, %squeeze3A_49 : vector<2000xi32>
    %reshape3A = vector.shape_cast %add3A_50 : vector<2000xi32> to vector<1x1x2000xi32>
    %swap3A_51 = arith.constant 0 : index
    %swap3A_52 = arith.constant 0 : index
    %swap3A_53 = arith.constant 0 : index
    %swap3A_54 = vector.load %arg7[%swap3A_51, %swap3A_52, %swap3A_53] : memref<1x1x2000xi32, #tpu.memory_space<vmem>>, vector<1x1x2000xi32>
    tpu.vector_store %arg7[%swap3A_51, %swap3A_52, %swap3A_53], %reshape3A {strides = array<i32>} : memref<1x1x2000xi32, #tpu.memory_space<vmem>>, vector<1x1x2000xi32>,
    return
  }
  func.func @transform_0(%arg0: i32) -> (i32, i32) {
    %c0_i32 = arith.constant 0 : i32
    %c0_i32_0 = arith.constant 0 : i32
    return %arg0, %c0_i32 : i32, i32
  }
  func.func @transform_1(%arg0: i32) -> (i32, i32) {
    %c0_i32 = arith.constant 0 : i32
    %c0_i32_0 = arith.constant 0 : i32
    return %arg0, %c0_i32 : i32, i32
  }
  func.func @transform_2(%arg0: i32) -> (i32, i32) {
    %c0_i32 = arith.constant 0 : i32
    %c0_i32_0 = arith.constant 0 : i32
    %c0_i32_1 = arith.constant 0 : i32
    return %c0_i32, %c0_i32_0 : i32, i32
  }
  func.func @transform_3(%arg0: i32) -> (i32, i32) {
    %c0_i32 = arith.constant 0 : i32
    %c0_i32_0 = arith.constant 0 : i32
    %c0_i32_1 = arith.constant 0 : i32
    return %c0_i32, %c0_i32_0 : i32, i32
  }
  func.func @transform_4(%arg0: i32) -> (i32, i32) {
    %c0_i32 = arith.constant 0 : i32
    %c0_i32_0 = arith.constant 0 : i32
    return %arg0, %c0_i32 : i32, i32
  }
  func.func @transform_5(%arg0: i32) -> (i32, i32) {
    %c0_i32 = arith.constant 0 : i32
    %c0_i32_0 = arith.constant 0 : i32
    return %arg0, %c0_i32 : i32, i32
  }
  func.func @transform_6(%arg0: i32) -> (i32, i32, i32) {
    %c0_i32 = arith.constant 0 : i32
    %c0_i32_0 = arith.constant 0 : i32
    %c0_i32_1 = arith.constant 0 : i32
    return %arg0, %c0_i32, %c0_i32_0 : i32, i32, i32
  }
  func.func @transform_7(%arg0: i32) -> (i32, i32) {
    %c0_i32 = arith.constant 0 : i32
    %c0_i32_0 = arith.constant 0 : i32
    return %arg0, %c0_i32 : i32, i32
  }
}

module attributes {stable_mosaic.version = 14 : i64} {
  func.func @_rank_body(%arg0: i32, %arg1: memref<1x1x8000xi32, #tpu.memory_space<vmem>>, %arg2: memref<1x1x8000xi32, #tpu.memory_space<vmem>>, %arg3: memref<1xi32, #tpu.memory_space<smem>>, %arg4: memref<1xi32, #tpu.memory_space<smem>>) attributes {dimension_semantics = [#tpu.dimension_semantics<arbitrary>], iteration_bounds = array<i64: 40>, scalar_prefetch = 0 : i64, scratch_operands = 2 : i64, tpu.core_type = #tpu.core_type<tc>, window_params = [{transform_indices = @transform_0, window_bounds = array<i64: 1, 1, 8000>}, {transform_indices = @transform_1, window_bounds = array<i64: 1, 1, 8000>}]} {
    %eq3A = arith.constant 0 : i32
    %eq3A_0 = arith.cmpi eq, %arg0, %eq3A : i32
    %convert_element_type3A = arith.extui %eq3A_0 : i1 to i32
    %cond3A = arith.constant 0 : i32
    %cond3A_1 = arith.cmpi ne, %convert_element_type3A, %cond3A : i32
    scf.if %cond3A_1 {
      %get3A_93 = arith.constant 0 : index
      %get3A_94 = arith.constant 0 : index
      %get3A_95 = arith.constant 0 : index
      %get3A_96 = vector.load %arg1[%get3A_93, %get3A_94, %get3A_95] : memref<1x1x8000xi32, #tpu.memory_space<vmem>>, vector<1x1x1xi32>
      %get3A_97 = vector.extract %get3A_96[0, 0, 0] : i32 from vector<1x1x1xi32>
      %add3A_98 = arith.constant 1 : i32
      %add3A_99 = arith.addi %get3A_97, %add3A_98 : i32
      %swap3A_100 = arith.constant 0 : index
      %swap3A_101 = memref.load %arg3[%swap3A_100] : memref<1xi32, #tpu.memory_space<smem>>
      memref.store %add3A_99, %arg3[%swap3A_100] : memref<1xi32, #tpu.memory_space<smem>>
      %swap3A_102 = arith.constant 0 : i32
      %swap3A_103 = arith.constant 0 : index
      %swap3A_104 = memref.load %arg4[%swap3A_103] : memref<1xi32, #tpu.memory_space<smem>>
      memref.store %swap3A_102, %arg4[%swap3A_103] : memref<1xi32, #tpu.memory_space<smem>>
    } else {
    }
    %get3A = arith.constant 0 : index
    %get3A_2 = arith.constant 0 : index
    %get3A_3 = arith.constant 0 : index
    %get3A_4 = vector.load %arg1[%get3A, %get3A_2, %get3A_3] : memref<1x1x8000xi32, #tpu.memory_space<vmem>>, vector<1x1x8000xi32>
    %get3A_5 = vector.shape_cast %get3A_4 : vector<1x1x8000xi32> to vector<8000xi32>
    %get3A_6 = arith.constant 0 : index
    %get3A_7 = memref.load %arg3[%get3A_6] : memref<1xi32, #tpu.memory_space<smem>>
    %broadcast_in_dim3A = vector.broadcast %get3A_7 : i32 to vector<1xi32>
    %slice3A = vector.extract_strided_slice %get3A_5 {offsets = [0], sizes = [7999], strides = [1]} : vector<8000xi32> to vector<7999xi32>
    %concatenate3A = tpu.concatenate %broadcast_in_dim3A, %slice3A in 0 : vector<1xi32>, vector<7999xi32> -> vector<8000xi32>
    %ne3A = arith.cmpi ne, %get3A_5, %concatenate3A : vector<8000xi32>
    %convert_element_type3A_8 = arith.extui %ne3A : vector<8000xi1> to vector<8000xi32>
    %broadcast_in_dim3A_9 = arith.constant 0 : i32
    %broadcast_in_dim3A_10 = vector.broadcast %broadcast_in_dim3A_9 : i32 to vector<1xi32>
    %slice3A_11 = vector.extract_strided_slice %convert_element_type3A_8 {offsets = [0], sizes = [7999], strides = [1]} : vector<8000xi32> to vector<7999xi32>
    %concatenate3A_12 = tpu.concatenate %broadcast_in_dim3A_10, %slice3A_11 in 0 : vector<1xi32>, vector<7999xi32> -> vector<8000xi32>
    %add3A = arith.addi %convert_element_type3A_8, %concatenate3A_12 : vector<8000xi32>
    %broadcast_in_dim3A_13 = arith.constant 0 : i32
    %broadcast_in_dim3A_14 = vector.broadcast %broadcast_in_dim3A_13 : i32 to vector<2xi32>
    %slice3A_15 = vector.extract_strided_slice %add3A {offsets = [0], sizes = [7998], strides = [1]} : vector<8000xi32> to vector<7998xi32>
    %concatenate3A_16 = tpu.concatenate %broadcast_in_dim3A_14, %slice3A_15 in 0 : vector<2xi32>, vector<7998xi32> -> vector<8000xi32>
    %add3A_17 = arith.addi %add3A, %concatenate3A_16 : vector<8000xi32>
    %broadcast_in_dim3A_18 = arith.constant 0 : i32
    %broadcast_in_dim3A_19 = vector.broadcast %broadcast_in_dim3A_18 : i32 to vector<4xi32>
    %slice3A_20 = vector.extract_strided_slice %add3A_17 {offsets = [0], sizes = [7996], strides = [1]} : vector<8000xi32> to vector<7996xi32>
    %concatenate3A_21 = tpu.concatenate %broadcast_in_dim3A_19, %slice3A_20 in 0 : vector<4xi32>, vector<7996xi32> -> vector<8000xi32>
    %add3A_22 = arith.addi %add3A_17, %concatenate3A_21 : vector<8000xi32>
    %broadcast_in_dim3A_23 = arith.constant 0 : i32
    %broadcast_in_dim3A_24 = vector.broadcast %broadcast_in_dim3A_23 : i32 to vector<8xi32>
    %slice3A_25 = vector.extract_strided_slice %add3A_22 {offsets = [0], sizes = [7992], strides = [1]} : vector<8000xi32> to vector<7992xi32>
    %concatenate3A_26 = tpu.concatenate %broadcast_in_dim3A_24, %slice3A_25 in 0 : vector<8xi32>, vector<7992xi32> -> vector<8000xi32>
    %add3A_27 = arith.addi %add3A_22, %concatenate3A_26 : vector<8000xi32>
    %broadcast_in_dim3A_28 = arith.constant 0 : i32
    %broadcast_in_dim3A_29 = vector.broadcast %broadcast_in_dim3A_28 : i32 to vector<16xi32>
    %slice3A_30 = vector.extract_strided_slice %add3A_27 {offsets = [0], sizes = [7984], strides = [1]} : vector<8000xi32> to vector<7984xi32>
    %concatenate3A_31 = tpu.concatenate %broadcast_in_dim3A_29, %slice3A_30 in 0 : vector<16xi32>, vector<7984xi32> -> vector<8000xi32>
    %add3A_32 = arith.addi %add3A_27, %concatenate3A_31 : vector<8000xi32>
    %broadcast_in_dim3A_33 = arith.constant 0 : i32
    %broadcast_in_dim3A_34 = vector.broadcast %broadcast_in_dim3A_33 : i32 to vector<32xi32>
    %slice3A_35 = vector.extract_strided_slice %add3A_32 {offsets = [0], sizes = [7968], strides = [1]} : vector<8000xi32> to vector<7968xi32>
    %concatenate3A_36 = tpu.concatenate %broadcast_in_dim3A_34, %slice3A_35 in 0 : vector<32xi32>, vector<7968xi32> -> vector<8000xi32>
    %add3A_37 = arith.addi %add3A_32, %concatenate3A_36 : vector<8000xi32>
    %broadcast_in_dim3A_38 = arith.constant 0 : i32
    %broadcast_in_dim3A_39 = vector.broadcast %broadcast_in_dim3A_38 : i32 to vector<64xi32>
    %slice3A_40 = vector.extract_strided_slice %add3A_37 {offsets = [0], sizes = [7936], strides = [1]} : vector<8000xi32> to vector<7936xi32>
    %concatenate3A_41 = tpu.concatenate %broadcast_in_dim3A_39, %slice3A_40 in 0 : vector<64xi32>, vector<7936xi32> -> vector<8000xi32>
    %add3A_42 = arith.addi %add3A_37, %concatenate3A_41 : vector<8000xi32>
    %broadcast_in_dim3A_43 = arith.constant 0 : i32
    %broadcast_in_dim3A_44 = vector.broadcast %broadcast_in_dim3A_43 : i32 to vector<128xi32>
    %slice3A_45 = vector.extract_strided_slice %add3A_42 {offsets = [0], sizes = [7872], strides = [1]} : vector<8000xi32> to vector<7872xi32>
    %concatenate3A_46 = tpu.concatenate %broadcast_in_dim3A_44, %slice3A_45 in 0 : vector<128xi32>, vector<7872xi32> -> vector<8000xi32>
    %add3A_47 = arith.addi %add3A_42, %concatenate3A_46 : vector<8000xi32>
    %broadcast_in_dim3A_48 = arith.constant 0 : i32
    %broadcast_in_dim3A_49 = vector.broadcast %broadcast_in_dim3A_48 : i32 to vector<256xi32>
    %slice3A_50 = vector.extract_strided_slice %add3A_47 {offsets = [0], sizes = [7744], strides = [1]} : vector<8000xi32> to vector<7744xi32>
    %concatenate3A_51 = tpu.concatenate %broadcast_in_dim3A_49, %slice3A_50 in 0 : vector<256xi32>, vector<7744xi32> -> vector<8000xi32>
    %add3A_52 = arith.addi %add3A_47, %concatenate3A_51 : vector<8000xi32>
    %broadcast_in_dim3A_53 = arith.constant 0 : i32
    %broadcast_in_dim3A_54 = vector.broadcast %broadcast_in_dim3A_53 : i32 to vector<512xi32>
    %slice3A_55 = vector.extract_strided_slice %add3A_52 {offsets = [0], sizes = [7488], strides = [1]} : vector<8000xi32> to vector<7488xi32>
    %concatenate3A_56 = tpu.concatenate %broadcast_in_dim3A_54, %slice3A_55 in 0 : vector<512xi32>, vector<7488xi32> -> vector<8000xi32>
    %add3A_57 = arith.addi %add3A_52, %concatenate3A_56 : vector<8000xi32>
    %broadcast_in_dim3A_58 = arith.constant 0 : i32
    %broadcast_in_dim3A_59 = vector.broadcast %broadcast_in_dim3A_58 : i32 to vector<1024xi32>
    %slice3A_60 = vector.extract_strided_slice %add3A_57 {offsets = [0], sizes = [6976], strides = [1]} : vector<8000xi32> to vector<6976xi32>
    %concatenate3A_61 = tpu.concatenate %broadcast_in_dim3A_59, %slice3A_60 in 0 : vector<1024xi32>, vector<6976xi32> -> vector<8000xi32>
    %add3A_62 = arith.addi %add3A_57, %concatenate3A_61 : vector<8000xi32>
    %broadcast_in_dim3A_63 = arith.constant 0 : i32
    %broadcast_in_dim3A_64 = vector.broadcast %broadcast_in_dim3A_63 : i32 to vector<2048xi32>
    %slice3A_65 = vector.extract_strided_slice %add3A_62 {offsets = [0], sizes = [5952], strides = [1]} : vector<8000xi32> to vector<5952xi32>
    %concatenate3A_66 = tpu.concatenate %broadcast_in_dim3A_64, %slice3A_65 in 0 : vector<2048xi32>, vector<5952xi32> -> vector<8000xi32>
    %add3A_67 = arith.addi %add3A_62, %concatenate3A_66 : vector<8000xi32>
    %broadcast_in_dim3A_68 = arith.constant 0 : i32
    %broadcast_in_dim3A_69 = vector.broadcast %broadcast_in_dim3A_68 : i32 to vector<4096xi32>
    %slice3A_70 = vector.extract_strided_slice %add3A_67 {offsets = [0], sizes = [3904], strides = [1]} : vector<8000xi32> to vector<3904xi32>
    %concatenate3A_71 = tpu.concatenate %broadcast_in_dim3A_69, %slice3A_70 in 0 : vector<4096xi32>, vector<3904xi32> -> vector<8000xi32>
    %add3A_72 = arith.addi %add3A_67, %concatenate3A_71 : vector<8000xi32>
    %get3A_73 = arith.constant 0 : index
    %get3A_74 = memref.load %arg4[%get3A_73] : memref<1xi32, #tpu.memory_space<smem>>
    %add3A_75 = vector.broadcast %get3A_74 : i32 to vector<8000xi32>
    %add3A_76 = arith.addi %add3A_72, %add3A_75 : vector<8000xi32>
    %sub3A = arith.constant 1 : i32
    %sub3A_77 = vector.broadcast %sub3A : i32 to vector<8000xi32>
    %sub3A_78 = arith.subi %add3A_76, %sub3A_77 : vector<8000xi32>
    %swap3A = arith.constant 0 : index
    %swap3A_79 = arith.constant 0 : index
    %swap3A_80 = arith.constant 0 : index
    %swap3A_81 = vector.load %arg2[%swap3A, %swap3A_79, %swap3A_80] : memref<1x1x8000xi32, #tpu.memory_space<vmem>>, vector<1x1x8000xi32>
    %swap3A_82 = vector.shape_cast %swap3A_81 : vector<1x1x8000xi32> to vector<8000xi32>
    %swap3A_83 = vector.shape_cast %sub3A_78 : vector<8000xi32> to vector<1x1x8000xi32>
    tpu.vector_store %arg2[%swap3A, %swap3A_79, %swap3A_80], %swap3A_83 {strides = array<i32>} : memref<1x1x8000xi32, #tpu.memory_space<vmem>>, vector<1x1x8000xi32>,
    %slice3A_84 = vector.extract_strided_slice %sub3A_78 {offsets = [7999], sizes = [1], strides = [1]} : vector<8000xi32> to vector<1xi32>
    %squeeze3A = vector.extract %slice3A_84[0] : i32 from vector<1xi32>
    %add3A_85 = arith.constant 1 : i32
    %add3A_86 = arith.addi %squeeze3A, %add3A_85 : i32
    %swap3A_87 = arith.constant 0 : index
    %swap3A_88 = memref.load %arg4[%swap3A_87] : memref<1xi32, #tpu.memory_space<smem>>
    memref.store %add3A_86, %arg4[%swap3A_87] : memref<1xi32, #tpu.memory_space<smem>>
    %slice3A_89 = vector.extract_strided_slice %get3A_5 {offsets = [7999], sizes = [1], strides = [1]} : vector<8000xi32> to vector<1xi32>
    %squeeze3A_90 = vector.extract %slice3A_89[0] : i32 from vector<1xi32>
    %swap3A_91 = arith.constant 0 : index
    %swap3A_92 = memref.load %arg3[%swap3A_91] : memref<1xi32, #tpu.memory_space<smem>>
    memref.store %squeeze3A_90, %arg3[%swap3A_91] : memref<1xi32, #tpu.memory_space<smem>>
    return
  }
  func.func @transform_0(%arg0: i32) -> (i32, i32, i32) {
    %c0_i32 = arith.constant 0 : i32
    %c0_i32_0 = arith.constant 0 : i32
    %c0_i32_1 = arith.constant 0 : i32
    return %arg0, %c0_i32, %c0_i32_0 : i32, i32, i32
  }
  func.func @transform_1(%arg0: i32) -> (i32, i32, i32) {
    %c0_i32 = arith.constant 0 : i32
    %c0_i32_0 = arith.constant 0 : i32
    %c0_i32_1 = arith.constant 0 : i32
    return %arg0, %c0_i32, %c0_i32_0 : i32, i32, i32
  }
}

module attributes {stable_mosaic.version = 14 : i64} {
  func.func @_finish_body(%arg0: i32, %arg1: memref<2000x128xf32, #tpu.memory_space<vmem>>, %arg2: memref<2000x8xf32, #tpu.memory_space<vmem>>, %arg3: memref<2000x128xf32, #tpu.memory_space<vmem>>, %arg4: memref<2000x4xi32, #tpu.memory_space<vmem>>) attributes {dimension_semantics = [#tpu.dimension_semantics<arbitrary>], iteration_bounds = array<i64: 160>, scalar_prefetch = 0 : i64, scratch_operands = 0 : i64, tpu.core_type = #tpu.core_type<tc>, window_params = [{transform_indices = @transform_0, window_bounds = array<i64: 2000, 128>}, {transform_indices = @transform_1, window_bounds = array<i64: 2000, 8>}, {transform_indices = @transform_2, window_bounds = array<i64: 2000, 128>}, {transform_indices = @transform_3, window_bounds = array<i64: 2000, 4>}]} {
    %get3A = arith.constant 0 : index
    %get3A_0 = arith.constant 0 : index
    %get3A_1 = vector.load %arg2[%get3A, %get3A_0] : memref<2000x8xf32, #tpu.memory_space<vmem>>, vector<2000x8xf32>
    %slice3A = vector.extract_strided_slice %get3A_1 {offsets = [0, 4], sizes = [2000, 1], strides = [1, 1]} : vector<2000x8xf32> to vector<2000x1xf32>
    %max3A = arith.constant 1.000000e+00 : f32
    %max3A_2 = vector.broadcast %max3A : f32 to vector<2000x1xf32>
    %max3A_3 = arith.maximumf %slice3A, %max3A_2 : vector<2000x1xf32>
    %div3A = arith.constant 1.000000e+00 : f32
    %div3A_4 = vector.broadcast %div3A : f32 to vector<2000x1xf32>
    %div3A_5 = arith.divf %div3A_4, %max3A_3 : vector<2000x1xf32>
    %get3A_6 = arith.constant 0 : index
    %get3A_7 = arith.constant 0 : index
    %get3A_8 = vector.load %arg1[%get3A_6, %get3A_7] : memref<2000x128xf32, #tpu.memory_space<vmem>>, vector<2000x128xf32>
    %mul3A = vector.broadcast %div3A_5 : vector<2000x1xf32> to vector<2000x128xf32>
    %mul3A_9 = arith.mulf %get3A_8, %mul3A : vector<2000x128xf32>
    %swap3A = arith.constant 0 : index
    %swap3A_10 = arith.constant 0 : index
    %swap3A_11 = vector.load %arg3[%swap3A, %swap3A_10] : memref<2000x128xf32, #tpu.memory_space<vmem>>, vector<2000x128xf32>
    tpu.vector_store %arg3[%swap3A, %swap3A_10], %mul3A_9 {strides = array<i32>} : memref<2000x128xf32, #tpu.memory_space<vmem>>, vector<2000x128xf32>,
    %slice3A_12 = vector.extract_strided_slice %get3A_1 {offsets = [0, 0], sizes = [2000, 4], strides = [1, 1]} : vector<2000x8xf32> to vector<2000x4xf32>
    %mul3A_13 = vector.broadcast %div3A_5 : vector<2000x1xf32> to vector<2000x4xf32>
    %mul3A_14 = arith.mulf %slice3A_12, %mul3A_13 : vector<2000x4xf32>
    %convert_element_type3A = arith.fptosi %mul3A_14 : vector<2000x4xf32> to vector<2000x4xi32>
    %swap3A_15 = arith.constant 0 : index
    %swap3A_16 = arith.constant 0 : index
    %swap3A_17 = vector.load %arg4[%swap3A_15, %swap3A_16] : memref<2000x4xi32, #tpu.memory_space<vmem>>, vector<2000x4xi32>
    tpu.vector_store %arg4[%swap3A_15, %swap3A_16], %convert_element_type3A {strides = array<i32>} : memref<2000x4xi32, #tpu.memory_space<vmem>>, vector<2000x4xi32>,
    return
  }
  func.func @transform_0(%arg0: i32) -> (i32, i32) {
    %c0_i32 = arith.constant 0 : i32
    %c0_i32_0 = arith.constant 0 : i32
    return %arg0, %c0_i32 : i32, i32
  }
  func.func @transform_1(%arg0: i32) -> (i32, i32) {
    %c0_i32 = arith.constant 0 : i32
    %c0_i32_0 = arith.constant 0 : i32
    return %arg0, %c0_i32 : i32, i32
  }
  func.func @transform_2(%arg0: i32) -> (i32, i32) {
    %c0_i32 = arith.constant 0 : i32
    %c0_i32_0 = arith.constant 0 : i32
    return %arg0, %c0_i32 : i32, i32
  }
  func.func @transform_3(%arg0: i32) -> (i32, i32) {
    %c0_i32 = arith.constant 0 : i32
    %c0_i32_0 = arith.constant 0 : i32
    return %arg0, %c0_i32 : i32, i32
  }
}

</mosaic_0001>

<sc_bundles>
// kernel: kernel.6.cloned.1.call-start
scs
__scs_entry_jumppad:
0x0: {  	(pc) =	sbr.rel $0x88, $3  }
0x1: {  	(tag) =	ssettag $0x0;
	lr =	simm.s32 $0x1  }
0x2: {  	[smem:$0x3F9D] =	sst lr;
	_ =	strace $0xD0000000  }
0x3: {  	_ = 	snop  }
0x4: {  	_ = 	snop  }
0x5: {  	_ = 	snop  }
0x6: {  	_ = 	snop  }
0x7: {  	_ = 	snop  }
__scs_overlays_trampoline_lowered:
0x8: {  	[smem:$0x3FAC] =	sst s0  }
0x9: {  	[smem:$0x3FAD] =	sst s1  }
0xa: {  	[smem:$0x3FAE] =	sst s2  }
0xb: {  	[smem:$0x3FAF] =	sst s3  }
0xc: {  	[smem:$0x3FB0] =	sst s4  }
0xd: {  	[smem:$0x3FB1] =	sst s5  }
0xe: {  	[smem:$0x3FB2] =	sst s6  }
0xf: {  	[smem:$0x3FB3] =	sst s7  }
0x10: {  	[smem:$0x3FB4] =	sst s8  }
0x11: {  	[smem:$0x3FB5] =	sst s9;
	s0 =	simm.s32 @!p0 $0x0  }
0x12: {  	s1 =	sld [smem:$0x3F9B];
	s0 =	simm.s32 @p0 $0x1  }
0x13: {  	[smem:$0x3FB6] =	sst s0;
	s0 =	simm.s32 @!p1 $0x0  }
0x14: {  	s2 =	sld [smem:$0x3F9A];
	s0 =	simm.s32 @p1 $0x1  }
0x15: {  	[smem:$0x3FB7] =	sst s0;
	s0 =	simm.s32 @!p2 $0x0  }
0x16: {  	s3 =	sld [smem:$0x3FDB];
	s0 =	simm.s32 @p2 $0x1  }
0x17: {  	s4 =	simm.s32 $0x1BF5;
	[smem:$0x3FB9] =	sst s0  }
0x18: {  	s0 =	sld [smem:$0x3F9C];
	_ =	swait.ge [sflag:s4], $0x0  }
0x19: {  	s7 =	sld [smem:$0x3F9D]  }
0x1a: {  	s8 =	sadd.s32 $0xFFFFE003, lr  }
0x1b: {  	s9 =	sadd.s32 $0xFFFFFEF7, lr;
	s5 =	simm.s32 $0xFFFFFFFF;
	p2 =	slt.u32 s8, $0xFFFFF086  }
0x1c: {  	p1 =	slt.u32 s9, $0xF7A;
	s5 =	simm.s32 @!p2 $0x0  }
0x1d: {  	s5 =	simm.s32 @p1 $0x1;
	p0 =	seq.s32 s7, s2  }
0x1e: {  	s7 =	smul.u32 @!p0 $0xF7A, s2;
	p2 =	seq.s32 @!p0 s5, $0x0  }
0x1f: {  	s9 =	smul.u32 $0xF7A, s1;
	s8 =	simm.s32 @!p0 $0x1BF5;
	p2 =	por !p2, p0  }
0x20: {  	[sflag:s8] =	ssyncset.s32 @!p0 $0xFFFFF086;
	s6 =	sadd.s32 @!p0 s3, s7;
	s7 =	simm.s32 @!p0 $0x108  }
0x21: {  	s3 =	sadd.s32 s3, s9;
	s6 =	sadd.s32 @!p0 $0x88, s6;
	s7 =	simm.s32 @p2 $0x1082  }
0x22: {  	[simem:s7], [sflag:s8] =	dma.local @!p0 [hbm:s6], $0xF7A  }
0x23: {  	s9 =	sor.u32 $0xD0000000, s2;
	s6 =	simm.s32 $0x108;
	_ =	swait.ge @!p0 [sflag:s8], $0x0  }
0x24: {  	s3 =	sadd.s32 $0x88, s3;
	s6 =	simm.s32 @!p1 $0x1082;
	[sflag:s4] =	ssyncset.s32 $0xFFFFF086  }
0x25: {  	[simem:s6], [sflag:s4] =	dma.local [hbm:s3], $0xF7A  }
0x26: {  	[smem:$0x3F9D] =	sst s1;
	(tag) =	ssettag s2;
	_ =	strace s9  }
0x27: {  	s1 =	sld [smem:$0x3FAD]  }
0x28: {  	s2 =	sld [smem:$0x3FAE]  }
0x29: {  	s4 =	sld [smem:$0x3FB0]  }
0x2a: {  	p0 =	seq.s32 s5, $0x0;
	s5 =	sld [smem:$0x3FB1]  }
0x2b: {  	s6 =	sld [smem:$0x3FB2]  }
0x2c: {  	s7 =	sld [smem:$0x3FB3]  }
0x2d: {  	s3 =	simm.s32 $0x108;
	s8 =	sld [smem:$0x3FB4]  }
0x2e: {  	s3 =	simm.s32 @!p0 $0x1082;
	s9 =	sld [smem:$0x3FB5]  }
0x2f: {  	lr =	sadd.s32 s0, s3;
	s0 =	sld [smem:$0x3FAC]  }
0x30: {  	s3 =	sld [smem:$0x3FAF]  }
0x31: {  	[smem:$0x3FB8] =	sst s10  }
0x32: {  	s10 =	sld [smem:$0x3FB6];
	_ =	sdelay $0x3  }
0x33: {  	p0 =	seq.s32 s10, $0x1;
	s10 =	sld [smem:$0x3FB8];
	_ =	sdelay $0x3  }
0x34: {  	[smem:$0x3FB8] =	sst s10  }
0x35: {  	s10 =	sld [smem:$0x3FB7];
	_ =	sdelay $0x3  }
0x36: {  	p1 =	seq.s32 s10, $0x1;
	s10 =	sld [smem:$0x3FB8];
	_ =	sdelay $0x3  }
0x37: {  	[smem:$0x3FB8] =	sst s10  }
0x38: {  	s10 =	sld [smem:$0x3FB9]  }
0x39: {  	_ = 	snop;
	(pc) =	sbr.ind lr, $3  }
0x3a: {  	_ = 	snop  }
0x3b: {  	_ = 	snop  }
0x3c: {  	p2 =	seq.s32 s10, $0x1;
	s10 =	sld [smem:$0x3FB8]  }
0x3d: {  	_ =	shalt  }
0x3e: {  	_ =	shalt  }
0x3f: {  	_ =	shalt  }
0x40: {  	_ =	shalt  }
0x41: {  	_ =	shalt  }
0x42: {  	_ =	shalt  }
0x43: {  	_ =	shalt  }
0x44: {  	_ =	shalt  }
0x45: {  	_ =	shalt  }
0x46: {  	_ =	shalt  }
0x47: {  	_ =	shalt  }
0x48: {  	_ =	shalt  }
0x49: {  	_ =	shalt  }
0x4a: {  	_ =	shalt  }
0x4b: {  	_ =	shalt  }
0x4c: {  	_ =	shalt  }
0x4d: {  	_ =	shalt  }
0x4e: {  	_ =	shalt  }
0x4f: {  	_ =	shalt  }
0x50: {  	_ =	shalt  }
0x51: {  	_ =	shalt  }
0x52: {  	_ =	shalt  }
0x53: {  	_ =	shalt  }
0x54: {  	_ =	shalt  }
0x55: {  	_ =	shalt  }
0x56: {  	_ =	shalt  }
0x57: {  	_ =	shalt  }
0x58: {  	_ =	shalt  }
0x59: {  	_ =	shalt  }
0x5a: {  	_ =	shalt  }
0x5b: {  	_ =	shalt  }
0x5c: {  	_ =	shalt  }
0x5d: {  	_ =	shalt  }
0x5e: {  	_ =	shalt  }
0x5f: {  	_ =	shalt  }
0x60: {  	_ =	shalt  }
0x61: {  	_ =	shalt  }
0x62: {  	_ =	shalt  }
0x63: {  	_ =	shalt  }
0x64: {  	_ =	shalt  }
0x65: {  	_ =	shalt  }
0x66: {  	_ =	shalt  }
0x67: {  	_ =	shalt  }
0x68: {  	_ =	shalt  }
0x69: {  	_ =	shalt  }
0x6a: {  	_ =	shalt  }
0x6b: {  	_ =	shalt  }
0x6c: {  	_ =	shalt  }
0x6d: {  	_ =	shalt  }
0x6e: {  	_ =	shalt  }
0x6f: {  	_ =	shalt  }
0x70: {  	_ =	shalt  }
0x71: {  	_ =	shalt  }
0x72: {  	_ =	shalt  }
0x73: {  	_ =	shalt  }
0x74: {  	_ =	shalt  }
0x75: {  	_ =	shalt  }
0x76: {  	_ =	shalt  }
0x77: {  	_ =	shalt  }
0x78: {  	_ =	shalt  }
0x79: {  	_ =	shalt  }
0x7a: {  	_ =	shalt  }
0x7b: {  	_ =	shalt  }
0x7c: {  	_ =	shalt  }
0x7d: {  	_ =	shalt  }
0x7e: {  	_ =	shalt  }
0x7f: {  	_ =	shalt  }
0x80: {  	_ =	shalt  }
0x81: {  	_ =	shalt  }
0x82: {  	_ =	shalt  }
0x83: {  	_ =	shalt  }
0x84: {  	_ =	shalt  }
0x85: {  	_ =	shalt  }
0x86: {  	_ =	shalt  }
0x87: {  	_ =	shalt  }
.Lfunc_end0:
.L_simem_size_0:
called_computation.2_lowered:
.L_overlay_start_0:
0x88: {  	s2 =	sld [smem:$0x3FD9]  }
0x89: {  	s3 =	sld [smem:$0x3FFE];
	_ =	sdelay $0x1  }
0x8a: {  	s1 =	srdreg.scid  }
0x8b: {  	s0 =	sand.u32 $0x1, s1  }
0x8c: {  	s15 =	sshll.u32 s0, $0xA;
	s2 =	sadd.s32 s3, s2  }
0x8d: {  	s2 =	sadd.s32 s2, s15  }
0x8e: {  	[smem:$0x3FC4] =	sst s2  }
0x8f: {  	_ = 	snop  }
0x90: {  	s2 =	sld [smem:$0x3FD0];
	_ =	sdelay $0x2  }
0x91: {  	s5 =	simm.s32 $0xB;
	s4 =	simm.s32 $0x10;
	s16 =	sld [smem:$0x3FC9]  }
0x92: {  	[smem:s4], [sflag:s5] =	dma.local [hbm:s2], $0x1  }
0x93: {  	_ =	swait.eq [sflag:s5], $0x1  }
0x94: {  	[sflag:s5] =	ssyncset.done $0x0  }
0x95: {  	s17 =	sld [smem:$0x11];
	[sflag:s5] =	ssyncadd.s32 $0xFFFFFFFF  }
0x96: {  	s18 =	sld [smem:$0x12];
	(tm) =	ssettm $0x1  }
0x97: {  	s19 =	sld [smem:$0x3FFB];
	_ =	sdelay $0x3  }
0x98: {  	_ =	strace s19  }
0x99: {  	s2 =	sld [smem:$0x3FFC];
	_ =	sdelay $0x3  }
0x9a: {  	_ =	strace s2  }
0x9b: {  	s2 =	sld [smem:$0x3FFD];
	_ =	sdelay $0x3  }
0x9c: {  	_ =	strace s2  }
0x9d: {  	_ =	strace $0x8FFFFFFF  }
0x9e: {  	s20 =	sld [smem:$0x3FDB];
	_ =	sdelay $0x1  }
0x9f: {  	s6 =	simm.s32 $_scs_section_size  }
0xa0: {  	s7 =	simm.s32 $_size__tile_overlayer_lowered;
	s8 =	simm.s32 $_tile_overlayer_lowered  }
0xa1: {  	s9 =	simm.s32 $0x1BFF;
	s21 =	sshll.u32 s8, $0x1;
	s6 =	sadd.s32 s6, s20  }
0xa2: {  	s22 =	simm.s32 $0x0;
	s7 =	sshll.u32 s7, $0x1;
	s8 =	sadd.s32 s21, s6  }
0xa3: {  	[timem:s22], [sflag:s9] =	dma.local [hbm:s8], s7  }
0xa4: {  	_ =	swait.ge [sflag:s9], s7  }
0xa5: {  	s7 =	ssub.s32 $0x0, s7;
	[sflag:s9] =	ssyncset.done $0x0  }
0xa6: {  	[sflag:s9] =	ssyncadd.s32 s7;
	_ =	sdelay $0x1  }
0xa7: {  	s23 =	simm.s32 $0x1B8B  }
0xa8: {  	_ =	swait.ge [sflag:s23], $0x1  }
0xa9: {  	[sflag:s23] =	ssyncset.done $0x0  }
0xaa: {  	[sflag:s23] =	ssyncadd.s32 $0xFFFFFFFF  }
0xab: {  	s7 =	sld [smem:$0x0]  }
0xac: {  	s8 =	sand.u32 $0xFFFFFFFE, s1  }
0xad: {  	p0 =	sne.s32 s1, s8  }
0xae: {  	s8 =	sshll.u32 @p0 s8, $0xE  }
0xaf: {  	s8 =	sadd.s32 @p0 $0x11B8D, s8;
	s9 =	sshll.u32 @p0 s7, $0x11  }
0xb0: {  	s8 =	sor.u32 @p0 s9, s8  }
0xb1: {  	[sflag:s8] =	ssyncadd.remote.s32 @p0 $0x1;
	_ =	sdelay $0x1  }
0xb2: {  	s8 =	simm.s32 @p0 $0x1B8D  }
0xb3: {  	_ =	swait.eq @p0 [sflag:s8], $0x1  }
0xb4: {  	[sflag:s8] =	ssyncadd.s32 @p0 $0xFFFFFFFF  }
0xb5: {  	s9 =	sshll.u32 @!p0 s1, $0xE  }
0xb6: {  	s9 =	sor.u32 @!p0 $0x4000, s9;
	s8 =	simm.s32 @!p0 $0x1B8D  }
0xb7: {  	s7 =	sshll.u32 @!p0 s7, $0x11;
	s9 =	sadd.s32 @!p0 $0x11B8D, s9;
	_ =	swait.eq @!p0 [sflag:s8], $0x1  }
0xb8: {  	s7 =	sor.u32 @!p0 s7, s9;
	[sflag:s8] =	ssyncadd.s32 @!p0 $0xFFFFFFFF  }
0xb9: {  	s25 =	simm.s32 $0x1B8E;
	s24 =	sld [smem:$0x3FFE];
	[sflag:s7] =	ssyncadd.remote.s32 @!p0 $0x1  }
0xba: {  	s26 =	simm.s32 $execute0_lowered;
	[smem:$0x3FD2] =	sst s25  }
0xbb: {  	s8 =	sshll.u32 s26, $0x1;
	_ =	strace $0x8000004C;
	[dreg:$0x1] =	wrdreg $0xFFFFFFFF  }
0xbc: {  	s28 =	simm.s32 $_size_execute0_lowered;
	s6 =	sadd.s32 s6, s8;
	[dreg:$0x0] =	wrdreg $0x0  }
0xbd: {  	s8 =	sshll.u32 s28, $0x1;
	[dreg:$0x2] =	wrdreg s6  }
0xbe: {  	[dreg:$0x3] =	wrdreg s8  }
0xbf: {  	[dreg:$0x4] =	wrdreg $0xC0  }
0xc0: {  	_ =	task [dreg:s22], $0x5FFFF  }
0xc1: {  	[dreg:$0x1] =	wrdreg $0xFFFFFFFF  }
0xc2: {  	[dreg:$0x0] =	wrdreg $0x60  }
0xc3: {  	[dreg:$0x2] =	wrdreg s16  }
0xc4: {  	[dreg:$0x3] =	wrdreg s18  }
0xc5: {  	[dreg:$0x4] =	wrdreg s24  }
0xc6: {  	[dreg:$0x5] =	wrdreg s17  }
0xc7: {  	[dreg:$0x6] =	wrdreg $0x124000  }
0xc8: {  	[dreg:$0x7] =	wrdreg $0xA  }
0xc9: {  	_ =	task.clear_ibuf [dreg:s22], $0x8FFFF;
	_ =	strace $0x9000004C  }
0xca: {  	s29 =	simm.s32 $0xA;
	_ =	strace $0x8000004E  }
0xcb: {  	_ =	swait.ge [sflag:s29], $0x1  }
0xcc: {  	[sflag:s29] =	ssyncadd.s32 $0xFFFFFFFF  }
0xcd: {  	_ =	strace $0x9000004E  }
0xce: {  	_ =	sfence  }
0xcf: {  	s30 =	sld [smem:$0x0];
	_ =	sdelay $0x2  }
0xd0: {  	s31 =	sshll.u32 s1, $0xD;
	s1 =	sshrl.u32 s1, $0x2  }
0xd1: {  	s4 =	sand.u32 $0x4000, s31;
	s1 =	sadd.s32 s1, s30  }
0xd2: {  	s0 =	sor.u32 s4, s0;
	s1 =	sshll.u32 s1, $0x11  }
0xd3: {  	s0 =	sor.u32 s1, s0  }
0xd4: {  	s0 =	sadd.s32 $0x8F2B, s0  }
0xd5: {  	[sflag:s0] =	ssyncadd.remote.s32 $0x1  }
0xd6: {  	_ =	sfence.sel $0xFFFF  }
0xd7: {  	[dreg:$0x0] =	wrdreg $0xFFFFFFFF;
	(pc) =	sbr.abs _section_cstart, $3  }
0xd8: {  	[dreg:$0x1] =	wrdreg $0xFFFFFFFF  }
0xd9: {  	_ =	task.clear_ibuf [dreg:s22], $0x2FFFF;
	_ =	strace $0x9FFFFFFF  }
0xda: {  	(tm) =	ssettm $0x7FFFFFFF  }
0xdb: {  	_ =	shalt  }
tec
execute0_lowered:
.L_overlay_start_1:
0x0: {  	(tag) =	ssettag $0x1  }
0x1: {  	s1 =	rddreg [dreg:$0x0]  }
0x2: {  	s2 =	rddreg [dreg:$0x1]  }
0x3: {  	s0 =	rddreg [dreg:$0x2]  }
0x4: {  	s5 =	rddreg [dreg:$0x3]  }
0x5: {  	s3 =	rddreg [dreg:$0x4];
	s4 =	simm.s32 $0x0;
	s7 =	srdreg.scid  }
0x6: {  	s10 =	stileid.u32;
	s15 =	simm.s32 $0x5;
	s19 =	simm.s32 $0xA000  }
0x7: {  	s20 =	simm.s32 $0xA100;
	s21 =	simm.s32 $0x3;
	s28 =	simm.s32 $0xA300  }
0x8: {  	s29 =	simm.s32 $0xA280;
	s30 =	simm.s32 $0xE400;
	[smem:$0x7FF] =	sst s4  }
0x9: {  	s6 =	sadd.s32 $0x13C00, s0;
	s8 =	sadd.s32 $0x1DA00, s0;
	s7 =	sand.u32 $0x1, s7  }
0xa: {  	s22 =	sadd.s32 $0x1E400, s0;
	s23 =	smul.u32 $0x30000, s10;
	s0 =	sadd.s32 $0x1388000, s0  }
0xb: {  	s9 =	smul.u32 $0x1800, s10;
	_ =	strace $0x8000004D;
	[dreg:$0x6] =	wrdreg s8  }
0xc: {  	s25 =	smul.u32 $0x180, s10;
	s13 =	sadd.s32 $0x1, s10;
	[dreg:$0x8] =	wrdreg s22  }
0xd: {  	s31 =	sshll.u32 s10, $0x6;
	[dreg:$0x7] =	wrdreg s7;
	s7 =	ssub.s32 $0x2, s7  }
0xe: {  	[dreg:$0x9] =	wrdreg s0;
	s17 =	sor.u32 $0x1C05, s31;
	s22 =	simm.s32 $0x4  }
.Ltmp0:
0xf: {  	s24 =	sshrl.u32 s7, $0x1;
	[dreg:$0xa] =	wrdreg s25;
	(pc) =	sbr.rel .LBB2_1-.Ltmp0, $4  }
0x10: {  	s26 =	sshrl.u32 s23, $0x2;
	s12 =	sadd.s32 s5, s9;
	s23 =	simm.s32 $0x80  }
0x11: {  	s25 =	simm.s32 $0xA400;
	s5 =	simm.s32 $0x0;
	s0 =	ssub.s32 s7, s24  }
0x12: {  	v0 =	vlaneseq.u32;
	s7 =	sadd.s32 s26, s3;
	s24 =	simm.s32 $0xA080;
	s0 =	smax.u32 s0, $0x1  }
0x13: {  	v1 =	vor.u32 $0x1800, v0;
	s26 =	simm.s32 $0xA200;
	s18 =	sshrl.u32 s7, $0x3;
	[dreg:$0xb] =	wrdreg s0  }
.LBB2_10:
0x14: {  	s5 =	rddreg [dreg:$0xc]  }
0x15: {  	s0 =	rddreg [dreg:$0xb];
	s5 =	sadd.s32 $0x1, s5  }
0x16: {  	p0 =	sne.s32 s5, s0  }
.Ltmp1:
0x17: {  	_ = 	snop;
	(pc) =	sbr.rel @!p0 .LBB2_11-.Ltmp1, $1  }
0x18: {  	_ =	sdelay $0x3  }
.LBB2_1:
0x19: {  	[dreg:$0xc] =	wrdreg s5  }
0x1a: {  	s0 =	rddreg [dreg:$0x6]  }
0x1b: {  	[tilespmem:s4], [sflag:$0x5] =	stream.linear.gather [hbm4b:s0+s4], $0x5000, $0x38;
	[tilespmem:$0x1E480] =	vst v63  }
0x1c: {  	_ =	swait.ge [sflag:s15], $0x5000  }
0x1d: {  	[sflag:s15] =	ssyncset.done $0x0  }
0x1e: {  	s31 =	simm.s32 $0x5000;
	s16 =	rddreg [dreg:$0x8];
	[sflag:s15] =	ssyncadd.s32 $0xFFFFB000  }
0x1f: {  	[tilespmem:s31], [sflag:$0x5] =	stream.linear.gather [hbm4b:s16+s4], $0x5000, $0x38;
	[tilespmem:$0x1E480] =	vst v63  }
0x20: {  	_ =	swait.ge [sflag:s15], $0x5000  }
0x21: {  	[sflag:s15] =	ssyncset.done $0x0  }
0x22: {  	[sflag:s15] =	ssyncadd.s32 $0xFFFFB000  }
0x23: {  	[spmem:s18], [sflag:s17] =	dma.local [hbm:s12], $0x1800  }
.Ltmp2:
0x24: {  	_ =	swait.ge [sflag:s15], $0x1800;
	(pc) =	sbr.rel .LBB2_2-.Ltmp2, $4  }
0x25: {  	[sflag:s15] =	ssyncset.done $0x0  }
0x26: {  	[sflag:s15] =	ssyncadd.s32 $0xFFFFE800  }
0x27: {  	[bflag:$0x0] =	sbarrier.arrive $0xFFFF  }
0x28: {  	s0 =	simm.s32 $0x0  }
.LBB2_9:
0x29: {  	s5 =	rddreg [dreg:$0xa]  }
0x2a: {  	[bflag:$0x0] =	sbarrier.arrive $0xFFFF;
	s5 =	sadd.s32 s5, s7  }
0x2b: {  	s31 =	rddreg [dreg:$0x9];
	s5 =	sshll.u32 s5, $0x4  }
0x2c: {  	s5 =	sadd.s32 s31, s5  }
0x2d: {  	[hbm:s5], [sflag:s17] =	dma.local [spmem:s18], $0x1800  }
0x2e: {  	_ =	swait.ge [sflag:s15], $0x1800  }
0x2f: {  	s0 =	sadd.s32 $0x1, s0;
	[sflag:s15] =	ssyncset.done $0x0  }
0x30: {  	p0 =	sne.s32 s0, $0x1B;
	[sflag:s15] =	ssyncadd.s32 $0xFFFFE800  }
0x31: {  	[spmem:s18], [sflag:s17] =	dma.local [hbm:s12], $0x1800  }
.Ltmp3:
0x32: {  	_ =	swait.ge [sflag:s15], $0x1800;
	(pc) =	sbr.rel @!p0 .LBB2_10-.Ltmp3, $3  }
0x33: {  	[sflag:s15] =	ssyncset.done $0x0  }
0x34: {  	[sflag:s15] =	ssyncadd.s32 $0xFFFFE800  }
0x35: {  	[bflag:$0x0] =	sbarrier.arrive $0xFFFF;
	_ =	sdelay $0x1  }
.LBB2_2:
0x36: {  	s5 =	sshll.u32 s0, $0x1;
	s7 =	rddreg [dreg:$0x7]  }
0x37: {  	s7 =	sor.u32 s7, s5  }
0x38: {  	s5 =	sshll.u32 s7, $0x7  }
0x39: {  	v2 =	vld [tilespmem:s5+$0x0]  }
0x3a: {  	v3 =	vld [tilespmem:s5+$0x5000];
	_ =	sdelay $0x3  }
0x3b: {  	(v2sf) =	vpush v2, $0x0  }
0x3c: {  	(v2sf) =	vpush v3, $0x0;
	_ =	sdelay $0xd  }
0x3d: {  	s9 =	spop (v2sf)  }
0x3e: {  	s14 =	spop (v2sf)  }
0x3f: {  	s8 =	stileid.u32;
	s5 =	ssub.s32 s14, s9  }
0x40: {  	s8 =	smul.u32 s8, s5  }
0x41: {  	s5 =	smul.u32 s13, s5  }
0x42: {  	s14 =	sshra.s32 s8, $0x1F  }
0x43: {  	s16 =	sand.u32 $0xF, s8;
	p0 =	slt.s32 s8, $0x1;
	p6 =	slt.s32 s5, $0x1  }
0x44: {  	s14 =	sshrl.u32 s14, $0x1C;
	p1 =	sne.s32 s16, $0x0;
	s16 =	sand.u32 $0xF, s5  }
0x45: {  	s11 =	sshra.s32 s5, $0x1F;
	s14 =	sadd.s32 s14, s8;
	p2 =	sne.s32 s16, $0x0  }
0x46: {  	p0 =	por !p0, !p1;
	s16 =	simm.s32 $0x1;
	p1 =	por !p6, !p2  }
0x47: {  	s10 =	sshra.s32 s14, $0x4;
	p0 =	por !p0, !p0;
	s14 =	sshrl.u32 s11, $0x1C  }
0x48: {  	s5 =	sadd.s32 s14, s5;
	p1 =	por !p1, !p1;
	s14 =	simm.s32 $0x1  }
0x49: {  	s16 =	simm.s32 @!p0 $0x0;
	s5 =	sshra.s32 s5, $0x4;
	s14 =	simm.s32 @!p1 $0x0  }
0x4a: {  	s8 =	ssub.s32 s10, s16;
	s5 =	ssub.s32 s5, s14  }
0x4b: {  	s31 =	sand.u32 $0xFFFFFFF8, s8;
	s5 =	sand.u32 $0xFFFFFFF8, s5  }
0x4c: {  	s8 =	ssub.s32 s5, s31  }
0x4d: {  	s10 =	sadd.s32 $0x7F, s8  }
0x4e: {  	s11 =	sshra.s32 s10, $0x1F  }
0x4f: {  	s16 =	sshrl.u32 s11, $0x19  }
0x50: {  	p0 =	slt.s32 s8, $0xFFFFFF82;
	s8 =	simm.s32 $0x1;
	s14 =	sadd.s32 s16, s10  }
0x51: {  	s8 =	simm.s32 @!p0 $0x0;
	s14 =	sshra.s32 s14, $0x7  }
0x52: {  	s16 =	ssub.s32 s14, s8  }
0x53: {  	p0 =	slt.s32 s16, $0x1  }
.Ltmp4:
0x54: {  	_ = 	snop;
	(pc) =	sbr.rel @p0 .LBB2_9-.Ltmp4, $2  }
0x55: {  	_ =	sdelay $0x2  }
0x56: {  	s7 =	smul.u32 $0x1800, s7  }
0x57: {  	s8 =	sadd.s32 s9, s31  }
0x58: {  	s10 =	sshrl.u32 s8, $0x3  }
0x59: {  	s14 =	simm.s32 $0x0;
	s11 =	sadd.s32 s2, s10  }
0x5a: {  	[tilespmem:s19], [sflag:$0x3] =	stream.linear.gather [hbm4b:s11+s14], $0x80, $0x38;
	[tilespmem:$0x1E480] =	vst v63  }
0x5b: {  	s10 =	sadd.s32 s6, s10  }
0x5c: {  	[tilespmem:s20], [sflag:$0x4] =	stream.linear.gather [hbm4b:s10+s14], $0x80, $0x38;
	[tilespmem:$0x1E480] =	vst v63  }
0x5d: {  	_ =	swait.ge [sflag:s21], $0x80  }
0x5e: {  	[sflag:s21] =	ssyncset.done $0x0  }
0x5f: {  	[sflag:s21] =	ssyncadd.s32 $0xFFFFFF80  }
0x60: {  	_ =	swait.ge [sflag:s22], $0x80  }
0x61: {  	[sflag:s22] =	ssyncset.done $0x0  }
0x62: {  	[sflag:s22] =	ssyncadd.s32 $0xFFFFFF80  }
0x63: {  	v3 =	vld [tilespmem:$0xA100]  }
0x64: {  	v4 =	vld [tilespmem:$0xA110]  }
0x65: {  	v5 =	vld [tilespmem:$0xA000]  }
0x66: {  	v6 =	vld [tilespmem:$0xA010]  }
0x67: {  	v8 =	vld [tilespmem:$0xA120]  }
0x68: {  	v51 =	vld [tilespmem:$0xA130]  }
0x69: {  	s11 =	sadd.s32 $0x10, s8;
	v9 =	vld [tilespmem:$0xA020]  }
0x6a: {  	v50 =	vadd.s32 s11, v0;
	s11 =	sadd.s32 $0x20, s8;
	v11 =	vld [tilespmem:$0xA030]  }
0x6b: {  	s5 =	sadd.s32 s9, s5;
	v7 =	vadd.s32 s8, v0;
	v10 =	vadd.s32 s11, v0;
	s11 =	sadd.s32 $0x30, s8;
	v52 =	vld [tilespmem:$0xA140]  }
0x6c: {  	v2 =	vmov s7;
	vm0 =	vlt.s32 v7, s5;
	v12 =	vadd.s32 s11, v0;
	s11 =	sadd.s32 $0x40, s8;
	v13 =	vld [tilespmem:$0xA150]  }
0x6d: {  	vm2 =	vlt.s32 v50, s5;
	vm8 =	vlt.s32 v10, s5;
	v54 =	vadd.s32 s11, v0  }
0x6e: {  	vm11 =	vlt.s32 v12, s5;
	vm15 =	vlt.s32 v54, s5;
	v3 =	vsub.s32 v3, v2  }
0x6f: {  	v4 =	vsub.s32 v4, v2;
	vm6 =	vlt.s32 v5, $0x4E1FF;
	vm7 =	vlt.s32 v6, $0x4E1FF  }
0x70: {  	v8 =	vsub.s32 v8, v2;
	v7 =	vsub.s32 v51, v2;
	vm10 =	vlt.s32 v9, $0x4E1FF  }
0x71: {  	v53 =	vld [tilespmem:$0xA040];
	vm14 =	vlt.s32 v11, $0x4E1FF;
	v10 =	vsub.s32 v52, v2;
	v58 =	vsub.s32 v13, v2  }
0x72: {  	vm1 =	vlt.u32 v3, $0x1800;
	vm3 =	vlt.u32 v4, $0x1800;
	v5 =	vnsel vm6, $0x4E1FF, v5  }
0x73: {  	v6 =	vnsel vm7, $0x4E1FF, v6;
	vm9 =	vlt.u32 v8, $0x1800;
	vm12 =	vlt.u32 v7, $0x1800;
	[tilespmem:$0xA080] =	vst v5  }
0x74: {  	v57 =	vld [tilespmem:$0xA160];
	v56 =	vnsel vm14, $0x4E1FF, v11;
	vm4 =	vlt.u32 v10, $0x1800;
	vm0 =	vmand vm0, vm1;
	[tilespmem:$0xA090] =	vst v6  }
0x75: {  	v55 =	vld [tilespmem:$0xA050];
	vm6 =	vlt.u32 v58, $0x1800;
	[tilespmem:$0xA0B0] =	vst v56;
	v3 =	vsel vm0, v3, v1;
	vm0 =	vmand vm8, vm9  }
0x76: {  	s11 =	sadd.s32 $0x50, s8;
	vm7 =	vlt.s32 v53, $0x4E1FF;
	vm2 =	vmand vm2, vm3;
	[tilespmem:$0xA180] =	vst v3;
	v3 =	vsel vm0, v8, v1  }
0x77: {  	v5 =	vnsel vm10, $0x4E1FF, v9;
	vm13 =	vmand vm11, vm12;
	[tilespmem:$0xA1A0] =	vst v3;
	v3 =	vadd.s32 s11, v0  }
0x78: {  	v59 =	vnsel vm7, $0x4E1FF, v53;
	v4 =	vsel vm2, v4, v1;
	[tilespmem:$0xA0A0] =	vst v5;
	vm5 =	vlt.s32 v3, s5;
	v3 =	vld [tilespmem:$0xA170]  }
0x79: {  	v5 =	vld [tilespmem:$0xA060];
	[tilespmem:$0xA190] =	vst v4;
	v4 =	vsel vm13, v7, v1;
	vm0 =	vmand vm15, vm4;
	v7 =	vsub.s32 v57, v2  }
0x7a: {  	vm8 =	vlt.s32 v55, $0x4E1FF;
	[tilespmem:$0xA1B0] =	vst v4;
	v4 =	vsel vm0, v10, v1;
	s11 =	sadd.s32 $0x60, s8;
	s8 =	sadd.s32 $0x70, s8;
	vm10 =	vlt.u32 v7, $0x1800  }
0x7b: {  	v62 =	vld [tilespmem:$0xA070];
	[tilespmem:$0xA1C0] =	vst v4;
	v4 =	vnsel vm8, $0x4E1FF, v55;
	v61 =	vadd.s32 s11, v0;
	v63 =	vadd.s32 s8, v0  }
0x7c: {  	[tilespmem:$0xA0C0] =	vst v59;
	vm1 =	vmand vm5, vm6;
	vm9 =	vlt.s32 v61, s5;
	vm11 =	vlt.s32 v63, s5  }
0x7d: {  	[tilespmem:$0xA0D0] =	vst v4;
	v60 =	vsel vm1, v58, v1;
	vm0 =	vmand vm9, vm10;
	v3 =	vsub.s32 v3, v2  }
0x7e: {  	vm12 =	vlt.s32 v5, $0x4E1FF;
	[tilespmem:$0xA1D0] =	vst v60;
	v4 =	vsel vm0, v7, v1;
	vm13 =	vlt.u32 v3, $0x1800  }
.Ltmp5:
0x7f: {  	v5 =	vnsel vm12, $0x4E1FF, v5;
	[tilespmem:$0xA1E0] =	vst v4;
	vm14 =	vmand vm11, vm13;
	(pc) =	sbr.rel .LBB2_4-.Ltmp5, $4  }
0x80: {  	vm15 =	vlt.s32 v62, $0x4E1FF;
	[tilespmem:$0xA0E0] =	vst v5;
	v3 =	vsel vm14, v3, v1  }
0x81: {  	s31 =	sadd.s32 s31, s9;
	[tilespmem:$0xA1F0] =	vst v3;
	v3 =	vnsel vm15, $0x4E1FF, v62  }
0x82: {  	s9 =	sadd.s32 $0x80, s31;
	[tilespmem:$0xA0F0] =	vst v3  }
0x83: {  	v3 =	vmov s5;
	[tilespmem:s25], [sflag:$0x1] =	stream.indirect.gather [hbm4b:s1+s23], $0x80, s24, s23, $0xb8;
	[tilespmem:$0x1E480] =	vst v63  }
.LBB2_8:
0x84: {  	s5 =	simm.s32 @p0 $0x2  }
0x85: {  	_ =	swait.ge @p0 [sflag:s5], $0x4000  }
0x86: {  	s8 =	simm.s32 @p0 $0xA380;
	[sflag:s5] =	ssyncset.done @p0 $0x0  }
0x87: {  	s10 =	simm.s32 @p0 $0xE400;
	[sflag:s5] =	ssyncadd.s32 @p0 $0xFFFFC000;
	s5 =	simm.s32 @p0 $0x80  }
0x88: {  	[spmem:s3] =	stream.indirect.scatter.add.f32 @p0 [tilespmem:s10], [sflag:$0x5], $0x80, s8, s5, $0xb8;
	[tilespmem:$0x1E480] =	vst v63  }
0x89: {  	s5 =	simm.s32 @!p0 $0x1  }
0x8a: {  	_ =	swait.ge @!p0 [sflag:s5], $0x4000  }
0x8b: {  	s8 =	simm.s32 @!p0 $0xA180;
	[sflag:s5] =	ssyncset.done @!p0 $0x0  }
0x8c: {  	s10 =	simm.s32 @!p0 $0xA400;
	[sflag:s5] =	ssyncadd.s32 @!p0 $0xFFFFC000;
	s5 =	simm.s32 @!p0 $0x80  }
0x8d: {  	[spmem:s3] =	stream.indirect.scatter.add.f32 @!p0 [tilespmem:s10], [sflag:$0x6], $0x80, s8, s5, $0xb8;
	[tilespmem:$0x1E480] =	vst v63  }
0x8e: {  	s5 =	simm.s32 @!p0 $0x6  }
0x8f: {  	s5 =	simm.s32 @p0 $0x5;
	p0 =	sne.s32 s16, s31  }
.Ltmp6:
0x90: {  	_ = 	snop;
	(pc) =	sbr.rel @!p0 .LBB2_9-.Ltmp6, $4  }
0x91: {  	_ = 	snop  }
0x92: {  	_ =	swait.ge [sflag:s5], $0x4000  }
0x93: {  	[sflag:s5] =	ssyncset.done $0x0  }
0x94: {  	s9 =	sadd.s32 $0x80, s9;
	s14 =	smov.u32 s31;
	[sflag:s5] =	ssyncadd.s32 $0xFFFFC000  }
.LBB2_4:
0x95: {  	s31 =	sadd.s32 $0x1, s14  }
0x96: {  	s5 =	sand.u32 $0x1, s31  }
0x97: {  	p1 =	sge.s32 s31, s16;
	p0 =	seq.s32 s5, $0x1  }
0x98: {  	p0 =	por p1, !p0  }
.Ltmp7:
0x99: {  	_ = 	snop;
	(pc) =	sbr.rel @p0 .LBB2_6-.Ltmp7, $3  }
0x9a: {  	_ =	sdelay $0x1  }
0x9b: {  	s8 =	sshrl.u32 s9, $0x3  }
0x9c: {  	s5 =	sadd.s32 s2, s8;
	s8 =	sadd.s32 s6, s8  }
0x9d: {  	[tilespmem:s26], [sflag:$0x3] =	stream.linear.gather [hbm4b:s5+s4], $0x80, $0x38;
	[tilespmem:$0x1E480] =	vst v63  }
0x9e: {  	_ = 	snop  }
0x9f: {  	[tilespmem:s28], [sflag:$0x4] =	stream.linear.gather [hbm4b:s8+s4], $0x80, $0x38;
	[tilespmem:$0x1E480] =	vst v63  }
0xa0: {  	_ =	swait.ge [sflag:s21], $0x80  }
0xa1: {  	[sflag:s21] =	ssyncset.done $0x0  }
0xa2: {  	[sflag:s21] =	ssyncadd.s32 $0xFFFFFF80  }
0xa3: {  	_ =	swait.ge [sflag:s22], $0x80  }
0xa4: {  	[sflag:s22] =	ssyncset.done $0x0  }
0xa5: {  	[sflag:s22] =	ssyncadd.s32 $0xFFFFFF80  }
0xa6: {  	v4 =	vld [tilespmem:$0xA300]  }
0xa7: {  	v5 =	vld [tilespmem:$0xA310]  }
0xa8: {  	v6 =	vld [tilespmem:$0xA200]  }
0xa9: {  	v7 =	vld [tilespmem:$0xA210]  }
0xaa: {  	v9 =	vld [tilespmem:$0xA320]  }
0xab: {  	v49 =	vld [tilespmem:$0xA330]  }
0xac: {  	v10 =	vld [tilespmem:$0xA220]  }
0xad: {  	s11 =	sadd.s32 $0x20, s9;
	v12 =	vld [tilespmem:$0xA230]  }
0xae: {  	v8 =	vadd.s32 s9, v0;
	s10 =	sadd.s32 $0x10, s9;
	v11 =	vadd.s32 s11, v0;
	s11 =	sadd.s32 $0x30, s9;
	v50 =	vld [tilespmem:$0xA340]  }
0xaf: {  	vm0 =	vlt.s32 v8, v3;
	v48 =	vadd.s32 s10, v0;
	v13 =	vadd.s32 s11, v0;
	s11 =	sadd.s32 $0x40, s9;
	v14 =	vld [tilespmem:$0xA350]  }
0xb0: {  	vm2 =	vlt.s32 v48, v3;
	vm8 =	vlt.s32 v11, v3;
	v53 =	vadd.s32 s11, v0  }
0xb1: {  	vm11 =	vlt.s32 v13, v3;
	vm15 =	vlt.s32 v53, v3;
	v4 =	vsub.s32 v4, v2  }
0xb2: {  	v5 =	vsub.s32 v5, v2;
	vm6 =	vlt.s32 v6, $0x4E1FF;
	vm7 =	vlt.s32 v7, $0x4E1FF  }
0xb3: {  	v9 =	vsub.s32 v9, v2;
	v8 =	vsub.s32 v49, v2;
	vm10 =	vlt.s32 v10, $0x4E1FF  }
0xb4: {  	v52 =	vld [tilespmem:$0xA240];
	vm14 =	vlt.s32 v12, $0x4E1FF;
	v11 =	vsub.s32 v50, v2;
	v57 =	vsub.s32 v14, v2  }
0xb5: {  	vm1 =	vlt.u32 v4, $0x1800;
	vm3 =	vlt.u32 v5, $0x1800;
	v6 =	vnsel vm6, $0x4E1FF, v6  }
0xb6: {  	v58 =	vld [tilespmem:$0xA260];
	v7 =	vnsel vm7, $0x4E1FF, v7;
	vm9 =	vlt.u32 v9, $0x1800;
	vm12 =	vlt.u32 v8, $0x1800;
	[tilespmem:$0xA280] =	vst v6  }
0xb7: {  	v54 =	vld [tilespmem:$0xA250];
	v51 =	vnsel vm10, $0x4E1FF, v10;
	v55 =	vnsel vm14, $0x4E1FF, v12;
	vm0 =	vmand vm0, vm1;
	[tilespmem:$0xA290] =	vst v7  }
0xb8: {  	v56 =	vld [tilespmem:$0xA360];
	vm4 =	vlt.u32 v11, $0x1800;
	[tilespmem:$0xA2A0] =	vst v51;
	v4 =	vsel vm0, v4, v1;
	vm0 =	vmand vm8, vm9  }
0xb9: {  	s11 =	sadd.s32 $0x50, s9;
	vm6 =	vlt.u32 v57, $0x1800;
	vm7 =	vlt.s32 v52, $0x4E1FF;
	[tilespmem:$0xA380] =	vst v4;
	v4 =	vsel vm0, v9, v1  }
0xba: {  	vm2 =	vmand vm2, vm3;
	vm13 =	vmand vm11, vm12;
	[tilespmem:$0xA3A0] =	vst v4;
	v4 =	vadd.s32 s11, v0  }
0xbb: {  	[tilespmem:$0xA2B0] =	vst v55;
	v59 =	vnsel vm7, $0x4E1FF, v52;
	vm12 =	vlt.s32 v58, $0x4E1FF;
	vm5 =	vlt.s32 v4, v3;
	v4 =	vld [tilespmem:$0xA370]  }
0xbc: {  	v5 =	vsel vm2, v5, v1;
	vm8 =	vlt.s32 v54, $0x4E1FF;
	[tilespmem:$0xA2C0] =	vst v59;
	v6 =	vnsel vm12, $0x4E1FF, v58  }
0xbd: {  	[tilespmem:$0xA390] =	vst v5;
	v5 =	vsel vm13, v8, v1;
	vm0 =	vmand vm15, vm4;
	v8 =	vsub.s32 v56, v2;
	s11 =	sadd.s32 $0x60, s9  }
0xbe: {  	v62 =	vld [tilespmem:$0xA270];
	[tilespmem:$0xA3B0] =	vst v5;
	v5 =	vsel vm0, v11, v1;
	vm10 =	vlt.u32 v8, $0x1800;
	v61 =	vadd.s32 s11, v0  }
0xbf: {  	[tilespmem:$0xA3C0] =	vst v5;
	v5 =	vnsel vm8, $0x4E1FF, v54;
	s11 =	sadd.s32 $0x70, s9;
	vm1 =	vmand vm5, vm6;
	vm9 =	vlt.s32 v61, v3  }
0xc0: {  	[tilespmem:$0xA2E0] =	vst v6;
	v63 =	vadd.s32 s11, v0;
	v60 =	vsel vm1, v57, v1;
	v4 =	vsub.s32 v4, v2  }
0xc1: {  	[tilespmem:$0xA2D0] =	vst v5;
	vm11 =	vlt.s32 v63, v3;
	vm0 =	vmand vm9, vm10;
	vm13 =	vlt.u32 v4, $0x1800  }
0xc2: {  	[tilespmem:$0xA3D0] =	vst v60;
	v5 =	vsel vm0, v8, v1;
	vm14 =	vmand vm11, vm13  }
0xc3: {  	vm15 =	vlt.s32 v62, $0x4E1FF;
	[tilespmem:$0xA3E0] =	vst v5;
	v4 =	vsel vm14, v4, v1  }
0xc4: {  	[tilespmem:$0xA3F0] =	vst v4;
	v4 =	vnsel vm15, $0x4E1FF, v62  }
0xc5: {  	[tilespmem:$0xA2F0] =	vst v4  }
0xc6: {  	[tilespmem:s30], [sflag:$0x2] =	stream.indirect.gather [hbm4b:s1+s23], $0x80, s29, s23, $0xb8;
	[tilespmem:$0x1E480] =	vst v63  }
.LBB2_6:
0xc7: {  	s10 =	sand.u32 $0x1, s14  }
0xc8: {  	p0 =	seq.s32 s10, $0x1  }
0xc9: {  	p1 =	por p1, !p0  }
.Ltmp8:
0xca: {  	_ = 	snop;
	(pc) =	sbr.rel @p1 .LBB2_8-.Ltmp8, $1  }
0xcb: {  	_ =	sdelay $0x3  }
0xcc: {  	[tilespmem:s19], [sflag:$0x3] =	stream.linear.gather [hbm4b:s5+s4], $0x80, $0x38;
	[tilespmem:$0x1E480] =	vst v63  }
0xcd: {  	_ = 	snop  }
0xce: {  	[tilespmem:s20], [sflag:$0x4] =	stream.linear.gather [hbm4b:s8+s4], $0x80, $0x38;
	[tilespmem:$0x1E480] =	vst v63  }
0xcf: {  	_ =	swait.ge [sflag:s21], $0x80  }
0xd0: {  	[sflag:s21] =	ssyncset.done $0x0  }
0xd1: {  	[sflag:s21] =	ssyncadd.s32 $0xFFFFFF80  }
0xd2: {  	_ =	swait.ge [sflag:s22], $0x80  }
0xd3: {  	[sflag:s22] =	ssyncset.done $0x0  }
0xd4: {  	[sflag:s22] =	ssyncadd.s32 $0xFFFFFF80  }
0xd5: {  	v4 =	vld [tilespmem:$0xA100]  }
0xd6: {  	v5 =	vld [tilespmem:$0xA110]  }
0xd7: {  	v6 =	vld [tilespmem:$0xA000]  }
0xd8: {  	v7 =	vld [tilespmem:$0xA010]  }
0xd9: {  	v9 =	vld [tilespmem:$0xA120]  }
0xda: {  	v49 =	vld [tilespmem:$0xA130]  }
0xdb: {  	v8 =	vadd.s32 s9, v0;
	v10 =	vld [tilespmem:$0xA020]  }
0xdc: {  	s10 =	sadd.s32 $0x10, s9;
	s11 =	sadd.s32 $0x20, s9;
	s14 =	sadd.s32 $0x30, s9;
	vm0 =	vlt.s32 v8, v3;
	v12 =	vld [tilespmem:$0xA030]  }
0xdd: {  	v48 =	vadd.s32 s10, v0;
	v11 =	vadd.s32 s11, v0;
	v13 =	vadd.s32 s14, v0;
	v50 =	vld [tilespmem:$0xA140]  }
0xde: {  	s11 =	sadd.s32 $0x60, s9;
	s14 =	sadd.s32 $0x70, s9;
	vm2 =	vlt.s32 v48, v3;
	vm8 =	vlt.s32 v11, v3;
	vm11 =	vlt.s32 v13, v3;
	s8 =	sadd.s32 $0x40, s9;
	v14 =	vld [tilespmem:$0xA150]  }
0xdf: {  	v61 =	vadd.s32 s11, v0;
	v63 =	vadd.s32 s14, v0;
	v53 =	vadd.s32 s8, v0  }
0xe0: {  	vm15 =	vlt.s32 v53, v3;
	v4 =	vsub.s32 v4, v2;
	v5 =	vsub.s32 v5, v2  }
0xe1: {  	vm6 =	vlt.s32 v6, $0x4E1FF;
	vm7 =	vlt.s32 v7, $0x4E1FF;
	v9 =	vsub.s32 v9, v2  }
0xe2: {  	v8 =	vsub.s32 v49, v2;
	vm10 =	vlt.s32 v10, $0x4E1FF;
	vm14 =	vlt.s32 v12, $0x4E1FF  }
0xe3: {  	v52 =	vld [tilespmem:$0xA040];
	v11 =	vsub.s32 v50, v2;
	v57 =	vsub.s32 v14, v2;
	v6 =	vnsel vm6, $0x4E1FF, v6  }
0xe4: {  	vm1 =	vlt.u32 v4, $0x1800;
	vm3 =	vlt.u32 v5, $0x1800;
	v7 =	vnsel vm7, $0x4E1FF, v7;
	[tilespmem:$0xA080] =	vst v6  }
0xe5: {  	v58 =	vld [tilespmem:$0xA060];
	vm9 =	vlt.u32 v9, $0x1800;
	v51 =	vnsel vm10, $0x4E1FF, v10;
	vm0 =	vmand vm0, vm1;
	[tilespmem:$0xA090] =	vst v7  }
0xe6: {  	v54 =	vld [tilespmem:$0xA050];
	vm12 =	vlt.u32 v8, $0x1800;
	[tilespmem:$0xA0A0] =	vst v51;
	v4 =	vsel vm0, v4, v1;
	vm0 =	vmand vm8, vm9  }
0xe7: {  	s10 =	sadd.s32 $0x50, s9;
	v56 =	vld [tilespmem:$0xA160];
	v55 =	vnsel vm14, $0x4E1FF, v12;
	vm4 =	vlt.u32 v11, $0x1800;
	[tilespmem:$0xA180] =	vst v4;
	v4 =	vsel vm0, v9, v1  }
0xe8: {  	vm6 =	vlt.u32 v57, $0x1800;
	vm7 =	vlt.s32 v52, $0x4E1FF;
	[tilespmem:$0xA1A0] =	vst v4;
	v4 =	vadd.s32 s10, v0  }
0xe9: {  	vm2 =	vmand vm2, vm3;
	[tilespmem:$0xA0B0] =	vst v55;
	v59 =	vnsel vm7, $0x4E1FF, v52;
	vm5 =	vlt.s32 v4, v3;
	v4 =	vld [tilespmem:$0xA170]  }
0xea: {  	vm13 =	vmand vm11, vm12;
	vm12 =	vlt.s32 v58, $0x4E1FF;
	v5 =	vsel vm2, v5, v1;
	[tilespmem:$0xA0C0] =	vst v59  }
0xeb: {  	vm11 =	vlt.s32 v63, v3;
	vm8 =	vlt.s32 v54, $0x4E1FF;
	v6 =	vnsel vm12, $0x4E1FF, v58;
	[tilespmem:$0xA190] =	vst v5  }
0xec: {  	v62 =	vld [tilespmem:$0xA070];
	v5 =	vsel vm13, v8, v1;
	vm0 =	vmand vm15, vm4;
	v8 =	vsub.s32 v56, v2;
	[tilespmem:$0xA0E0] =	vst v6  }
0xed: {  	vm9 =	vlt.s32 v61, v3;
	[tilespmem:$0xA1B0] =	vst v5;
	v5 =	vsel vm0, v11, v1;
	vm10 =	vlt.u32 v8, $0x1800  }
0xee: {  	[tilespmem:$0xA1C0] =	vst v5;
	v5 =	vnsel vm8, $0x4E1FF, v54;
	vm0 =	vmand vm9, vm10;
	v4 =	vsub.s32 v4, v2  }
0xef: {  	vm1 =	vmand vm5, vm6;
	[tilespmem:$0xA0D0] =	vst v5;
	v5 =	vsel vm0, v8, v1;
	vm13 =	vlt.u32 v4, $0x1800  }
.Ltmp9:
0xf0: {  	v60 =	vsel vm1, v57, v1;
	[tilespmem:$0xA1E0] =	vst v5;
	vm14 =	vmand vm11, vm13;
	(pc) =	sbr.rel .LBB2_8-.Ltmp9, $4  }
0xf1: {  	vm15 =	vlt.s32 v62, $0x4E1FF;
	[tilespmem:$0xA1D0] =	vst v60;
	v4 =	vsel vm14, v4, v1  }
0xf2: {  	[tilespmem:$0xA1F0] =	vst v4;
	v4 =	vnsel vm15, $0x4E1FF, v62  }
0xf3: {  	[tilespmem:$0xA0F0] =	vst v4  }
0xf4: {  	[tilespmem:s25], [sflag:$0x1] =	stream.indirect.gather [hbm4b:s1+s23], $0x80, s24, s23, $0xb8;
	[tilespmem:$0x1E480] =	vst v63  }
.LBB2_11:
0xf5: {  	_ =	sfence.sel $0x180000  }
0xf6: {  	[bflag:$0x0] =	sbarrier.arrive $0xFFFF  }
0xf7: {  	_ =	strace $0x9000004D  }
0xf8: {  	s0 =	stileid.u32;
	[bflag:$0x2] =	sbarrier.arrive $0xFFFF  }
0xf9: {  	p0 =	sne.s32 s0, $0x0;
	s0 =	rddreg [dreg:$0x5]  }
0xfa: {  	s0 =	sadd.s32 @!p0 $0x100000, s0  }
0xfb: {  	[sflag:s0] =	ssyncadd.tile.s32 @!p0 $0x1;
	_ =	shalt  }
.Lfunc_end2:
_tile_overlayer_lowered:
.L_overlay_start_2:
0xfc: {  	(tag) =	ssettag $0x2  }
0xfd: {  	s0 =	rddreg [dreg:$0x0];
	s2 =	stileid.u32  }
0xfe: {  	s1 =	rddreg [dreg:$0x1];
	p0 =	sne.s32 s2, $0x0  }
0xff: {  	s3 =	rddreg [dreg:$0x2];
	[bflag:$0x3] =	sbarrier.arrive $0xFFFF;
	s2 =	simm.s32 @!p0 $0x1C05  }
0x100: {  	[timem:s3], [sflag:s2] =	dma.local @!p0 [hbm:s0], s1  }
0x101: {  	s0 =	simm.s32 @!p0 $0x5  }
0x102: {  	_ =	swait.ge @!p0 [sflag:s0], s1  }
0x103: {  	s1 =	ssub.s32 @!p0 $0x0, s1;
	[sflag:s0] =	ssyncset.done @!p0 $0x0  }
0x104: {  	[sflag:s0] =	ssyncadd.s32 @!p0 s1  }
0x105: {  	[bflag:$0x3] =	sbarrier.arrive $0xFFFF  }
0x106: {  	_ =	shalt  }

// kernel: scatter_offload_async_start.1
scs
__scs_entry_jumppad:
0x0: {  	(pc) =	sbr.rel $0x88, $3  }
0x1: {  	(tag) =	ssettag $0x0;
	lr =	simm.s32 $0x1  }
0x2: {  	[smem:$0x3F9D] =	sst lr;
	_ =	strace $0xD0000000  }
0x3: {  	_ = 	snop  }
0x4: {  	_ = 	snop  }
0x5: {  	_ = 	snop  }
0x6: {  	_ = 	snop  }
0x7: {  	_ = 	snop  }
__scs_overlays_trampoline_lowered:
0x8: {  	[smem:$0x3FAC] =	sst s0  }
0x9: {  	[smem:$0x3FAD] =	sst s1  }
0xa: {  	[smem:$0x3FAE] =	sst s2  }
0xb: {  	[smem:$0x3FAF] =	sst s3  }
0xc: {  	[smem:$0x3FB0] =	sst s4  }
0xd: {  	[smem:$0x3FB1] =	sst s5  }
0xe: {  	[smem:$0x3FB2] =	sst s6  }
0xf: {  	[smem:$0x3FB3] =	sst s7  }
0x10: {  	[smem:$0x3FB4] =	sst s8  }
0x11: {  	[smem:$0x3FB5] =	sst s9;
	s0 =	simm.s32 @!p0 $0x0  }
0x12: {  	s1 =	sld [smem:$0x3F9B];
	s0 =	simm.s32 @p0 $0x1  }
0x13: {  	[smem:$0x3FB6] =	sst s0;
	s0 =	simm.s32 @!p1 $0x0  }
0x14: {  	s2 =	sld [smem:$0x3F9A];
	s0 =	simm.s32 @p1 $0x1  }
0x15: {  	[smem:$0x3FB7] =	sst s0;
	s0 =	simm.s32 @!p2 $0x0  }
0x16: {  	s3 =	sld [smem:$0x3FDB];
	s0 =	simm.s32 @p2 $0x1  }
0x17: {  	s4 =	simm.s32 $0x1BF5;
	[smem:$0x3FB9] =	sst s0  }
0x18: {  	s0 =	sld [smem:$0x3F9C];
	_ =	swait.ge [sflag:s4], $0x0  }
0x19: {  	s7 =	sld [smem:$0x3F9D]  }
0x1a: {  	s8 =	sadd.s32 $0xFFFFE003, lr  }
0x1b: {  	s9 =	sadd.s32 $0xFFFFFEF7, lr;
	s5 =	simm.s32 $0xFFFFFFFF;
	p2 =	slt.u32 s8, $0xFFFFF086  }
0x1c: {  	p1 =	slt.u32 s9, $0xF7A;
	s5 =	simm.s32 @!p2 $0x0  }
0x1d: {  	s5 =	simm.s32 @p1 $0x1;
	p0 =	seq.s32 s7, s2  }
0x1e: {  	s7 =	smul.u32 @!p0 $0xF7A, s2;
	p2 =	seq.s32 @!p0 s5, $0x0  }
0x1f: {  	s9 =	smul.u32 $0xF7A, s1;
	s8 =	simm.s32 @!p0 $0x1BF5;
	p2 =	por !p2, p0  }
0x20: {  	[sflag:s8] =	ssyncset.s32 @!p0 $0xFFFFF086;
	s6 =	sadd.s32 @!p0 s3, s7;
	s7 =	simm.s32 @!p0 $0x108  }
0x21: {  	s3 =	sadd.s32 s3, s9;
	s6 =	sadd.s32 @!p0 $0x88, s6;
	s7 =	simm.s32 @p2 $0x1082  }
0x22: {  	[simem:s7], [sflag:s8] =	dma.local @!p0 [hbm:s6], $0xF7A  }
0x23: {  	s9 =	sor.u32 $0xD0000000, s2;
	s6 =	simm.s32 $0x108;
	_ =	swait.ge @!p0 [sflag:s8], $0x0  }
0x24: {  	s3 =	sadd.s32 $0x88, s3;
	s6 =	simm.s32 @!p1 $0x1082;
	[sflag:s4] =	ssyncset.s32 $0xFFFFF086  }
0x25: {  	[simem:s6], [sflag:s4] =	dma.local [hbm:s3], $0xF7A  }
0x26: {  	[smem:$0x3F9D] =	sst s1;
	(tag) =	ssettag s2;
	_ =	strace s9  }
0x27: {  	s1 =	sld [smem:$0x3FAD]  }
0x28: {  	s2 =	sld [smem:$0x3FAE]  }
0x29: {  	s4 =	sld [smem:$0x3FB0]  }
0x2a: {  	p0 =	seq.s32 s5, $0x0;
	s5 =	sld [smem:$0x3FB1]  }
0x2b: {  	s6 =	sld [smem:$0x3FB2]  }
0x2c: {  	s7 =	sld [smem:$0x3FB3]  }
0x2d: {  	s3 =	simm.s32 $0x108;
	s8 =	sld [smem:$0x3FB4]  }
0x2e: {  	s3 =	simm.s32 @!p0 $0x1082;
	s9 =	sld [smem:$0x3FB5]  }
0x2f: {  	lr =	sadd.s32 s0, s3;
	s0 =	sld [smem:$0x3FAC]  }
0x30: {  	s3 =	sld [smem:$0x3FAF]  }
0x31: {  	[smem:$0x3FB8] =	sst s10  }
0x32: {  	s10 =	sld [smem:$0x3FB6];
	_ =	sdelay $0x3  }
0x33: {  	p0 =	seq.s32 s10, $0x1;
	s10 =	sld [smem:$0x3FB8];
	_ =	sdelay $0x3  }
0x34: {  	[smem:$0x3FB8] =	sst s10  }
0x35: {  	s10 =	sld [smem:$0x3FB7];
	_ =	sdelay $0x3  }
0x36: {  	p1 =	seq.s32 s10, $0x1;
	s10 =	sld [smem:$0x3FB8];
	_ =	sdelay $0x3  }
0x37: {  	[smem:$0x3FB8] =	sst s10  }
0x38: {  	s10 =	sld [smem:$0x3FB9]  }
0x39: {  	_ = 	snop;
	(pc) =	sbr.ind lr, $3  }
0x3a: {  	_ = 	snop  }
0x3b: {  	_ = 	snop  }
0x3c: {  	p2 =	seq.s32 s10, $0x1;
	s10 =	sld [smem:$0x3FB8]  }
0x3d: {  	_ =	shalt  }
0x3e: {  	_ =	shalt  }
0x3f: {  	_ =	shalt  }
0x40: {  	_ =	shalt  }
0x41: {  	_ =	shalt  }
0x42: {  	_ =	shalt  }
0x43: {  	_ =	shalt  }
0x44: {  	_ =	shalt  }
0x45: {  	_ =	shalt  }
0x46: {  	_ =	shalt  }
0x47: {  	_ =	shalt  }
0x48: {  	_ =	shalt  }
0x49: {  	_ =	shalt  }
0x4a: {  	_ =	shalt  }
0x4b: {  	_ =	shalt  }
0x4c: {  	_ =	shalt  }
0x4d: {  	_ =	shalt  }
0x4e: {  	_ =	shalt  }
0x4f: {  	_ =	shalt  }
0x50: {  	_ =	shalt  }
0x51: {  	_ =	shalt  }
0x52: {  	_ =	shalt  }
0x53: {  	_ =	shalt  }
0x54: {  	_ =	shalt  }
0x55: {  	_ =	shalt  }
0x56: {  	_ =	shalt  }
0x57: {  	_ =	shalt  }
0x58: {  	_ =	shalt  }
0x59: {  	_ =	shalt  }
0x5a: {  	_ =	shalt  }
0x5b: {  	_ =	shalt  }
0x5c: {  	_ =	shalt  }
0x5d: {  	_ =	shalt  }
0x5e: {  	_ =	shalt  }
0x5f: {  	_ =	shalt  }
0x60: {  	_ =	shalt  }
0x61: {  	_ =	shalt  }
0x62: {  	_ =	shalt  }
0x63: {  	_ =	shalt  }
0x64: {  	_ =	shalt  }
0x65: {  	_ =	shalt  }
0x66: {  	_ =	shalt  }
0x67: {  	_ =	shalt  }
0x68: {  	_ =	shalt  }
0x69: {  	_ =	shalt  }
0x6a: {  	_ =	shalt  }
0x6b: {  	_ =	shalt  }
0x6c: {  	_ =	shalt  }
0x6d: {  	_ =	shalt  }
0x6e: {  	_ =	shalt  }
0x6f: {  	_ =	shalt  }
0x70: {  	_ =	shalt  }
0x71: {  	_ =	shalt  }
0x72: {  	_ =	shalt  }
0x73: {  	_ =	shalt  }
0x74: {  	_ =	shalt  }
0x75: {  	_ =	shalt  }
0x76: {  	_ =	shalt  }
0x77: {  	_ =	shalt  }
0x78: {  	_ =	shalt  }
0x79: {  	_ =	shalt  }
0x7a: {  	_ =	shalt  }
0x7b: {  	_ =	shalt  }
0x7c: {  	_ =	shalt  }
0x7d: {  	_ =	shalt  }
0x7e: {  	_ =	shalt  }
0x7f: {  	_ =	shalt  }
0x80: {  	_ =	shalt  }
0x81: {  	_ =	shalt  }
0x82: {  	_ =	shalt  }
0x83: {  	_ =	shalt  }
0x84: {  	_ =	shalt  }
0x85: {  	_ =	shalt  }
0x86: {  	_ =	shalt  }
0x87: {  	_ =	shalt  }
.Lfunc_end0:
.L_simem_size_0:
called_computation.1_lowered:
.L_overlay_start_0:
0x88: {  	s2 =	sld [smem:$0x3FD9]  }
0x89: {  	s3 =	sld [smem:$0x3FFE];
	_ =	sdelay $0x1  }
0x8a: {  	s1 =	srdreg.scid  }
0x8b: {  	s0 =	sand.u32 $0x1, s1  }
0x8c: {  	s15 =	sshll.u32 s0, $0xA;
	s2 =	sadd.s32 s3, s2  }
0x8d: {  	s2 =	sadd.s32 s2, s15  }
0x8e: {  	[smem:$0x3FC4] =	sst s2  }
0x8f: {  	_ = 	snop  }
0x90: {  	(tm) =	ssettm $0x1  }
0x91: {  	s16 =	sld [smem:$0x3FFB];
	_ =	sdelay $0x3  }
0x92: {  	_ =	strace s16  }
0x93: {  	s2 =	sld [smem:$0x3FFC];
	_ =	sdelay $0x3  }
0x94: {  	_ =	strace s2  }
0x95: {  	s2 =	sld [smem:$0x3FFD];
	_ =	sdelay $0x3  }
0x96: {  	_ =	strace s2  }
0x97: {  	_ =	strace $0x8FFFFFFF  }
0x98: {  	s17 =	sld [smem:$0x3FDB];
	_ =	sdelay $0x1  }
0x99: {  	s18 =	simm.s32 $_scs_section_size  }
0x9a: {  	s4 =	simm.s32 $_size__tile_overlayer_lowered;
	s5 =	simm.s32 $_tile_overlayer_lowered  }
0x9b: {  	s21 =	simm.s32 $0x1BFF;
	s20 =	sshll.u32 s5, $0x1;
	s2 =	sadd.s32 s18, s17  }
0x9c: {  	s6 =	simm.s32 $0x0;
	s19 =	sshll.u32 s4, $0x1;
	s4 =	sadd.s32 s20, s2  }
0x9d: {  	[timem:s6], [sflag:s21] =	dma.local [hbm:s4], s19  }
0x9e: {  	_ =	swait.ge [sflag:s21], s19  }
0x9f: {  	s3 =	ssub.s32 $0x0, s19;
	[sflag:s21] =	ssyncset.done $0x0  }
0xa0: {  	[sflag:s21] =	ssyncadd.s32 s3;
	_ =	sdelay $0x1  }
0xa1: {  	s22 =	simm.s32 $0x1B8B  }
0xa2: {  	_ =	swait.ge [sflag:s22], $0x1  }
0xa3: {  	[sflag:s22] =	ssyncset.done $0x0  }
0xa4: {  	s23 =	sld [smem:$0x3FFE];
	[sflag:s22] =	ssyncadd.s32 $0xFFFFFFFF  }
0xa5: {  	s25 =	simm.s32 $0x1B8E;
	s24 =	sld [smem:$0x0]  }
0xa6: {  	s26 =	simm.s32 $execute0_lowered;
	[smem:$0x3FD2] =	sst s25  }
0xa7: {  	s5 =	sshll.u32 s26, $0x1;
	_ =	strace $0x80000049;
	[dreg:$0x1] =	wrdreg $0xFFFFFFFF  }
0xa8: {  	s28 =	simm.s32 $_size_execute0_lowered;
	s2 =	sadd.s32 s2, s5;
	[dreg:$0x0] =	wrdreg $0x0  }
0xa9: {  	s5 =	sshll.u32 s28, $0x1;
	[dreg:$0x2] =	wrdreg s2  }
0xaa: {  	[dreg:$0x3] =	wrdreg s5  }
0xab: {  	[dreg:$0x4] =	wrdreg $0xC0  }
0xac: {  	_ =	task [dreg:s6], $0x5FFFF  }
0xad: {  	[dreg:$0x1] =	wrdreg $0xFFFFFFFF  }
0xae: {  	[dreg:$0x0] =	wrdreg $0x60  }
0xaf: {  	[dreg:$0x2] =	wrdreg s23  }
0xb0: {  	[dreg:$0x3] =	wrdreg s1  }
0xb1: {  	[dreg:$0x4] =	wrdreg s24  }
0xb2: {  	[dreg:$0x5] =	wrdreg $0x9  }
0xb3: {  	_ =	task.clear_ibuf [dreg:s6], $0x6FFFF;
	_ =	strace $0x90000049  }
0xb4: {  	s29 =	simm.s32 $0x9;
	_ =	strace $0x8000004B  }
0xb5: {  	_ =	swait.ge [sflag:s29], $0x1  }
0xb6: {  	[sflag:s29] =	ssyncadd.s32 $0xFFFFFFFF  }
0xb7: {  	_ =	strace $0x9000004B  }
0xb8: {  	_ =	sfence  }
0xb9: {  	s30 =	sld [smem:$0x0];
	_ =	sdelay $0x2  }
0xba: {  	s31 =	sshll.u32 s1, $0xD;
	s1 =	sshrl.u32 s1, $0x2  }
0xbb: {  	s3 =	sand.u32 $0x4000, s31;
	s1 =	sadd.s32 s1, s30  }
0xbc: {  	s0 =	sor.u32 s3, s0;
	s1 =	sshll.u32 s1, $0x11  }
0xbd: {  	s0 =	sor.u32 s1, s0  }
0xbe: {  	s0 =	sadd.s32 $0x8F2B, s0  }
0xbf: {  	[sflag:s0] =	ssyncadd.remote.s32 $0x1  }
0xc0: {  	_ =	sfence.sel $0xFFFF  }
0xc1: {  	[dreg:$0x0] =	wrdreg $0xFFFFFFFF;
	(pc) =	sbr.abs _section_cstart, $3  }
0xc2: {  	[dreg:$0x1] =	wrdreg $0xFFFFFFFF  }
0xc3: {  	_ =	task.clear_ibuf [dreg:s6], $0x2FFFF;
	_ =	strace $0x9FFFFFFF  }
0xc4: {  	(tm) =	ssettm $0x7FFFFFFF  }
0xc5: {  	_ =	shalt  }
tec
execute0_lowered:
.L_overlay_start_1:
0x0: {  	(tag) =	ssettag $0x1  }
0x1: {  	s12 =	rddreg [dreg:$0x0]  }
0x2: {  	s2 =	rddreg [dreg:$0x1];
	_ =	strace $0x8000004A;
	s13 =	simm.s32 $0x1  }
0x3: {  	v0 =	vimm.s32 $0x0;
	[sflag:s13] =	ssyncpa.u1 $0x0  }
0x4: {  	[tilespmem:$0x28] =	vst v0  }
0x5: {  	[tilespmem:$0x38] =	vst v0  }
0x6: {  	[tilespmem:$0x48] =	vst v0  }
0x7: {  	[tilespmem:$0x58] =	vst v0  }
0x8: {  	[tilespmem:$0x68] =	vst v0  }
0x9: {  	[tilespmem:$0x78] =	vst v0  }
0xa: {  	[tilespmem:$0x88] =	vst v0  }
0xb: {  	[tilespmem:$0x98] =	vst v0  }
0xc: {  	[tilespmem:$0xA8] =	vst v0  }
0xd: {  	[tilespmem:$0xB8] =	vst v0  }
0xe: {  	[tilespmem:$0xC8] =	vst v0  }
0xf: {  	[tilespmem:$0xD8] =	vst v0  }
0x10: {  	[tilespmem:$0xE8] =	vst v0  }
0x11: {  	[tilespmem:$0xF8] =	vst v0  }
0x12: {  	[tilespmem:$0x108] =	vst v0  }
0x13: {  	[tilespmem:$0x118] =	vst v0  }
0x14: {  	[tilespmem:$0x128] =	vst v0  }
0x15: {  	[tilespmem:$0x138] =	vst v0  }
0x16: {  	[tilespmem:$0x148] =	vst v0  }
0x17: {  	[tilespmem:$0x158] =	vst v0  }
0x18: {  	[tilespmem:$0x168] =	vst v0  }
0x19: {  	[tilespmem:$0x178] =	vst v0  }
0x1a: {  	[tilespmem:$0x188] =	vst v0  }
0x1b: {  	[tilespmem:$0x198] =	vst v0  }
0x1c: {  	[tilespmem:$0x1A8] =	vst v0  }
0x1d: {  	[tilespmem:$0x1B8] =	vst v0  }
0x1e: {  	[tilespmem:$0x1C8] =	vst v0  }
0x1f: {  	[tilespmem:$0x1D8] =	vst v0  }
0x20: {  	[tilespmem:$0x1E8] =	vst v0  }
0x21: {  	[tilespmem:$0x1F8] =	vst v0  }
0x22: {  	[tilespmem:$0x208] =	vst v0  }
0x23: {  	[tilespmem:$0x218] =	vst v0  }
0x24: {  	[tilespmem:$0x228] =	vst v0  }
0x25: {  	[tilespmem:$0x238] =	vst v0  }
0x26: {  	[tilespmem:$0x248] =	vst v0  }
0x27: {  	[tilespmem:$0x258] =	vst v0  }
0x28: {  	[tilespmem:$0x268] =	vst v0  }
0x29: {  	[tilespmem:$0x278] =	vst v0  }
0x2a: {  	[tilespmem:$0x288] =	vst v0  }
0x2b: {  	[tilespmem:$0x298] =	vst v0  }
0x2c: {  	[tilespmem:$0x2A8] =	vst v0  }
0x2d: {  	[tilespmem:$0x2B8] =	vst v0  }
0x2e: {  	[tilespmem:$0x2C8] =	vst v0  }
0x2f: {  	[tilespmem:$0x2D8] =	vst v0  }
0x30: {  	[tilespmem:$0x2E8] =	vst v0  }
0x31: {  	[tilespmem:$0x2F8] =	vst v0  }
0x32: {  	[tilespmem:$0x308] =	vst v0  }
0x33: {  	[tilespmem:$0x318] =	vst v0  }
0x34: {  	[tilespmem:$0x328] =	vst v0  }
0x35: {  	[tilespmem:$0x338] =	vst v0  }
0x36: {  	[tilespmem:$0x348] =	vst v0  }
0x37: {  	[tilespmem:$0x358] =	vst v0  }
0x38: {  	[tilespmem:$0x368] =	vst v0  }
0x39: {  	[tilespmem:$0x378] =	vst v0  }
0x3a: {  	[tilespmem:$0x388] =	vst v0  }
0x3b: {  	[tilespmem:$0x398] =	vst v0  }
0x3c: {  	[tilespmem:$0x3A8] =	vst v0  }
0x3d: {  	[tilespmem:$0x3B8] =	vst v0  }
0x3e: {  	[tilespmem:$0x3C8] =	vst v0  }
0x3f: {  	[tilespmem:$0x3D8] =	vst v0  }
0x40: {  	[tilespmem:$0x3E8] =	vst v0  }
0x41: {  	[tilespmem:$0x3F8] =	vst v0  }
0x42: {  	[tilespmem:$0x408] =	vst v0  }
0x43: {  	[tilespmem:$0x418] =	vst v0  }
0x44: {  	[tilespmem:$0x428] =	vst v0  }
0x45: {  	[tilespmem:$0x438] =	vst v0  }
0x46: {  	[tilespmem:$0x448] =	vst v0  }
0x47: {  	[tilespmem:$0x458] =	vst v0  }
0x48: {  	[tilespmem:$0x468] =	vst v0  }
0x49: {  	[tilespmem:$0x478] =	vst v0  }
0x4a: {  	[tilespmem:$0x488] =	vst v0  }
0x4b: {  	[tilespmem:$0x498] =	vst v0  }
0x4c: {  	[tilespmem:$0x4A8] =	vst v0  }
0x4d: {  	[tilespmem:$0x4B8] =	vst v0  }
0x4e: {  	[tilespmem:$0x4C8] =	vst v0  }
0x4f: {  	[tilespmem:$0x4D8] =	vst v0  }
0x50: {  	[tilespmem:$0x4E8] =	vst v0  }
0x51: {  	[tilespmem:$0x4F8] =	vst v0  }
0x52: {  	[tilespmem:$0x508] =	vst v0  }
0x53: {  	[tilespmem:$0x518] =	vst v0  }
0x54: {  	[tilespmem:$0x528] =	vst v0  }
0x55: {  	[tilespmem:$0x538] =	vst v0  }
0x56: {  	[tilespmem:$0x548] =	vst v0  }
0x57: {  	[tilespmem:$0x558] =	vst v0  }
0x58: {  	[tilespmem:$0x568] =	vst v0  }
0x59: {  	[tilespmem:$0x578] =	vst v0  }
0x5a: {  	[tilespmem:$0x588] =	vst v0  }
0x5b: {  	[tilespmem:$0x598] =	vst v0  }
0x5c: {  	[tilespmem:$0x5A8] =	vst v0  }
0x5d: {  	[tilespmem:$0x5B8] =	vst v0  }
0x5e: {  	[tilespmem:$0x5C8] =	vst v0  }
0x5f: {  	[tilespmem:$0x5D8] =	vst v0  }
0x60: {  	[tilespmem:$0x5E8] =	vst v0  }
0x61: {  	[tilespmem:$0x5F8] =	vst v0  }
0x62: {  	[tilespmem:$0x608] =	vst v0  }
0x63: {  	[tilespmem:$0x618] =	vst v0  }
0x64: {  	[tilespmem:$0x628] =	vst v0  }
0x65: {  	[tilespmem:$0x638] =	vst v0  }
0x66: {  	[tilespmem:$0x648] =	vst v0  }
0x67: {  	[tilespmem:$0x658] =	vst v0  }
0x68: {  	[tilespmem:$0x668] =	vst v0  }
0x69: {  	[tilespmem:$0x678] =	vst v0  }
0x6a: {  	[tilespmem:$0x688] =	vst v0  }
0x6b: {  	[tilespmem:$0x698] =	vst v0  }
0x6c: {  	[tilespmem:$0x6A8] =	vst v0  }
0x6d: {  	[tilespmem:$0x6B8] =	vst v0  }
0x6e: {  	[tilespmem:$0x6C8] =	vst v0  }
0x6f: {  	[tilespmem:$0x6D8] =	vst v0  }
0x70: {  	[tilespmem:$0x6E8] =	vst v0  }
0x71: {  	[tilespmem:$0x6F8] =	vst v0  }
0x72: {  	[tilespmem:$0x708] =	vst v0  }
0x73: {  	[tilespmem:$0x718] =	vst v0  }
0x74: {  	[tilespmem:$0x728] =	vst v0  }
0x75: {  	[tilespmem:$0x738] =	vst v0  }
0x76: {  	[tilespmem:$0x748] =	vst v0  }
0x77: {  	[tilespmem:$0x758] =	vst v0  }
0x78: {  	[tilespmem:$0x768] =	vst v0  }
0x79: {  	[tilespmem:$0x778] =	vst v0  }
0x7a: {  	[tilespmem:$0x788] =	vst v0  }
0x7b: {  	[tilespmem:$0x798] =	vst v0  }
0x7c: {  	[tilespmem:$0x7A8] =	vst v0  }
0x7d: {  	[tilespmem:$0x7B8] =	vst v0  }
0x7e: {  	[tilespmem:$0x7C8] =	vst v0  }
0x7f: {  	[tilespmem:$0x7D8] =	vst v0  }
0x80: {  	[tilespmem:$0x7E8] =	vst v0  }
0x81: {  	[tilespmem:$0x7F8] =	vst v0  }
0x82: {  	[tilespmem:$0x808] =	vst v0  }
0x83: {  	[tilespmem:$0x818] =	vst v0  }
0x84: {  	[tilespmem:$0x828] =	vst v0  }
0x85: {  	[tilespmem:$0x838] =	vst v0  }
0x86: {  	[tilespmem:$0x848] =	vst v0  }
0x87: {  	[tilespmem:$0x858] =	vst v0  }
0x88: {  	[tilespmem:$0x868] =	vst v0  }
0x89: {  	[tilespmem:$0x878] =	vst v0  }
0x8a: {  	[tilespmem:$0x888] =	vst v0  }
0x8b: {  	[tilespmem:$0x898] =	vst v0  }
0x8c: {  	[tilespmem:$0x8A8] =	vst v0  }
0x8d: {  	[tilespmem:$0x8B8] =	vst v0  }
0x8e: {  	[tilespmem:$0x8C8] =	vst v0  }
0x8f: {  	[tilespmem:$0x8D8] =	vst v0  }
0x90: {  	[tilespmem:$0x8E8] =	vst v0  }
0x91: {  	[tilespmem:$0x8F8] =	vst v0  }
0x92: {  	[tilespmem:$0x908] =	vst v0  }
0x93: {  	[tilespmem:$0x918] =	vst v0  }
0x94: {  	[tilespmem:$0x928] =	vst v0  }
0x95: {  	[tilespmem:$0x938] =	vst v0  }
0x96: {  	[tilespmem:$0x948] =	vst v0  }
0x97: {  	[tilespmem:$0x958] =	vst v0  }
0x98: {  	[tilespmem:$0x968] =	vst v0  }
0x99: {  	[tilespmem:$0x978] =	vst v0  }
0x9a: {  	[tilespmem:$0x988] =	vst v0  }
0x9b: {  	[tilespmem:$0x998] =	vst v0  }
0x9c: {  	[tilespmem:$0x9A8] =	vst v0  }
0x9d: {  	[tilespmem:$0x9B8] =	vst v0  }
0x9e: {  	[tilespmem:$0x9C8] =	vst v0  }
0x9f: {  	[tilespmem:$0x9D8] =	vst v0  }
0xa0: {  	[tilespmem:$0x9E8] =	vst v0  }
0xa1: {  	[tilespmem:$0x9F8] =	vst v0  }
0xa2: {  	[tilespmem:$0xA08] =	vst v0  }
0xa3: {  	[tilespmem:$0xA18] =	vst v0  }
0xa4: {  	[tilespmem:$0xA28] =	vst v0  }
0xa5: {  	[tilespmem:$0xA38] =	vst v0  }
0xa6: {  	[tilespmem:$0xA48] =	vst v0  }
0xa7: {  	[tilespmem:$0xA58] =	vst v0  }
0xa8: {  	[tilespmem:$0xA68] =	vst v0  }
0xa9: {  	[tilespmem:$0xA78] =	vst v0  }
0xaa: {  	[tilespmem:$0xA88] =	vst v0  }
0xab: {  	[tilespmem:$0xA98] =	vst v0  }
0xac: {  	[tilespmem:$0xAA8] =	vst v0  }
0xad: {  	[tilespmem:$0xAB8] =	vst v0  }
0xae: {  	[tilespmem:$0xAC8] =	vst v0  }
0xaf: {  	[tilespmem:$0xAD8] =	vst v0  }
0xb0: {  	[tilespmem:$0xAE8] =	vst v0  }
0xb1: {  	[tilespmem:$0xAF8] =	vst v0  }
0xb2: {  	[tilespmem:$0xB08] =	vst v0  }
0xb3: {  	[tilespmem:$0xB18] =	vst v0  }
0xb4: {  	[tilespmem:$0xB28] =	vst v0  }
0xb5: {  	[tilespmem:$0xB38] =	vst v0  }
0xb6: {  	[tilespmem:$0xB48] =	vst v0  }
0xb7: {  	[tilespmem:$0xB58] =	vst v0  }
0xb8: {  	[tilespmem:$0xB68] =	vst v0  }
0xb9: {  	[tilespmem:$0xB78] =	vst v0  }
0xba: {  	[tilespmem:$0xB88] =	vst v0  }
0xbb: {  	[tilespmem:$0xB98] =	vst v0  }
0xbc: {  	[tilespmem:$0xBA8] =	vst v0  }
0xbd: {  	[tilespmem:$0xBB8] =	vst v0  }
0xbe: {  	[tilespmem:$0xBC8] =	vst v0  }
0xbf: {  	[tilespmem:$0xBD8] =	vst v0  }
0xc0: {  	[tilespmem:$0xBE8] =	vst v0  }
0xc1: {  	[tilespmem:$0xBF8] =	vst v0  }
0xc2: {  	[tilespmem:$0xC08] =	vst v0  }
0xc3: {  	[tilespmem:$0xC18] =	vst v0  }
0xc4: {  	[tilespmem:$0xC28] =	vst v0  }
0xc5: {  	[tilespmem:$0xC38] =	vst v0  }
0xc6: {  	[tilespmem:$0xC48] =	vst v0  }
0xc7: {  	[tilespmem:$0xC58] =	vst v0  }
0xc8: {  	[tilespmem:$0xC68] =	vst v0  }
0xc9: {  	[tilespmem:$0xC78] =	vst v0  }
0xca: {  	[tilespmem:$0xC88] =	vst v0  }
0xcb: {  	[tilespmem:$0xC98] =	vst v0  }
0xcc: {  	[tilespmem:$0xCA8] =	vst v0  }
0xcd: {  	[tilespmem:$0xCB8] =	vst v0  }
0xce: {  	[tilespmem:$0xCC8] =	vst v0  }
0xcf: {  	[tilespmem:$0xCD8] =	vst v0  }
0xd0: {  	[tilespmem:$0xCE8] =	vst v0  }
0xd1: {  	[tilespmem:$0xCF8] =	vst v0  }
0xd2: {  	[tilespmem:$0xD08] =	vst v0  }
0xd3: {  	[tilespmem:$0xD18] =	vst v0  }
0xd4: {  	[tilespmem:$0xD28] =	vst v0  }
0xd5: {  	[tilespmem:$0xD38] =	vst v0  }
0xd6: {  	[tilespmem:$0xD48] =	vst v0  }
0xd7: {  	[tilespmem:$0xD58] =	vst v0  }
0xd8: {  	[tilespmem:$0xD68] =	vst v0  }
0xd9: {  	[tilespmem:$0xD78] =	vst v0  }
0xda: {  	[tilespmem:$0xD88] =	vst v0  }
0xdb: {  	[tilespmem:$0xD98] =	vst v0  }
0xdc: {  	[tilespmem:$0xDA8] =	vst v0  }
0xdd: {  	[tilespmem:$0xDB8] =	vst v0  }
0xde: {  	[tilespmem:$0xDC8] =	vst v0  }
0xdf: {  	[tilespmem:$0xDD8] =	vst v0  }
0xe0: {  	[tilespmem:$0xDE8] =	vst v0  }
0xe1: {  	[tilespmem:$0xDF8] =	vst v0  }
0xe2: {  	[tilespmem:$0xE08] =	vst v0  }
0xe3: {  	[tilespmem:$0xE18] =	vst v0  }
0xe4: {  	[tilespmem:$0xE28] =	vst v0  }
0xe5: {  	[tilespmem:$0xE38] =	vst v0  }
0xe6: {  	[tilespmem:$0xE48] =	vst v0  }
0xe7: {  	[tilespmem:$0xE58] =	vst v0  }
0xe8: {  	[tilespmem:$0xE68] =	vst v0  }
0xe9: {  	[tilespmem:$0xE78] =	vst v0  }
0xea: {  	[tilespmem:$0xE88] =	vst v0  }
0xeb: {  	[tilespmem:$0xE98] =	vst v0  }
0xec: {  	[tilespmem:$0xEA8] =	vst v0  }
0xed: {  	[tilespmem:$0xEB8] =	vst v0  }
0xee: {  	[tilespmem:$0xEC8] =	vst v0  }
0xef: {  	[tilespmem:$0xED8] =	vst v0  }
0xf0: {  	[tilespmem:$0xEE8] =	vst v0  }
0xf1: {  	[tilespmem:$0xEF8] =	vst v0  }
0xf2: {  	[tilespmem:$0xF08] =	vst v0  }
0xf3: {  	[tilespmem:$0xF18] =	vst v0  }
0xf4: {  	[tilespmem:$0xF28] =	vst v0  }
0xf5: {  	[tilespmem:$0xF38] =	vst v0  }
0xf6: {  	[tilespmem:$0xF48] =	vst v0  }
0xf7: {  	[tilespmem:$0xF58] =	vst v0  }
0xf8: {  	[tilespmem:$0xF68] =	vst v0  }
0xf9: {  	[tilespmem:$0xF78] =	vst v0  }
0xfa: {  	[tilespmem:$0xF88] =	vst v0  }
0xfb: {  	[tilespmem:$0xF98] =	vst v0  }
0xfc: {  	[tilespmem:$0xFA8] =	vst v0  }
0xfd: {  	[tilespmem:$0xFB8] =	vst v0  }
0xfe: {  	[tilespmem:$0xFC8] =	vst v0  }
0xff: {  	[tilespmem:$0xFD8] =	vst v0  }
0x100: {  	[tilespmem:$0xFE8] =	vst v0  }
0x101: {  	[tilespmem:$0xFF8] =	vst v0  }
0x102: {  	[tilespmem:$0x1018] =	vst v0  }
0x103: {  	[tilespmem:$0x10C8] =	vst v0  }
0x104: {  	[tilespmem:$0x1B28] =	vst v0  }
0x105: {  	[tilespmem:$0x1B18] =	vst v0  }
0x106: {  	[tilespmem:$0x1B08] =	vst v0  }
0x107: {  	[tilespmem:$0x1AF8] =	vst v0  }
0x108: {  	[tilespmem:$0x1AE8] =	vst v0  }
0x109: {  	[tilespmem:$0x1AD8] =	vst v0  }
0x10a: {  	[tilespmem:$0x1AC8] =	vst v0  }
0x10b: {  	[tilespmem:$0x1AB8] =	vst v0  }
0x10c: {  	[tilespmem:$0x1AA8] =	vst v0  }
0x10d: {  	[tilespmem:$0x1A98] =	vst v0  }
0x10e: {  	[tilespmem:$0x1A88] =	vst v0  }
0x10f: {  	[tilespmem:$0x1A78] =	vst v0  }
0x110: {  	[tilespmem:$0x1A68] =	vst v0  }
0x111: {  	[tilespmem:$0x1A58] =	vst v0  }
0x112: {  	[tilespmem:$0x1A48] =	vst v0  }
0x113: {  	[tilespmem:$0x1A38] =	vst v0  }
0x114: {  	[tilespmem:$0x1A28] =	vst v0  }
0x115: {  	[tilespmem:$0x1A18] =	vst v0  }
0x116: {  	[tilespmem:$0x1A08] =	vst v0  }
0x117: {  	[tilespmem:$0x19F8] =	vst v0  }
0x118: {  	[tilespmem:$0x19E8] =	vst v0  }
0x119: {  	[tilespmem:$0x19D8] =	vst v0  }
0x11a: {  	[tilespmem:$0x19C8] =	vst v0  }
0x11b: {  	[tilespmem:$0x19B8] =	vst v0  }
0x11c: {  	[tilespmem:$0x19A8] =	vst v0  }
0x11d: {  	[tilespmem:$0x1998] =	vst v0  }
0x11e: {  	[tilespmem:$0x1988] =	vst v0  }
0x11f: {  	[tilespmem:$0x1978] =	vst v0  }
0x120: {  	[tilespmem:$0x1968] =	vst v0  }
0x121: {  	[tilespmem:$0x1958] =	vst v0  }
0x122: {  	[tilespmem:$0x1948] =	vst v0  }
0x123: {  	[tilespmem:$0x1938] =	vst v0  }
0x124: {  	[tilespmem:$0x1928] =	vst v0  }
0x125: {  	[tilespmem:$0x1918] =	vst v0  }
0x126: {  	[tilespmem:$0x1908] =	vst v0  }
0x127: {  	[tilespmem:$0x18F8] =	vst v0  }
0x128: {  	[tilespmem:$0x18E8] =	vst v0  }
0x129: {  	[tilespmem:$0x18D8] =	vst v0  }
0x12a: {  	[tilespmem:$0x18C8] =	vst v0  }
0x12b: {  	[tilespmem:$0x18B8] =	vst v0  }
0x12c: {  	[tilespmem:$0x18A8] =	vst v0  }
0x12d: {  	[tilespmem:$0x1898] =	vst v0  }
0x12e: {  	[tilespmem:$0x1888] =	vst v0  }
0x12f: {  	[tilespmem:$0x1878] =	vst v0  }
0x130: {  	[tilespmem:$0x1868] =	vst v0  }
0x131: {  	[tilespmem:$0x1858] =	vst v0  }
0x132: {  	[tilespmem:$0x1848] =	vst v0  }
0x133: {  	[tilespmem:$0x1838] =	vst v0  }
0x134: {  	[tilespmem:$0x1828] =	vst v0  }
0x135: {  	[tilespmem:$0x1818] =	vst v0  }
0x136: {  	[tilespmem:$0x1808] =	vst v0  }
0x137: {  	[tilespmem:$0x17F8] =	vst v0  }
0x138: {  	[tilespmem:$0x17E8] =	vst v0  }
0x139: {  	[tilespmem:$0x17D8] =	vst v0  }
0x13a: {  	[tilespmem:$0x17C8] =	vst v0  }
0x13b: {  	[tilespmem:$0x17B8] =	vst v0  }
0x13c: {  	[tilespmem:$0x17A8] =	vst v0  }
0x13d: {  	[tilespmem:$0x1798] =	vst v0  }
0x13e: {  	[tilespmem:$0x1788] =	vst v0  }
0x13f: {  	[tilespmem:$0x1778] =	vst v0  }
0x140: {  	[tilespmem:$0x1768] =	vst v0  }
0x141: {  	[tilespmem:$0x1758] =	vst v0  }
0x142: {  	[tilespmem:$0x1748] =	vst v0  }
0x143: {  	[tilespmem:$0x1738] =	vst v0  }
0x144: {  	[tilespmem:$0x1728] =	vst v0  }
0x145: {  	[tilespmem:$0x1718] =	vst v0  }
0x146: {  	[tilespmem:$0x1708] =	vst v0  }
0x147: {  	[tilespmem:$0x16F8] =	vst v0  }
0x148: {  	[tilespmem:$0x16E8] =	vst v0  }
0x149: {  	[tilespmem:$0x16D8] =	vst v0  }
0x14a: {  	[tilespmem:$0x16C8] =	vst v0  }
0x14b: {  	[tilespmem:$0x16B8] =	vst v0  }
0x14c: {  	[tilespmem:$0x16A8] =	vst v0  }
0x14d: {  	[tilespmem:$0x1698] =	vst v0  }
0x14e: {  	[tilespmem:$0x1688] =	vst v0  }
0x14f: {  	[tilespmem:$0x1678] =	vst v0  }
0x150: {  	[tilespmem:$0x1668] =	vst v0  }
0x151: {  	[tilespmem:$0x1658] =	vst v0  }
0x152: {  	[tilespmem:$0x1648] =	vst v0  }
0x153: {  	[tilespmem:$0x1638] =	vst v0  }
0x154: {  	[tilespmem:$0x1628] =	vst v0  }
0x155: {  	[tilespmem:$0x1618] =	vst v0  }
0x156: {  	[tilespmem:$0x1608] =	vst v0  }
0x157: {  	[tilespmem:$0x15F8] =	vst v0  }
0x158: {  	[tilespmem:$0x15E8] =	vst v0  }
0x159: {  	[tilespmem:$0x15D8] =	vst v0  }
0x15a: {  	[tilespmem:$0x15C8] =	vst v0  }
0x15b: {  	[tilespmem:$0x15B8] =	vst v0  }
0x15c: {  	[tilespmem:$0x15A8] =	vst v0  }
0x15d: {  	[tilespmem:$0x1598] =	vst v0  }
0x15e: {  	[tilespmem:$0x1588] =	vst v0  }
0x15f: {  	[tilespmem:$0x1578] =	vst v0  }
0x160: {  	[tilespmem:$0x1568] =	vst v0  }
0x161: {  	[tilespmem:$0x1558] =	vst v0  }
0x162: {  	[tilespmem:$0x1548] =	vst v0  }
0x163: {  	[tilespmem:$0x1538] =	vst v0  }
0x164: {  	[tilespmem:$0x1528] =	vst v0  }
0x165: {  	[tilespmem:$0x1518] =	vst v0  }
0x166: {  	[tilespmem:$0x1508] =	vst v0  }
0x167: {  	[tilespmem:$0x14F8] =	vst v0  }
0x168: {  	[tilespmem:$0x14E8] =	vst v0  }
0x169: {  	[tilespmem:$0x14D8] =	vst v0  }
0x16a: {  	[tilespmem:$0x14C8] =	vst v0  }
0x16b: {  	[tilespmem:$0x14B8] =	vst v0  }
0x16c: {  	[tilespmem:$0x14A8] =	vst v0  }
0x16d: {  	[tilespmem:$0x1498] =	vst v0  }
0x16e: {  	[tilespmem:$0x1488] =	vst v0  }
0x16f: {  	[tilespmem:$0x1478] =	vst v0  }
0x170: {  	[tilespmem:$0x1468] =	vst v0  }
0x171: {  	[tilespmem:$0x1458] =	vst v0  }
0x172: {  	[tilespmem:$0x1448] =	vst v0  }
0x173: {  	[tilespmem:$0x1438] =	vst v0  }
0x174: {  	[tilespmem:$0x1428] =	vst v0  }
0x175: {  	[tilespmem:$0x1418] =	vst v0  }
0x176: {  	[tilespmem:$0x1408] =	vst v0  }
0x177: {  	[tilespmem:$0x13F8] =	vst v0  }
0x178: {  	[tilespmem:$0x13E8] =	vst v0  }
0x179: {  	[tilespmem:$0x13D8] =	vst v0  }
0x17a: {  	[tilespmem:$0x13C8] =	vst v0  }
0x17b: {  	[tilespmem:$0x13B8] =	vst v0  }
0x17c: {  	[tilespmem:$0x13A8] =	vst v0  }
0x17d: {  	[tilespmem:$0x1398] =	vst v0  }
0x17e: {  	[tilespmem:$0x1388] =	vst v0  }
0x17f: {  	[tilespmem:$0x1378] =	vst v0  }
0x180: {  	[tilespmem:$0x1368] =	vst v0  }
0x181: {  	[tilespmem:$0x1358] =	vst v0  }
0x182: {  	[tilespmem:$0x1348] =	vst v0  }
0x183: {  	[tilespmem:$0x1338] =	vst v0  }
0x184: {  	[tilespmem:$0x1328] =	vst v0  }
0x185: {  	[tilespmem:$0x1318] =	vst v0  }
0x186: {  	[tilespmem:$0x1308] =	vst v0  }
0x187: {  	[tilespmem:$0x12F8] =	vst v0  }
0x188: {  	[tilespmem:$0x12E8] =	vst v0  }
0x189: {  	[tilespmem:$0x12D8] =	vst v0  }
0x18a: {  	[tilespmem:$0x12C8] =	vst v0  }
0x18b: {  	[tilespmem:$0x12B8] =	vst v0  }
0x18c: {  	[tilespmem:$0x12A8] =	vst v0  }
0x18d: {  	[tilespmem:$0x1298] =	vst v0  }
0x18e: {  	[tilespmem:$0x1288] =	vst v0  }
0x18f: {  	[tilespmem:$0x1278] =	vst v0  }
0x190: {  	[tilespmem:$0x1268] =	vst v0  }
0x191: {  	[tilespmem:$0x1258] =	vst v0  }
0x192: {  	[tilespmem:$0x1248] =	vst v0  }
0x193: {  	[tilespmem:$0x1238] =	vst v0  }
0x194: {  	[tilespmem:$0x1228] =	vst v0  }
0x195: {  	[tilespmem:$0x1218] =	vst v0  }
0x196: {  	[tilespmem:$0x1208] =	vst v0  }
0x197: {  	[tilespmem:$0x11F8] =	vst v0  }
0x198: {  	[tilespmem:$0x11E8] =	vst v0  }
0x199: {  	[tilespmem:$0x11D8] =	vst v0  }
0x19a: {  	[tilespmem:$0x11C8] =	vst v0  }
0x19b: {  	[tilespmem:$0x11B8] =	vst v0  }
0x19c: {  	[tilespmem:$0x11A8] =	vst v0  }
0x19d: {  	[tilespmem:$0x1198] =	vst v0  }
0x19e: {  	[tilespmem:$0x1188] =	vst v0  }
0x19f: {  	[tilespmem:$0x1178] =	vst v0  }
0x1a0: {  	[tilespmem:$0x1168] =	vst v0  }
0x1a1: {  	[tilespmem:$0x1158] =	vst v0  }
0x1a2: {  	[tilespmem:$0x1148] =	vst v0  }
0x1a3: {  	[tilespmem:$0x1138] =	vst v0  }
0x1a4: {  	[tilespmem:$0x1128] =	vst v0  }
0x1a5: {  	[tilespmem:$0x1118] =	vst v0  }
0x1a6: {  	s4 =	stileid.u32;
	[tilespmem:$0x1108] =	vst v0  }
0x1a7: {  	s0 =	smul.u32 $0x17, s4;
	[tilespmem:$0x10F8] =	vst v0  }
0x1a8: {  	s1 =	smin.u32 s4, $0x3;
	[tilespmem:$0x10E8] =	vst v0  }
0x1a9: {  	[tilespmem:$0x10D8] =	vst v0;
	s0 =	sadd.s32 s1, s0  }
0x1aa: {  	p0 =	slt.u32 s4, $0x3;
	[tilespmem:$0x10A8] =	vst v0;
	s1 =	simm.s32 $0x2880;
	s6 =	smul.u32 $0x1B0, s0  }
0x1ab: {  	s1 =	simm.s32 @!p0 $0x26D0;
	[tilespmem:$0x10B8] =	vst v0  }
0x1ac: {  	[tilespmem:$0x1098] =	vst v0;
	s0 =	sadd.s32 s1, s6  }
0x1ad: {  	s5 =	simm.s32 $0x2;
	[tilespmem:$0x1028] =	vst v0;
	s7 =	smin.u32 s0, $0x27100  }
0x1ae: {  	s26 =	simm.s32 $0x9;
	s29 =	simm.s32 $0xA;
	[tilespmem:$0x1088] =	vst v0;
	s0 =	ssub.s32 s7, s6  }
0x1af: {  	s30 =	simm.s32 $0xB;
	s16 =	simm.s32 $0x0;
	[tilespmem:$0x1078] =	vst v0;
	p0 =	sgt.s32 s0, $0x0  }
0x1b0: {  	p4 =	por $0x0, $0x0;
	s17 =	simm.s32 $0xC;
	[tilespmem:$0x1068] =	vst v0;
	s0 =	simm.s32 @!p0 $0x0  }
0x1b1: {  	s21 =	simm.s32 $0x0;
	s18 =	simm.s32 $0x0;
	[tilespmem:$0x1058] =	vst v0;
	s25 =	smulhi.u32 $0x4BDA12F7, s0  }
0x1b2: {  	s20 =	simm.s32 $0x0;
	s3 =	sadd.s32 $0xEA6000, s12;
	s8 =	sand.u32 $0x1, s2;
	[tilespmem:$0x1048] =	vst v0  }
0x1b3: {  	s9 =	sadd.s32 $0x9C4000, s12;
	s14 =	smul.u32 $0x4E20, s8;
	[tilespmem:$0x1038] =	vst v0;
	s1 =	sshrl.u32 s25, $0x7  }
0x1b4: {  	s31 =	sshll.u32 s4, $0x5;
	[tilespmem:$0x1008] =	vst v0;
	[sflag:s5] =	ssyncpa.u1 $0x0;
	v0 =	vimm.s32 $0xFFFFFFFF;
	s28 =	smul.u32 $0x1B0, s1  }
.Ltmp0:
0x1b5: {  	[dreg:$0x5] =	wrdreg s8;
	[tilespmem:$0x3648] =	vst v0;
	[sflag:s26] =	ssyncpa.u1 $0x0;
	(pc) =	sbr.rel .LBB2_1-.Ltmp0, $4  }
0x1b6: {  	[dreg:$0x4] =	wrdreg s31;
	[sflag:s29] =	ssyncpa.u1 $0x0;
	p0 =	sne.s32 s0, s28  }
0x1b7: {  	s10 =	sadd.s32 s14, s12;
	[sflag:s30] =	ssyncpa.u1 $0x0;
	s13 =	simm.s32 @!p0 $0x0  }
0x1b8: {  	s15 =	sadd.s32 $0x9E00, s10;
	s19 =	smov.u32 s6;
	s13 =	sadd.s32 s13, s1  }
0x1b9: {  	v0 =	vlaneseq.u32;
	[dreg:$0x6] =	wrdreg s6;
	p0 =	por $0x1, $0x1;
	s12 =	sadd.s32 $0x1, s13  }
.LBB2_18:
0x1ba: {  	s0 =	simm.s32 $0x2  }
0x1bb: {  	_ =	swait.ge [sflag:s0], $0x0  }
0x1bc: {  	[sflag:s0] =	ssyncset.done $0x0;
	s0 =	simm.s32 $0x0  }
.LBB2_19:
0x1bd: {  	_ =	swait.ge [sflag:s17], s0  }
0x1be: {  	s31 =	ssub.s32 $0x0, s0;
	v1 =	vmov s23;
	vm0 =	veq.s32 v0, $0x0;
	[sflag:s17] =	ssyncset.done $0x0  }
0x1bf: {  	vm15 =	veq.s32 v0, $0x2;
	v1 =	vsel vm0, s28, v1;
	[sflag:s17] =	ssyncadd.s32 s31  }
0x1c0: {  	v1 =	vsel vm15, s21, v1;
	[sflag:s17] =	ssyncpa.u1 $0x1  }
0x1c1: {  	[tilespmem:$0x3648] =	vst v1  }
.LBB2_20:
0x1c2: {  	s0 =	sadd.s32 $0x1B0, s19  }
0x1c3: {  	s1 =	smov.u32 s6;
	p1 =	slt.s32 s0, s7  }
0x1c4: {  	s1 =	smov.u32 @p1 s0;
	p1 =	sne.s32 s20, s12  }
.Ltmp1:
0x1c5: {  	_ = 	snop;
	(pc) =	sbr.rel @!p1 .LBB2_21-.Ltmp1, $4  }
0x1c6: {  	_ = 	snop  }
0x1c7: {  	s21 =	smov.u32 s18  }
0x1c8: {  	s31 =	sadd.s32 $0x1, s20;
	s18 =	smov.u32 s19;
	p0 =	por !p0, !p0  }
0x1c9: {  	p4 =	por !p4, !p4;
	s20 =	smov.u32 s31;
	s19 =	smov.u32 s1  }
.LBB2_1:
0x1ca: {  	p2 =	sge.u32 s20, s13  }
0x1cb: {  	s0 =	smulhi.u32 @!p2 $0xAAAAAAAB, s20  }
0x1cc: {  	s1 =	smov.u32 s19;
	p3 =	sgt.s32 @!p2 s19, $0x26F50  }
0x1cd: {  	s2 =	sshra.s32 @!p2 s19, $0x1F;
	p3 =	por !p3, p2;
	s0 =	sshrl.u32 @!p2 s0, $0x1  }
0x1ce: {  	s2 =	sand.u32 @!p2 s2, s19;
	s1 =	simm.s32 @p3 $0x26F50;
	s0 =	smul.u32 @!p2 $0x3, s0  }
0x1cf: {  	s1 =	ssub.s32 @!p2 s1, s2  }
0x1d0: {  	s23 =	sadd.s32 $0xFFFFFFFF, s20;
	s1 =	sadd.s32 @!p2 $0xFFFD90B0, s1;
	s0 =	ssub.s32 @!p2 s20, s0  }
0x1d1: {  	s2 =	sshll.u32 @!p2 s1, $0x2;
	p3 =	sgt.s32 @!p2 s1, $0x1AF;
	s0 =	smul.u32 @!p2 $0x6C0, s0  }
0x1d2: {  	s5 =	sand.u32 @!p2 $0x7, s19;
	s1 =	ssub.s32 @!p2 $0x6C0, s2;
	p3 =	por !p3, p2  }
0x1d3: {  	s2 =	sshrl.u32 @!p2 s19, $0x3;
	s1 =	sshrl.u32 @!p2 s1, $0x2;
	s0 =	sshrl.u32 @!p2 s0, $0x2  }
0x1d4: {  	s2 =	sadd.s32 @!p2 s2, s15;
	s1 =	simm.s32 @!p3 $0x0;
	s0 =	sadd.s32 @!p2 $0x3888, s0  }
0x1d5: {  	[tilespmem:s0], [sflag:$0xA] =	stream.linear.gather @!p2 [hbm4b:s2+s5], s1, $0x38;
	[tilespmem:$0x1F0F8] =	vst v63  }
0x1d6: {  	p2 =	sge.u32 s23, s13  }
0x1d7: {  	p3 =	sgt.s32 @!p2 s18, $0x26F50  }
0x1d8: {  	s0 =	smov.u32 s18;
	s1 =	sshra.s32 @!p2 s18, $0x1F;
	p3 =	por !p3, p2  }
0x1d9: {  	s1 =	sand.u32 @!p2 s1, s18;
	s0 =	simm.s32 @p3 $0x26F50  }
0x1da: {  	s0 =	ssub.s32 @!p2 s0, s1  }
0x1db: {  	s0 =	sadd.s32 @!p2 $0xFFFD90B0, s0  }
0x1dc: {  	s1 =	sshll.u32 @!p2 s0, $0x2  }
0x1dd: {  	p3 =	sgt.s32 @!p2 s0, $0x1AF;
	s0 =	ssub.s32 @!p2 $0x6C0, s1  }
0x1de: {  	s22 =	ssub.s32 @!p2 $0x27100, s18;
	p3 =	por !p3, p2;
	s0 =	sshrl.u32 @!p2 s0, $0x2  }
0x1df: {  	s1 =	sand.u32 @!p2 $0x1, s23;
	s0 =	simm.s32 @!p3 $0x0;
	p3 =	slt.s32 @!p2 s22, $0x1  }
0x1e0: {  	s2 =	simm.s32 @!p2 $0xA;
	s1 =	smul.u32 @!p2 $0x6C0, s1;
	p3 =	por p2, p3  }
.Ltmp2:
0x1e1: {  	_ =	swait.ge @!p2 [sflag:s2], s0;
	(pc) =	sbr.rel @p3 .LBB2_7-.Ltmp2, $4  }
0x1e2: {  	s5 =	ssub.s32 @!p2 $0x0, s0;
	[sflag:s2] =	ssyncset.done @!p2 $0x0  }
0x1e3: {  	s1 =	sshrl.u32 @!p2 s1, $0x2;
	[sflag:s2] =	ssyncadd.s32 @!p2 s5;
	s2 =	sshrl.u32 @!p2 s18, $0x3  }
0x1e4: {  	s1 =	sadd.s32 @!p2 $0x3D98, s1;
	s5 =	sand.u32 @!p2 $0x7, s18;
	s2 =	sadd.s32 @!p2 s2, s10  }
0x1e5: {  	[tilespmem:s1], [sflag:$0xB] =	stream.linear.gather @!p2 [hbm4b:s2+s5], s0, $0x38;
	[tilespmem:$0x1F0F8] =	vst v63  }
0x1e6: {  	s0 =	smulhi.u32 $0xAAAAAAAB, s23;
	_ =	sdelay $0x1  }
0x1e7: {  	s0 =	sshrl.u32 s0, $0x1  }
0x1e8: {  	s0 =	smul.u32 $0x3, s0;
	_ =	sdelay $0x1  }
0x1e9: {  	s0 =	ssub.s32 s23, s0  }
0x1ea: {  	s1 =	simm.s32 $0x1;
	s0 =	smul.u32 $0x6C0, s0  }
.Ltmp3:
0x1eb: {  	s1 =	simm.s32 @!p0 $0x0;
	(pc) =	sbr.rel .LBB2_4-.Ltmp3, $4  }
0x1ec: {  	s1 =	smul.u32 $0x36000, s1  }
0x1ed: {  	p3 =	slt.s32 @!p2 s22, $0x1B0;
	s0 =	sshrl.u32 s0, $0x2  }
0x1ee: {  	p2 =	por !p3, p2;
	s1 =	sshrl.u32 s1, $0x2;
	s0 =	sadd.s32 $0x3888, s0  }
0x1ef: {  	s24 =	simm.s32 $0x0;
	s22 =	simm.s32 @p2 $0x1B0;
	s23 =	sadd.s32 $0x40F8, s1;
	v1 =	vmov s0  }
.LBB2_3:
0x1f0: {  	p2 =	sge.s32 s24, s22  }
.Ltmp4:
0x1f1: {  	_ = 	snop;
	(pc) =	sbr.rel @p2 .LBB2_7-.Ltmp4, $2  }
0x1f2: {  	_ =	sdelay $0x2  }
0x1f3: {  	s23 =	sadd.s32 $0x800, s23  }
.LBB2_4:
0x1f4: {  	p2 =	sle.s32 s22, s24  }
.Ltmp5:
0x1f5: {  	_ = 	snop;
	(pc) =	sbr.rel @p2 .LBB2_3-.Ltmp5, $2  }
0x1f6: {  	_ =	sdelay $0x2  }
0x1f7: {  	s0 =	smov.u32 s24;
	s24 =	sadd.s32 $0x10, s24  }
0x1f8: {  	s1 =	ssub.s32 s22, s0  }
0x1f9: {  	p2 =	slt.s32 s1, $0x10  }
0x1fa: {  	s1 =	simm.s32 @!p2 $0x10  }
0x1fb: {  	v2 =	vmov s1  }
0x1fc: {  	vm0 =	vgt.s32 v2, v0;
	_ =	sdelay $0x5  }
0x1fd: {  	v2 =	vld.idx.msk [tilespmem:v1+s0+$0x0 ss:$0x1], vm0;
	_ =	sdelay $0x2  }
0x1fe: {  	p2 =	slt.s32 s24, s22;
	s1 =	smov.u32 s22  }
0x1ff: {  	s2 =	smov.u32 s23;
	s25 =	simm.s32 $0x0;
	s1 =	smov.u32 @p2 s24  }
.LBB2_6:
0x200: {  	(v2sf) =	vpush v2, s25;
	_ =	sdelay $0xc  }
0x201: {  	s25 =	sadd.s32 $0x1, s25  }
0x202: {  	s31 =	sadd.s32 s25, s0  }
0x203: {  	p2 =	slt.s32 s31, s1;
	s5 =	spop (v2sf)  }
.Ltmp6:
0x204: {  	s5 =	sshll.u32 s5, $0x4;
	(pc) =	sbr.rel @p2 .LBB2_6-.Ltmp6, $4  }
0x205: {  	s5 =	sand.u32 $0x1FFFFFF0, s5  }
0x206: {  	s5 =	sadd.s32 s9, s5  }
0x207: {  	[tilespmem:s2], [sflag:$0x9] =	stream.linear.gather [hbm4b:s5+s16], $0x8, $0x38;
	[tilespmem:$0x1F0F8] =	vst v63  }
0x208: {  	s2 =	sadd.s32 $0x80, s2  }
.Ltmp7:
0x209: {  	_ = 	snop;
	(pc) =	sbr.rel .LBB2_3-.Ltmp7, $1  }
0x20a: {  	_ =	sdelay $0x3  }
.LBB2_7:
0x20b: {  	p2 =	slt.u32 s20, $0x2  }
.Ltmp8:
0x20c: {  	_ = 	snop;
	(pc) =	sbr.rel @p2 .LBB2_20-.Ltmp8, $1  }
0x20d: {  	_ =	sdelay $0x3  }
0x20e: {  	p2 =	sgt.s32 s21, $0x26F50  }
0x20f: {  	s0 =	smov.u32 s21;
	s1 =	sshra.s32 s21, $0x1F;
	s2 =	ssub.s32 $0x27100, s21  }
0x210: {  	s0 =	simm.s32 @!p2 $0x26F50;
	s1 =	sand.u32 s1, s21;
	p2 =	slt.s32 s2, $0x1B0  }
0x211: {  	s0 =	ssub.s32 s0, s1;
	s2 =	simm.s32 @!p2 $0x1B0  }
0x212: {  	s0 =	sadd.s32 $0xFFFD90B0, s0;
	s24 =	sshll.u32 s2, $0x3  }
0x213: {  	s28 =	simm.s32 $0x9;
	s25 =	sshll.u32 s0, $0x2;
	s1 =	sand.u32 $0x3FFFFFF8, s24  }
0x214: {  	p2 =	sgt.s32 s0, $0x1AF;
	s26 =	ssub.s32 $0x6C0, s25;
	_ =	swait.ge [sflag:s28], s1  }
0x215: {  	s1 =	ssub.s32 $0x0, s1;
	[sflag:s28] =	ssyncset.done $0x0;
	s0 =	sshrl.u32 s26, $0x2  }
0x216: {  	s30 =	simm.s32 $0xB;
	[sflag:s28] =	ssyncadd.s32 s1;
	s0 =	simm.s32 @p2 $0x0  }
0x217: {  	_ =	swait.ge [sflag:s30], s0  }
0x218: {  	s0 =	ssub.s32 $0x0, s0;
	[sflag:s30] =	ssyncset.done $0x0  }
0x219: {  	[sflag:s30] =	ssyncadd.s32 s0  }
0x21a: {  	v1 =	vld [tilespmem:$0x3648];
	_ =	sdelay $0x4  }
0x21b: {  	(v2sf) =	vpush v1, $0x0  }
0x21c: {  	(v2sf) =	vpush v1, $0x1  }
0x21d: {  	(v2sf) =	vpush v1, $0x2;
	_ =	sdelay $0x3  }
0x21e: {  	s0 =	sadd.s32 $0x1B0, s21  }
0x21f: {  	s1 =	ssub.s32 $0x4E200, s21;
	p2 =	slt.s32 s7, s0  }
0x220: {  	s0 =	smov.u32 @p2 s7;
	p2 =	sgt.s32 s1, $0x0  }
0x221: {  	s25 =	ssub.s32 s0, s21;
	s1 =	simm.s32 @!p2 $0x0  }
0x222: {  	p2 =	slt.s32 s1, s25  }
0x223: {  	s25 =	smov.u32 @p2 s1  }
0x224: {  	s24 =	simm.s32 $0x1;
	p2 =	slt.s32 s25, $0x1  }
.Ltmp9:
0x225: {  	s24 =	simm.s32 @!p4 $0x0;
	(pc) =	sbr.rel @p2 .LBB2_12-.Ltmp9, $4  }
0x226: {  	s31 =	smul.u32 $0x6C0, s24  }
0x227: {  	s26 =	spop (v2sf)  }
0x228: {  	s0 =	sshrl.u32 s31, $0x2;
	s29 =	spop (v2sf)  }
0x229: {  	s22 =	sadd.s32 $0x3D98, s0;
	s21 =	spop (v2sf)  }
0x22a: {  	s0 =	smin.u32 s25, $0x10  }
0x22b: {  	v1 =	vmov s0  }
0x22c: {  	p3 =	sgt.s32 s25, $0x10;
	vm1 =	vgt.u32 v1, v0  }
.Ltmp10:
0x22d: {  	_ = 	snop;
	(pc) =	sbr.rel @!p3 .LBB2_11-.Ltmp10, $2  }
0x22e: {  	_ =	sdelay $0x2  }
0x22f: {  	s23 =	simm.s32 $0x10;
	s28 =	sadd.s32 $0xFFFFFFF0, s25;
	s0 =	smov.u32 s22;
	vm0 =	vmmov vm1  }
.LBB2_10:
0x230: {  	s1 =	smin.u32 s28, $0x10;
	s23 =	sadd.s32 $0x10, s23;
	v1 =	vld.msk [tilespmem:s0+$0x0 ss:$0x1], vm1  }
0x231: {  	v2 =	vmov s1;
	p3 =	slt.s32 s23, s25  }
0x232: {  	vm1 =	vgt.u32 v2, v0  }
.Ltmp11:
0x233: {  	(pc) =	sbr.rel @p3 .LBB2_10-.Ltmp11, $3  }
0x234: {  	_ =	sdelay $0x1  }
0x235: {  	v1 =	vshll.u32 v1, $0x4  }
0x236: {  	s28 =	sadd.s32 $0xFFFFFFF0, s28;
	[tilespmem:s0+$0x0] =	vst.msk vm0, v1;
	s0 =	sadd.s32 $0x10, s0;
	vm0 =	vmmov vm1  }
.LBB2_11:
0x237: {  	_ =	sdelay $0x4  }
0x238: {  	v1 =	vld.msk [tilespmem:s0+$0x0 ss:$0x1], vm1;
	_ =	sdelay $0x4  }
0x239: {  	v1 =	vshll.u32 v1, $0x4  }
0x23a: {  	[tilespmem:s0+$0x0] =	vst.msk vm0, v1  }
.LBB2_12:
0x23b: {  	s0 =	sand.u32 $0x1, s20  }
0x23c: {  	s0 =	smul.u32 $0x1B0, s0  }
0x23d: {  	p3 =	sne.s32 s29, $0xFFFFFFFF  }
0x23e: {  	v1 =	vld.msk @!p3 [tilespmem:s0+$0x3D98], $0x1;
	_ =	sdelay $0x4  }
0x23f: {  	(v2sf) =	vpush @!p3 v1, $0x0;
	_ =	sdelay $0xc  }
.Ltmp12:
0x240: {  	_ = 	snop;
	(pc) =	sbr.rel @p2 .LBB2_18-.Ltmp12, $4  }
0x241: {  	_ = 	snop  }
0x242: {  	s28 =	spop @!p3 (v2sf)  }
0x243: {  	s21 =	simm.s32 @!p3 $0x0;
	s23 =	smov.u32 s28  }
0x244: {  	[sflag:s17] =	ssyncpa.u1 $0x0;
	s28 =	smov.u32 @p3 s26;
	s23 =	smov.u32 @p3 s29  }
0x245: {  	v1 =	vld.msk [tilespmem:s22+$0x0], $0x1;
	_ =	sdelay $0x4  }
0x246: {  	(v2sf) =	vpush v1, $0x0;
	_ =	sdelay $0xe  }
0x247: {  	s0 =	simm.s32 @!p4 $0x0;
	s26 =	smul.u32 $0x36000, s24;
	s31 =	spop (v2sf)  }
0x248: {  	s29 =	ssub.s32 $0x0, s25;
	s0 =	simm.s32 @p4 $0x1;
	p2 =	seq.s32 s28, s31  }
0x249: {  	s1 =	smov.u32 s28;
	[smem:$0x7FD] =	sst s0;
	p3 =	sgt.s32 @!p2 s28, $0x0  }
0x24a: {  	s0 =	sshrl.u32 s26, $0x2;
	s26 =	sadd.s32 $0x1, s29;
	p3 =	por !p3, p2  }
0x24b: {  	s1 =	simm.s32 @p3 $0x0;
	p3 =	seq.s32 s26, $0x0  }
.Ltmp13:
0x24c: {  	_ = 	snop;
	(pc) =	sbr.rel @p3 .LBB2_15-.Ltmp13, $4  }
0x24d: {  	s6 =	smov.u32 s10;
	s25 =	simm.s32 $0x0  }
0x24e: {  	s24 =	sadd.s32 $0x40F8, s0;
	s0 =	simm.s32 @!p2 $0x1;
	s2 =	smin.u32 @!p2 s1, $0x4E1FFF  }
0x24f: {  	s30 =	sadd.s32 $0x1, s22;
	s0 =	smov.u32 @p2 s25;
	s5 =	sand.u32 @!p2 $0x7FFFF8, s2  }
0x250: {  	s1 =	simm.s32 @!p2 $0x1B38;
	s2 =	sand.u32 @!p2 $0x7, s2;
	s5 =	sadd.s32 @!p2 s3, s5  }
.LBB2_14:
0x251: {  	s4 =	smov.u32 s0  }
0x252: {  	[tilespmem:s1], [sflag:$0x2] =	stream.linear.gather @!p2 [hbm4b:s5+s2], $0x8, $0x38;
	[tilespmem:$0x1F0F8] =	vst v63  }
0x253: {  	s26 =	sadd.s32 $0x1, s26;
	s2 =	smov.u32 s31;
	v1 =	vld.msk [tilespmem:s30+$0x0], $0x1  }
0x254: {  	p3 =	seq.s32 s26, $0x0;
	_ =	sdelay $0x3  }
0x255: {  	(v2sf) =	vpush v1, $0x0;
	_ =	sdelay $0xe  }
0x256: {  	s31 =	spop (v2sf)  }
0x257: {  	p2 =	seq.s32 s2, s31  }
0x258: {  	p4 =	sgt.s32 @!p2 s2, $0x0;
	s1 =	sshll.u32 @!p2 s0, $0x6;
	s0 =	sadd.s32 @!p2 $0x1, s0  }
.Ltmp14:
0x259: {  	p4 =	por !p4, p2;
	s1 =	sshra.s32 @!p2 s1, $0x2;
	(pc) =	sbr.rel @!p3 .LBB2_14-.Ltmp14, $4  }
0x25a: {  	s0 =	smov.u32 @p2 s4;
	s2 =	simm.s32 @p4 $0x0;
	s1 =	sadd.s32 @!p2 $0x1B38, s1  }
0x25b: {  	s2 =	smin.u32 @!p2 s2, $0x4E1FFF  }
0x25c: {  	s4 =	sand.u32 @!p2 $0x7FFFF8, s2;
	s2 =	sand.u32 @!p2 $0x7, s2  }
0x25d: {  	s30 =	sadd.s32 $0x1, s30;
	s5 =	sadd.s32 @!p2 s3, s4  }
.LBB2_15:
0x25e: {  	[tilespmem:s1], [sflag:$0x2] =	stream.linear.gather @!p2 [hbm4b:s5+s2], $0x8, $0x38;
	[tilespmem:$0x1F0F8] =	vst v63  }
0x25f: {  	s0 =	sshll.u32 s0, $0x3  }
0x260: {  	s31 =	simm.s32 $0x2;
	s0 =	sand.u32 $0x3FFFFFF8, s0  }
0x261: {  	_ =	swait.ge [sflag:s31], s0  }
0x262: {  	s0 =	ssub.s32 $0x0, s0;
	[sflag:s31] =	ssyncset.done $0x0  }
0x263: {  	[sflag:s31] =	ssyncadd.s32 s0  }
0x264: {  	v1 =	vld.msk [tilespmem:s22+$0x0], $0x1;
	_ =	sdelay $0x4  }
0x265: {  	(v2sf) =	vpush v1, $0x0;
	_ =	sdelay $0xe  }
0x266: {  	s26 =	spop (v2sf)  }
0x267: {  	p2 =	sne.s32 s28, s26  }
0x268: {  	p4 =	sne.s32 @p2 s28, s23  }
0x269: {  	p3 =	por !p4, !p2  }
0x26a: {  	s0 =	simm.s32 @!p3 $0x0  }
0x26b: {  	v1 =	vld.msk @!p3 [tilespmem:s0+$0x1B38], $0xff  }
0x26c: {  	p5 =	sgt.u32 @!p3 s28, $0x4E1FFF  }
0x26d: {  	s1 =	sshll.u32 @!p3 s21, $0x6;
	p6 =	por @p2 p5, !p4  }
0x26e: {  	s1 =	sshra.s32 @!p3 s1, $0x2;
	p1 =	por p6, !p2;
	p6 =	por p4, !p2  }
0x26f: {  	s2 =	sadd.s32 @!p3 $0x28, s1;
	s4 =	sand.u32 @!p1 $0x7FFFF8, s28;
	s5 =	sshll.u32 @!p6 s21, $0x6  }
0x270: {  	s28 =	sand.u32 @!p1 $0x7, s28;
	[tilespmem:s1+$0x28] =	vst.add.f32.msk @!p3 $0xff, v1;
	s1 =	sadd.s32 @!p1 s3, s4;
	s4 =	sshra.s32 @!p6 s5, $0x2  }
0x271: {  	[hbm4b:s1+s28] =	stream.linear.scatter @!p1 [tilespmem:s2], [sflag:$0xC], $0x8, $0x38;
	[tilespmem:$0x1F0F8] =	vst v63  }
0x272: {  	s0 =	rddreg [dreg:$0x4];
	s1 =	sadd.s32 @!p6 $0x28, s4;
	s2 =	simm.s32 @!p6 $0x1  }
0x273: {  	[spmem:s0] =	stream.linear.scatter @!p6 [tilespmem:s1], [sflag:$0x1], $0x8, $0x38;
	[tilespmem:$0x1F0F8] =	vst v63  }
0x274: {  	s0 =	sadd.s32 @p2 $0x1, s21;
	_ =	swait.ge @!p6 [sflag:s2], $0x8  }
0x275: {  	s1 =	sshrl.u32 @p2 s0, $0x4;
	[sflag:s2] =	ssyncset.done @!p6 $0x0  }
0x276: {  	s1 =	smulhi.u32 @p2 $0x97B425F, s1;
	[sflag:s2] =	ssyncadd.s32 @!p6 $0xFFFFFFF8  }
0x277: {  	s28 =	sadd.s32 $0x1, s29;
	v1 =	vld.msk @p2 [tilespmem:s24+$0x0], $0xff  }
0x278: {  	p1 =	por @p2 !p5, !p4;
	p4 =	seq.s32 s28, $0x0;
	s1 =	smul.u32 @p2 $0x1B0, s1  }
.Ltmp15:
0x279: {  	p1 =	por !p1, !p2;
	s2 =	simm.s32 @!p3 $0x0;
	(pc) =	sbr.rel @p4 .LBB2_17-.Ltmp15, $4  }
0x27a: {  	s4 =	sshll.u32 @!p2 s21, $0x6;
	s2 =	simm.s32 @!p1 $0x20;
	s0 =	ssub.s32 @p2 s0, s1  }
0x27b: {  	s29 =	simm.s32 $0x0;
	s2 =	sadd.s32 @!p3 $0x0, s2;
	s5 =	sshll.u32 @p2 s0, $0x4  }
0x27c: {  	s30 =	sshra.s32 @!p2 s4, $0x2;
	s1 =	simm.s32 @p2 $0x1;
	s2 =	smov.u32 @p3 s25;
	[tilespmem:s5+$0x28] =	vst.msk @p2 $0xff, v1  }
0x27d: {  	s21 =	smov.u32 @p2 s0;
	s29 =	smov.u32 @p2 s2;
	s25 =	smov.u32 @p2 s1;
	v1 =	vld.msk @!p2 [tilespmem:s24+$0x0], $0xff  }
.LBB2_16:
0x27e: {  	_ =	sdelay $0x3  }
0x27f: {  	s22 =	sadd.s32 $0x1, s22;
	[tilespmem:s30+$0x28] =	vst.add.f32.msk @!p2 $0xff, v1  }
0x280: {  	v1 =	vld.msk [tilespmem:s22+$0x0], $0x1;
	_ =	sdelay $0x4  }
0x281: {  	(v2sf) =	vpush v1, $0x0;
	_ =	sdelay $0xe  }
0x282: {  	s0 =	smov.u32 s26;
	s26 =	spop (v2sf)  }
0x283: {  	p2 =	sne.s32 s0, s26  }
0x284: {  	p5 =	sne.s32 @p2 s0, s23  }
0x285: {  	s4 =	sshll.u32 @!p2 s21, $0x6;
	p4 =	por !p5, !p2  }
0x286: {  	s30 =	sshra.s32 @!p2 s4, $0x2;
	s4 =	sshll.u32 @!p4 s25, $0x6  }
0x287: {  	s4 =	sshra.s32 @!p4 s4, $0x2  }
0x288: {  	p1 =	sgt.u32 @!p4 s0, $0x4E1FFF;
	v1 =	vld.msk @!p4 [tilespmem:s4+$0x1B38], $0xff  }
0x289: {  	s31 =	sshll.u32 @!p4 s21, $0x6;
	p6 =	por @p2 p1, !p5;
	p1 =	por @p2 !p1, !p5  }
0x28a: {  	s8 =	simm.s32 @!p4 $0x0;
	s31 =	sshra.s32 @!p4 s31, $0x2;
	p1 =	por !p1, !p2  }
0x28b: {  	p5 =	por p5, !p2;
	s8 =	simm.s32 @!p1 $0x20;
	p1 =	por p6, !p2  }
0x28c: {  	s4 =	sadd.s32 @!p4 $0x28, s31;
	s14 =	sshll.u32 @!p5 s21, $0x6;
	s11 =	sand.u32 @!p1 $0x7FFFF8, s0  }
0x28d: {  	s14 =	sshra.s32 @!p5 s14, $0x2;
	s0 =	sand.u32 @!p1 $0x7, s0;
	s11 =	sadd.s32 @!p1 s3, s11;
	[tilespmem:s31+$0x28] =	vst.add.f32.msk @!p4 $0xff, v1  }
0x28e: {  	[hbm4b:s11+s0] =	stream.linear.scatter @!p1 [tilespmem:s4], [sflag:$0xC], $0x8, $0x38;
	[tilespmem:$0x1F0F8] =	vst v63  }
0x28f: {  	s1 =	rddreg [dreg:$0x4];
	s0 =	sadd.s32 @!p5 $0x28, s14;
	s4 =	simm.s32 @!p5 $0x1  }
0x290: {  	[spmem:s1] =	stream.linear.scatter @!p5 [tilespmem:s0], [sflag:$0x1], $0x8, $0x38;
	[tilespmem:$0x1F0F8] =	vst v63  }
0x291: {  	s2 =	sadd.s32 @p2 $0x1, s21;
	_ =	swait.ge @!p5 [sflag:s4], $0x8  }
0x292: {  	s5 =	sshrl.u32 @p2 s2, $0x4;
	[sflag:s4] =	ssyncset.done @!p5 $0x0  }
0x293: {  	s24 =	sadd.s32 $0x80, s24;
	s5 =	smulhi.u32 @p2 $0x97B425F, s5;
	[sflag:s4] =	ssyncadd.s32 @!p5 $0xFFFFFFF8  }
0x294: {  	s28 =	sadd.s32 $0x1, s28;
	v1 =	vld.msk @p2 [tilespmem:s24+$0x0], $0xff  }
0x295: {  	p3 =	seq.s32 s28, $0x0;
	s5 =	smul.u32 @p2 $0x1B0, s5  }
.Ltmp16:
0x296: {  	_ = 	snop;
	(pc) =	sbr.rel @!p3 .LBB2_16-.Ltmp16, $4  }
0x297: {  	s2 =	ssub.s32 @p2 s2, s5  }
0x298: {  	s8 =	sadd.s32 @!p4 s8, s29;
	s5 =	sshll.u32 @p2 s2, $0x4  }
0x299: {  	s10 =	sadd.s32 @p2 $0x1, s25;
	s8 =	smov.u32 @p4 s29;
	[tilespmem:s5+$0x28] =	vst.msk @p2 $0xff, v1  }
0x29a: {  	s25 =	smov.u32 @p2 s10;
	s21 =	smov.u32 @p2 s2;
	s29 =	smov.u32 @p2 s8;
	v1 =	vld.msk @!p2 [tilespmem:s24+$0x0], $0xff  }
.LBB2_17:
.Ltmp17:
0x29b: {  	_ = 	snop;
	(pc) =	sbr.rel .LBB2_19-.Ltmp17, $3  }
0x29c: {  	s1 =	sld [smem:$0x7FD];
	_ =	sdelay $0x1  }
0x29d: {  	s0 =	sshrl.u32 s29, $0x2;
	s28 =	smov.u32 s26  }
0x29e: {  	s10 =	smov.u32 s6;
	s6 =	rddreg [dreg:$0x6];
	p4 =	seq.s32 s1, $0x1;
	[tilespmem:s30+$0x28] =	vst.add.f32.msk @!p2 $0xff, v1  }
.LBB2_21:
0x29f: {  	_ =	sfence.sel $0x180000  }
0x2a0: {  	s0 =	simm.s32 $0x9;
	[bflag:$0x0] =	sbarrier.arrive $0xFFFF  }
0x2a1: {  	s24 =	simm.s32 $0xA;
	[sflag:s0] =	ssyncpa.u1 $0x1  }
0x2a2: {  	s25 =	simm.s32 $0xB;
	[sflag:s24] =	ssyncpa.u1 $0x1  }
0x2a3: {  	s26 =	simm.s32 $0x2;
	[sflag:s25] =	ssyncpa.u1 $0x1  }
0x2a4: {  	[sflag:s26] =	ssyncpa.u1 $0x1  }
0x2a5: {  	v0 =	vld [tilespmem:$0x3648];
	_ =	sdelay $0x4  }
0x2a6: {  	(v2sf) =	vpush v0, $0x0  }
0x2a7: {  	(v2sf) =	vpush v0, $0x1;
	_ =	sdelay $0x1  }
0x2a8: {  	(v2sf) =	vpush v0, $0x2;
	_ =	sdelay $0xb  }
0x2a9: {  	s0 =	spop (v2sf)  }
0x2aa: {  	s1 =	spop (v2sf)  }
0x2ab: {  	s2 =	smov.u32 s0;
	p0 =	sne.s32 s0, s1  }
0x2ac: {  	s4 =	spop (v2sf);
	s2 =	simm.s32 @!p0 $0xFFFFFFFF  }
0x2ad: {  	v2 =	vimm.s32 $0x1;
	v3 =	vlaneseq.u32;
	p0 =	seq.s32 s4, $0xFFFFFFFF;
	v1 =	vmov s2  }
0x2ae: {  	s16 =	stileid.u32;
	v0 =	vperm.xlane v0, v2;
	p1 =	sne.s32 @!p0 s0, s1;
	v1 =	vperm.xlane v1, v3  }
0x2af: {  	vm0 =	vcmask $0x3F04;
	s6 =	simm.s32 $0x3648;
	s0 =	simm.s32 @!p0 $0x1;
	p1 =	por !p1, p0  }
0x2b0: {  	s2 =	sshll.u32 s16, $0x1;
	s1 =	sshll.u32 @!p0 s4, $0x6;
	s0 =	simm.s32 @p1 $0x0;
	v0 =	vsel vm0, v1, v0  }
0x2b1: {  	s5 =	sor.u32 $0x200, s2;
	s1 =	sshra.s32 @!p0 s1, $0x2;
	s0 =	sor.u32 @!p0 s0, s2;
	[tilespmem:$0x3648] =	vst v0  }
0x2b2: {  	[spmem:s5] =	stream.linear.scatter [tilespmem:s6], [sflag:$0x1], $0x2, $0x38;
	[tilespmem:$0x1F0F8] =	vst v63  }
0x2b3: {  	s1 =	sadd.s32 @!p0 $0x28, s1;
	s0 =	sshll.u32 @!p0 s0, $0x4  }
0x2b4: {  	[spmem:s0] =	stream.linear.scatter @!p0 [tilespmem:s1], [sflag:$0x1], $0x10, $0x38;
	[tilespmem:$0x1F0F8] =	vst v63  }
0x2b5: {  	s0 =	simm.s32 @!p0 $0x12  }
0x2b6: {  	s28 =	simm.s32 $0x1;
	s0 =	simm.s32 @p0 $0x2  }
0x2b7: {  	_ =	swait.ge [sflag:s28], s0  }
0x2b8: {  	s0 =	ssub.s32 $0x0, s0;
	[sflag:s28] =	ssyncset.done $0x0  }
0x2b9: {  	p0 =	sne.s32 s16, $0x0;
	[sflag:s28] =	ssyncadd.s32 s0  }
.Ltmp18:
0x2ba: {  	_ =	sfence.stream.spmem;
	(pc) =	sbr.rel @p0 .LBB2_38-.Ltmp18, $4  }
0x2bb: {  	s29 =	simm.s32 $0x3;
	[bflag:$0x0] =	sbarrier.arrive $0xFFFF  }
0x2bc: {  	s30 =	simm.s32 $0x4;
	[sflag:s29] =	ssyncpa.u1 $0x1  }
0x2bd: {  	s31 =	simm.s32 $0x3C;
	[sflag:s30] =	ssyncpa.u1 $0x1  }
0x2be: {  	s17 =	rddreg [dreg:$0x5];
	[sflag:s31] =	ssyncpa.u1 $0x1  }
0x2bf: {  	_ =	sfence.stream.spmem;
	s0 =	simm.s32 $0x5  }
0x2c0: {  	s1 =	simm.s32 $0x200;
	s2 =	simm.s32 $0x3658;
	[sflag:s0] =	ssyncpa.u1 $0x0  }
0x2c1: {  	[tilespmem:s2], [sflag:$0x5] =	stream.linear.gather [spmem:s1], $0x20, $0x38;
	[tilespmem:$0x1F0F8] =	vst v63  }
0x2c2: {  	s26 =	simm.s32 $0x0;
	s28 =	simm.s32 $0x3678  }
0x2c3: {  	[tilespmem:s28], [sflag:$0x5] =	stream.linear.gather [spmem:s26], $0x200, $0x38;
	[tilespmem:$0x1F0F8] =	vst v63  }
0x2c4: {  	_ =	swait.ge [sflag:s0], $0x220  }
0x2c5: {  	[sflag:s0] =	ssyncset.done $0x0  }
0x2c6: {  	s29 =	simm.s32 $0x0;
	[sflag:s0] =	ssyncadd.s32 $0xFFFFFDE0  }
0x2c7: {  	v0 =	vld.msk [tilespmem:s29+$0x3658], $0x1;
	_ =	sdelay $0x1  }
0x2c8: {  	s30 =	simm.s32 $0x1  }
0x2c9: {  	v1 =	vld.msk [tilespmem:s30+$0x3658], $0x1;
	_ =	sdelay $0x1  }
0x2ca: {  	(v2sf) =	vpush v0, $0x0;
	_ =	sdelay $0x2  }
0x2cb: {  	(v2sf) =	vpush v1, $0x0;
	_ =	sdelay $0x2  }
0x2cc: {  	s31 =	simm.s32 $0x2  }
0x2cd: {  	v0 =	vld.msk [tilespmem:s31+$0x3658], $0x1;
	_ =	sdelay $0x2  }
0x2ce: {  	s6 =	simm.s32 $0xFFFFFFFF;
	s1 =	simm.s32 $0xFFFFFFFF;
	s0 =	simm.s32 $0xC  }
.LBB2_23:
0x2cf: {  	s2 =	smov.u32 s6;
	s4 =	smov.u32 s1  }
0x2d0: {  	s1 =	sshra.s32 s0, $0x2;
	p1 =	sne.s32 s0, $0x7C;
	s0 =	sadd.s32 $0x4, s0;
	(v2sf) =	vpush v0, $0x0  }
0x2d1: {  	v0 =	vld.msk [tilespmem:s1+$0x3658], $0x1  }
.Ltmp19:
0x2d2: {  	(pc) =	sbr.rel @p1 .LBB2_23-.Ltmp19, $4  }
0x2d3: {  	s6 =	spop (v2sf)  }
0x2d4: {  	p2 =	sne.s32 s4, $0xFFFFFFFF;
	s1 =	smov.u32 s6  }
0x2d5: {  	p3 =	seq.s32 s6, $0xFFFFFFFF;
	s1 =	smov.u32 @p2 s4  }
0x2d6: {  	s6 =	smov.u32 @p3 s2;
	s1 =	smov.u32 @p3 s4  }
0x2d7: {  	(v2sf) =	vpush v0, $0x0;
	_ =	sdelay $0x8  }
0x2d8: {  	s0 =	spop (v2sf)  }
0x2d9: {  	p1 =	sne.s32 s1, $0xFFFFFFFF;
	s2 =	smov.u32 s0  }
0x2da: {  	s9 =	simm.s32 $0x6;
	p2 =	seq.s32 s0, $0xFFFFFFFF;
	s2 =	smov.u32 @p1 s1  }
0x2db: {  	s10 =	simm.s32 $0x3638;
	s2 =	smov.u32 @p2 s1;
	s1 =	spop (v2sf)  }
0x2dc: {  	s0 =	smov.u32 @p2 s6;
	p1 =	sne.s32 s2, $0xFFFFFFFF;
	s4 =	smov.u32 s1  }
.Ltmp20:
0x2dd: {  	p2 =	seq.s32 s1, $0xFFFFFFFF;
	s4 =	smov.u32 @p1 s2;
	(pc) =	sbr.rel .LBB2_25-.Ltmp20, $4  }
0x2de: {  	s11 =	simm.s32 $0x0;
	s4 =	smov.u32 @p2 s2;
	s7 =	spop (v2sf)  }
0x2df: {  	[sflag:s9] =	ssyncpa.u1 $0x0;
	p1 =	sne.s32 s4, $0xFFFFFFFF;
	s8 =	smov.u32 s7  }
0x2e0: {  	s1 =	smov.u32 @p2 s0;
	p2 =	seq.s32 s7, $0xFFFFFFFF;
	s8 =	smov.u32 @p1 s4  }
0x2e1: {  	s6 =	simm.s32 $0x0;
	s7 =	smov.u32 @p2 s1;
	s8 =	smov.u32 @p2 s4  }
.LBB2_30:
0x2e2: {  	p1 =	sgt.u32 s12, $0x4E1FFF  }
0x2e3: {  	p2 =	seq.s32 @!p1 s12, s8  }
0x2e4: {  	p1 =	por p1, p2  }
0x2e5: {  	p2 =	sne.s32 @!p1 s12, s7  }
0x2e6: {  	p1 =	por p1, !p2  }
0x2e7: {  	s0 =	sshll.u32 @p1 s11, $0x6  }
0x2e8: {  	s0 =	sand.u32 @!p1 $0x7FFFF8, s12  }
0x2e9: {  	s1 =	sand.u32 @!p1 $0x7, s12;
	s0 =	sadd.s32 @!p1 s3, s0  }
0x2ea: {  	[tilespmem:s10], [sflag:$0x6] =	stream.linear.gather @!p1 [hbm4b:s0+s1], $0x8, $0x38;
	[tilespmem:$0x1F0F8] =	vst v63  }
0x2eb: {  	_ =	swait.ge @!p1 [sflag:s9], $0x8  }
0x2ec: {  	[sflag:s9] =	ssyncset.done @!p1 $0x0  }
0x2ed: {  	[sflag:s9] =	ssyncadd.s32 @!p1 $0xFFFFFFF8  }
0x2ee: {  	v1 =	vld @!p1 [tilespmem:$0x3638];
	_ =	sdelay $0x2  }
0x2ef: {  	s0 =	sshll.u32 @!p1 s11, $0x6  }
0x2f0: {  	s1 =	sshrl.u32 @!p1 s0, $0x2  }
0x2f1: {  	[tilespmem:s1+$0x3678] =	vst.add.f32.msk @!p1 $0xffff, v1  }
0x2f2: {  	s0 =	sshrl.u32 s0, $0x2;
	[tilespmem:s6+$0x3658] =	vst.msk $0x1, v0  }
0x2f3: {  	v0 =	vld [tilespmem:s0+$0x3678];
	_ =	sdelay $0x2  }
0x2f4: {  	s31 =	sshll.u32 s6, $0x6  }
0x2f5: {  	s0 =	sshra.s32 s31, $0x2  }
0x2f6: {  	s6 =	sadd.s32 $0x1, s6;
	[tilespmem:s0+$0x3678] =	vst v0  }
.LBB2_32:
0x2f7: {  	s11 =	sadd.s32 $0x1, s11  }
0x2f8: {  	p1 =	sne.s32 s11, $0x20  }
.Ltmp21:
0x2f9: {  	_ = 	snop;
	(pc) =	sbr.rel @!p1 .LBB2_33-.Ltmp21, $1  }
0x2fa: {  	_ =	sdelay $0x3  }
.LBB2_25:
0x2fb: {  	v0 =	vld.msk [tilespmem:s11+$0x3658], $0x1;
	_ =	sdelay $0x4  }
0x2fc: {  	(v2sf) =	vpush v0, $0x0;
	_ =	sdelay $0xe  }
0x2fd: {  	s12 =	spop (v2sf)  }
0x2fe: {  	p1 =	seq.s32 s12, $0xFFFFFFFF  }
.Ltmp22:
0x2ff: {  	_ = 	snop;
	(pc) =	sbr.rel @p1 .LBB2_32-.Ltmp22, $1  }
0x300: {  	_ =	sdelay $0x3  }
0x301: {  	p1 =	slt.s32 s6, $0x1  }
.Ltmp23:
0x302: {  	_ = 	snop;
	(pc) =	sbr.rel @p1 .LBB2_30-.Ltmp23, $1  }
0x303: {  	_ =	sdelay $0x3  }
0x304: {  	s13 =	simm.s32 $0x3658;
	p1 =	por $0x0, $0x0  }
0x305: {  	v1 =	vld.msk @!p1 [tilespmem:s13+$0x0], $0x1;
	_ =	sdelay $0x4  }
0x306: {  	(v2sf) =	vpush @!p1 v1, $0x0;
	_ =	sdelay $0xd  }
0x307: {  	p3 =	sne.s32 s6, $0x1  }
.Ltmp24:
0x308: {  	s0 =	spop @!p1 (v2sf);
	(pc) =	sbr.rel @!p3 .LBB2_29-.Ltmp24, $4  }
0x309: {  	p2 =	seq.s32 @!p1 s12, s0  }
0x30a: {  	s14 =	simm.s32 $0x0;
	p2 =	por !p2, p1  }
0x30b: {  	s0 =	simm.s32 $0xFFFFFFFF;
	s14 =	simm.s32 @p2 $0xFFFFFFFF  }
0x30c: {  	s15 =	simm.s32 $0x1;
	s14 =	smov.u32 @p1 s0  }
.LBB2_28:
0x30d: {  	s0 =	smov.u32 s14;
	p1 =	sne.s32 s14, $0xFFFFFFFF  }
0x30e: {  	s13 =	sadd.s32 $0x1, s13;
	s14 =	smov.u32 s15;
	s15 =	sadd.s32 $0x1, s15  }
0x30f: {  	p2 =	sne.s32 s6, s15;
	v1 =	vld.msk @!p1 [tilespmem:s13+$0x0], $0x1;
	_ =	sdelay $0x4  }
0x310: {  	(v2sf) =	vpush @!p1 v1, $0x0;
	_ =	sdelay $0xe  }
.Ltmp25:
0x311: {  	s1 =	spop @!p1 (v2sf);
	(pc) =	sbr.rel @p2 .LBB2_28-.Ltmp25, $4  }
0x312: {  	p3 =	seq.s32 @!p1 s12, s1  }
0x313: {  	p3 =	por !p3, p1  }
0x314: {  	s14 =	simm.s32 @p3 $0xFFFFFFFF  }
0x315: {  	s14 =	smov.u32 @p1 s0  }
.LBB2_29:
0x316: {  	p1 =	sne.s32 s14, $0xFFFFFFFF  }
.Ltmp26:
0x317: {  	_ = 	snop;
	(pc) =	sbr.rel @!p1 .LBB2_30-.Ltmp26, $1  }
0x318: {  	_ =	sdelay $0x3  }
0x319: {  	s0 =	sshll.u32 s11, $0x4  }
0x31a: {  	s0 =	sand.u32 $0x3FFFFFF0, s0  }
0x31b: {  	v0 =	vld [tilespmem:s0+$0x3678]  }
.Ltmp27:
0x31c: {  	_ = 	snop;
	(pc) =	sbr.rel .LBB2_32-.Ltmp27, $4  }
0x31d: {  	_ = 	snop  }
0x31e: {  	s31 =	sshll.u32 s14, $0x6  }
0x31f: {  	s0 =	sshra.s32 s31, $0x2  }
0x320: {  	[tilespmem:s0+$0x3678] =	vst.add.f32.msk $0xffff, v0  }
.LBB2_33:
0x321: {  	s0 =	simm.s32 $0x6;
	p1 =	seq.s32 s6, $0x0  }
0x322: {  	[sflag:s0] =	ssyncpa.u1 $0x1;
	v0 =	vimm.s32 @p1 $0xFFFFFFFF  }
0x323: {  	s9 =	sadd.s32 $0xFFFFFFFF, s6;
	[tilespmem:$0x3878] =	vst @p1 v0  }
0x324: {  	v0 =	vld.msk @!p1 [tilespmem:s9+$0x3658], $0x1;
	_ =	sdelay $0x1  }
0x325: {  	v1 =	vld.msk @!p1 [tilespmem:$0x3658], $0x1;
	_ =	sdelay $0x2  }
0x326: {  	p2 =	seq.s32 @!p1 s9, $0x0;
	v0 =	vbroadcast @!p1 v0, $0x0  }
0x327: {  	vm0 =	vmmov @!p1 $0x1;
	p2 =	por !p2, p1  }
0x328: {  	v1 =	vnsel @!p1 vm0, $0xFFFFFFFF, v1;
	vm0 =	vcmask @!p1 $0x308;
	v0 =	vpsel !p2, $0xFFFFFFFF, v0  }
0x329: {  	p2 =	sne.s32 @!p1 s8, s7;
	v0 =	vsel @!p1 vm0, v1, v0  }
0x32a: {  	s0 =	simm.s32 @!p1 $0x3678;
	s1 =	simm.s32 @!p1 $0x0;
	p3 =	por !p2, p1;
	[tilespmem:$0x3878] =	vst @!p1 v0  }
0x32b: {  	[spmem:s1] =	stream.linear.scatter @!p1 [tilespmem:s0], [sflag:$0x1], $0x10, $0x38;
	[tilespmem:$0x1F0F8] =	vst v63  }
0x32c: {  	s0 =	sshll.u32 @!p3 s9, $0x6  }
0x32d: {  	s0 =	sshra.s32 @!p3 s0, $0x2  }
0x32e: {  	s1 =	simm.s32 @!p3 $0x10;
	s0 =	sadd.s32 @!p3 $0x3678, s0  }
0x32f: {  	[spmem:s1] =	stream.linear.scatter @!p3 [tilespmem:s0], [sflag:$0x1], $0x10, $0x38;
	[tilespmem:$0x1F0F8] =	vst v63  }
0x330: {  	s0 =	simm.s32 @!p3 $0x1  }
0x331: {  	_ =	swait.ge @!p3 [sflag:s0], $0x20  }
0x332: {  	p1 =	por p2, p1;
	[sflag:s0] =	ssyncset.done @!p3 $0x0  }
0x333: {  	[sflag:s0] =	ssyncadd.s32 @!p3 $0xFFFFFFE0;
	s0 =	simm.s32 @!p1 $0x1  }
0x334: {  	_ =	swait.ge @!p1 [sflag:s0], $0x10  }
0x335: {  	s29 =	simm.s32 $0x3878;
	[sflag:s0] =	ssyncset.done @!p1 $0x0  }
0x336: {  	s30 =	simm.s32 $0x200;
	s31 =	simm.s32 $0x1;
	[sflag:s0] =	ssyncadd.s32 @!p1 $0xFFFFFFF0  }
0x337: {  	[spmem:s30] =	stream.linear.scatter [tilespmem:s29], [sflag:$0x1], $0x10, $0x38;
	[tilespmem:$0x1F0F8] =	vst v63  }
0x338: {  	_ =	swait.ge [sflag:s31], $0x10  }
0x339: {  	[sflag:s31] =	ssyncset.done $0x0  }
0x33a: {  	p1 =	seq.s32 s17, $0x0;
	s8 =	rddreg [dreg:$0x1];
	[sflag:s31] =	ssyncadd.s32 $0xFFFFFFF0  }
0x33b: {  	s1 =	sshll.u32 @p1 s8, $0xE;
	s7 =	rddreg [dreg:$0x2]  }
0x33c: {  	s0 =	sadd.s32 @p1 $0x15C3C, s1;
	s1 =	sshll.u32 @p1 s7, $0x11  }
0x33d: {  	_ =	sfence.stream.spmem;
	s0 =	sor.u32 @p1 s1, s0  }
0x33e: {  	[sflag:s0] =	ssyncadd.remote.s32 @p1 $0x1;
	s0 =	simm.s32 @p1 $0x4  }
0x33f: {  	s2 =	simm.s32 @!p1 $0x3C;
	s1 =	sand.u32 $0xFFFFFFFE, s8;
	_ =	swait.ge @p1 [sflag:s0], $0x6  }
0x340: {  	s4 =	simm.s32 @!p1 $0x0;
	s1 =	sadd.s32 @!p1 $0x4, s1;
	[sflag:s0] =	ssyncset.done @p1 $0x0  }
0x341: {  	s5 =	simm.s32 @!p1 $0x20;
	[sflag:s0] =	ssyncadd.s32 @p1 $0xFFFFFFFA;
	s0 =	sshll.u32 @!p1 s1, $0x1A  }
0x342: {  	s1 =	sshll.u32 @!p1 s1, $0xD;
	s0 =	sor.u32 @!p1 s0, s7;
	_ =	swait.eq @!p1 [sflag:s2], $0x1  }
0x343: {  	s1 =	sor.u32 @!p1 $0x1C04, s1;
	s2 =	simm.s32 @!p1 $0x1C03;
	s0 =	sor.u32 @!p1 $0x80004000, s0  }
0x344: {  	[spmem:s5], [sflag:s1] =	dma.general @!p1 [spmem:s4], [sflag:s2], length:$0x4, [dreg:$0x0], stride_count:$0x0, ici_dest:s0, dma_misc:DstOpCode:WRITE  }
0x345: {  	p2 =	slt.s32 s9, $0x2;
	s4 =	simm.s32 @!p1 $0x40;
	s5 =	simm.s32 @!p1 $0x42  }
0x346: {  	[spmem:s5], [sflag:s1] =	dma.general @!p1 [spmem:s4], [sflag:s2], length:$0x2, [dreg:$0x0], stride_count:$0x0, ici_dest:s0, dma_misc:DstOpCode:WRITE  }
.Ltmp28:
0x347: {  	s0 =	simm.s32 @!p1 $0x3;
	(pc) =	sbr.rel @p2 .LBB2_37-.Ltmp28, $4  }
0x348: {  	s1 =	sshll.u32 @!p1 s8, $0xE;
	_ =	swait.ge @!p1 [sflag:s0], $0x6  }
0x349: {  	s2 =	sshll.u32 @!p1 s7, $0x11;
	s1 =	sadd.s32 @!p1 $0x11C3C, s1;
	[sflag:s0] =	ssyncset.done @!p1 $0x0  }
0x34a: {  	[sflag:s0] =	ssyncadd.s32 @!p1 $0xFFFFFFFA;
	s0 =	sor.u32 @!p1 s2, s1  }
0x34b: {  	[sflag:s0] =	ssyncadd.remote.s32 @!p1 $0xFFFFFFFF;
	s0 =	simm.s32 $0x0  }
0x34c: {  	s0 =	simm.s32 $0x3659  }
0x34d: {  	v0 =	vld.msk [tilespmem:s0+$0x0], $0x1;
	_ =	sdelay $0x4  }
0x34e: {  	(v2sf) =	vpush v0, $0x0;
	_ =	sdelay $0xd  }
0x34f: {  	s2 =	sadd.s32 $0xFFFFFFFE, s6  }
0x350: {  	s2 =	sadd.s32 $0xFFFFFFFF, s2;
	s0 =	spop (v2sf)  }
0x351: {  	p2 =	sne.s32 s2, $0x0;
	p1 =	sgt.u32 s0, $0x4E1FFF  }
.Ltmp29:
0x352: {  	s4 =	sand.u32 @!p1 $0x7FFFF8, s0;
	(pc) =	sbr.rel @!p2 .LBB2_36-.Ltmp29, $4  }
0x353: {  	s1 =	simm.s32 $0x3688;
	s0 =	sand.u32 @!p1 $0x7, s0;
	s4 =	sadd.s32 @!p1 s3, s4  }
0x354: {  	[hbm4b:s4+s0] =	stream.linear.scatter @!p1 [tilespmem:s1], [sflag:$0x5], $0x8, $0x38;
	[tilespmem:$0x1F0F8] =	vst v63  }
0x355: {  	s0 =	simm.s32 $0x0  }
0x356: {  	s6 =	simm.s32 $0x0;
	s7 =	simm.s32 $0x365A;
	s0 =	simm.s32 @!p1 $0x20  }
.LBB2_35:
0x357: {  	v0 =	vld.msk [tilespmem:s7+$0x0], $0x1;
	s2 =	sadd.s32 $0xFFFFFFFF, s2;
	s6 =	sadd.s32 s6, s0  }
0x358: {  	p1 =	sne.s32 s2, $0x0;
	_ =	sdelay $0x3  }
0x359: {  	(v2sf) =	vpush v0, $0x0;
	_ =	sdelay $0xe  }
.Ltmp30:
0x35a: {  	s4 =	spop (v2sf);
	(pc) =	sbr.rel @p1 .LBB2_35-.Ltmp30, $4  }
0x35b: {  	s0 =	simm.s32 $0x0;
	p2 =	sgt.u32 s4, $0x4E1FFF  }
0x35c: {  	s1 =	sadd.s32 $0x10, s1;
	s0 =	simm.s32 @!p2 $0x20;
	s5 =	sand.u32 @!p2 $0x7FFFF8, s4  }
0x35d: {  	s7 =	sadd.s32 $0x1, s7;
	s4 =	sand.u32 @!p2 $0x7, s4;
	s5 =	sadd.s32 @!p2 s3, s5  }
0x35e: {  	[hbm4b:s5+s4] =	stream.linear.scatter @!p2 [tilespmem:s1], [sflag:$0x5], $0x8, $0x38;
	[tilespmem:$0x1F0F8] =	vst v63  }
.LBB2_36:
0x35f: {  	s0 =	sadd.s32 s6, s0  }
0x360: {  	s0 =	sshrl.u32 s0, $0x2  }
.LBB2_37:
0x361: {  	s1 =	simm.s32 $0x5  }
0x362: {  	_ =	swait.ge [sflag:s1], s0  }
0x363: {  	s31 =	ssub.s32 $0x0, s0;
	[sflag:s1] =	ssyncset.done $0x0  }
0x364: {  	[sflag:s1] =	ssyncadd.s32 s31  }
0x365: {  	[sflag:s1] =	ssyncpa.u1 $0x1  }
.LBB2_38:
0x366: {  	s0 =	sor.u32 s17, s16  }
0x367: {  	p1 =	sne.s32 s0, $0x0  }
.Ltmp31:
0x368: {  	_ = 	snop;
	(pc) =	sbr.rel @p1 .LBB2_53-.Ltmp31, $3  }
0x369: {  	_ =	sdelay $0x1  }
0x36a: {  	[bflag:$0x0] =	sbarrier.arrive $0xFFFF  }
0x36b: {  	_ =	sfence  }
0x36c: {  	s0 =	simm.s32 $0x7  }
0x36d: {  	s1 =	simm.s32 $0x200;
	s2 =	simm.s32 $0x3658;
	[sflag:s0] =	ssyncpa.u1 $0x0  }
0x36e: {  	[tilespmem:s2], [sflag:$0x7] =	stream.linear.gather [spmem:s1], $0x20, $0x38;
	[tilespmem:$0x1F0F8] =	vst v63  }
0x36f: {  	s30 =	simm.s32 $0x3678;
	s1 =	simm.s32 $0x0  }
0x370: {  	[tilespmem:s30], [sflag:$0x7] =	stream.linear.gather [spmem:s1], $0x200, $0x38;
	[tilespmem:$0x1F0F8] =	vst v63  }
.Ltmp32:
0x371: {  	_ = 	snop;
	(pc) =	sbr.rel .LBB2_40-.Ltmp32, $4  }
0x372: {  	_ =	swait.ge [sflag:s0], $0x220  }
0x373: {  	[sflag:s0] =	ssyncset.done $0x0  }
0x374: {  	s31 =	simm.s32 $0x8;
	[sflag:s0] =	ssyncadd.s32 $0xFFFFFDE0  }
0x375: {  	s2 =	simm.s32 $0x0;
	[sflag:s31] =	ssyncpa.u1 $0x0  }
.LBB2_45:
0x376: {  	p1 =	slt.u32 s4, $0x4E2000  }
0x377: {  	s0 =	sand.u32 @p1 $0x7FFFF8, s4  }
0x378: {  	s4 =	sand.u32 @p1 $0x7, s4;
	s5 =	simm.s32 @p1 $0x3638;
	s0 =	sadd.s32 @p1 s3, s0  }
0x379: {  	[tilespmem:s5], [sflag:$0x8] =	stream.linear.gather @p1 [hbm4b:s0+s4], $0x8, $0x38;
	[tilespmem:$0x1F0F8] =	vst v63  }
0x37a: {  	s0 =	simm.s32 @p1 $0x8  }
0x37b: {  	_ =	swait.ge @p1 [sflag:s0], $0x8  }
0x37c: {  	[sflag:s0] =	ssyncset.done @p1 $0x0  }
0x37d: {  	[sflag:s0] =	ssyncadd.s32 @p1 $0xFFFFFFF8  }
0x37e: {  	v1 =	vld @p1 [tilespmem:$0x3638];
	_ =	sdelay $0x2  }
0x37f: {  	s0 =	sshll.u32 @p1 s2, $0x6  }
0x380: {  	s5 =	sshll.u32 @!p1 s2, $0x6;
	s4 =	sshrl.u32 @p1 s0, $0x2  }
0x381: {  	s5 =	smov.u32 @p1 s0;
	[tilespmem:s4+$0x3678] =	vst.add.f32.msk @p1 $0xffff, v1  }
0x382: {  	s0 =	sshrl.u32 s5, $0x2;
	[tilespmem:s1+$0x3658] =	vst.msk $0x1, v0  }
0x383: {  	v0 =	vld [tilespmem:s0+$0x3678];
	_ =	sdelay $0x2  }
0x384: {  	s31 =	sshll.u32 s1, $0x6  }
0x385: {  	s0 =	sshra.s32 s31, $0x2  }
0x386: {  	s1 =	sadd.s32 $0x1, s1;
	[tilespmem:s0+$0x3678] =	vst v0  }
.LBB2_47:
0x387: {  	s2 =	sadd.s32 $0x1, s2  }
0x388: {  	p1 =	sne.s32 s2, $0x20  }
.Ltmp33:
0x389: {  	_ = 	snop;
	(pc) =	sbr.rel @!p1 .LBB2_48-.Ltmp33, $1  }
0x38a: {  	_ =	sdelay $0x3  }
.LBB2_40:
0x38b: {  	v0 =	vld.msk [tilespmem:s2+$0x3658], $0x1;
	_ =	sdelay $0x4  }
0x38c: {  	(v2sf) =	vpush v0, $0x0;
	_ =	sdelay $0xe  }
0x38d: {  	s4 =	spop (v2sf)  }
0x38e: {  	p1 =	seq.s32 s4, $0xFFFFFFFF  }
.Ltmp34:
0x38f: {  	_ = 	snop;
	(pc) =	sbr.rel @p1 .LBB2_47-.Ltmp34, $1  }
0x390: {  	_ =	sdelay $0x3  }
0x391: {  	p1 =	slt.s32 s1, $0x1  }
.Ltmp35:
0x392: {  	_ = 	snop;
	(pc) =	sbr.rel @p1 .LBB2_45-.Ltmp35, $1  }
0x393: {  	_ =	sdelay $0x3  }
0x394: {  	s5 =	simm.s32 $0x3658;
	p1 =	por $0x0, $0x0  }
0x395: {  	v1 =	vld.msk @!p1 [tilespmem:s5+$0x0], $0x1;
	_ =	sdelay $0x4  }
0x396: {  	(v2sf) =	vpush @!p1 v1, $0x0;
	_ =	sdelay $0xd  }
0x397: {  	p3 =	sne.s32 s1, $0x1  }
.Ltmp36:
0x398: {  	s0 =	spop @!p1 (v2sf);
	(pc) =	sbr.rel @!p3 .LBB2_44-.Ltmp36, $4  }
0x399: {  	p2 =	seq.s32 @!p1 s4, s0  }
0x39a: {  	s6 =	simm.s32 $0x0;
	p2 =	por !p2, p1  }
0x39b: {  	s0 =	simm.s32 $0xFFFFFFFF;
	s6 =	simm.s32 @p2 $0xFFFFFFFF  }
0x39c: {  	s7 =	simm.s32 $0x1;
	s6 =	smov.u32 @p1 s0  }
.LBB2_43:
0x39d: {  	s0 =	smov.u32 s6;
	p1 =	sne.s32 s6, $0xFFFFFFFF  }
0x39e: {  	s5 =	sadd.s32 $0x1, s5;
	s6 =	smov.u32 s7;
	s7 =	sadd.s32 $0x1, s7  }
0x39f: {  	p2 =	sne.s32 s1, s7;
	v1 =	vld.msk @!p1 [tilespmem:s5+$0x0], $0x1;
	_ =	sdelay $0x4  }
0x3a0: {  	(v2sf) =	vpush @!p1 v1, $0x0;
	_ =	sdelay $0xe  }
.Ltmp37:
0x3a1: {  	s8 =	spop @!p1 (v2sf);
	(pc) =	sbr.rel @p2 .LBB2_43-.Ltmp37, $4  }
0x3a2: {  	p3 =	seq.s32 @!p1 s4, s8  }
0x3a3: {  	p3 =	por !p3, p1  }
0x3a4: {  	s6 =	simm.s32 @p3 $0xFFFFFFFF  }
0x3a5: {  	s6 =	smov.u32 @p1 s0  }
.LBB2_44:
0x3a6: {  	p1 =	sne.s32 s6, $0xFFFFFFFF  }
.Ltmp38:
0x3a7: {  	_ = 	snop;
	(pc) =	sbr.rel @!p1 .LBB2_45-.Ltmp38, $1  }
0x3a8: {  	_ =	sdelay $0x3  }
0x3a9: {  	s0 =	sshll.u32 s2, $0x4  }
0x3aa: {  	s0 =	sand.u32 $0x3FFFFFF0, s0  }
0x3ab: {  	v0 =	vld [tilespmem:s0+$0x3678]  }
.Ltmp39:
0x3ac: {  	_ = 	snop;
	(pc) =	sbr.rel .LBB2_47-.Ltmp39, $4  }
0x3ad: {  	_ = 	snop  }
0x3ae: {  	s31 =	sshll.u32 s6, $0x6  }
0x3af: {  	s0 =	sshra.s32 s31, $0x2  }
0x3b0: {  	[tilespmem:s0+$0x3678] =	vst.add.f32.msk $0xffff, v0  }
.LBB2_48:
0x3b1: {  	p1 =	slt.s32 s1, $0x1  }
.Ltmp40:
0x3b2: {  	_ = 	snop;
	(pc) =	sbr.rel @p1 .LBB2_52-.Ltmp40, $3  }
0x3b3: {  	_ =	sdelay $0x1  }
0x3b4: {  	s0 =	simm.s32 $0x8  }
0x3b5: {  	s2 =	simm.s32 $0x0;
	[sflag:s0] =	ssyncpa.u1 $0x1  }
0x3b6: {  	s0 =	simm.s32 $0x3658  }
0x3b7: {  	v0 =	vld.msk [tilespmem:s0+$0x0], $0x1;
	_ =	sdelay $0x4  }
0x3b8: {  	(v2sf) =	vpush v0, $0x0;
	_ =	sdelay $0xe  }
0x3b9: {  	s1 =	sadd.s32 $0xFFFFFFFF, s1;
	s0 =	spop (v2sf)  }
0x3ba: {  	p2 =	sne.s32 s1, $0x0;
	p1 =	sgt.u32 s0, $0x4E1FFF  }
.Ltmp41:
0x3bb: {  	s5 =	sand.u32 @!p1 $0x7FFFF8, s0;
	(pc) =	sbr.rel @!p2 .LBB2_51-.Ltmp41, $4  }
0x3bc: {  	s4 =	simm.s32 $0x3678;
	s0 =	sand.u32 @!p1 $0x7, s0;
	s5 =	sadd.s32 @!p1 s3, s5  }
0x3bd: {  	[hbm4b:s5+s0] =	stream.linear.scatter @!p1 [tilespmem:s4], [sflag:$0x7], $0x8, $0x38;
	[tilespmem:$0x1F0F8] =	vst v63  }
0x3be: {  	s0 =	simm.s32 $0x0  }
0x3bf: {  	s5 =	simm.s32 $0x3659;
	s0 =	simm.s32 @!p1 $0x20  }
.LBB2_50:
0x3c0: {  	v0 =	vld.msk [tilespmem:s5+$0x0], $0x1;
	s1 =	sadd.s32 $0xFFFFFFFF, s1;
	s2 =	sadd.s32 s2, s0  }
0x3c1: {  	p1 =	sne.s32 s1, $0x0;
	_ =	sdelay $0x3  }
0x3c2: {  	(v2sf) =	vpush v0, $0x0;
	_ =	sdelay $0xe  }
.Ltmp42:
0x3c3: {  	s6 =	spop (v2sf);
	(pc) =	sbr.rel @p1 .LBB2_50-.Ltmp42, $4  }
0x3c4: {  	s0 =	simm.s32 $0x0;
	p2 =	sgt.u32 s6, $0x4E1FFF  }
0x3c5: {  	s4 =	sadd.s32 $0x10, s4;
	s0 =	simm.s32 @!p2 $0x20;
	s7 =	sand.u32 @!p2 $0x7FFFF8, s6  }
0x3c6: {  	s5 =	sadd.s32 $0x1, s5;
	s6 =	sand.u32 @!p2 $0x7, s6;
	s7 =	sadd.s32 @!p2 s3, s7  }
0x3c7: {  	[hbm4b:s7+s6] =	stream.linear.scatter @!p2 [tilespmem:s4], [sflag:$0x7], $0x8, $0x38;
	[tilespmem:$0x1F0F8] =	vst v63  }
.LBB2_51:
0x3c8: {  	s0 =	sadd.s32 s2, s0  }
0x3c9: {  	s2 =	sshrl.u32 s0, $0x2  }
.LBB2_52:
0x3ca: {  	s0 =	simm.s32 $0x7  }
0x3cb: {  	_ =	swait.ge [sflag:s0], s2  }
0x3cc: {  	s1 =	ssub.s32 $0x0, s2;
	[sflag:s0] =	ssyncset.done $0x0  }
0x3cd: {  	[sflag:s0] =	ssyncadd.s32 s1  }
0x3ce: {  	[sflag:s0] =	ssyncpa.u1 $0x1  }
.LBB2_53:
0x3cf: {  	_ =	sfence;
	s0 =	simm.s32 $0x1  }
0x3d0: {  	[sflag:s0] =	ssyncpa.u1 $0x1  }
0x3d1: {  	_ =	strace $0x9000004A  }
0x3d2: {  	[bflag:$0x2] =	sbarrier.arrive $0xFFFF  }
0x3d3: {  	s0 =	rddreg [dreg:$0x3]  }
0x3d4: {  	s0 =	sadd.s32 @!p0 $0x100000, s0  }
0x3d5: {  	[sflag:s0] =	ssyncadd.tile.s32 @!p0 $0x1;
	_ =	shalt  }
.Lfunc_end2:
_tile_overlayer_lowered:
.L_overlay_start_2:
0x3d6: {  	(tag) =	ssettag $0x2  }
0x3d7: {  	s0 =	rddreg [dreg:$0x0];
	s2 =	stileid.u32  }
0x3d8: {  	s1 =	rddreg [dreg:$0x1];
	p0 =	sne.s32 s2, $0x0  }
0x3d9: {  	s3 =	rddreg [dreg:$0x2];
	[bflag:$0x3] =	sbarrier.arrive $0xFFFF;
	s2 =	simm.s32 @!p0 $0x1C01  }
0x3da: {  	[timem:s3], [sflag:s2] =	dma.local @!p0 [hbm:s0], s1  }
0x3db: {  	s0 =	simm.s32 @!p0 $0x1  }
0x3dc: {  	_ =	swait.ge @!p0 [sflag:s0], s1  }
0x3dd: {  	s1 =	ssub.s32 @!p0 $0x0, s1;
	[sflag:s0] =	ssyncset.done @!p0 $0x0  }
0x3de: {  	[sflag:s0] =	ssyncadd.s32 @!p0 s1  }
0x3df: {  	[bflag:$0x3] =	sbarrier.arrive $0xFFFF  }
0x3e0: {  	_ =	shalt  }

// kernel: scatter_offload_async_start
scs
__scs_entry_jumppad:
0x0: {  	(pc) =	sbr.rel $0x88, $3  }
0x1: {  	(tag) =	ssettag $0x0;
	lr =	simm.s32 $0x1  }
0x2: {  	[smem:$0x3F9D] =	sst lr;
	_ =	strace $0xD0000000  }
0x3: {  	_ = 	snop  }
0x4: {  	_ = 	snop  }
0x5: {  	_ = 	snop  }
0x6: {  	_ = 	snop  }
0x7: {  	_ = 	snop  }
__scs_overlays_trampoline_lowered:
0x8: {  	[smem:$0x3FAC] =	sst s0  }
0x9: {  	[smem:$0x3FAD] =	sst s1  }
0xa: {  	[smem:$0x3FAE] =	sst s2  }
0xb: {  	[smem:$0x3FAF] =	sst s3  }
0xc: {  	[smem:$0x3FB0] =	sst s4  }
0xd: {  	[smem:$0x3FB1] =	sst s5  }
0xe: {  	[smem:$0x3FB2] =	sst s6  }
0xf: {  	[smem:$0x3FB3] =	sst s7  }
0x10: {  	[smem:$0x3FB4] =	sst s8  }
0x11: {  	[smem:$0x3FB5] =	sst s9;
	s0 =	simm.s32 @!p0 $0x0  }
0x12: {  	s1 =	sld [smem:$0x3F9B];
	s0 =	simm.s32 @p0 $0x1  }
0x13: {  	[smem:$0x3FB6] =	sst s0;
	s0 =	simm.s32 @!p1 $0x0  }
0x14: {  	s2 =	sld [smem:$0x3F9A];
	s0 =	simm.s32 @p1 $0x1  }
0x15: {  	[smem:$0x3FB7] =	sst s0;
	s0 =	simm.s32 @!p2 $0x0  }
0x16: {  	s3 =	sld [smem:$0x3FDB];
	s0 =	simm.s32 @p2 $0x1  }
0x17: {  	s4 =	simm.s32 $0x1BF5;
	[smem:$0x3FB9] =	sst s0  }
0x18: {  	s0 =	sld [smem:$0x3F9C];
	_ =	swait.ge [sflag:s4], $0x0  }
0x19: {  	s7 =	sld [smem:$0x3F9D]  }
0x1a: {  	s8 =	sadd.s32 $0xFFFFE003, lr  }
0x1b: {  	s9 =	sadd.s32 $0xFFFFFEF7, lr;
	s5 =	simm.s32 $0xFFFFFFFF;
	p2 =	slt.u32 s8, $0xFFFFF086  }
0x1c: {  	p1 =	slt.u32 s9, $0xF7A;
	s5 =	simm.s32 @!p2 $0x0  }
0x1d: {  	s5 =	simm.s32 @p1 $0x1;
	p0 =	seq.s32 s7, s2  }
0x1e: {  	s7 =	smul.u32 @!p0 $0xF7A, s2;
	p2 =	seq.s32 @!p0 s5, $0x0  }
0x1f: {  	s9 =	smul.u32 $0xF7A, s1;
	s8 =	simm.s32 @!p0 $0x1BF5;
	p2 =	por !p2, p0  }
0x20: {  	[sflag:s8] =	ssyncset.s32 @!p0 $0xFFFFF086;
	s6 =	sadd.s32 @!p0 s3, s7;
	s7 =	simm.s32 @!p0 $0x108  }
0x21: {  	s3 =	sadd.s32 s3, s9;
	s6 =	sadd.s32 @!p0 $0x88, s6;
	s7 =	simm.s32 @p2 $0x1082  }
0x22: {  	[simem:s7], [sflag:s8] =	dma.local @!p0 [hbm:s6], $0xF7A  }
0x23: {  	s9 =	sor.u32 $0xD0000000, s2;
	s6 =	simm.s32 $0x108;
	_ =	swait.ge @!p0 [sflag:s8], $0x0  }
0x24: {  	s3 =	sadd.s32 $0x88, s3;
	s6 =	simm.s32 @!p1 $0x1082;
	[sflag:s4] =	ssyncset.s32 $0xFFFFF086  }
0x25: {  	[simem:s6], [sflag:s4] =	dma.local [hbm:s3], $0xF7A  }
0x26: {  	[smem:$0x3F9D] =	sst s1;
	(tag) =	ssettag s2;
	_ =	strace s9  }
0x27: {  	s1 =	sld [smem:$0x3FAD]  }
0x28: {  	s2 =	sld [smem:$0x3FAE]  }
0x29: {  	s4 =	sld [smem:$0x3FB0]  }
0x2a: {  	p0 =	seq.s32 s5, $0x0;
	s5 =	sld [smem:$0x3FB1]  }
0x2b: {  	s6 =	sld [smem:$0x3FB2]  }
0x2c: {  	s7 =	sld [smem:$0x3FB3]  }
0x2d: {  	s3 =	simm.s32 $0x108;
	s8 =	sld [smem:$0x3FB4]  }
0x2e: {  	s3 =	simm.s32 @!p0 $0x1082;
	s9 =	sld [smem:$0x3FB5]  }
0x2f: {  	lr =	sadd.s32 s0, s3;
	s0 =	sld [smem:$0x3FAC]  }
0x30: {  	s3 =	sld [smem:$0x3FAF]  }
0x31: {  	[smem:$0x3FB8] =	sst s10  }
0x32: {  	s10 =	sld [smem:$0x3FB6];
	_ =	sdelay $0x3  }
0x33: {  	p0 =	seq.s32 s10, $0x1;
	s10 =	sld [smem:$0x3FB8];
	_ =	sdelay $0x3  }
0x34: {  	[smem:$0x3FB8] =	sst s10  }
0x35: {  	s10 =	sld [smem:$0x3FB7];
	_ =	sdelay $0x3  }
0x36: {  	p1 =	seq.s32 s10, $0x1;
	s10 =	sld [smem:$0x3FB8];
	_ =	sdelay $0x3  }
0x37: {  	[smem:$0x3FB8] =	sst s10  }
0x38: {  	s10 =	sld [smem:$0x3FB9]  }
0x39: {  	_ = 	snop;
	(pc) =	sbr.ind lr, $3  }
0x3a: {  	_ = 	snop  }
0x3b: {  	_ = 	snop  }
0x3c: {  	p2 =	seq.s32 s10, $0x1;
	s10 =	sld [smem:$0x3FB8]  }
0x3d: {  	_ =	shalt  }
0x3e: {  	_ =	shalt  }
0x3f: {  	_ =	shalt  }
0x40: {  	_ =	shalt  }
0x41: {  	_ =	shalt  }
0x42: {  	_ =	shalt  }
0x43: {  	_ =	shalt  }
0x44: {  	_ =	shalt  }
0x45: {  	_ =	shalt  }
0x46: {  	_ =	shalt  }
0x47: {  	_ =	shalt  }
0x48: {  	_ =	shalt  }
0x49: {  	_ =	shalt  }
0x4a: {  	_ =	shalt  }
0x4b: {  	_ =	shalt  }
0x4c: {  	_ =	shalt  }
0x4d: {  	_ =	shalt  }
0x4e: {  	_ =	shalt  }
0x4f: {  	_ =	shalt  }
0x50: {  	_ =	shalt  }
0x51: {  	_ =	shalt  }
0x52: {  	_ =	shalt  }
0x53: {  	_ =	shalt  }
0x54: {  	_ =	shalt  }
0x55: {  	_ =	shalt  }
0x56: {  	_ =	shalt  }
0x57: {  	_ =	shalt  }
0x58: {  	_ =	shalt  }
0x59: {  	_ =	shalt  }
0x5a: {  	_ =	shalt  }
0x5b: {  	_ =	shalt  }
0x5c: {  	_ =	shalt  }
0x5d: {  	_ =	shalt  }
0x5e: {  	_ =	shalt  }
0x5f: {  	_ =	shalt  }
0x60: {  	_ =	shalt  }
0x61: {  	_ =	shalt  }
0x62: {  	_ =	shalt  }
0x63: {  	_ =	shalt  }
0x64: {  	_ =	shalt  }
0x65: {  	_ =	shalt  }
0x66: {  	_ =	shalt  }
0x67: {  	_ =	shalt  }
0x68: {  	_ =	shalt  }
0x69: {  	_ =	shalt  }
0x6a: {  	_ =	shalt  }
0x6b: {  	_ =	shalt  }
0x6c: {  	_ =	shalt  }
0x6d: {  	_ =	shalt  }
0x6e: {  	_ =	shalt  }
0x6f: {  	_ =	shalt  }
0x70: {  	_ =	shalt  }
0x71: {  	_ =	shalt  }
0x72: {  	_ =	shalt  }
0x73: {  	_ =	shalt  }
0x74: {  	_ =	shalt  }
0x75: {  	_ =	shalt  }
0x76: {  	_ =	shalt  }
0x77: {  	_ =	shalt  }
0x78: {  	_ =	shalt  }
0x79: {  	_ =	shalt  }
0x7a: {  	_ =	shalt  }
0x7b: {  	_ =	shalt  }
0x7c: {  	_ =	shalt  }
0x7d: {  	_ =	shalt  }
0x7e: {  	_ =	shalt  }
0x7f: {  	_ =	shalt  }
0x80: {  	_ =	shalt  }
0x81: {  	_ =	shalt  }
0x82: {  	_ =	shalt  }
0x83: {  	_ =	shalt  }
0x84: {  	_ =	shalt  }
0x85: {  	_ =	shalt  }
0x86: {  	_ =	shalt  }
0x87: {  	_ =	shalt  }
.Lfunc_end0:
.L_simem_size_0:
called_computation_lowered:
.L_overlay_start_0:
0x88: {  	s0 =	sld [smem:$0x3FD9]  }
0x89: {  	s1 =	sld [smem:$0x3FFE];
	_ =	sdelay $0x3  }
0x8a: {  	s0 =	sadd.s32 s1, s0  }
0x8b: {  	[smem:$0x3FC4] =	sst s0  }
0x8c: {  	_ = 	snop  }
0x8d: {  	s0 =	sld [smem:$0x3FD0];
	_ =	sdelay $0x2  }
0x8e: {  	s14 =	simm.s32 $0xB;
	s2 =	simm.s32 $0x10  }
0x8f: {  	[smem:s2], [sflag:s14] =	dma.local [hbm:s0], $0x1  }
0x90: {  	_ =	swait.eq [sflag:s14], $0x1  }
0x91: {  	s15 =	sld [smem:$0x10];
	[sflag:s14] =	ssyncset.done $0x0  }
0x92: {  	s16 =	sld [smem:$0x12];
	[sflag:s14] =	ssyncadd.s32 $0xFFFFFFFF  }
0x93: {  	s17 =	sld [smem:$0x13];
	(tm) =	ssettm $0x1  }
0x94: {  	s3 =	sld [smem:$0x3FFB];
	_ =	sdelay $0x3  }
0x95: {  	_ =	strace s3  }
0x96: {  	s3 =	sld [smem:$0x3FFC];
	_ =	sdelay $0x3  }
0x97: {  	_ =	strace s3  }
0x98: {  	s3 =	sld [smem:$0x3FFD];
	_ =	sdelay $0x3  }
0x99: {  	_ =	strace s3  }
0x9a: {  	_ =	strace $0x8FFFFFFF  }
0x9b: {  	s18 =	sld [smem:$0x3FDB];
	_ =	sdelay $0x1  }
0x9c: {  	s4 =	simm.s32 $_scs_section_size  }
0x9d: {  	s5 =	simm.s32 $_size__tile_overlayer_lowered;
	s6 =	simm.s32 $_tile_overlayer_lowered  }
0x9e: {  	s21 =	simm.s32 $0x1BFF;
	s20 =	sshll.u32 s6, $0x1;
	s3 =	sadd.s32 s4, s18  }
0x9f: {  	s7 =	simm.s32 $0x0;
	s19 =	sshll.u32 s5, $0x1;
	s5 =	sadd.s32 s20, s3  }
0xa0: {  	[timem:s7], [sflag:s21] =	dma.local [hbm:s5], s19  }
0xa1: {  	_ =	swait.ge [sflag:s21], s19  }
0xa2: {  	s4 =	ssub.s32 $0x0, s19;
	[sflag:s21] =	ssyncset.done $0x0  }
0xa3: {  	[sflag:s21] =	ssyncadd.s32 s4;
	_ =	sdelay $0x1  }
0xa4: {  	s22 =	simm.s32 $0x1B8B  }
0xa5: {  	_ =	swait.ge [sflag:s22], $0x1  }
0xa6: {  	[sflag:s22] =	ssyncset.done $0x0  }
0xa7: {  	s23 =	simm.s32 $0x1B8E;
	[sflag:s22] =	ssyncadd.s32 $0xFFFFFFFF  }
0xa8: {  	s24 =	simm.s32 $execute0_lowered;
	[smem:$0x3FD2] =	sst s23  }
0xa9: {  	s4 =	sshll.u32 s24, $0x1;
	_ =	strace $0x80000046;
	[dreg:$0x1] =	wrdreg $0xFFFFFFFF  }
0xaa: {  	s25 =	simm.s32 $_size_execute0_lowered;
	s3 =	sadd.s32 s3, s4;
	[dreg:$0x0] =	wrdreg $0x0  }
0xab: {  	s4 =	sshll.u32 s25, $0x1;
	[dreg:$0x2] =	wrdreg s3  }
0xac: {  	[dreg:$0x3] =	wrdreg s4  }
0xad: {  	[dreg:$0x4] =	wrdreg $0xC0  }
0xae: {  	_ =	task [dreg:s7], $0x5FFFF  }
0xaf: {  	[dreg:$0x1] =	wrdreg $0xFFFFFFFF  }
0xb0: {  	[dreg:$0x0] =	wrdreg $0x60  }
0xb1: {  	[dreg:$0x2] =	wrdreg s17  }
0xb2: {  	[dreg:$0x3] =	wrdreg s16  }
0xb3: {  	[dreg:$0x4] =	wrdreg s15  }
0xb4: {  	[dreg:$0x5] =	wrdreg $0x9  }
0xb5: {  	_ =	task.clear_ibuf [dreg:s7], $0x6FFFF;
	_ =	strace $0x90000046  }
0xb6: {  	s26 =	simm.s32 $0x9;
	_ =	strace $0x80000048  }
0xb7: {  	_ =	swait.ge [sflag:s26], $0x1  }
0xb8: {  	[sflag:s26] =	ssyncadd.s32 $0xFFFFFFFF  }
0xb9: {  	_ =	strace $0x90000048  }
0xba: {  	_ =	sfence  }
0xbb: {  	s28 =	sld [smem:$0x0];
	_ =	sdelay $0x1  }
0xbc: {  	s29 =	srdreg.scid  }
0xbd: {  	s30 =	sshll.u32 s29, $0xD;
	s31 =	sshrl.u32 s29, $0x2  }
0xbe: {  	s1 =	sand.u32 $0x1, s29;
	s2 =	sand.u32 $0x4000, s30;
	s0 =	sadd.s32 s31, s28  }
0xbf: {  	s1 =	sor.u32 s2, s1;
	s0 =	sshll.u32 s0, $0x11  }
0xc0: {  	s0 =	sor.u32 s0, s1  }
0xc1: {  	s0 =	sadd.s32 $0x8F2B, s0  }
0xc2: {  	[sflag:s0] =	ssyncadd.remote.s32 $0x1  }
0xc3: {  	_ =	sfence.sel $0xFFFF  }
0xc4: {  	[dreg:$0x0] =	wrdreg $0xFFFFFFFF;
	(pc) =	sbr.abs _section_cstart, $3  }
0xc5: {  	[dreg:$0x1] =	wrdreg $0xFFFFFFFF  }
0xc6: {  	_ =	task.clear_ibuf [dreg:s7], $0x2FFFF;
	_ =	strace $0x9FFFFFFF  }
0xc7: {  	(tm) =	ssettm $0x7FFFFFFF  }
tec
execute0_lowered:
.L_overlay_start_1:
0x0: {  	(tag) =	ssettag $0x1  }
0x1: {  	s1 =	rddreg [dreg:$0x0]  }
0x2: {  	s2 =	rddreg [dreg:$0x1]  }
0x3: {  	s3 =	rddreg [dreg:$0x2]  }
0x4: {  	s0 =	rddreg [dreg:$0x3]  }
0x5: {  	s5 =	stileid.u32;
	_ =	strace $0x80000047;
	s6 =	simm.s32 $0x3E  }
0x6: {  	p0 =	sne.s32 s5, $0x0;
	[sflag:s6] =	ssyncpa.u1 $0x0;
	s29 =	smin.u32 s5, $0x8  }
0x7: {  	s30 =	sshll.u32 s5, $0x1;
	s4 =	simm.s32 @!p0 $0x1C3E;
	s7 =	simm.s32 @!p0 $0x0  }
0x8: {  	[spmem:s7], [sflag:s4] =	dma.local @!p0 [hbm:s1], $0x9C80  }
0x9: {  	s4 =	sadd.s32 s29, s30  }
0xa: {  	p1 =	slt.u32 s5, $0x8;
	s5 =	simm.s32 $0x5DC0;
	s4 =	smul.u32 $0x1F40, s4  }
0xb: {  	s5 =	simm.s32 @!p1 $0x3E80  }
0xc: {  	s5 =	sadd.s32 s5, s4  }
0xd: {  	s5 =	smin.u32 s5, $0x4E200  }
0xe: {  	s8 =	ssub.s32 s5, s4  }
0xf: {  	p1 =	sgt.s32 s8, $0x0  }
0x10: {  	s8 =	simm.s32 @!p1 $0x0  }
0x11: {  	s7 =	simm.s32 @!p0 $0x3E;
	s31 =	smulhi.u32 $0x10624DD3, s8  }
0x12: {  	_ =	swait.ge @!p0 [sflag:s7], $0x9C80  }
0x13: {  	[sflag:s7] =	ssyncset.done @!p0 $0x0;
	s9 =	sshrl.u32 s31, $0x9  }
0x14: {  	[sflag:s7] =	ssyncadd.s32 @!p0 $0xFFFF6380;
	s10 =	smul.u32 $0x1F40, s9  }
.Ltmp0:
0x15: {  	s11 =	simm.s32 $0x0;
	[bflag:$0x0] =	sbarrier.arrive $0xFFFF;
	(pc) =	sbr.rel .LBB2_1-.Ltmp0, $4  }
0x16: {  	s7 =	simm.s32 $0x2;
	[sflag:s6] =	ssyncpa.u1 $0x1;
	s6 =	simm.s32 $0x1  }
0x17: {  	[sflag:s6] =	ssyncpa.u1 $0x0;
	p1 =	sne.s32 s8, s10;
	s8 =	simm.s32 $0x1  }
0x18: {  	(ifvalue) =	ssetifvalue $0x4E400;
	[sflag:s7] =	ssyncpa.u1 $0x0;
	s8 =	simm.s32 @!p1 $0x0  }
0x19: {  	vm0 =	vmmov $0xffff;
	s10 =	smov.u32 s4;
	s8 =	sadd.s32 s8, s9;
	s9 =	simm.s32 $0x0  }
.LBB2_5:
0x1a: {  	p2 =	sne.s32 s11, s8  }
.Ltmp1:
0x1b: {  	_ = 	snop;
	(pc) =	sbr.rel @!p2 .LBB2_6-.Ltmp1, $4  }
0x1c: {  	_ = 	snop  }
0x1d: {  	s12 =	sadd.s32 $0x1F40, s10  }
0x1e: {  	s10 =	smov.u32 s4;
	s13 =	sadd.s32 $0x1, s11;
	p1 =	slt.s32 s12, s5  }
0x1f: {  	s11 =	smov.u32 s13;
	s10 =	smov.u32 @p1 s12  }
.LBB2_1:
0x20: {  	p1 =	sge.u32 s11, s8  }
0x21: {  	s12 =	sxor.u32 @!p1 $0xFFFFFFFF, s11  }
0x22: {  	s12 =	sand.u32 @!p1 $0x1, s12  }
0x23: {  	s12 =	smul.u32 @!p1 $0x1F40, s12  }
0x24: {  	s13 =	sshrl.u32 @!p1 s10, $0x3  }
0x25: {  	s16 =	sand.u32 @!p1 $0x7, s10;
	s14 =	sadd.s32 @!p1 s2, s13;
	s15 =	sadd.s32 @!p1 $0x4E40, s12  }
0x26: {  	[tilespmem:s15], [sflag:$0x2] =	stream.linear.gather @!p1 [hbm4b:s14+s16], $0x1F40, $0x38;
	[tilespmem:$0xCB40] =	vst v63  }
0x27: {  	s13 =	sadd.s32 @!p1 s3, s13;
	s12 =	sadd.s32 @!p1 $0x8CC0, s12  }
0x28: {  	[tilespmem:s12], [sflag:$0x2] =	stream.linear.gather @!p1 [hbm4b:s13+s16], $0x1F40, $0x38;
	[tilespmem:$0xCB40] =	vst v63  }
0x29: {  	p1 =	seq.s32 s11, $0x0  }
.Ltmp2:
0x2a: {  	_ = 	snop;
	(pc) =	sbr.rel @p1 .LBB2_5-.Ltmp2, $1  }
0x2b: {  	_ =	sdelay $0x3  }
0x2c: {  	s12 =	sand.u32 $0x1, s11  }
0x2d: {  	_ =	swait.ge [sflag:s7], $0x3E80;
	p1 =	seq.s32 s12, $0x1;
	s12 =	simm.s32 $0x1F40  }
0x2e: {  	[sflag:s7] =	ssyncset.done $0x0;
	s12 =	simm.s32 @!p1 $0x0  }
0x2f: {  	[sflag:s7] =	ssyncadd.s32 $0xFFFFC180;
	s14 =	sadd.s32 $0x4E40, s12  }
0x30: {  	v0 =	vld.msk [tilespmem:s14+$0x0 ss:$0x1], $0xffff;
	_ =	sdelay $0x4  }
0x31: {  	v0 =	vmin.u32 v0, $0x4E400;
	_ =	sdelay $0x3  }
0x32: {  	s13 =	simm.s32 $0x0;
	s12 =	sadd.s32 $0x8CC0, s12;
	s14 =	sadd.s32 $0x10, s14  }
0x33: {  	[spmem:s9] =	stream.indirect_vreg.scatter.add.s32 [tilespmem:s12], [sflag:$0x1], $0x1, v0, vm0, $0x4038;
	[tilespmem:$0xCB40] =	vst v63  }
.LBB2_3:
0x34: {  	v0 =	vld.msk [tilespmem:s14+$0x0 ss:$0x1], $0xffff;
	s13 =	sadd.s32 $0x10, s13  }
0x35: {  	p1 =	slt.u32 s13, $0x1F30;
	_ =	sdelay $0x4  }
0x36: {  	v0 =	vmin.u32 v0, $0x4E400  }
.Ltmp3:
0x37: {  	(pc) =	sbr.rel @p1 .LBB2_3-.Ltmp3, $3  }
0x38: {  	_ =	sdelay $0x1  }
0x39: {  	s14 =	sadd.s32 $0x10, s14;
	s12 =	sadd.s32 $0x10, s12  }
0x3a: {  	[spmem:s9] =	stream.indirect_vreg.scatter.add.s32 [tilespmem:s12], [sflag:$0x1], $0x1, v0, vm0, $0x4038;
	[tilespmem:$0xCB40] =	vst v63  }
.Ltmp4:
0x3b: {  	(pc) =	sbr.rel .LBB2_5-.Ltmp4, $4  }
0x3c: {  	_ = 	snop  }
0x3d: {  	_ =	swait.ge [sflag:s6], $0x1F40  }
0x3e: {  	[sflag:s6] =	ssyncset.done $0x0  }
0x3f: {  	[sflag:s6] =	ssyncadd.s32 $0xFFFFE0C0  }
.LBB2_6:
0x40: {  	_ =	sfence.sel $0x180000  }
0x41: {  	s2 =	simm.s32 $0x2;
	[bflag:$0x0] =	sbarrier.arrive $0xFFFF  }
0x42: {  	s30 =	simm.s32 $0x1;
	[sflag:s2] =	ssyncpa.u1 $0x1  }
0x43: {  	[sflag:s30] =	ssyncpa.u1 $0x1  }
0x44: {  	_ =	sfence.stream.spmem  }
0x45: {  	s31 =	simm.s32 $0x3D;
	[bflag:$0x0] =	sbarrier.arrive $0xFFFF  }
0x46: {  	s2 =	simm.s32 @p0 $0x3D;
	[sflag:s31] =	ssyncpa.u1 $0x0  }
0x47: {  	[sflag:s2] =	ssyncpa.u1 @p0 $0x1  }
0x48: {  	[bflag:$0x0] =	sbarrier.arrive @p0 $0xFFFF  }
0x49: {  	_ =	strace @p0 $0x90000047  }
0x4a: {  	s3 =	simm.s32 @!p0 $0x1C3D;
	s2 =	simm.s32 @!p0 $0x0;
	[bflag:$0x2] =	sbarrier.arrive @p0 $0xFFFF  }
0x4b: {  	[hbm:s1], [sflag:s3] =	dma.local @!p0 [spmem:s2], $0x9C80  }
0x4c: {  	s1 =	simm.s32 @!p0 $0x3D  }
0x4d: {  	_ =	swait.ge @!p0 [sflag:s1], $0x9C80  }
0x4e: {  	[sflag:s1] =	ssyncset.done @!p0 $0x0  }
0x4f: {  	[sflag:s1] =	ssyncadd.s32 @!p0 $0xFFFF6380  }
0x50: {  	[sflag:s1] =	ssyncpa.u1 @!p0 $0x1  }
0x51: {  	[bflag:$0x0] =	sbarrier.arrive @!p0 $0xFFFF  }
0x52: {  	_ =	strace @!p0 $0x90000047  }
0x53: {  	s0 =	sadd.s32 @!p0 $0x100000, s0;
	[bflag:$0x2] =	sbarrier.arrive @!p0 $0xFFFF  }
0x54: {  	[sflag:s0] =	ssyncadd.tile.s32 @!p0 $0x1;
	_ =	shalt  }
.Lfunc_end2:
_tile_overlayer_lowered:
.L_overlay_start_2:
0x55: {  	(tag) =	ssettag $0x2  }
0x56: {  	s0 =	rddreg [dreg:$0x0];
	s2 =	stileid.u32  }
0x57: {  	s1 =	rddreg [dreg:$0x1];
	p0 =	sne.s32 s2, $0x0  }
0x58: {  	s3 =	rddreg [dreg:$0x2];
	[bflag:$0x3] =	sbarrier.arrive $0xFFFF;
	s2 =	simm.s32 @!p0 $0x1C01  }
0x59: {  	[timem:s3], [sflag:s2] =	dma.local @!p0 [hbm:s0], s1  }
0x5a: {  	s0 =	simm.s32 @!p0 $0x1  }
0x5b: {  	_ =	swait.ge @!p0 [sflag:s0], s1  }
0x5c: {  	s1 =	ssub.s32 @!p0 $0x0, s1;
	[sflag:s0] =	ssyncset.done @!p0 $0x0  }
0x5d: {  	[sflag:s0] =	ssyncadd.s32 @!p0 s1  }
0x5e: {  	[bflag:$0x3] =	sbarrier.arrive $0xFFFF  }
0x5f: {  	_ =	shalt  }

</sc_bundles>
